<compile_context>
chip_gen: v7x
topology: tpu7x:2x2x1
jax: 0.10.2.dev20260603
libtpu: 0.0.44.dev20260713+nightly
codegen_flags: <defaults>
</compile_context>

<pallas_src>
import functools

import jax
import jax.numpy as jnp
from jax import lax
from jax.experimental import pallas as pl
from jax.experimental.pallas import tpu as pltpu
from jax.experimental.pallas import tpu_sc as plsc

N = 10000
E = 320000
NFEAT = 128
NHID = 32
NHEADS = 8
NSEM = 2
NMPATTN = 128
NLABEL = 40
ALPHA = 0.2

HW = NHID * NHEADS
HALF = HW // 2

NT = 16
EPT = E // NT
C = 80
NCH = EPT // C
ZCH = [(o, 80) for o in range(0, 560, 80)] + [(560, 64)]
NPT = 624

BN = 1000


def _mm_body(x_ref, wcat_ref, a12_ref, htab_ref, s_ref):
    j = pl.program_id(1)
    hj = jnp.dot(x_ref[...], wcat_ref[...], preferred_element_type=jnp.float32)
    htab_ref[0] = hj
    sval = jnp.dot(hj, a12_ref[...], preferred_element_type=jnp.float32)

    @pl.when(j == 0)
    def _():
        s_ref[...] = sval

    @pl.when(j > 0)
    def _():
        s_ref[...] = s_ref[...] + sval


def _project(x, wcat, a12):
    grid = (N // BN, 4)
    return pl.pallas_call(
        _mm_body,
        grid=grid,
        in_specs=[
            pl.BlockSpec((BN, NFEAT), lambda i, j: (i, 0)),
            pl.BlockSpec((NFEAT, HALF), lambda i, j: (0, j)),
            pl.BlockSpec((HALF, 2 * NT), lambda i, j: (j, 0)),
        ],
        out_specs=[
            pl.BlockSpec((1, BN, HALF), lambda i, j: (j, i, 0)),
            pl.BlockSpec((BN, 2 * NT), lambda i, j: (i, 0)),
        ],
        out_shape=[
            jax.ShapeDtypeStruct((4, N, HALF), jnp.float32),
            jax.ShapeDtypeStruct((N, 2 * NT), jnp.float32),
        ],
    )(x, wcat, a12)


def _edge_phase(htab, s1tab, s2tab, rows2, cols2):
    mesh = plsc.VectorSubcoreMesh(core_axis_name="c", subcore_axis_name="s")

    i32, f32 = jnp.int32, jnp.float32
    scratch = (
        [pltpu.VMEM((C,), i32) for _ in range(12)]
        + [pltpu.VMEM((C, 8), f32) for _ in range(4)]
        + [pltpu.VMEM((C, 8), f32) for _ in range(2)]
        + [pltpu.VMEM((C, HALF), f32) for _ in range(3)]
        + [pltpu.VMEM_SHARED((N, HALF), f32),
           pltpu.VMEM_SHARED((N, 8), f32)]
        + [pltpu.SemaphoreType.DMA for _ in range(11)]
    )

    @functools.partial(
        pl.kernel,
        out_type=[
            jax.ShapeDtypeStruct((4 * N, HALF), f32),
            jax.ShapeDtypeStruct((NSEM, N, 8), f32),
        ],
        mesh=mesh,
        scratch_types=scratch,
        compiler_params=pltpu.CompilerParams(
            needs_layout_passes=False, use_tc_tiling_on_sc=False),
    )
    def k(htab_hbm, s1_hbm, s2_hbm, rows_hbm, cols_hbm, hp_out, rs_out,
          rawr0, rawr1, rawc0, rawc1, ridx0, ridx1, srx0, srx1,
          scx0, scx1, hix0, hix1,
          a0, a1, b0, b1, e0, e1, g0, g1, wbuf, hp_sh, rs_sh,
          smi0, smi1, sma0, sma1, smb0, smb1, smg0, smg1,
          smr0, smr1, smh0):
        rawr, rawc = [rawr0, rawr1], [rawc0, rawc1]
        ridx, srx, scx, hix = ([ridx0, ridx1], [srx0, srx1],
                               [scx0, scx1], [hix0, hix1])
        abuf, bbuf, ebuf = [a0, a1], [b0, b1], [e0, e1]
        gbuf = [g0, g1]
        smi, sma, smb = [smi0, smi1], [sma0, sma1], [smb0, smb1]
        smg, smr = [smg0, smg1], [smr0, smr1]

        c = lax.axis_index("c")
        t = lax.axis_index("s")
        lanes = lax.iota(i32, 16)
        lanep = lanes >> 3
        lane7 = lanes & 7

        def _bcast(v, idx_scalar):
            idxv = jnp.full((16, 1), idx_scalar, i32)
            return lax.gather(
                v, idxv,
                dimension_numbers=lax.GatherDimensionNumbers(
                    offset_dims=(), collapsed_slice_dims=(0,),
                    start_index_map=(0,)),
                slice_sizes=(1,),
                mode=lax.GatherScatterMode.PROMISE_IN_BOUNDS)
        z16 = jnp.zeros((16,), f32)
        nbase = t * NPT
        NREM = N - NT * NPT

        def gwait(src, dst, sem):
            pltpu.make_async_copy(src, dst, sem).wait()

        @pl.loop(0, NSEM)
        def _(s):
            sbase = s * E + t * EPT
            hbase = (2 * s) * N + c * N
            sN = s * N

            @plsc.parallel_loop(0, C // 2)
            def _(r):
                plsc.store_scatter(
                    e0, [2 * r + (lanes >> 3), lanes & 7], z16)
                for k2 in range(HALF // 16):
                    wbuf[2 * r, pl.ds(k2 * 16, 16)] = z16
                    wbuf[2 * r + 1, pl.ds(k2 * 16, 16)] = z16

            zds = []
            for off, sz in ZCH:
                zds.append(pltpu.async_copy(
                    wbuf.at[pl.ds(0, sz)], hp_sh.at[pl.ds(nbase + off, sz)], smh0))
            for d in zds:
                d.wait()

            @pl.when(t == NT - 1)
            def _():
                pltpu.sync_copy(wbuf.at[pl.ds(0, NREM)],
                                hp_sh.at[pl.ds(NT * NPT, NREM)])

            @pl.when(c == 0)
            def _():
                for off, sz in ZCH:
                    pltpu.sync_copy(e0.at[pl.ds(0, sz)],
                                    rs_sh.at[pl.ds(nbase + off, sz)])

                @pl.when(t == NT - 1)
                def _():
                    pltpu.sync_copy(e0.at[pl.ds(0, NREM)],
                                    rs_sh.at[pl.ds(NT * NPT, NREM)])

            plsc.subcore_barrier()

            def build_idx(par):
                @plsc.parallel_loop(0, C // 16)
                def _(u):
                    rv = rawr[par][pl.ds(u * 16, 16)]
                    cv = rawc[par][pl.ds(u * 16, 16)]
                    ridx[par][pl.ds(u * 16, 16)] = rv
                    srx[par][pl.ds(u * 16, 16)] = rv + sN
                    scx[par][pl.ds(u * 16, 16)] = cv + sN
                    hix[par][pl.ds(u * 16, 16)] = cv + hbase

            def fire_raw(kk, par):
                eb = sbase + kk * C
                pltpu.async_copy(rows_hbm.at[pl.ds(eb, C)], rawr[par], smi[par])
                pltpu.async_copy(cols_hbm.at[pl.ds(eb, C)], rawc[par], smi[par])

            def wait_raw(kk, par):
                eb = sbase + kk * C
                gwait(rows_hbm.at[pl.ds(eb, C)], rawr[par], smi[par])
                gwait(cols_hbm.at[pl.ds(eb, C)], rawc[par], smi[par])

            def fire_gathers(par):
                pltpu.async_copy(s1_hbm.at[srx[par]], abuf[par], sma[par])
                pltpu.async_copy(s2_hbm.at[scx[par]], bbuf[par], smb[par])
                pltpu.async_copy(htab_hbm.at[hix[par]], gbuf[par], smg[par])

            def process(kk, par):
                par1 = 1 - par
                @pl.when(kk >= 1)
                def _():
                    gwait(wbuf, hp_sh.at[ridx[par1]], smh0)

                    @pl.when(c == 0)
                    def _():
                        gwait(ebuf[par1], rs_sh.at[ridx[par1]], smr[par1])

                @pl.when(kk + 1 < NCH)
                def _():
                    wait_raw(kk + 1, par1)
                    build_idx(par1)

                @pl.when(kk + 2 < NCH)
                def _():
                    fire_raw(kk + 2, par)

                @pl.when(kk + 1 < NCH)
                def _():
                    fire_gathers(par1)

                gwait(s1_hbm.at[srx[par]], abuf[par], sma[par])
                gwait(s2_hbm.at[scx[par]], bbuf[par], smb[par])

                eb_, ab_, bb_ = ebuf[par], abuf[par], bbuf[par]

                @plsc.parallel_loop(0, C // 16)
                def _(g):
                    rws = [jnp.full((16,), 16 * g + 2 * q, i32) + lanep
                           for q in range(8)]
                    avs = [plsc.load_gather(ab_, [rw, lane7]) for rw in rws]
                    bvs = [plsc.load_gather(bb_, [rw, lane7]) for rw in rws]
                    lgs = [a + b for a, b in zip(avs, bvs)]
                    ms = [jnp.maximum(lg, ALPHA * lg) for lg in lgs]
                    es = [jnp.exp(-m) for m in ms]
                    for rw, ev in zip(rws, es):
                        plsc.store_scatter(eb_, [rw, lane7], ev)

                @pl.when(c == 0)
                def _():
                    pltpu.async_copy(ebuf[par], rs_sh.at[ridx[par]],
                                     smr[par], add=True)

                gwait(htab_hbm.at[hix[par]], gbuf[par], smg[par])
                gb_, wb_ = gbuf[par], wbuf

                @plsc.parallel_loop(0, C // 2)
                def _(p):
                    rw = jnp.full((16,), 2 * p, i32) + lanep
                    ev = plsc.load_gather(eb_, [rw, lane7])
                    bcs = [[_bcast(ev, 8 * j + c * 4 + h) for h in range(4)]
                           for j in range(2)]
                    for h in range(4):
                        for j2 in range(2):
                            off = (h * 2 + j2) * 16
                            wb_[2 * p, pl.ds(off, 16)] = (
                                gb_[2 * p, pl.ds(off, 16)] * bcs[0][h])
                            wb_[2 * p + 1, pl.ds(off, 16)] = (
                                gb_[2 * p + 1, pl.ds(off, 16)] * bcs[1][h])

                pltpu.async_copy(wbuf, hp_sh.at[ridx[par]],
                                 smh0, add=True)

            pltpu.sync_copy(rows_hbm.at[pl.ds(sbase, C)], rawr[0])
            pltpu.sync_copy(cols_hbm.at[pl.ds(sbase, C)], rawc[0])
            build_idx(0)
            fire_gathers(0)
            fire_raw(1, 1)

            @pl.loop(0, NCH // 2)
            def _(i):
                process(2 * i, 0)
                process(2 * i + 1, 1)

            gwait(wbuf, hp_sh.at[ridx[1]], smh0)

            @pl.when(c == 0)
            def _():
                gwait(ebuf[1], rs_sh.at[ridx[1]], smr[1])

            plsc.subcore_barrier()

            pltpu.sync_copy(hp_sh.at[pl.ds(nbase, NPT)],
                            hp_out.at[pl.ds(hbase + nbase, NPT)])

            @pl.when(t == NT - 1)
            def _():
                pltpu.sync_copy(hp_sh.at[pl.ds(NT * NPT, NREM)],
                                hp_out.at[pl.ds(hbase + NT * NPT, NREM)])

            @pl.when(c == 0)
            def _():
                pltpu.sync_copy(rs_sh.at[pl.ds(nbase, NPT)],
                                rs_out.at[s, pl.ds(nbase, NPT)])

                @pl.when(t == NT - 1)
                def _():
                    pltpu.sync_copy(rs_sh.at[pl.ds(NT * NPT, NREM)],
                                    rs_out.at[s, pl.ds(NT * NPT, NREM)])

            plsc.subcore_barrier()

    return k(htab, s1tab, s2tab, rows2, cols2)


def _fin_body(hp_ref, rs_ref, b8_ref, ws_ref, bs_ref, us_ref, wct_ref, out_ref):
    embs = []
    for s in range(NSEM):
        rr = 1.0 / (rs_ref[s] + 1e-16)
        rrexp = jnp.dot(rr, b8_ref[...], preferred_element_type=jnp.float32)
        hp_s = jnp.concatenate([hp_ref[s, 0], hp_ref[s, 1]], axis=1)
        e = hp_s * rrexp
        embs.append(jnp.where(e > 0, e, jnp.exp(jnp.minimum(e, 0.0)) - 1.0))
    vus = []
    for s in range(NSEM):
        v = jnp.tanh(jnp.dot(embs[s], ws_ref[...],
                             preferred_element_type=jnp.float32) + bs_ref[...])
        vus.append(jnp.sum(v * us_ref[...], axis=1, keepdims=True))
    m = jnp.maximum(vus[0], vus[1])
    b0 = jnp.exp(vus[0] - m)
    b1 = jnp.exp(vus[1] - m)
    final = (b0 * embs[0] + b1 * embs[1]) / (b0 + b1)
    logits = jnp.dot(final, wct_ref[...], preferred_element_type=jnp.float32)
    out_ref[...] = 1.0 / (1.0 + jnp.exp(-logits))


def _finish(hp4, rs, b8, ws, bs_row, us_row, wct):
    return pl.pallas_call(
        _fin_body,
        grid=(N // BN,),
        in_specs=[
            pl.BlockSpec((NSEM, 2, BN, HALF), lambda i: (0, 0, i, 0)),
            pl.BlockSpec((NSEM, BN, 8), lambda i: (0, i, 0)),
            pl.BlockSpec((8, HW), lambda i: (0, 0)),
            pl.BlockSpec((HW, NMPATTN), lambda i: (0, 0)),
            pl.BlockSpec((1, NMPATTN), lambda i: (0, 0)),
            pl.BlockSpec((1, NMPATTN), lambda i: (0, 0)),
            pl.BlockSpec((HW, NLABEL), lambda i: (0, 0)),
        ],
        out_specs=pl.BlockSpec((BN, NLABEL), lambda i: (i, 0)),
        out_shape=jax.ShapeDtypeStruct((N, NLABEL), jnp.float32),
    )(hp4, rs, b8, ws, bs_row, us_row, wct)


def kernel(x, edge_index0, edge_index1, W, a, Ws, bs, us, Wc):
    f32 = jnp.float32
    wcat = jnp.transpose(W, (2, 0, 1, 3)).reshape(NFEAT, NSEM * HW)
    a1 = a[:, :, :NHID]
    a2 = a[:, :, NHID:]
    cols = jnp.arange(NSEM)[:, None] * NHEADS + jnp.arange(NHEADS)[None, :]
    onehot = jax.nn.one_hot(cols, 2 * NHEADS, dtype=f32)
    a1m = (a1[..., None] * onehot[:, :, None, :]).reshape(NSEM * HW, 2 * NHEADS)
    a2m = (a2[..., None] * onehot[:, :, None, :]).reshape(NSEM * HW, 2 * NHEADS)
    a12 = jnp.concatenate([a1m, a2m], axis=1)

    htab4, S = _project(x, wcat, a12)
    htab = htab4.reshape(4 * N, HALF)
    s1tab = jnp.concatenate([S[:, 0:8], S[:, 8:16]], axis=0)
    s2tab = jnp.concatenate([S[:, 16:24], S[:, 24:32]], axis=0)

    rows2 = jnp.concatenate([edge_index0[0], edge_index1[0]])
    cols2 = jnp.concatenate([edge_index0[1], edge_index1[1]])

    hp_flat, rs = _edge_phase(htab, s1tab, s2tab, rows2, cols2)
    hp4 = hp_flat.reshape(NSEM, 2, N, HALF)

    b8 = jnp.repeat(jnp.eye(NHEADS, dtype=f32), NHID, axis=1)
    return _finish(hp4, rs, b8, Ws, bs.reshape(1, NMPATTN),
                   us.reshape(1, NMPATTN), Wc.T)

# --- scband reference (transcript-rebuilt; emitter-appended) ---
"""Pipeline reference for scband-hat-13657996002163 (READ-ONLY COPY).

The authoritative reference and input builder live on the scoring server;
editing this copy changes nothing except your own understanding.
"""

import jax, jax.numpy as jnp
import numpy as np

N = 10000
E = 320000
NFEAT = 128
NHID = 32
NHEADS = 8
NSEM = 2
NMPATTN = 128
NLABEL = 40
ALPHA = 0.2


def setup_inputs(seed: int = 0):
    key = jax.random.key(seed)
    ks = jax.random.split(key, 10)
    x = jax.random.normal(ks[0], (N, NFEAT), dtype=jnp.float32)
    edge_index0 = jax.random.randint(ks[1], (2, E), 0, N, dtype=jnp.int32)
    edge_index1 = jax.random.randint(ks[2], (2, E), 0, N, dtype=jnp.int32)
    W = jax.random.normal(ks[3], (NSEM, NHEADS, NFEAT, NHID), dtype=jnp.float32) * (1.0 / np.sqrt(NFEAT))
    a = jax.random.normal(ks[4], (NSEM, NHEADS, 2 * NHID), dtype=jnp.float32) * (1.0 / np.sqrt(2 * NHID))
    Ws = jax.random.normal(ks[5], (NHID * NHEADS, NMPATTN), dtype=jnp.float32) * (1.0 / np.sqrt(NHID * NHEADS))
    bs = jnp.zeros((NMPATTN,), dtype=jnp.float32)
    us = jax.random.normal(ks[6], (NMPATTN, 1), dtype=jnp.float32) * (1.0 / np.sqrt(NMPATTN))
    Wc = jax.random.normal(ks[7], (NLABEL, NHID * NHEADS), dtype=jnp.float32) * (1.0 / np.sqrt(NHID * NHEADS))
    return {"x": x, "edge_index0": edge_index0, "edge_index1": edge_index1,
            "W": W, "a": a, "Ws": Ws, "bs": bs, "us": us, "Wc": Wc}


def _sp_gat_semantic(x, edge_index, W_s, a_s):
    # Sparse GAT (pyGAT SpGraphAttentionLayer), multi-head with concat=True.
    row = edge_index[0]
    col = edge_index[1]
    head_outs = []
    for hidx in range(NHEADS):
        h = x @ W_s[hidx]                                   # [N, NHID]
        edge_h = jnp.concatenate([h[row], h[col]], axis=1)  # [E, 2*NHID] (gather)
        logits = edge_h @ a_s[hidx]                         # [E]
        edge_e = jnp.exp(-jax.nn.leaky_relu(logits, ALPHA)) # [E]
        rowsum = jax.ops.segment_sum(edge_e, row, num_segments=N)                   # [N]
        h_prime = jax.ops.segment_sum(edge_e[:, None] * h[col], row, num_segments=N)  # [N, NHID] (scatter-add)
        h_prime = h_prime / (rowsum[:, None] + 1e-16)
        head_outs.append(jax.nn.elu(h_prime))
    return jnp.concatenate(head_outs, axis=1)               # [N, NHID*NHEADS]


def reference(x, edge_index0, edge_index1, W, a, Ws, bs, us, Wc):
    # dropout p=0.0 -> identity
    emb0 = _sp_gat_semantic(x, edge_index0, W[0], a[0])
    emb1 = _sp_gat_semantic(x, edge_index1, W[1], a[1])
    multi = jnp.stack([emb0, emb1], axis=1)                  # [N, NSEM, NHID*NHEADS]
    # simpleAttnLayer (HAN semantic attention)
    v = jnp.tanh(multi @ Ws + bs)                            # [N, NSEM, NMPATTN]
    vu = jnp.squeeze(v @ us, -1)                             # [N, NSEM]
    beta = jax.nn.softmax(vu, axis=1)
    final = jnp.sum(beta[..., None] * multi, axis=1)         # [N, NHID*NHEADS]
    out = jax.nn.sigmoid(final @ Wc.T)                       # [N, NLABEL]
    return out

if __name__ == "__main__":
    import jax
    _d = setup_inputs()
    print(jax.jit(kernel)(*tuple(_d.values())))

</pallas_src>

<mosaic_0001>
#map = affine_map<(d0, d1) -> (0, 0)>
#map1 = affine_map<(d0, d1) -> (0)>
#map2 = affine_map<(d0, d1) -> (0, 0, 0)>
module attributes {stable_mosaic.version = 14 : i64} {
  func.func @k(%arg0: i32, %arg1: i32, %arg2: memref<40000x128xf32, #tpu.memory_space<hbm>>, %arg3: memref<20000x8xf32, #tpu.memory_space<hbm>>, %arg4: memref<20000x8xf32, #tpu.memory_space<hbm>>, %arg5: memref<640000xi32, #tpu.memory_space<hbm>>, %arg6: memref<640000xi32, #tpu.memory_space<hbm>>, %arg7: memref<40000x128xf32, #tpu.memory_space<hbm>>, %arg8: memref<2x10000x8xf32, #tpu.memory_space<hbm>>, %arg9: memref<80xi32, #tpu.memory_space<vmem>>, %arg10: memref<80xi32, #tpu.memory_space<vmem>>, %arg11: memref<80xi32, #tpu.memory_space<vmem>>, %arg12: memref<80xi32, #tpu.memory_space<vmem>>, %arg13: memref<80xi32, #tpu.memory_space<vmem>>, %arg14: memref<80xi32, #tpu.memory_space<vmem>>, %arg15: memref<80xi32, #tpu.memory_space<vmem>>, %arg16: memref<80xi32, #tpu.memory_space<vmem>>, %arg17: memref<80xi32, #tpu.memory_space<vmem>>, %arg18: memref<80xi32, #tpu.memory_space<vmem>>, %arg19: memref<80xi32, #tpu.memory_space<vmem>>, %arg20: memref<80xi32, #tpu.memory_space<vmem>>, %arg21: memref<80x8xf32, #tpu.memory_space<vmem>>, %arg22: memref<80x8xf32, #tpu.memory_space<vmem>>, %arg23: memref<80x8xf32, #tpu.memory_space<vmem>>, %arg24: memref<80x8xf32, #tpu.memory_space<vmem>>, %arg25: memref<80x8xf32, #tpu.memory_space<vmem>>, %arg26: memref<80x8xf32, #tpu.memory_space<vmem>>, %arg27: memref<80x128xf32, #tpu.memory_space<vmem>>, %arg28: memref<80x128xf32, #tpu.memory_space<vmem>>, %arg29: memref<80x128xf32, #tpu.memory_space<vmem>>, %arg30: memref<10000x128xf32, #tpu.memory_space<vmem_shared>>, %arg31: memref<10000x8xf32, #tpu.memory_space<vmem_shared>>, %arg32: memref<!tpu.dma_semaphore, #tpu.memory_space<semaphore_mem>>, %arg33: memref<!tpu.dma_semaphore, #tpu.memory_space<semaphore_mem>>, %arg34: memref<!tpu.dma_semaphore, #tpu.memory_space<semaphore_mem>>, %arg35: memref<!tpu.dma_semaphore, #tpu.memory_space<semaphore_mem>>, %arg36: memref<!tpu.dma_semaphore, #tpu.memory_space<semaphore_mem>>, %arg37: memref<!tpu.dma_semaphore, #tpu.memory_space<semaphore_mem>>, %arg38: memref<!tpu.dma_semaphore, #tpu.memory_space<semaphore_mem>>, %arg39: memref<!tpu.dma_semaphore, #tpu.memory_space<semaphore_mem>>, %arg40: memref<!tpu.dma_semaphore, #tpu.memory_space<semaphore_mem>>, %arg41: memref<!tpu.dma_semaphore, #tpu.memory_space<semaphore_mem>>, %arg42: memref<!tpu.dma_semaphore, #tpu.memory_space<semaphore_mem>>) attributes {dimension_semantics = [#tpu.dimension_semantics<core_parallel>, #tpu.dimension_semantics<subcore_parallel>], iteration_bounds = array<i64: 2, 16>, scalar_prefetch = 0 : i64, scratch_operands = 34 : i64, tpu.core_type = #tpu.core_type<sc_vector_subcore>, window_params = [{transform_indices = #map}, {transform_indices = #map}, {transform_indices = #map}, {transform_indices = #map1}, {transform_indices = #map1}, {transform_indices = #map}, {transform_indices = #map2}]} {
    %iota3A = tpu.iota {dimensions = array<i32: 0>} : vector<16xi32>
    %shift_right_arithmetic3A = arith.constant 3 : i32
    %shift_right_arithmetic3A_0 = vector.broadcast %shift_right_arithmetic3A : i32 to vector<16xi32>
    %shift_right_arithmetic3A_1 = arith.shrsi %iota3A, %shift_right_arithmetic3A_0 : vector<16xi32>
    %and3A = arith.constant 7 : i32
    %and3A_2 = vector.broadcast %and3A : i32 to vector<16xi32>
    %and3A_3 = arith.andi %iota3A, %and3A_2 : vector<16xi32>
    %broadcast_in_dim3A = arith.constant 0.000000e+00 : f32
    %broadcast_in_dim3A_4 = vector.broadcast %broadcast_in_dim3A : f32 to vector<16xf32>
    %mul3A = arith.constant 624 : i32
    %mul3A_5 = arith.muli %arg1, %mul3A : i32
    %scan3A = arith.constant 0 : i32
    %scan3A_6 = arith.constant 2 : i32
    %scan3A_7 = arith.addi %scan3A, %scan3A_6 : i32
    %scan3A_8 = arith.constant 1 : i32
    scf.for %scan3A_10 = %scan3A to %scan3A_7 step %scan3A_8  : i32 {
      %mul3A_11 = arith.constant 1 : i32
      %mul3A_12 = arith.muli %scan3A_10, %mul3A_11 : i32
      %add3A = arith.constant 0 : i32
      %add3A_13 = arith.addi %add3A, %mul3A_12 : i32
      %mul3A_14 = arith.constant 320000 : i32
      %mul3A_15 = arith.muli %add3A_13, %mul3A_14 : i32
      %mul3A_16 = arith.constant 20000 : i32
      %mul3A_17 = arith.muli %arg1, %mul3A_16 : i32
      %add3A_18 = arith.addi %mul3A_15, %mul3A_17 : i32
      %mul3A_19 = arith.constant 2 : i32
      %mul3A_20 = arith.muli %mul3A_19, %add3A_13 : i32
      %mul3A_21 = arith.constant 10000 : i32
      %mul3A_22 = arith.muli %mul3A_20, %mul3A_21 : i32
      %mul3A_23 = arith.constant 10000 : i32
      %mul3A_24 = arith.muli %arg0, %mul3A_23 : i32
      %add3A_25 = arith.addi %mul3A_22, %mul3A_24 : i32
      %mul3A_26 = arith.constant 10000 : i32
      %mul3A_27 = arith.muli %add3A_13, %mul3A_26 : i32
      %parallel_loop3A = arith.constant 0 : i32
      %parallel_loop3A_28 = arith.constant 40 : i32
      %parallel_loop3A_29 = arith.constant 1 : i32
      scf.for %parallel_loop3A_255 = %parallel_loop3A to %parallel_loop3A_28 step %parallel_loop3A_29  : i32 {
        %parallel_loop3A_256 = arith.constant 2 : i32
        %parallel_loop3A_257 = arith.muli %parallel_loop3A_256, %parallel_loop3A_255 : i32
        %parallel_loop3A_258 = arith.constant 3 : i32
        %parallel_loop3A_259 = vector.broadcast %parallel_loop3A_258 : i32 to vector<16xi32>
        %parallel_loop3A_260 = arith.shrsi %iota3A, %parallel_loop3A_259 : vector<16xi32>
        %parallel_loop3A_261 = vector.broadcast %parallel_loop3A_257 : i32 to vector<16xi32>
        %parallel_loop3A_262 = arith.addi %parallel_loop3A_261, %parallel_loop3A_260 : vector<16xi32>
        %parallel_loop3A_263 = arith.constant 7 : i32
        %parallel_loop3A_264 = vector.broadcast %parallel_loop3A_263 : i32 to vector<16xi32>
        %parallel_loop3A_265 = arith.andi %iota3A, %parallel_loop3A_264 : vector<16xi32>
        tpu.vector_store_idx %arg25[%parallel_loop3A_262, %parallel_loop3A_265], %broadcast_in_dim3A_4 : memref<80x8xf32, #tpu.memory_space<vmem>>[vector<16xi32>, vector<16xi32>], vector<16xf32>,
        %parallel_loop3A_266 = arith.constant 2 : i32
        %parallel_loop3A_267 = arith.muli %parallel_loop3A_266, %parallel_loop3A_255 : i32
        %parallel_loop3A_268 = arith.index_cast %parallel_loop3A_267 : i32 to index
        %parallel_loop3A_269 = arith.constant 0 : index
        %parallel_loop3A_270 = tpu.vector_load %arg29[%parallel_loop3A_268, %parallel_loop3A_269] {strides = array<i32>} : memref<80x128xf32, #tpu.memory_space<vmem>>, vector<16xf32>,
        tpu.vector_store %arg29[%parallel_loop3A_268, %parallel_loop3A_269], %broadcast_in_dim3A_4 {strides = array<i32>} : memref<80x128xf32, #tpu.memory_space<vmem>>, vector<16xf32>,
        %parallel_loop3A_271 = arith.constant 2 : i32
        %parallel_loop3A_272 = arith.muli %parallel_loop3A_271, %parallel_loop3A_255 : i32
        %parallel_loop3A_273 = arith.constant 1 : i32
        %parallel_loop3A_274 = arith.addi %parallel_loop3A_272, %parallel_loop3A_273 : i32
        %parallel_loop3A_275 = arith.index_cast %parallel_loop3A_274 : i32 to index
        %parallel_loop3A_276 = arith.constant 0 : index
        %parallel_loop3A_277 = tpu.vector_load %arg29[%parallel_loop3A_275, %parallel_loop3A_276] {strides = array<i32>} : memref<80x128xf32, #tpu.memory_space<vmem>>, vector<16xf32>,
        tpu.vector_store %arg29[%parallel_loop3A_275, %parallel_loop3A_276], %broadcast_in_dim3A_4 {strides = array<i32>} : memref<80x128xf32, #tpu.memory_space<vmem>>, vector<16xf32>,
        %parallel_loop3A_278 = arith.constant 2 : i32
        %parallel_loop3A_279 = arith.muli %parallel_loop3A_278, %parallel_loop3A_255 : i32
        %parallel_loop3A_280 = arith.index_cast %parallel_loop3A_279 : i32 to index
        %parallel_loop3A_281 = arith.constant 16 : index
        %parallel_loop3A_282 = tpu.vector_load %arg29[%parallel_loop3A_280, %parallel_loop3A_281] {strides = array<i32>} : memref<80x128xf32, #tpu.memory_space<vmem>>, vector<16xf32>,
        tpu.vector_store %arg29[%parallel_loop3A_280, %parallel_loop3A_281], %broadcast_in_dim3A_4 {strides = array<i32>} : memref<80x128xf32, #tpu.memory_space<vmem>>, vector<16xf32>,
        %parallel_loop3A_283 = arith.constant 2 : i32
        %parallel_loop3A_284 = arith.muli %parallel_loop3A_283, %parallel_loop3A_255 : i32
        %parallel_loop3A_285 = arith.constant 1 : i32
        %parallel_loop3A_286 = arith.addi %parallel_loop3A_284, %parallel_loop3A_285 : i32
        %parallel_loop3A_287 = arith.index_cast %parallel_loop3A_286 : i32 to index
        %parallel_loop3A_288 = arith.constant 16 : index
        %parallel_loop3A_289 = tpu.vector_load %arg29[%parallel_loop3A_287, %parallel_loop3A_288] {strides = array<i32>} : memref<80x128xf32, #tpu.memory_space<vmem>>, vector<16xf32>,
        tpu.vector_store %arg29[%parallel_loop3A_287, %parallel_loop3A_288], %broadcast_in_dim3A_4 {strides = array<i32>} : memref<80x128xf32, #tpu.memory_space<vmem>>, vector<16xf32>,
        %parallel_loop3A_290 = arith.constant 2 : i32
        %parallel_loop3A_291 = arith.muli %parallel_loop3A_290, %parallel_loop3A_255 : i32
        %parallel_loop3A_292 = arith.index_cast %parallel_loop3A_291 : i32 to index
        %parallel_loop3A_293 = arith.constant 32 : index
        %parallel_loop3A_294 = tpu.vector_load %arg29[%parallel_loop3A_292, %parallel_loop3A_293] {strides = array<i32>} : memref<80x128xf32, #tpu.memory_space<vmem>>, vector<16xf32>,
        tpu.vector_store %arg29[%parallel_loop3A_292, %parallel_loop3A_293], %broadcast_in_dim3A_4 {strides = array<i32>} : memref<80x128xf32, #tpu.memory_space<vmem>>, vector<16xf32>,
        %parallel_loop3A_295 = arith.constant 2 : i32
        %parallel_loop3A_296 = arith.muli %parallel_loop3A_295, %parallel_loop3A_255 : i32
        %parallel_loop3A_297 = arith.constant 1 : i32
        %parallel_loop3A_298 = arith.addi %parallel_loop3A_296, %parallel_loop3A_297 : i32
        %parallel_loop3A_299 = arith.index_cast %parallel_loop3A_298 : i32 to index
        %parallel_loop3A_300 = arith.constant 32 : index
        %parallel_loop3A_301 = tpu.vector_load %arg29[%parallel_loop3A_299, %parallel_loop3A_300] {strides = array<i32>} : memref<80x128xf32, #tpu.memory_space<vmem>>, vector<16xf32>,
        tpu.vector_store %arg29[%parallel_loop3A_299, %parallel_loop3A_300], %broadcast_in_dim3A_4 {strides = array<i32>} : memref<80x128xf32, #tpu.memory_space<vmem>>, vector<16xf32>,
        %parallel_loop3A_302 = arith.constant 2 : i32
        %parallel_loop3A_303 = arith.muli %parallel_loop3A_302, %parallel_loop3A_255 : i32
        %parallel_loop3A_304 = arith.index_cast %parallel_loop3A_303 : i32 to index
        %parallel_loop3A_305 = arith.constant 48 : index
        %parallel_loop3A_306 = tpu.vector_load %arg29[%parallel_loop3A_304, %parallel_loop3A_305] {strides = array<i32>} : memref<80x128xf32, #tpu.memory_space<vmem>>, vector<16xf32>,
        tpu.vector_store %arg29[%parallel_loop3A_304, %parallel_loop3A_305], %broadcast_in_dim3A_4 {strides = array<i32>} : memref<80x128xf32, #tpu.memory_space<vmem>>, vector<16xf32>,
        %parallel_loop3A_307 = arith.constant 2 : i32
        %parallel_loop3A_308 = arith.muli %parallel_loop3A_307, %parallel_loop3A_255 : i32
        %parallel_loop3A_309 = arith.constant 1 : i32
        %parallel_loop3A_310 = arith.addi %parallel_loop3A_308, %parallel_loop3A_309 : i32
        %parallel_loop3A_311 = arith.index_cast %parallel_loop3A_310 : i32 to index
        %parallel_loop3A_312 = arith.constant 48 : index
        %parallel_loop3A_313 = tpu.vector_load %arg29[%parallel_loop3A_311, %parallel_loop3A_312] {strides = array<i32>} : memref<80x128xf32, #tpu.memory_space<vmem>>, vector<16xf32>,
        tpu.vector_store %arg29[%parallel_loop3A_311, %parallel_loop3A_312], %broadcast_in_dim3A_4 {strides = array<i32>} : memref<80x128xf32, #tpu.memory_space<vmem>>, vector<16xf32>,
        %parallel_loop3A_314 = arith.constant 2 : i32
        %parallel_loop3A_315 = arith.muli %parallel_loop3A_314, %parallel_loop3A_255 : i32
        %parallel_loop3A_316 = arith.index_cast %parallel_loop3A_315 : i32 to index
        %parallel_loop3A_317 = arith.constant 64 : index
        %parallel_loop3A_318 = tpu.vector_load %arg29[%parallel_loop3A_316, %parallel_loop3A_317] {strides = array<i32>} : memref<80x128xf32, #tpu.memory_space<vmem>>, vector<16xf32>,
        tpu.vector_store %arg29[%parallel_loop3A_316, %parallel_loop3A_317], %broadcast_in_dim3A_4 {strides = array<i32>} : memref<80x128xf32, #tpu.memory_space<vmem>>, vector<16xf32>,
        %parallel_loop3A_319 = arith.constant 2 : i32
        %parallel_loop3A_320 = arith.muli %parallel_loop3A_319, %parallel_loop3A_255 : i32
        %parallel_loop3A_321 = arith.constant 1 : i32
        %parallel_loop3A_322 = arith.addi %parallel_loop3A_320, %parallel_loop3A_321 : i32
        %parallel_loop3A_323 = arith.index_cast %parallel_loop3A_322 : i32 to index
        %parallel_loop3A_324 = arith.constant 64 : index
        %parallel_loop3A_325 = tpu.vector_load %arg29[%parallel_loop3A_323, %parallel_loop3A_324] {strides = array<i32>} : memref<80x128xf32, #tpu.memory_space<vmem>>, vector<16xf32>,
        tpu.vector_store %arg29[%parallel_loop3A_323, %parallel_loop3A_324], %broadcast_in_dim3A_4 {strides = array<i32>} : memref<80x128xf32, #tpu.memory_space<vmem>>, vector<16xf32>,
        %parallel_loop3A_326 = arith.constant 2 : i32
        %parallel_loop3A_327 = arith.muli %parallel_loop3A_326, %parallel_loop3A_255 : i32
        %parallel_loop3A_328 = arith.index_cast %parallel_loop3A_327 : i32 to index
        %parallel_loop3A_329 = arith.constant 80 : index
        %parallel_loop3A_330 = tpu.vector_load %arg29[%parallel_loop3A_328, %parallel_loop3A_329] {strides = array<i32>} : memref<80x128xf32, #tpu.memory_space<vmem>>, vector<16xf32>,
        tpu.vector_store %arg29[%parallel_loop3A_328, %parallel_loop3A_329], %broadcast_in_dim3A_4 {strides = array<i32>} : memref<80x128xf32, #tpu.memory_space<vmem>>, vector<16xf32>,
        %parallel_loop3A_331 = arith.constant 2 : i32
        %parallel_loop3A_332 = arith.muli %parallel_loop3A_331, %parallel_loop3A_255 : i32
        %parallel_loop3A_333 = arith.constant 1 : i32
        %parallel_loop3A_334 = arith.addi %parallel_loop3A_332, %parallel_loop3A_333 : i32
        %parallel_loop3A_335 = arith.index_cast %parallel_loop3A_334 : i32 to index
        %parallel_loop3A_336 = arith.constant 80 : index
        %parallel_loop3A_337 = tpu.vector_load %arg29[%parallel_loop3A_335, %parallel_loop3A_336] {strides = array<i32>} : memref<80x128xf32, #tpu.memory_space<vmem>>, vector<16xf32>,
        tpu.vector_store %arg29[%parallel_loop3A_335, %parallel_loop3A_336], %broadcast_in_dim3A_4 {strides = array<i32>} : memref<80x128xf32, #tpu.memory_space<vmem>>, vector<16xf32>,
        %parallel_loop3A_338 = arith.constant 2 : i32
        %parallel_loop3A_339 = arith.muli %parallel_loop3A_338, %parallel_loop3A_255 : i32
        %parallel_loop3A_340 = arith.index_cast %parallel_loop3A_339 : i32 to index
        %parallel_loop3A_341 = arith.constant 96 : index
        %parallel_loop3A_342 = tpu.vector_load %arg29[%parallel_loop3A_340, %parallel_loop3A_341] {strides = array<i32>} : memref<80x128xf32, #tpu.memory_space<vmem>>, vector<16xf32>,
        tpu.vector_store %arg29[%parallel_loop3A_340, %parallel_loop3A_341], %broadcast_in_dim3A_4 {strides = array<i32>} : memref<80x128xf32, #tpu.memory_space<vmem>>, vector<16xf32>,
        %parallel_loop3A_343 = arith.constant 2 : i32
        %parallel_loop3A_344 = arith.muli %parallel_loop3A_343, %parallel_loop3A_255 : i32
        %parallel_loop3A_345 = arith.constant 1 : i32
        %parallel_loop3A_346 = arith.addi %parallel_loop3A_344, %parallel_loop3A_345 : i32
        %parallel_loop3A_347 = arith.index_cast %parallel_loop3A_346 : i32 to index
        %parallel_loop3A_348 = arith.constant 96 : index
        %parallel_loop3A_349 = tpu.vector_load %arg29[%parallel_loop3A_347, %parallel_loop3A_348] {strides = array<i32>} : memref<80x128xf32, #tpu.memory_space<vmem>>, vector<16xf32>,
        tpu.vector_store %arg29[%parallel_loop3A_347, %parallel_loop3A_348], %broadcast_in_dim3A_4 {strides = array<i32>} : memref<80x128xf32, #tpu.memory_space<vmem>>, vector<16xf32>,
        %parallel_loop3A_350 = arith.constant 2 : i32
        %parallel_loop3A_351 = arith.muli %parallel_loop3A_350, %parallel_loop3A_255 : i32
        %parallel_loop3A_352 = arith.index_cast %parallel_loop3A_351 : i32 to index
        %parallel_loop3A_353 = arith.constant 112 : index
        %parallel_loop3A_354 = tpu.vector_load %arg29[%parallel_loop3A_352, %parallel_loop3A_353] {strides = array<i32>} : memref<80x128xf32, #tpu.memory_space<vmem>>, vector<16xf32>,
        tpu.vector_store %arg29[%parallel_loop3A_352, %parallel_loop3A_353], %broadcast_in_dim3A_4 {strides = array<i32>} : memref<80x128xf32, #tpu.memory_space<vmem>>, vector<16xf32>,
        %parallel_loop3A_355 = arith.constant 2 : i32
        %parallel_loop3A_356 = arith.muli %parallel_loop3A_355, %parallel_loop3A_255 : i32
        %parallel_loop3A_357 = arith.constant 1 : i32
        %parallel_loop3A_358 = arith.addi %parallel_loop3A_356, %parallel_loop3A_357 : i32
        %parallel_loop3A_359 = arith.index_cast %parallel_loop3A_358 : i32 to index
        %parallel_loop3A_360 = arith.constant 112 : index
        %parallel_loop3A_361 = tpu.vector_load %arg29[%parallel_loop3A_359, %parallel_loop3A_360] {strides = array<i32>} : memref<80x128xf32, #tpu.memory_space<vmem>>, vector<16xf32>,
        tpu.vector_store %arg29[%parallel_loop3A_359, %parallel_loop3A_360], %broadcast_in_dim3A_4 {strides = array<i32>} : memref<80x128xf32, #tpu.memory_space<vmem>>, vector<16xf32>,
      } {sc.loop_unroll_factor = 1 : i64, sc.parallel_access}
      %add3A_30 = arith.constant 0 : i32
      %add3A_31 = arith.addi %mul3A_5, %add3A_30 : i32
      %dma_start3A = arith.constant 0 : i32
      %dma_start3A_32 = arith.constant 0 : i32
      %dma_start3A_33 = tpu.memref_slice %arg29[%dma_start3A, %dma_start3A_32] : memref<80x128xf32, #tpu.memory_space<vmem>> -> memref<80x128xf32, #tpu.memory_space<vmem>>
      %dma_start3A_34 = arith.constant 0 : i32
      %dma_start3A_35 = tpu.memref_slice %arg30[%add3A_31, %dma_start3A_34] : memref<10000x128xf32, #tpu.memory_space<vmem_shared>> -> memref<80x128xf32, #tpu.memory_space<vmem_shared>>
      %dma_start3A_36 = arith.constant 0 : i32
      %dma_start3A_37 = tpu.memref_slice %arg30[%add3A_31, %dma_start3A_36] : memref<10000x128xf32, #tpu.memory_space<vmem_shared>> -> memref<80x128xf32, #tpu.memory_space<vmem_shared>>
      %dma_start3A_38 = arith.constant 0 : i32
      %dma_start3A_39 = arith.constant 0 : i32
      %dma_start3A_40 = tpu.memref_slice %arg29[%dma_start3A_38, %dma_start3A_39] : memref<80x128xf32, #tpu.memory_space<vmem>> -> memref<80x128xf32, #tpu.memory_space<vmem>>
      tpu.enqueue_dma source(%dma_start3A_40 : memref<80x128xf32, #tpu.memory_space<vmem>>) target(%dma_start3A_37 : memref<80x128xf32, #tpu.memory_space<vmem_shared>>) target_semaphore(%arg42 : memref<!tpu.dma_semaphore, #tpu.memory_space<semaphore_mem>>)
      %add3A_41 = arith.constant 80 : i32
      %add3A_42 = arith.addi %mul3A_5, %add3A_41 : i32
      %dma_start3A_43 = arith.constant 0 : i32
      %dma_start3A_44 = arith.constant 0 : i32
      %dma_start3A_45 = tpu.memref_slice %arg29[%dma_start3A_43, %dma_start3A_44] : memref<80x128xf32, #tpu.memory_space<vmem>> -> memref<80x128xf32, #tpu.memory_space<vmem>>
      %dma_start3A_46 = arith.constant 0 : i32
      %dma_start3A_47 = tpu.memref_slice %arg30[%add3A_42, %dma_start3A_46] : memref<10000x128xf32, #tpu.memory_space<vmem_shared>> -> memref<80x128xf32, #tpu.memory_space<vmem_shared>>
      %dma_start3A_48 = arith.constant 0 : i32
      %dma_start3A_49 = tpu.memref_slice %arg30[%add3A_42, %dma_start3A_48] : memref<10000x128xf32, #tpu.memory_space<vmem_shared>> -> memref<80x128xf32, #tpu.memory_space<vmem_shared>>
      %dma_start3A_50 = arith.constant 0 : i32
      %dma_start3A_51 = arith.constant 0 : i32
      %dma_start3A_52 = tpu.memref_slice %arg29[%dma_start3A_50, %dma_start3A_51] : memref<80x128xf32, #tpu.memory_space<vmem>> -> memref<80x128xf32, #tpu.memory_space<vmem>>
      tpu.enqueue_dma source(%dma_start3A_52 : memref<80x128xf32, #tpu.memory_space<vmem>>) target(%dma_start3A_49 : memref<80x128xf32, #tpu.memory_space<vmem_shared>>) target_semaphore(%arg42 : memref<!tpu.dma_semaphore, #tpu.memory_space<semaphore_mem>>)
      %add3A_53 = arith.constant 160 : i32
      %add3A_54 = arith.addi %mul3A_5, %add3A_53 : i32
      %dma_start3A_55 = arith.constant 0 : i32
      %dma_start3A_56 = arith.constant 0 : i32
      %dma_start3A_57 = tpu.memref_slice %arg29[%dma_start3A_55, %dma_start3A_56] : memref<80x128xf32, #tpu.memory_space<vmem>> -> memref<80x128xf32, #tpu.memory_space<vmem>>
      %dma_start3A_58 = arith.constant 0 : i32
      %dma_start3A_59 = tpu.memref_slice %arg30[%add3A_54, %dma_start3A_58] : memref<10000x128xf32, #tpu.memory_space<vmem_shared>> -> memref<80x128xf32, #tpu.memory_space<vmem_shared>>
      %dma_start3A_60 = arith.constant 0 : i32
      %dma_start3A_61 = tpu.memref_slice %arg30[%add3A_54, %dma_start3A_60] : memref<10000x128xf32, #tpu.memory_space<vmem_shared>> -> memref<80x128xf32, #tpu.memory_space<vmem_shared>>
      %dma_start3A_62 = arith.constant 0 : i32
      %dma_start3A_63 = arith.constant 0 : i32
      %dma_start3A_64 = tpu.memref_slice %arg29[%dma_start3A_62, %dma_start3A_63] : memref<80x128xf32, #tpu.memory_space<vmem>> -> memref<80x128xf32, #tpu.memory_space<vmem>>
      tpu.enqueue_dma source(%dma_start3A_64 : memref<80x128xf32, #tpu.memory_space<vmem>>) target(%dma_start3A_61 : memref<80x128xf32, #tpu.memory_space<vmem_shared>>) target_semaphore(%arg42 : memref<!tpu.dma_semaphore, #tpu.memory_space<semaphore_mem>>)
      %add3A_65 = arith.constant 240 : i32
      %add3A_66 = arith.addi %mul3A_5, %add3A_65 : i32
      %dma_start3A_67 = arith.constant 0 : i32
      %dma_start3A_68 = arith.constant 0 : i32
      %dma_start3A_69 = tpu.memref_slice %arg29[%dma_start3A_67, %dma_start3A_68] : memref<80x128xf32, #tpu.memory_space<vmem>> -> memref<80x128xf32, #tpu.memory_space<vmem>>
      %dma_start3A_70 = arith.constant 0 : i32
      %dma_start3A_71 = tpu.memref_slice %arg30[%add3A_66, %dma_start3A_70] : memref<10000x128xf32, #tpu.memory_space<vmem_shared>> -> memref<80x128xf32, #tpu.memory_space<vmem_shared>>
      %dma_start3A_72 = arith.constant 0 : i32
      %dma_start3A_73 = tpu.memref_slice %arg30[%add3A_66, %dma_start3A_72] : memref<10000x128xf32, #tpu.memory_space<vmem_shared>> -> memref<80x128xf32, #tpu.memory_space<vmem_shared>>
      %dma_start3A_74 = arith.constant 0 : i32
      %dma_start3A_75 = arith.constant 0 : i32
      %dma_start3A_76 = tpu.memref_slice %arg29[%dma_start3A_74, %dma_start3A_75] : memref<80x128xf32, #tpu.memory_space<vmem>> -> memref<80x128xf32, #tpu.memory_space<vmem>>
      tpu.enqueue_dma source(%dma_start3A_76 : memref<80x128xf32, #tpu.memory_space<vmem>>) target(%dma_start3A_73 : memref<80x128xf32, #tpu.memory_space<vmem_shared>>) target_semaphore(%arg42 : memref<!tpu.dma_semaphore, #tpu.memory_space<semaphore_mem>>)
      %add3A_77 = arith.constant 320 : i32
      %add3A_78 = arith.addi %mul3A_5, %add3A_77 : i32
      %dma_start3A_79 = arith.constant 0 : i32
      %dma_start3A_80 = arith.constant 0 : i32
      %dma_start3A_81 = tpu.memref_slice %arg29[%dma_start3A_79, %dma_start3A_80] : memref<80x128xf32, #tpu.memory_space<vmem>> -> memref<80x128xf32, #tpu.memory_space<vmem>>
      %dma_start3A_82 = arith.constant 0 : i32
      %dma_start3A_83 = tpu.memref_slice %arg30[%add3A_78, %dma_start3A_82] : memref<10000x128xf32, #tpu.memory_space<vmem_shared>> -> memref<80x128xf32, #tpu.memory_space<vmem_shared>>
      %dma_start3A_84 = arith.constant 0 : i32
      %dma_start3A_85 = tpu.memref_slice %arg30[%add3A_78, %dma_start3A_84] : memref<10000x128xf32, #tpu.memory_space<vmem_shared>> -> memref<80x128xf32, #tpu.memory_space<vmem_shared>>
      %dma_start3A_86 = arith.constant 0 : i32
      %dma_start3A_87 = arith.constant 0 : i32
      %dma_start3A_88 = tpu.memref_slice %arg29[%dma_start3A_86, %dma_start3A_87] : memref<80x128xf32, #tpu.memory_space<vmem>> -> memref<80x128xf32, #tpu.memory_space<vmem>>
      tpu.enqueue_dma source(%dma_start3A_88 : memref<80x128xf32, #tpu.memory_space<vmem>>) target(%dma_start3A_85 : memref<80x128xf32, #tpu.memory_space<vmem_shared>>) target_semaphore(%arg42 : memref<!tpu.dma_semaphore, #tpu.memory_space<semaphore_mem>>)
      %add3A_89 = arith.constant 400 : i32
      %add3A_90 = arith.addi %mul3A_5, %add3A_89 : i32
      %dma_start3A_91 = arith.constant 0 : i32
      %dma_start3A_92 = arith.constant 0 : i32
      %dma_start3A_93 = tpu.memref_slice %arg29[%dma_start3A_91, %dma_start3A_92] : memref<80x128xf32, #tpu.memory_space<vmem>> -> memref<80x128xf32, #tpu.memory_space<vmem>>
      %dma_start3A_94 = arith.constant 0 : i32
      %dma_start3A_95 = tpu.memref_slice %arg30[%add3A_90, %dma_start3A_94] : memref<10000x128xf32, #tpu.memory_space<vmem_shared>> -> memref<80x128xf32, #tpu.memory_space<vmem_shared>>
      %dma_start3A_96 = arith.constant 0 : i32
      %dma_start3A_97 = tpu.memref_slice %arg30[%add3A_90, %dma_start3A_96] : memref<10000x128xf32, #tpu.memory_space<vmem_shared>> -> memref<80x128xf32, #tpu.memory_space<vmem_shared>>
      %dma_start3A_98 = arith.constant 0 : i32
      %dma_start3A_99 = arith.constant 0 : i32
      %dma_start3A_100 = tpu.memref_slice %arg29[%dma_start3A_98, %dma_start3A_99] : memref<80x128xf32, #tpu.memory_space<vmem>> -> memref<80x128xf32, #tpu.memory_space<vmem>>
      tpu.enqueue_dma source(%dma_start3A_100 : memref<80x128xf32, #tpu.memory_space<vmem>>) target(%dma_start3A_97 : memref<80x128xf32, #tpu.memory_space<vmem_shared>>) target_semaphore(%arg42 : memref<!tpu.dma_semaphore, #tpu.memory_space<semaphore_mem>>)
      %add3A_101 = arith.constant 480 : i32
      %add3A_102 = arith.addi %mul3A_5, %add3A_101 : i32
      %dma_start3A_103 = arith.constant 0 : i32
      %dma_start3A_104 = arith.constant 0 : i32
      %dma_start3A_105 = tpu.memref_slice %arg29[%dma_start3A_103, %dma_start3A_104] : memref<80x128xf32, #tpu.memory_space<vmem>> -> memref<80x128xf32, #tpu.memory_space<vmem>>
      %dma_start3A_106 = arith.constant 0 : i32
      %dma_start3A_107 = tpu.memref_slice %arg30[%add3A_102, %dma_start3A_106] : memref<10000x128xf32, #tpu.memory_space<vmem_shared>> -> memref<80x128xf32, #tpu.memory_space<vmem_shared>>
      %dma_start3A_108 = arith.constant 0 : i32
      %dma_start3A_109 = tpu.memref_slice %arg30[%add3A_102, %dma_start3A_108] : memref<10000x128xf32, #tpu.memory_space<vmem_shared>> -> memref<80x128xf32, #tpu.memory_space<vmem_shared>>
      %dma_start3A_110 = arith.constant 0 : i32
      %dma_start3A_111 = arith.constant 0 : i32
      %dma_start3A_112 = tpu.memref_slice %arg29[%dma_start3A_110, %dma_start3A_111] : memref<80x128xf32, #tpu.memory_space<vmem>> -> memref<80x128xf32, #tpu.memory_space<vmem>>
      tpu.enqueue_dma source(%dma_start3A_112 : memref<80x128xf32, #tpu.memory_space<vmem>>) target(%dma_start3A_109 : memref<80x128xf32, #tpu.memory_space<vmem_shared>>) target_semaphore(%arg42 : memref<!tpu.dma_semaphore, #tpu.memory_space<semaphore_mem>>)
      %add3A_113 = arith.constant 560 : i32
      %add3A_114 = arith.addi %mul3A_5, %add3A_113 : i32
      %dma_start3A_115 = arith.constant 0 : i32
      %dma_start3A_116 = arith.constant 0 : i32
      %dma_start3A_117 = tpu.memref_slice %arg29[%dma_start3A_115, %dma_start3A_116] : memref<80x128xf32, #tpu.memory_space<vmem>> -> memref<64x128xf32, #tpu.memory_space<vmem>>
      %dma_start3A_118 = arith.constant 0 : i32
      %dma_start3A_119 = tpu.memref_slice %arg30[%add3A_114, %dma_start3A_118] : memref<10000x128xf32, #tpu.memory_space<vmem_shared>> -> memref<64x128xf32, #tpu.memory_space<vmem_shared>>
      %dma_start3A_120 = arith.constant 0 : i32
      %dma_start3A_121 = tpu.memref_slice %arg30[%add3A_114, %dma_start3A_120] : memref<10000x128xf32, #tpu.memory_space<vmem_shared>> -> memref<64x128xf32, #tpu.memory_space<vmem_shared>>
      %dma_start3A_122 = arith.constant 0 : i32
      %dma_start3A_123 = arith.constant 0 : i32
      %dma_start3A_124 = tpu.memref_slice %arg29[%dma_start3A_122, %dma_start3A_123] : memref<80x128xf32, #tpu.memory_space<vmem>> -> memref<64x128xf32, #tpu.memory_space<vmem>>
      tpu.enqueue_dma source(%dma_start3A_124 : memref<64x128xf32, #tpu.memory_space<vmem>>) target(%dma_start3A_121 : memref<64x128xf32, #tpu.memory_space<vmem_shared>>) target_semaphore(%arg42 : memref<!tpu.dma_semaphore, #tpu.memory_space<semaphore_mem>>)
      %dma_wait3A = arith.constant 0 : i32
      %dma_wait3A_125 = arith.constant 0 : i32
      %dma_wait3A_126 = tpu.memref_slice %arg29[%dma_wait3A, %dma_wait3A_125] : memref<80x128xf32, #tpu.memory_space<vmem>> -> memref<80x128xf32, #tpu.memory_space<vmem>>
      %dma_wait3A_127 = arith.constant 0 : i32
      %dma_wait3A_128 = tpu.memref_slice %arg30[%add3A_31, %dma_wait3A_127] : memref<10000x128xf32, #tpu.memory_space<vmem_shared>> -> memref<80x128xf32, #tpu.memory_space<vmem_shared>>
      %dma_wait3A_129 = arith.constant 0 : i32
      %dma_wait3A_130 = tpu.memref_slice %arg30[%add3A_31, %dma_wait3A_129] : memref<10000x128xf32, #tpu.memory_space<vmem_shared>> -> memref<80x128xf32, #tpu.memory_space<vmem_shared>>
      %dma_wait3A_131 = arith.constant 0 : i32
      %dma_wait3A_132 = arith.constant 0 : i32
      %dma_wait3A_133 = tpu.memref_slice %arg29[%dma_wait3A_131, %dma_wait3A_132] : memref<80x128xf32, #tpu.memory_space<vmem>> -> memref<80x128xf32, #tpu.memory_space<vmem>>
      tpu.wait_dma2 semaphore(%arg42 : memref<!tpu.dma_semaphore, #tpu.memory_space<semaphore_mem>>) src(%dma_wait3A_133 : memref<80x128xf32, #tpu.memory_space<vmem>>) dst(%dma_wait3A_130 : memref<80x128xf32, #tpu.memory_space<vmem_shared>>)
      %dma_wait3A_134 = arith.constant 0 : i32
      %dma_wait3A_135 = arith.constant 0 : i32
      %dma_wait3A_136 = tpu.memref_slice %arg29[%dma_wait3A_134, %dma_wait3A_135] : memref<80x128xf32, #tpu.memory_space<vmem>> -> memref<80x128xf32, #tpu.memory_space<vmem>>
      %dma_wait3A_137 = arith.constant 0 : i32
      %dma_wait3A_138 = tpu.memref_slice %arg30[%add3A_42, %dma_wait3A_137] : memref<10000x128xf32, #tpu.memory_space<vmem_shared>> -> memref<80x128xf32, #tpu.memory_space<vmem_shared>>
      %dma_wait3A_139 = arith.constant 0 : i32
      %dma_wait3A_140 = tpu.memref_slice %arg30[%add3A_42, %dma_wait3A_139] : memref<10000x128xf32, #tpu.memory_space<vmem_shared>> -> memref<80x128xf32, #tpu.memory_space<vmem_shared>>
      %dma_wait3A_141 = arith.constant 0 : i32
      %dma_wait3A_142 = arith.constant 0 : i32
      %dma_wait3A_143 = tpu.memref_slice %arg29[%dma_wait3A_141, %dma_wait3A_142] : memref<80x128xf32, #tpu.memory_space<vmem>> -> memref<80x128xf32, #tpu.memory_space<vmem>>
      tpu.wait_dma2 semaphore(%arg42 : memref<!tpu.dma_semaphore, #tpu.memory_space<semaphore_mem>>) src(%dma_wait3A_143 : memref<80x128xf32, #tpu.memory_space<vmem>>) dst(%dma_wait3A_140 : memref<80x128xf32, #tpu.memory_space<vmem_shared>>)
      %dma_wait3A_144 = arith.constant 0 : i32
      %dma_wait3A_145 = arith.constant 0 : i32
      %dma_wait3A_146 = tpu.memref_slice %arg29[%dma_wait3A_144, %dma_wait3A_145] : memref<80x128xf32, #tpu.memory_space<vmem>> -> memref<80x128xf32, #tpu.memory_space<vmem>>
      %dma_wait3A_147 = arith.constant 0 : i32
      %dma_wait3A_148 = tpu.memref_slice %arg30[%add3A_54, %dma_wait3A_147] : memref<10000x128xf32, #tpu.memory_space<vmem_shared>> -> memref<80x128xf32, #tpu.memory_space<vmem_shared>>
      %dma_wait3A_149 = arith.constant 0 : i32
      %dma_wait3A_150 = tpu.memref_slice %arg30[%add3A_54, %dma_wait3A_149] : memref<10000x128xf32, #tpu.memory_space<vmem_shared>> -> memref<80x128xf32, #tpu.memory_space<vmem_shared>>
      %dma_wait3A_151 = arith.constant 0 : i32
      %dma_wait3A_152 = arith.constant 0 : i32
      %dma_wait3A_153 = tpu.memref_slice %arg29[%dma_wait3A_151, %dma_wait3A_152] : memref<80x128xf32, #tpu.memory_space<vmem>> -> memref<80x128xf32, #tpu.memory_space<vmem>>
      tpu.wait_dma2 semaphore(%arg42 : memref<!tpu.dma_semaphore, #tpu.memory_space<semaphore_mem>>) src(%dma_wait3A_153 : memref<80x128xf32, #tpu.memory_space<vmem>>) dst(%dma_wait3A_150 : memref<80x128xf32, #tpu.memory_space<vmem_shared>>)
      %dma_wait3A_154 = arith.constant 0 : i32
      %dma_wait3A_155 = arith.constant 0 : i32
      %dma_wait3A_156 = tpu.memref_slice %arg29[%dma_wait3A_154, %dma_wait3A_155] : memref<80x128xf32, #tpu.memory_space<vmem>> -> memref<80x128xf32, #tpu.memory_space<vmem>>
      %dma_wait3A_157 = arith.constant 0 : i32
      %dma_wait3A_158 = tpu.memref_slice %arg30[%add3A_66, %dma_wait3A_157] : memref<10000x128xf32, #tpu.memory_space<vmem_shared>> -> memref<80x128xf32, #tpu.memory_space<vmem_shared>>
      %dma_wait3A_159 = arith.constant 0 : i32
      %dma_wait3A_160 = tpu.memref_slice %arg30[%add3A_66, %dma_wait3A_159] : memref<10000x128xf32, #tpu.memory_space<vmem_shared>> -> memref<80x128xf32, #tpu.memory_space<vmem_shared>>
      %dma_wait3A_161 = arith.constant 0 : i32
      %dma_wait3A_162 = arith.constant 0 : i32
      %dma_wait3A_163 = tpu.memref_slice %arg29[%dma_wait3A_161, %dma_wait3A_162] : memref<80x128xf32, #tpu.memory_space<vmem>> -> memref<80x128xf32, #tpu.memory_space<vmem>>
      tpu.wait_dma2 semaphore(%arg42 : memref<!tpu.dma_semaphore, #tpu.memory_space<semaphore_mem>>) src(%dma_wait3A_163 : memref<80x128xf32, #tpu.memory_space<vmem>>) dst(%dma_wait3A_160 : memref<80x128xf32, #tpu.memory_space<vmem_shared>>)
      %dma_wait3A_164 = arith.constant 0 : i32
      %dma_wait3A_165 = arith.constant 0 : i32
      %dma_wait3A_166 = tpu.memref_slice %arg29[%dma_wait3A_164, %dma_wait3A_165] : memref<80x128xf32, #tpu.memory_space<vmem>> -> memref<80x128xf32, #tpu.memory_space<vmem>>
      %dma_wait3A_167 = arith.constant 0 : i32
      %dma_wait3A_168 = tpu.memref_slice %arg30[%add3A_78, %dma_wait3A_167] : memref<10000x128xf32, #tpu.memory_space<vmem_shared>> -> memref<80x128xf32, #tpu.memory_space<vmem_shared>>
      %dma_wait3A_169 = arith.constant 0 : i32
      %dma_wait3A_170 = tpu.memref_slice %arg30[%add3A_78, %dma_wait3A_169] : memref<10000x128xf32, #tpu.memory_space<vmem_shared>> -> memref<80x128xf32, #tpu.memory_space<vmem_shared>>
      %dma_wait3A_171 = arith.constant 0 : i32
      %dma_wait3A_172 = arith.constant 0 : i32
      %dma_wait3A_173 = tpu.memref_slice %arg29[%dma_wait3A_171, %dma_wait3A_172] : memref<80x128xf32, #tpu.memory_space<vmem>> -> memref<80x128xf32, #tpu.memory_space<vmem>>
      tpu.wait_dma2 semaphore(%arg42 : memref<!tpu.dma_semaphore, #tpu.memory_space<semaphore_mem>>) src(%dma_wait3A_173 : memref<80x128xf32, #tpu.memory_space<vmem>>) dst(%dma_wait3A_170 : memref<80x128xf32, #tpu.memory_space<vmem_shared>>)
      %dma_wait3A_174 = arith.constant 0 : i32
      %dma_wait3A_175 = arith.constant 0 : i32
      %dma_wait3A_176 = tpu.memref_slice %arg29[%dma_wait3A_174, %dma_wait3A_175] : memref<80x128xf32, #tpu.memory_space<vmem>> -> memref<80x128xf32, #tpu.memory_space<vmem>>
      %dma_wait3A_177 = arith.constant 0 : i32
      %dma_wait3A_178 = tpu.memref_slice %arg30[%add3A_90, %dma_wait3A_177] : memref<10000x128xf32, #tpu.memory_space<vmem_shared>> -> memref<80x128xf32, #tpu.memory_space<vmem_shared>>
      %dma_wait3A_179 = arith.constant 0 : i32
      %dma_wait3A_180 = tpu.memref_slice %arg30[%add3A_90, %dma_wait3A_179] : memref<10000x128xf32, #tpu.memory_space<vmem_shared>> -> memref<80x128xf32, #tpu.memory_space<vmem_shared>>
      %dma_wait3A_181 = arith.constant 0 : i32
      %dma_wait3A_182 = arith.constant 0 : i32
      %dma_wait3A_183 = tpu.memref_slice %arg29[%dma_wait3A_181, %dma_wait3A_182] : memref<80x128xf32, #tpu.memory_space<vmem>> -> memref<80x128xf32, #tpu.memory_space<vmem>>
      tpu.wait_dma2 semaphore(%arg42 : memref<!tpu.dma_semaphore, #tpu.memory_space<semaphore_mem>>) src(%dma_wait3A_183 : memref<80x128xf32, #tpu.memory_space<vmem>>) dst(%dma_wait3A_180 : memref<80x128xf32, #tpu.memory_space<vmem_shared>>)
      %dma_wait3A_184 = arith.constant 0 : i32
      %dma_wait3A_185 = arith.constant 0 : i32
      %dma_wait3A_186 = tpu.memref_slice %arg29[%dma_wait3A_184, %dma_wait3A_185] : memref<80x128xf32, #tpu.memory_space<vmem>> -> memref<80x128xf32, #tpu.memory_space<vmem>>
      %dma_wait3A_187 = arith.constant 0 : i32
      %dma_wait3A_188 = tpu.memref_slice %arg30[%add3A_102, %dma_wait3A_187] : memref<10000x128xf32, #tpu.memory_space<vmem_shared>> -> memref<80x128xf32, #tpu.memory_space<vmem_shared>>
      %dma_wait3A_189 = arith.constant 0 : i32
      %dma_wait3A_190 = tpu.memref_slice %arg30[%add3A_102, %dma_wait3A_189] : memref<10000x128xf32, #tpu.memory_space<vmem_shared>> -> memref<80x128xf32, #tpu.memory_space<vmem_shared>>
      %dma_wait3A_191 = arith.constant 0 : i32
      %dma_wait3A_192 = arith.constant 0 : i32
      %dma_wait3A_193 = tpu.memref_slice %arg29[%dma_wait3A_191, %dma_wait3A_192] : memref<80x128xf32, #tpu.memory_space<vmem>> -> memref<80x128xf32, #tpu.memory_space<vmem>>
      tpu.wait_dma2 semaphore(%arg42 : memref<!tpu.dma_semaphore, #tpu.memory_space<semaphore_mem>>) src(%dma_wait3A_193 : memref<80x128xf32, #tpu.memory_space<vmem>>) dst(%dma_wait3A_190 : memref<80x128xf32, #tpu.memory_space<vmem_shared>>)
      %dma_wait3A_194 = arith.constant 0 : i32
      %dma_wait3A_195 = arith.constant 0 : i32
      %dma_wait3A_196 = tpu.memref_slice %arg29[%dma_wait3A_194, %dma_wait3A_195] : memref<80x128xf32, #tpu.memory_space<vmem>> -> memref<64x128xf32, #tpu.memory_space<vmem>>
      %dma_wait3A_197 = arith.constant 0 : i32
      %dma_wait3A_198 = tpu.memref_slice %arg30[%add3A_114, %dma_wait3A_197] : memref<10000x128xf32, #tpu.memory_space<vmem_shared>> -> memref<64x128xf32, #tpu.memory_space<vmem_shared>>
      %dma_wait3A_199 = arith.constant 0 : i32
      %dma_wait3A_200 = tpu.memref_slice %arg30[%add3A_114, %dma_wait3A_199] : memref<10000x128xf32, #tpu.memory_space<vmem_shared>> -> memref<64x128xf32, #tpu.memory_space<vmem_shared>>
      %dma_wait3A_201 = arith.constant 0 : i32
      %dma_wait3A_202 = arith.constant 0 : i32
      %dma_wait3A_203 = tpu.memref_slice %arg29[%dma_wait3A_201, %dma_wait3A_202] : memref<80x128xf32, #tpu.memory_space<vmem>> -> memref<64x128xf32, #tpu.memory_space<vmem>>
      tpu.wait_dma2 semaphore(%arg42 : memref<!tpu.dma_semaphore, #tpu.memory_space<semaphore_mem>>) src(%dma_wait3A_203 : memref<64x128xf32, #tpu.memory_space<vmem>>) dst(%dma_wait3A_200 : memref<64x128xf32, #tpu.memory_space<vmem_shared>>)
      %eq3A = arith.constant 15 : i32
      %eq3A_204 = arith.cmpi eq, %arg1, %eq3A : i32
      %convert_element_type3A = arith.extui %eq3A_204 : i1 to i32
      %cond3A = arith.constant 0 : i32
      %cond3A_205 = arith.cmpi ne, %convert_element_type3A, %cond3A : i32
      scf.if %cond3A_205 {
        "tpu.region"() ({
          %run_scoped3A = tpu.sem_alloc : memref<!tpu.dma_semaphore, #tpu.memory_space<semaphore_mem>>
          %dma_start3A_255 = arith.constant 0 : i32
          %dma_start3A_256 = arith.constant 0 : i32
          %dma_start3A_257 = tpu.memref_slice %arg29[%dma_start3A_255, %dma_start3A_256] : memref<80x128xf32, #tpu.memory_space<vmem>> -> memref<16x128xf32, #tpu.memory_space<vmem>>
          %dma_start3A_258 = arith.constant 9984 : i32
          %dma_start3A_259 = arith.constant 0 : i32
          %dma_start3A_260 = tpu.memref_slice %arg30[%dma_start3A_258, %dma_start3A_259] : memref<10000x128xf32, #tpu.memory_space<vmem_shared>> -> memref<16x128xf32, #tpu.memory_space<vmem_shared>>
          %dma_start3A_261 = arith.constant 9984 : i32
          %dma_start3A_262 = arith.constant 0 : i32
          %dma_start3A_263 = tpu.memref_slice %arg30[%dma_start3A_261, %dma_start3A_262] : memref<10000x128xf32, #tpu.memory_space<vmem_shared>> -> memref<16x128xf32, #tpu.memory_space<vmem_shared>>
          %dma_start3A_264 = arith.constant 0 : i32
          %dma_start3A_265 = arith.constant 0 : i32
          %dma_start3A_266 = tpu.memref_slice %arg29[%dma_start3A_264, %dma_start3A_265] : memref<80x128xf32, #tpu.memory_space<vmem>> -> memref<16x128xf32, #tpu.memory_space<vmem>>
          tpu.enqueue_dma source(%dma_start3A_266 : memref<16x128xf32, #tpu.memory_space<vmem>>) target(%dma_start3A_263 : memref<16x128xf32, #tpu.memory_space<vmem_shared>>) target_semaphore(%run_scoped3A : memref<!tpu.dma_semaphore, #tpu.memory_space<semaphore_mem>>)
          %dma_wait3A_267 = arith.constant 0 : i32
          %dma_wait3A_268 = arith.constant 0 : i32
          %dma_wait3A_269 = tpu.memref_slice %arg29[%dma_wait3A_267, %dma_wait3A_268] : memref<80x128xf32, #tpu.memory_space<vmem>> -> memref<16x128xf32, #tpu.memory_space<vmem>>
          %dma_wait3A_270 = arith.constant 9984 : i32
          %dma_wait3A_271 = arith.constant 0 : i32
          %dma_wait3A_272 = tpu.memref_slice %arg30[%dma_wait3A_270, %dma_wait3A_271] : memref<10000x128xf32, #tpu.memory_space<vmem_shared>> -> memref<16x128xf32, #tpu.memory_space<vmem_shared>>
          %dma_wait3A_273 = arith.constant 9984 : i32
          %dma_wait3A_274 = arith.constant 0 : i32
          %dma_wait3A_275 = tpu.memref_slice %arg30[%dma_wait3A_273, %dma_wait3A_274] : memref<10000x128xf32, #tpu.memory_space<vmem_shared>> -> memref<16x128xf32, #tpu.memory_space<vmem_shared>>
          %dma_wait3A_276 = arith.constant 0 : i32
          %dma_wait3A_277 = arith.constant 0 : i32
          %dma_wait3A_278 = tpu.memref_slice %arg29[%dma_wait3A_276, %dma_wait3A_277] : memref<80x128xf32, #tpu.memory_space<vmem>> -> memref<16x128xf32, #tpu.memory_space<vmem>>
          tpu.wait_dma2 semaphore(%run_scoped3A : memref<!tpu.dma_semaphore, #tpu.memory_space<semaphore_mem>>) src(%dma_wait3A_278 : memref<16x128xf32, #tpu.memory_space<vmem>>) dst(%dma_wait3A_275 : memref<16x128xf32, #tpu.memory_space<vmem_shared>>)
          tpu.yield
        }) : () -> ()
      } else {
      }
      %eq3A_206 = arith.constant 0 : i32
      %eq3A_207 = arith.cmpi eq, %arg0, %eq3A_206 : i32
      %convert_element_type3A_208 = arith.extui %eq3A_207 : i1 to i32
      %cond3A_209 = arith.constant 0 : i32
      %cond3A_210 = arith.cmpi ne, %convert_element_type3A_208, %cond3A_209 : i32
      scf.if %cond3A_210 {
        %add3A_255 = arith.constant 0 : i32
        %add3A_256 = arith.addi %mul3A_5, %add3A_255 : i32
        "tpu.region"() ({
          %run_scoped3A = tpu.sem_alloc : memref<!tpu.dma_semaphore, #tpu.memory_space<semaphore_mem>>
          %dma_start3A_276 = arith.constant 0 : i32
          %dma_start3A_277 = arith.constant 0 : i32
          %dma_start3A_278 = tpu.memref_slice %arg25[%dma_start3A_276, %dma_start3A_277] : memref<80x8xf32, #tpu.memory_space<vmem>> -> memref<80x8xf32, #tpu.memory_space<vmem>>
          %dma_start3A_279 = arith.constant 0 : i32
          %dma_start3A_280 = tpu.memref_slice %arg31[%add3A_256, %dma_start3A_279] : memref<10000x8xf32, #tpu.memory_space<vmem_shared>> -> memref<80x8xf32, #tpu.memory_space<vmem_shared>>
          %dma_start3A_281 = arith.constant 0 : i32
          %dma_start3A_282 = tpu.memref_slice %arg31[%add3A_256, %dma_start3A_281] : memref<10000x8xf32, #tpu.memory_space<vmem_shared>> -> memref<80x8xf32, #tpu.memory_space<vmem_shared>>
          %dma_start3A_283 = arith.constant 0 : i32
          %dma_start3A_284 = arith.constant 0 : i32
          %dma_start3A_285 = tpu.memref_slice %arg25[%dma_start3A_283, %dma_start3A_284] : memref<80x8xf32, #tpu.memory_space<vmem>> -> memref<80x8xf32, #tpu.memory_space<vmem>>
          tpu.enqueue_dma source(%dma_start3A_285 : memref<80x8xf32, #tpu.memory_space<vmem>>) target(%dma_start3A_282 : memref<80x8xf32, #tpu.memory_space<vmem_shared>>) target_semaphore(%run_scoped3A : memref<!tpu.dma_semaphore, #tpu.memory_space<semaphore_mem>>)
          %dma_wait3A_286 = arith.constant 0 : i32
          %dma_wait3A_287 = arith.constant 0 : i32
          %dma_wait3A_288 = tpu.memref_slice %arg25[%dma_wait3A_286, %dma_wait3A_287] : memref<80x8xf32, #tpu.memory_space<vmem>> -> memref<80x8xf32, #tpu.memory_space<vmem>>
          %dma_wait3A_289 = arith.constant 0 : i32
          %dma_wait3A_290 = tpu.memref_slice %arg31[%add3A_256, %dma_wait3A_289] : memref<10000x8xf32, #tpu.memory_space<vmem_shared>> -> memref<80x8xf32, #tpu.memory_space<vmem_shared>>
          %dma_wait3A_291 = arith.constant 0 : i32
          %dma_wait3A_292 = tpu.memref_slice %arg31[%add3A_256, %dma_wait3A_291] : memref<10000x8xf32, #tpu.memory_space<vmem_shared>> -> memref<80x8xf32, #tpu.memory_space<vmem_shared>>
          %dma_wait3A_293 = arith.constant 0 : i32
          %dma_wait3A_294 = arith.constant 0 : i32
          %dma_wait3A_295 = tpu.memref_slice %arg25[%dma_wait3A_293, %dma_wait3A_294] : memref<80x8xf32, #tpu.memory_space<vmem>> -> memref<80x8xf32, #tpu.memory_space<vmem>>
          tpu.wait_dma2 semaphore(%run_scoped3A : memref<!tpu.dma_semaphore, #tpu.memory_space<semaphore_mem>>) src(%dma_wait3A_295 : memref<80x8xf32, #tpu.memory_space<vmem>>) dst(%dma_wait3A_292 : memref<80x8xf32, #tpu.memory_space<vmem_shared>>)
          tpu.yield
        }) : () -> ()
        %add3A_257 = arith.constant 80 : i32
        %add3A_258 = arith.addi %mul3A_5, %add3A_257 : i32
        "tpu.region"() ({
          %run_scoped3A = tpu.sem_alloc : memref<!tpu.dma_semaphore, #tpu.memory_space<semaphore_mem>>
          %dma_start3A_276 = arith.constant 0 : i32
          %dma_start3A_277 = arith.constant 0 : i32
          %dma_start3A_278 = tpu.memref_slice %arg25[%dma_start3A_276, %dma_start3A_277] : memref<80x8xf32, #tpu.memory_space<vmem>> -> memref<80x8xf32, #tpu.memory_space<vmem>>
          %dma_start3A_279 = arith.constant 0 : i32
          %dma_start3A_280 = tpu.memref_slice %arg31[%add3A_258, %dma_start3A_279] : memref<10000x8xf32, #tpu.memory_space<vmem_shared>> -> memref<80x8xf32, #tpu.memory_space<vmem_shared>>
          %dma_start3A_281 = arith.constant 0 : i32
          %dma_start3A_282 = tpu.memref_slice %arg31[%add3A_258, %dma_start3A_281] : memref<10000x8xf32, #tpu.memory_space<vmem_shared>> -> memref<80x8xf32, #tpu.memory_space<vmem_shared>>
          %dma_start3A_283 = arith.constant 0 : i32
          %dma_start3A_284 = arith.constant 0 : i32
          %dma_start3A_285 = tpu.memref_slice %arg25[%dma_start3A_283, %dma_start3A_284] : memref<80x8xf32, #tpu.memory_space<vmem>> -> memref<80x8xf32, #tpu.memory_space<vmem>>
          tpu.enqueue_dma source(%dma_start3A_285 : memref<80x8xf32, #tpu.memory_space<vmem>>) target(%dma_start3A_282 : memref<80x8xf32, #tpu.memory_space<vmem_shared>>) target_semaphore(%run_scoped3A : memref<!tpu.dma_semaphore, #tpu.memory_space<semaphore_mem>>)
          %dma_wait3A_286 = arith.constant 0 : i32
          %dma_wait3A_287 = arith.constant 0 : i32
          %dma_wait3A_288 = tpu.memref_slice %arg25[%dma_wait3A_286, %dma_wait3A_287] : memref<80x8xf32, #tpu.memory_space<vmem>> -> memref<80x8xf32, #tpu.memory_space<vmem>>
          %dma_wait3A_289 = arith.constant 0 : i32
          %dma_wait3A_290 = tpu.memref_slice %arg31[%add3A_258, %dma_wait3A_289] : memref<10000x8xf32, #tpu.memory_space<vmem_shared>> -> memref<80x8xf32, #tpu.memory_space<vmem_shared>>
          %dma_wait3A_291 = arith.constant 0 : i32
          %dma_wait3A_292 = tpu.memref_slice %arg31[%add3A_258, %dma_wait3A_291] : memref<10000x8xf32, #tpu.memory_space<vmem_shared>> -> memref<80x8xf32, #tpu.memory_space<vmem_shared>>
          %dma_wait3A_293 = arith.constant 0 : i32
          %dma_wait3A_294 = arith.constant 0 : i32
          %dma_wait3A_295 = tpu.memref_slice %arg25[%dma_wait3A_293, %dma_wait3A_294] : memref<80x8xf32, #tpu.memory_space<vmem>> -> memref<80x8xf32, #tpu.memory_space<vmem>>
          tpu.wait_dma2 semaphore(%run_scoped3A : memref<!tpu.dma_semaphore, #tpu.memory_space<semaphore_mem>>) src(%dma_wait3A_295 : memref<80x8xf32, #tpu.memory_space<vmem>>) dst(%dma_wait3A_292 : memref<80x8xf32, #tpu.memory_space<vmem_shared>>)
          tpu.yield
        }) : () -> ()
        %add3A_259 = arith.constant 160 : i32
        %add3A_260 = arith.addi %mul3A_5, %add3A_259 : i32
        "tpu.region"() ({
          %run_scoped3A = tpu.sem_alloc : memref<!tpu.dma_semaphore, #tpu.memory_space<semaphore_mem>>
          %dma_start3A_276 = arith.constant 0 : i32
          %dma_start3A_277 = arith.constant 0 : i32
          %dma_start3A_278 = tpu.memref_slice %arg25[%dma_start3A_276, %dma_start3A_277] : memref<80x8xf32, #tpu.memory_space<vmem>> -> memref<80x8xf32, #tpu.memory_space<vmem>>
          %dma_start3A_279 = arith.constant 0 : i32
          %dma_start3A_280 = tpu.memref_slice %arg31[%add3A_260, %dma_start3A_279] : memref<10000x8xf32, #tpu.memory_space<vmem_shared>> -> memref<80x8xf32, #tpu.memory_space<vmem_shared>>
          %dma_start3A_281 = arith.constant 0 : i32
          %dma_start3A_282 = tpu.memref_slice %arg31[%add3A_260, %dma_start3A_281] : memref<10000x8xf32, #tpu.memory_space<vmem_shared>> -> memref<80x8xf32, #tpu.memory_space<vmem_shared>>
          %dma_start3A_283 = arith.constant 0 : i32
          %dma_start3A_284 = arith.constant 0 : i32
          %dma_start3A_285 = tpu.memref_slice %arg25[%dma_start3A_283, %dma_start3A_284] : memref<80x8xf32, #tpu.memory_space<vmem>> -> memref<80x8xf32, #tpu.memory_space<vmem>>
          tpu.enqueue_dma source(%dma_start3A_285 : memref<80x8xf32, #tpu.memory_space<vmem>>) target(%dma_start3A_282 : memref<80x8xf32, #tpu.memory_space<vmem_shared>>) target_semaphore(%run_scoped3A : memref<!tpu.dma_semaphore, #tpu.memory_space<semaphore_mem>>)
          %dma_wait3A_286 = arith.constant 0 : i32
          %dma_wait3A_287 = arith.constant 0 : i32
          %dma_wait3A_288 = tpu.memref_slice %arg25[%dma_wait3A_286, %dma_wait3A_287] : memref<80x8xf32, #tpu.memory_space<vmem>> -> memref<80x8xf32, #tpu.memory_space<vmem>>
          %dma_wait3A_289 = arith.constant 0 : i32
          %dma_wait3A_290 = tpu.memref_slice %arg31[%add3A_260, %dma_wait3A_289] : memref<10000x8xf32, #tpu.memory_space<vmem_shared>> -> memref<80x8xf32, #tpu.memory_space<vmem_shared>>
          %dma_wait3A_291 = arith.constant 0 : i32
          %dma_wait3A_292 = tpu.memref_slice %arg31[%add3A_260, %dma_wait3A_291] : memref<10000x8xf32, #tpu.memory_space<vmem_shared>> -> memref<80x8xf32, #tpu.memory_space<vmem_shared>>
          %dma_wait3A_293 = arith.constant 0 : i32
          %dma_wait3A_294 = arith.constant 0 : i32
          %dma_wait3A_295 = tpu.memref_slice %arg25[%dma_wait3A_293, %dma_wait3A_294] : memref<80x8xf32, #tpu.memory_space<vmem>> -> memref<80x8xf32, #tpu.memory_space<vmem>>
          tpu.wait_dma2 semaphore(%run_scoped3A : memref<!tpu.dma_semaphore, #tpu.memory_space<semaphore_mem>>) src(%dma_wait3A_295 : memref<80x8xf32, #tpu.memory_space<vmem>>) dst(%dma_wait3A_292 : memref<80x8xf32, #tpu.memory_space<vmem_shared>>)
          tpu.yield
        }) : () -> ()
        %add3A_261 = arith.constant 240 : i32
        %add3A_262 = arith.addi %mul3A_5, %add3A_261 : i32
        "tpu.region"() ({
          %run_scoped3A = tpu.sem_alloc : memref<!tpu.dma_semaphore, #tpu.memory_space<semaphore_mem>>
          %dma_start3A_276 = arith.constant 0 : i32
          %dma_start3A_277 = arith.constant 0 : i32
          %dma_start3A_278 = tpu.memref_slice %arg25[%dma_start3A_276, %dma_start3A_277] : memref<80x8xf32, #tpu.memory_space<vmem>> -> memref<80x8xf32, #tpu.memory_space<vmem>>
          %dma_start3A_279 = arith.constant 0 : i32
          %dma_start3A_280 = tpu.memref_slice %arg31[%add3A_262, %dma_start3A_279] : memref<10000x8xf32, #tpu.memory_space<vmem_shared>> -> memref<80x8xf32, #tpu.memory_space<vmem_shared>>
          %dma_start3A_281 = arith.constant 0 : i32
          %dma_start3A_282 = tpu.memref_slice %arg31[%add3A_262, %dma_start3A_281] : memref<10000x8xf32, #tpu.memory_space<vmem_shared>> -> memref<80x8xf32, #tpu.memory_space<vmem_shared>>
          %dma_start3A_283 = arith.constant 0 : i32
          %dma_start3A_284 = arith.constant 0 : i32
          %dma_start3A_285 = tpu.memref_slice %arg25[%dma_start3A_283, %dma_start3A_284] : memref<80x8xf32, #tpu.memory_space<vmem>> -> memref<80x8xf32, #tpu.memory_space<vmem>>
          tpu.enqueue_dma source(%dma_start3A_285 : memref<80x8xf32, #tpu.memory_space<vmem>>) target(%dma_start3A_282 : memref<80x8xf32, #tpu.memory_space<vmem_shared>>) target_semaphore(%run_scoped3A : memref<!tpu.dma_semaphore, #tpu.memory_space<semaphore_mem>>)
          %dma_wait3A_286 = arith.constant 0 : i32
          %dma_wait3A_287 = arith.constant 0 : i32
          %dma_wait3A_288 = tpu.memref_slice %arg25[%dma_wait3A_286, %dma_wait3A_287] : memref<80x8xf32, #tpu.memory_space<vmem>> -> memref<80x8xf32, #tpu.memory_space<vmem>>
          %dma_wait3A_289 = arith.constant 0 : i32
          %dma_wait3A_290 = tpu.memref_slice %arg31[%add3A_262, %dma_wait3A_289] : memref<10000x8xf32, #tpu.memory_space<vmem_shared>> -> memref<80x8xf32, #tpu.memory_space<vmem_shared>>
          %dma_wait3A_291 = arith.constant 0 : i32
          %dma_wait3A_292 = tpu.memref_slice %arg31[%add3A_262, %dma_wait3A_291] : memref<10000x8xf32, #tpu.memory_space<vmem_shared>> -> memref<80x8xf32, #tpu.memory_space<vmem_shared>>
          %dma_wait3A_293 = arith.constant 0 : i32
          %dma_wait3A_294 = arith.constant 0 : i32
          %dma_wait3A_295 = tpu.memref_slice %arg25[%dma_wait3A_293, %dma_wait3A_294] : memref<80x8xf32, #tpu.memory_space<vmem>> -> memref<80x8xf32, #tpu.memory_space<vmem>>
          tpu.wait_dma2 semaphore(%run_scoped3A : memref<!tpu.dma_semaphore, #tpu.memory_space<semaphore_mem>>) src(%dma_wait3A_295 : memref<80x8xf32, #tpu.memory_space<vmem>>) dst(%dma_wait3A_292 : memref<80x8xf32, #tpu.memory_space<vmem_shared>>)
          tpu.yield
        }) : () -> ()
        %add3A_263 = arith.constant 320 : i32
        %add3A_264 = arith.addi %mul3A_5, %add3A_263 : i32
        "tpu.region"() ({
          %run_scoped3A = tpu.sem_alloc : memref<!tpu.dma_semaphore, #tpu.memory_space<semaphore_mem>>
          %dma_start3A_276 = arith.constant 0 : i32
          %dma_start3A_277 = arith.constant 0 : i32
          %dma_start3A_278 = tpu.memref_slice %arg25[%dma_start3A_276, %dma_start3A_277] : memref<80x8xf32, #tpu.memory_space<vmem>> -> memref<80x8xf32, #tpu.memory_space<vmem>>
          %dma_start3A_279 = arith.constant 0 : i32
          %dma_start3A_280 = tpu.memref_slice %arg31[%add3A_264, %dma_start3A_279] : memref<10000x8xf32, #tpu.memory_space<vmem_shared>> -> memref<80x8xf32, #tpu.memory_space<vmem_shared>>
          %dma_start3A_281 = arith.constant 0 : i32
          %dma_start3A_282 = tpu.memref_slice %arg31[%add3A_264, %dma_start3A_281] : memref<10000x8xf32, #tpu.memory_space<vmem_shared>> -> memref<80x8xf32, #tpu.memory_space<vmem_shared>>
          %dma_start3A_283 = arith.constant 0 : i32
          %dma_start3A_284 = arith.constant 0 : i32
          %dma_start3A_285 = tpu.memref_slice %arg25[%dma_start3A_283, %dma_start3A_284] : memref<80x8xf32, #tpu.memory_space<vmem>> -> memref<80x8xf32, #tpu.memory_space<vmem>>
          tpu.enqueue_dma source(%dma_start3A_285 : memref<80x8xf32, #tpu.memory_space<vmem>>) target(%dma_start3A_282 : memref<80x8xf32, #tpu.memory_space<vmem_shared>>) target_semaphore(%run_scoped3A : memref<!tpu.dma_semaphore, #tpu.memory_space<semaphore_mem>>)
          %dma_wait3A_286 = arith.constant 0 : i32
          %dma_wait3A_287 = arith.constant 0 : i32
          %dma_wait3A_288 = tpu.memref_slice %arg25[%dma_wait3A_286, %dma_wait3A_287] : memref<80x8xf32, #tpu.memory_space<vmem>> -> memref<80x8xf32, #tpu.memory_space<vmem>>
          %dma_wait3A_289 = arith.constant 0 : i32
          %dma_wait3A_290 = tpu.memref_slice %arg31[%add3A_264, %dma_wait3A_289] : memref<10000x8xf32, #tpu.memory_space<vmem_shared>> -> memref<80x8xf32, #tpu.memory_space<vmem_shared>>
          %dma_wait3A_291 = arith.constant 0 : i32
          %dma_wait3A_292 = tpu.memref_slice %arg31[%add3A_264, %dma_wait3A_291] : memref<10000x8xf32, #tpu.memory_space<vmem_shared>> -> memref<80x8xf32, #tpu.memory_space<vmem_shared>>
          %dma_wait3A_293 = arith.constant 0 : i32
          %dma_wait3A_294 = arith.constant 0 : i32
          %dma_wait3A_295 = tpu.memref_slice %arg25[%dma_wait3A_293, %dma_wait3A_294] : memref<80x8xf32, #tpu.memory_space<vmem>> -> memref<80x8xf32, #tpu.memory_space<vmem>>
          tpu.wait_dma2 semaphore(%run_scoped3A : memref<!tpu.dma_semaphore, #tpu.memory_space<semaphore_mem>>) src(%dma_wait3A_295 : memref<80x8xf32, #tpu.memory_space<vmem>>) dst(%dma_wait3A_292 : memref<80x8xf32, #tpu.memory_space<vmem_shared>>)
          tpu.yield
        }) : () -> ()
        %add3A_265 = arith.constant 400 : i32
        %add3A_266 = arith.addi %mul3A_5, %add3A_265 : i32
        "tpu.region"() ({
          %run_scoped3A = tpu.sem_alloc : memref<!tpu.dma_semaphore, #tpu.memory_space<semaphore_mem>>
          %dma_start3A_276 = arith.constant 0 : i32
          %dma_start3A_277 = arith.constant 0 : i32
          %dma_start3A_278 = tpu.memref_slice %arg25[%dma_start3A_276, %dma_start3A_277] : memref<80x8xf32, #tpu.memory_space<vmem>> -> memref<80x8xf32, #tpu.memory_space<vmem>>
          %dma_start3A_279 = arith.constant 0 : i32
          %dma_start3A_280 = tpu.memref_slice %arg31[%add3A_266, %dma_start3A_279] : memref<10000x8xf32, #tpu.memory_space<vmem_shared>> -> memref<80x8xf32, #tpu.memory_space<vmem_shared>>
          %dma_start3A_281 = arith.constant 0 : i32
          %dma_start3A_282 = tpu.memref_slice %arg31[%add3A_266, %dma_start3A_281] : memref<10000x8xf32, #tpu.memory_space<vmem_shared>> -> memref<80x8xf32, #tpu.memory_space<vmem_shared>>
          %dma_start3A_283 = arith.constant 0 : i32
          %dma_start3A_284 = arith.constant 0 : i32
          %dma_start3A_285 = tpu.memref_slice %arg25[%dma_start3A_283, %dma_start3A_284] : memref<80x8xf32, #tpu.memory_space<vmem>> -> memref<80x8xf32, #tpu.memory_space<vmem>>
          tpu.enqueue_dma source(%dma_start3A_285 : memref<80x8xf32, #tpu.memory_space<vmem>>) target(%dma_start3A_282 : memref<80x8xf32, #tpu.memory_space<vmem_shared>>) target_semaphore(%run_scoped3A : memref<!tpu.dma_semaphore, #tpu.memory_space<semaphore_mem>>)
          %dma_wait3A_286 = arith.constant 0 : i32
          %dma_wait3A_287 = arith.constant 0 : i32
          %dma_wait3A_288 = tpu.memref_slice %arg25[%dma_wait3A_286, %dma_wait3A_287] : memref<80x8xf32, #tpu.memory_space<vmem>> -> memref<80x8xf32, #tpu.memory_space<vmem>>
          %dma_wait3A_289 = arith.constant 0 : i32
          %dma_wait3A_290 = tpu.memref_slice %arg31[%add3A_266, %dma_wait3A_289] : memref<10000x8xf32, #tpu.memory_space<vmem_shared>> -> memref<80x8xf32, #tpu.memory_space<vmem_shared>>
          %dma_wait3A_291 = arith.constant 0 : i32
          %dma_wait3A_292 = tpu.memref_slice %arg31[%add3A_266, %dma_wait3A_291] : memref<10000x8xf32, #tpu.memory_space<vmem_shared>> -> memref<80x8xf32, #tpu.memory_space<vmem_shared>>
          %dma_wait3A_293 = arith.constant 0 : i32
          %dma_wait3A_294 = arith.constant 0 : i32
          %dma_wait3A_295 = tpu.memref_slice %arg25[%dma_wait3A_293, %dma_wait3A_294] : memref<80x8xf32, #tpu.memory_space<vmem>> -> memref<80x8xf32, #tpu.memory_space<vmem>>
          tpu.wait_dma2 semaphore(%run_scoped3A : memref<!tpu.dma_semaphore, #tpu.memory_space<semaphore_mem>>) src(%dma_wait3A_295 : memref<80x8xf32, #tpu.memory_space<vmem>>) dst(%dma_wait3A_292 : memref<80x8xf32, #tpu.memory_space<vmem_shared>>)
          tpu.yield
        }) : () -> ()
        %add3A_267 = arith.constant 480 : i32
        %add3A_268 = arith.addi %mul3A_5, %add3A_267 : i32
        "tpu.region"() ({
          %run_scoped3A = tpu.sem_alloc : memref<!tpu.dma_semaphore, #tpu.memory_space<semaphore_mem>>
          %dma_start3A_276 = arith.constant 0 : i32
          %dma_start3A_277 = arith.constant 0 : i32
          %dma_start3A_278 = tpu.memref_slice %arg25[%dma_start3A_276, %dma_start3A_277] : memref<80x8xf32, #tpu.memory_space<vmem>> -> memref<80x8xf32, #tpu.memory_space<vmem>>
          %dma_start3A_279 = arith.constant 0 : i32
          %dma_start3A_280 = tpu.memref_slice %arg31[%add3A_268, %dma_start3A_279] : memref<10000x8xf32, #tpu.memory_space<vmem_shared>> -> memref<80x8xf32, #tpu.memory_space<vmem_shared>>
          %dma_start3A_281 = arith.constant 0 : i32
          %dma_start3A_282 = tpu.memref_slice %arg31[%add3A_268, %dma_start3A_281] : memref<10000x8xf32, #tpu.memory_space<vmem_shared>> -> memref<80x8xf32, #tpu.memory_space<vmem_shared>>
          %dma_start3A_283 = arith.constant 0 : i32
          %dma_start3A_284 = arith.constant 0 : i32
          %dma_start3A_285 = tpu.memref_slice %arg25[%dma_start3A_283, %dma_start3A_284] : memref<80x8xf32, #tpu.memory_space<vmem>> -> memref<80x8xf32, #tpu.memory_space<vmem>>
          tpu.enqueue_dma source(%dma_start3A_285 : memref<80x8xf32, #tpu.memory_space<vmem>>) target(%dma_start3A_282 : memref<80x8xf32, #tpu.memory_space<vmem_shared>>) target_semaphore(%run_scoped3A : memref<!tpu.dma_semaphore, #tpu.memory_space<semaphore_mem>>)
          %dma_wait3A_286 = arith.constant 0 : i32
          %dma_wait3A_287 = arith.constant 0 : i32
          %dma_wait3A_288 = tpu.memref_slice %arg25[%dma_wait3A_286, %dma_wait3A_287] : memref<80x8xf32, #tpu.memory_space<vmem>> -> memref<80x8xf32, #tpu.memory_space<vmem>>
          %dma_wait3A_289 = arith.constant 0 : i32
          %dma_wait3A_290 = tpu.memref_slice %arg31[%add3A_268, %dma_wait3A_289] : memref<10000x8xf32, #tpu.memory_space<vmem_shared>> -> memref<80x8xf32, #tpu.memory_space<vmem_shared>>
          %dma_wait3A_291 = arith.constant 0 : i32
          %dma_wait3A_292 = tpu.memref_slice %arg31[%add3A_268, %dma_wait3A_291] : memref<10000x8xf32, #tpu.memory_space<vmem_shared>> -> memref<80x8xf32, #tpu.memory_space<vmem_shared>>
          %dma_wait3A_293 = arith.constant 0 : i32
          %dma_wait3A_294 = arith.constant 0 : i32
          %dma_wait3A_295 = tpu.memref_slice %arg25[%dma_wait3A_293, %dma_wait3A_294] : memref<80x8xf32, #tpu.memory_space<vmem>> -> memref<80x8xf32, #tpu.memory_space<vmem>>
          tpu.wait_dma2 semaphore(%run_scoped3A : memref<!tpu.dma_semaphore, #tpu.memory_space<semaphore_mem>>) src(%dma_wait3A_295 : memref<80x8xf32, #tpu.memory_space<vmem>>) dst(%dma_wait3A_292 : memref<80x8xf32, #tpu.memory_space<vmem_shared>>)
          tpu.yield
        }) : () -> ()
        %add3A_269 = arith.constant 560 : i32
        %add3A_270 = arith.addi %mul3A_5, %add3A_269 : i32
        "tpu.region"() ({
          %run_scoped3A = tpu.sem_alloc : memref<!tpu.dma_semaphore, #tpu.memory_space<semaphore_mem>>
          %dma_start3A_276 = arith.constant 0 : i32
          %dma_start3A_277 = arith.constant 0 : i32
          %dma_start3A_278 = tpu.memref_slice %arg25[%dma_start3A_276, %dma_start3A_277] : memref<80x8xf32, #tpu.memory_space<vmem>> -> memref<64x8xf32, #tpu.memory_space<vmem>>
          %dma_start3A_279 = arith.constant 0 : i32
          %dma_start3A_280 = tpu.memref_slice %arg31[%add3A_270, %dma_start3A_279] : memref<10000x8xf32, #tpu.memory_space<vmem_shared>> -> memref<64x8xf32, #tpu.memory_space<vmem_shared>>
          %dma_start3A_281 = arith.constant 0 : i32
          %dma_start3A_282 = tpu.memref_slice %arg31[%add3A_270, %dma_start3A_281] : memref<10000x8xf32, #tpu.memory_space<vmem_shared>> -> memref<64x8xf32, #tpu.memory_space<vmem_shared>>
          %dma_start3A_283 = arith.constant 0 : i32
          %dma_start3A_284 = arith.constant 0 : i32
          %dma_start3A_285 = tpu.memref_slice %arg25[%dma_start3A_283, %dma_start3A_284] : memref<80x8xf32, #tpu.memory_space<vmem>> -> memref<64x8xf32, #tpu.memory_space<vmem>>
          tpu.enqueue_dma source(%dma_start3A_285 : memref<64x8xf32, #tpu.memory_space<vmem>>) target(%dma_start3A_282 : memref<64x8xf32, #tpu.memory_space<vmem_shared>>) target_semaphore(%run_scoped3A : memref<!tpu.dma_semaphore, #tpu.memory_space<semaphore_mem>>)
          %dma_wait3A_286 = arith.constant 0 : i32
          %dma_wait3A_287 = arith.constant 0 : i32
          %dma_wait3A_288 = tpu.memref_slice %arg25[%dma_wait3A_286, %dma_wait3A_287] : memref<80x8xf32, #tpu.memory_space<vmem>> -> memref<64x8xf32, #tpu.memory_space<vmem>>
          %dma_wait3A_289 = arith.constant 0 : i32
          %dma_wait3A_290 = tpu.memref_slice %arg31[%add3A_270, %dma_wait3A_289] : memref<10000x8xf32, #tpu.memory_space<vmem_shared>> -> memref<64x8xf32, #tpu.memory_space<vmem_shared>>
          %dma_wait3A_291 = arith.constant 0 : i32
          %dma_wait3A_292 = tpu.memref_slice %arg31[%add3A_270, %dma_wait3A_291] : memref<10000x8xf32, #tpu.memory_space<vmem_shared>> -> memref<64x8xf32, #tpu.memory_space<vmem_shared>>
          %dma_wait3A_293 = arith.constant 0 : i32
          %dma_wait3A_294 = arith.constant 0 : i32
          %dma_wait3A_295 = tpu.memref_slice %arg25[%dma_wait3A_293, %dma_wait3A_294] : memref<80x8xf32, #tpu.memory_space<vmem>> -> memref<64x8xf32, #tpu.memory_space<vmem>>
          tpu.wait_dma2 semaphore(%run_scoped3A : memref<!tpu.dma_semaphore, #tpu.memory_space<semaphore_mem>>) src(%dma_wait3A_295 : memref<64x8xf32, #tpu.memory_space<vmem>>) dst(%dma_wait3A_292 : memref<64x8xf32, #tpu.memory_space<vmem_shared>>)
          tpu.yield
        }) : () -> ()
        %eq3A_271 = arith.constant 15 : i32
        %eq3A_272 = arith.cmpi eq, %arg1, %eq3A_271 : i32
        %convert_element_type3A_273 = arith.extui %eq3A_272 : i1 to i32
        %cond3A_274 = arith.constant 0 : i32
        %cond3A_275 = arith.cmpi ne, %convert_element_type3A_273, %cond3A_274 : i32
        scf.if %cond3A_275 {
          "tpu.region"() ({
            %run_scoped3A = tpu.sem_alloc : memref<!tpu.dma_semaphore, #tpu.memory_space<semaphore_mem>>
            %dma_start3A_276 = arith.constant 0 : i32
            %dma_start3A_277 = arith.constant 0 : i32
            %dma_start3A_278 = tpu.memref_slice %arg25[%dma_start3A_276, %dma_start3A_277] : memref<80x8xf32, #tpu.memory_space<vmem>> -> memref<16x8xf32, #tpu.memory_space<vmem>>
            %dma_start3A_279 = arith.constant 9984 : i32
            %dma_start3A_280 = arith.constant 0 : i32
            %dma_start3A_281 = tpu.memref_slice %arg31[%dma_start3A_279, %dma_start3A_280] : memref<10000x8xf32, #tpu.memory_space<vmem_shared>> -> memref<16x8xf32, #tpu.memory_space<vmem_shared>>
            %dma_start3A_282 = arith.constant 9984 : i32
            %dma_start3A_283 = arith.constant 0 : i32
            %dma_start3A_284 = tpu.memref_slice %arg31[%dma_start3A_282, %dma_start3A_283] : memref<10000x8xf32, #tpu.memory_space<vmem_shared>> -> memref<16x8xf32, #tpu.memory_space<vmem_shared>>
            %dma_start3A_285 = arith.constant 0 : i32
            %dma_start3A_286 = arith.constant 0 : i32
            %dma_start3A_287 = tpu.memref_slice %arg25[%dma_start3A_285, %dma_start3A_286] : memref<80x8xf32, #tpu.memory_space<vmem>> -> memref<16x8xf32, #tpu.memory_space<vmem>>
            tpu.enqueue_dma source(%dma_start3A_287 : memref<16x8xf32, #tpu.memory_space<vmem>>) target(%dma_start3A_284 : memref<16x8xf32, #tpu.memory_space<vmem_shared>>) target_semaphore(%run_scoped3A : memref<!tpu.dma_semaphore, #tpu.memory_space<semaphore_mem>>)
            %dma_wait3A_288 = arith.constant 0 : i32
            %dma_wait3A_289 = arith.constant 0 : i32
            %dma_wait3A_290 = tpu.memref_slice %arg25[%dma_wait3A_288, %dma_wait3A_289] : memref<80x8xf32, #tpu.memory_space<vmem>> -> memref<16x8xf32, #tpu.memory_space<vmem>>
            %dma_wait3A_291 = arith.constant 9984 : i32
            %dma_wait3A_292 = arith.constant 0 : i32
            %dma_wait3A_293 = tpu.memref_slice %arg31[%dma_wait3A_291, %dma_wait3A_292] : memref<10000x8xf32, #tpu.memory_space<vmem_shared>> -> memref<16x8xf32, #tpu.memory_space<vmem_shared>>
            %dma_wait3A_294 = arith.constant 9984 : i32
            %dma_wait3A_295 = arith.constant 0 : i32
            %dma_wait3A_296 = tpu.memref_slice %arg31[%dma_wait3A_294, %dma_wait3A_295] : memref<10000x8xf32, #tpu.memory_space<vmem_shared>> -> memref<16x8xf32, #tpu.memory_space<vmem_shared>>
            %dma_wait3A_297 = arith.constant 0 : i32
            %dma_wait3A_298 = arith.constant 0 : i32
            %dma_wait3A_299 = tpu.memref_slice %arg25[%dma_wait3A_297, %dma_wait3A_298] : memref<80x8xf32, #tpu.memory_space<vmem>> -> memref<16x8xf32, #tpu.memory_space<vmem>>
            tpu.wait_dma2 semaphore(%run_scoped3A : memref<!tpu.dma_semaphore, #tpu.memory_space<semaphore_mem>>) src(%dma_wait3A_299 : memref<16x8xf32, #tpu.memory_space<vmem>>) dst(%dma_wait3A_296 : memref<16x8xf32, #tpu.memory_space<vmem_shared>>)
            tpu.yield
          }) : () -> ()
        } else {
        }
      } else {
      }
      %barrier3A = arith.constant 0 : index
      tpu.barrier barrier_id(%barrier3A)
      "tpu.region"() ({
        %run_scoped3A = tpu.sem_alloc : memref<!tpu.dma_semaphore, #tpu.memory_space<semaphore_mem>>
        %dma_start3A_255 = tpu.memref_slice %arg5[%add3A_18] : memref<640000xi32, #tpu.memory_space<hbm>> -> memref<80xi32, #tpu.memory_space<hbm>>
        %dma_start3A_256 = tpu.memref_slice %arg5[%add3A_18] : memref<640000xi32, #tpu.memory_space<hbm>> -> memref<80xi32, #tpu.memory_space<hbm>>
        tpu.enqueue_dma source(%dma_start3A_256 : memref<80xi32, #tpu.memory_space<hbm>>) target(%arg9 : memref<80xi32, #tpu.memory_space<vmem>>) target_semaphore(%run_scoped3A : memref<!tpu.dma_semaphore, #tpu.memory_space<semaphore_mem>>)
        %dma_wait3A_257 = tpu.memref_slice %arg5[%add3A_18] : memref<640000xi32, #tpu.memory_space<hbm>> -> memref<80xi32, #tpu.memory_space<hbm>>
        %dma_wait3A_258 = tpu.memref_slice %arg5[%add3A_18] : memref<640000xi32, #tpu.memory_space<hbm>> -> memref<80xi32, #tpu.memory_space<hbm>>
        tpu.wait_dma2 semaphore(%run_scoped3A : memref<!tpu.dma_semaphore, #tpu.memory_space<semaphore_mem>>) src(%dma_wait3A_258 : memref<80xi32, #tpu.memory_space<hbm>>) dst(%arg9 : memref<80xi32, #tpu.memory_space<vmem>>)
        tpu.yield
      }) : () -> ()
      "tpu.region"() ({
        %run_scoped3A = tpu.sem_alloc : memref<!tpu.dma_semaphore, #tpu.memory_space<semaphore_mem>>
        %dma_start3A_255 = tpu.memref_slice %arg6[%add3A_18] : memref<640000xi32, #tpu.memory_space<hbm>> -> memref<80xi32, #tpu.memory_space<hbm>>
        %dma_start3A_256 = tpu.memref_slice %arg6[%add3A_18] : memref<640000xi32, #tpu.memory_space<hbm>> -> memref<80xi32, #tpu.memory_space<hbm>>
        tpu.enqueue_dma source(%dma_start3A_256 : memref<80xi32, #tpu.memory_space<hbm>>) target(%arg11 : memref<80xi32, #tpu.memory_space<vmem>>) target_semaphore(%run_scoped3A : memref<!tpu.dma_semaphore, #tpu.memory_space<semaphore_mem>>)
        %dma_wait3A_257 = tpu.memref_slice %arg6[%add3A_18] : memref<640000xi32, #tpu.memory_space<hbm>> -> memref<80xi32, #tpu.memory_space<hbm>>
        %dma_wait3A_258 = tpu.memref_slice %arg6[%add3A_18] : memref<640000xi32, #tpu.memory_space<hbm>> -> memref<80xi32, #tpu.memory_space<hbm>>
        tpu.wait_dma2 semaphore(%run_scoped3A : memref<!tpu.dma_semaphore, #tpu.memory_space<semaphore_mem>>) src(%dma_wait3A_258 : memref<80xi32, #tpu.memory_space<hbm>>) dst(%arg11 : memref<80xi32, #tpu.memory_space<vmem>>)
        tpu.yield
      }) : () -> ()
      %parallel_loop3A_211 = arith.constant 0 : i32
      %parallel_loop3A_212 = arith.constant 5 : i32
      %parallel_loop3A_213 = arith.constant 1 : i32
      scf.for %parallel_loop3A_255 = %parallel_loop3A_211 to %parallel_loop3A_212 step %parallel_loop3A_213  : i32 {
        %parallel_loop3A_256 = arith.constant 16 : i32
        %parallel_loop3A_257 = arith.muli %parallel_loop3A_255, %parallel_loop3A_256 : i32
        %parallel_loop3A_258 = arith.index_cast %parallel_loop3A_257 : i32 to index
        %parallel_loop3A_259 = tpu.vector_load %arg9[%parallel_loop3A_258] {strides = array<i32>} : memref<80xi32, #tpu.memory_space<vmem>>, vector<16xi32>,
        %parallel_loop3A_260 = arith.constant 16 : i32
        %parallel_loop3A_261 = arith.muli %parallel_loop3A_255, %parallel_loop3A_260 : i32
        %parallel_loop3A_262 = arith.index_cast %parallel_loop3A_261 : i32 to index
        %parallel_loop3A_263 = tpu.vector_load %arg11[%parallel_loop3A_262] {strides = array<i32>} : memref<80xi32, #tpu.memory_space<vmem>>, vector<16xi32>,
        %parallel_loop3A_264 = arith.constant 16 : i32
        %parallel_loop3A_265 = arith.muli %parallel_loop3A_255, %parallel_loop3A_264 : i32
        %parallel_loop3A_266 = arith.index_cast %parallel_loop3A_265 : i32 to index
        %parallel_loop3A_267 = tpu.vector_load %arg13[%parallel_loop3A_266] {strides = array<i32>} : memref<80xi32, #tpu.memory_space<vmem>>, vector<16xi32>,
        tpu.vector_store %arg13[%parallel_loop3A_266], %parallel_loop3A_259 {strides = array<i32>} : memref<80xi32, #tpu.memory_space<vmem>>, vector<16xi32>,
        %parallel_loop3A_268 = vector.broadcast %mul3A_27 : i32 to vector<16xi32>
        %parallel_loop3A_269 = arith.addi %parallel_loop3A_259, %parallel_loop3A_268 : vector<16xi32>
        %parallel_loop3A_270 = arith.constant 16 : i32
        %parallel_loop3A_271 = arith.muli %parallel_loop3A_255, %parallel_loop3A_270 : i32
        %parallel_loop3A_272 = arith.index_cast %parallel_loop3A_271 : i32 to index
        %parallel_loop3A_273 = tpu.vector_load %arg15[%parallel_loop3A_272] {strides = array<i32>} : memref<80xi32, #tpu.memory_space<vmem>>, vector<16xi32>,
        tpu.vector_store %arg15[%parallel_loop3A_272], %parallel_loop3A_269 {strides = array<i32>} : memref<80xi32, #tpu.memory_space<vmem>>, vector<16xi32>,
        %parallel_loop3A_274 = vector.broadcast %mul3A_27 : i32 to vector<16xi32>
        %parallel_loop3A_275 = arith.addi %parallel_loop3A_263, %parallel_loop3A_274 : vector<16xi32>
        %parallel_loop3A_276 = arith.constant 16 : i32
        %parallel_loop3A_277 = arith.muli %parallel_loop3A_255, %parallel_loop3A_276 : i32
        %parallel_loop3A_278 = arith.index_cast %parallel_loop3A_277 : i32 to index
        %parallel_loop3A_279 = tpu.vector_load %arg17[%parallel_loop3A_278] {strides = array<i32>} : memref<80xi32, #tpu.memory_space<vmem>>, vector<16xi32>,
        tpu.vector_store %arg17[%parallel_loop3A_278], %parallel_loop3A_275 {strides = array<i32>} : memref<80xi32, #tpu.memory_space<vmem>>, vector<16xi32>,
        %parallel_loop3A_280 = vector.broadcast %add3A_25 : i32 to vector<16xi32>
        %parallel_loop3A_281 = arith.addi %parallel_loop3A_263, %parallel_loop3A_280 : vector<16xi32>
        %parallel_loop3A_282 = arith.constant 16 : i32
        %parallel_loop3A_283 = arith.muli %parallel_loop3A_255, %parallel_loop3A_282 : i32
        %parallel_loop3A_284 = arith.index_cast %parallel_loop3A_283 : i32 to index
        %parallel_loop3A_285 = tpu.vector_load %arg19[%parallel_loop3A_284] {strides = array<i32>} : memref<80xi32, #tpu.memory_space<vmem>>, vector<16xi32>,
        tpu.vector_store %arg19[%parallel_loop3A_284], %parallel_loop3A_281 {strides = array<i32>} : memref<80xi32, #tpu.memory_space<vmem>>, vector<16xi32>,
      } {sc.loop_unroll_factor = 1 : i64, sc.parallel_access}
      %dma_start3A_214 = arith.constant 0 : i32
      %dma_start3A_215 = arith.constant 0 : i32
      %dma_start3A_216 = tpu.memref_slice %arg3[%dma_start3A_214, %dma_start3A_215] : memref<20000x8xf32, #tpu.memory_space<hbm>> -> memref<20000x8xf32, #tpu.memory_space<hbm>>
      tpu.enqueue_indirect_dma source(%dma_start3A_216 : memref<20000x8xf32, #tpu.memory_space<hbm>>) target(%arg21 : memref<80x8xf32, #tpu.memory_space<vmem>>) offsets(%arg15 : memref<80xi32, #tpu.memory_space<vmem>>) semaphore(%arg34 : memref<!tpu.dma_semaphore, #tpu.memory_space<semaphore_mem>>)
      %dma_start3A_217 = arith.constant 0 : i32
      %dma_start3A_218 = arith.constant 0 : i32
      %dma_start3A_219 = tpu.memref_slice %arg4[%dma_start3A_217, %dma_start3A_218] : memref<20000x8xf32, #tpu.memory_space<hbm>> -> memref<20000x8xf32, #tpu.memory_space<hbm>>
      tpu.enqueue_indirect_dma source(%dma_start3A_219 : memref<20000x8xf32, #tpu.memory_space<hbm>>) target(%arg23 : memref<80x8xf32, #tpu.memory_space<vmem>>) offsets(%arg17 : memref<80xi32, #tpu.memory_space<vmem>>) semaphore(%arg36 : memref<!tpu.dma_semaphore, #tpu.memory_space<semaphore_mem>>)
      %dma_start3A_220 = arith.constant 0 : i32
      %dma_start3A_221 = arith.constant 0 : i32
      %dma_start3A_222 = tpu.memref_slice %arg2[%dma_start3A_220, %dma_start3A_221] : memref<40000x128xf32, #tpu.memory_space<hbm>> -> memref<40000x128xf32, #tpu.memory_space<hbm>>
      tpu.enqueue_indirect_dma source(%dma_start3A_222 : memref<40000x128xf32, #tpu.memory_space<hbm>>) target(%arg27 : memref<80x128xf32, #tpu.memory_space<vmem>>) offsets(%arg19 : memref<80xi32, #tpu.memory_space<vmem>>) semaphore(%arg38 : memref<!tpu.dma_semaphore, #tpu.memory_space<semaphore_mem>>)
      %add3A_223 = arith.constant 80 : i32
      %add3A_224 = arith.addi %add3A_18, %add3A_223 : i32
      %dma_start3A_225 = tpu.memref_slice %arg5[%add3A_224] : memref<640000xi32, #tpu.memory_space<hbm>> -> memref<80xi32, #tpu.memory_space<hbm>>
      %dma_start3A_226 = tpu.memref_slice %arg5[%add3A_224] : memref<640000xi32, #tpu.memory_space<hbm>> -> memref<80xi32, #tpu.memory_space<hbm>>
      tpu.enqueue_dma source(%dma_start3A_226 : memref<80xi32, #tpu.memory_space<hbm>>) target(%arg10 : memref<80xi32, #tpu.memory_space<vmem>>) target_semaphore(%arg33 : memref<!tpu.dma_semaphore, #tpu.memory_space<semaphore_mem>>)
      %dma_start3A_227 = tpu.memref_slice %arg6[%add3A_224] : memref<640000xi32, #tpu.memory_space<hbm>> -> memref<80xi32, #tpu.memory_space<hbm>>
      %dma_start3A_228 = tpu.memref_slice %arg6[%add3A_224] : memref<640000xi32, #tpu.memory_space<hbm>> -> memref<80xi32, #tpu.memory_space<hbm>>
      tpu.enqueue_dma source(%dma_start3A_228 : memref<80xi32, #tpu.memory_space<hbm>>) target(%arg12 : memref<80xi32, #tpu.memory_space<vmem>>) target_semaphore(%arg33 : memref<!tpu.dma_semaphore, #tpu.memory_space<semaphore_mem>>)
      %scan3A_229 = arith.constant 0 : i32
      %scan3A_230 = arith.constant 125 : i32
      %scan3A_231 = arith.addi %scan3A_229, %scan3A_230 : i32
      %scan3A_232 = arith.constant 1 : i32
      scf.for %scan3A_255 = %scan3A_229 to %scan3A_231 step %scan3A_232  : i32 {
        %mul3A_256 = arith.constant 1 : i32
        %mul3A_257 = arith.muli %scan3A_255, %mul3A_256 : i32
        %add3A_258 = arith.constant 0 : i32
        %add3A_259 = arith.addi %add3A_258, %mul3A_257 : i32
        %mul3A_260 = arith.constant 2 : i32
        %mul3A_261 = arith.muli %mul3A_260, %add3A_259 : i32
        %ge3A = arith.constant 1 : i32
        %ge3A_262 = arith.cmpi sge, %mul3A_261, %ge3A : i32
        %convert_element_type3A_263 = arith.extui %ge3A_262 : i1 to i32
        %cond3A_264 = arith.constant 0 : i32
        %cond3A_265 = arith.cmpi ne, %convert_element_type3A_263, %cond3A_264 : i32
        scf.if %cond3A_265 {
          %dma_wait3A_362 = arith.constant 0 : i32
          %dma_wait3A_363 = arith.constant 0 : i32
          %dma_wait3A_364 = tpu.memref_slice %arg30[%dma_wait3A_362, %dma_wait3A_363] : memref<10000x128xf32, #tpu.memory_space<vmem_shared>> -> memref<10000x128xf32, #tpu.memory_space<vmem_shared>>
          tpu.wait_indirect_dma semaphore(%arg42 : memref<!tpu.dma_semaphore, #tpu.memory_space<semaphore_mem>>) src(%arg29 : memref<80x128xf32, #tpu.memory_space<vmem>>) dst(%dma_wait3A_364 : memref<10000x128xf32, #tpu.memory_space<vmem_shared>>)
          %eq3A_365 = arith.constant 0 : i32
          %eq3A_366 = arith.cmpi eq, %arg0, %eq3A_365 : i32
          %convert_element_type3A_367 = arith.extui %eq3A_366 : i1 to i32
          %cond3A_368 = arith.constant 0 : i32
          %cond3A_369 = arith.cmpi ne, %convert_element_type3A_367, %cond3A_368 : i32
          scf.if %cond3A_369 {
            %dma_wait3A_370 = arith.constant 0 : i32
            %dma_wait3A_371 = arith.constant 0 : i32
            %dma_wait3A_372 = tpu.memref_slice %arg31[%dma_wait3A_370, %dma_wait3A_371] : memref<10000x8xf32, #tpu.memory_space<vmem_shared>> -> memref<10000x8xf32, #tpu.memory_space<vmem_shared>>
            tpu.wait_indirect_dma semaphore(%arg41 : memref<!tpu.dma_semaphore, #tpu.memory_space<semaphore_mem>>) src(%arg26 : memref<80x8xf32, #tpu.memory_space<vmem>>) dst(%dma_wait3A_372 : memref<10000x8xf32, #tpu.memory_space<vmem_shared>>)
          } else {
          }
        } else {
        }
        %add3A_266 = arith.constant 1 : i32
        %add3A_267 = arith.addi %mul3A_261, %add3A_266 : i32
        %lt3A = arith.constant 250 : i32
        %lt3A_268 = arith.cmpi slt, %add3A_267, %lt3A : i32
        %convert_element_type3A_269 = arith.extui %lt3A_268 : i1 to i32
        %cond3A_270 = arith.constant 0 : i32
        %cond3A_271 = arith.cmpi ne, %convert_element_type3A_269, %cond3A_270 : i32
        scf.if %cond3A_271 {
          %add3A_362 = arith.constant 1 : i32
          %add3A_363 = arith.addi %mul3A_261, %add3A_362 : i32
          %mul3A_364 = arith.constant 80 : i32
          %mul3A_365 = arith.muli %add3A_363, %mul3A_364 : i32
          %add3A_366 = arith.addi %add3A_18, %mul3A_365 : i32
          %dma_wait3A_367 = tpu.memref_slice %arg5[%add3A_366] : memref<640000xi32, #tpu.memory_space<hbm>> -> memref<80xi32, #tpu.memory_space<hbm>>
          %dma_wait3A_368 = tpu.memref_slice %arg5[%add3A_366] : memref<640000xi32, #tpu.memory_space<hbm>> -> memref<80xi32, #tpu.memory_space<hbm>>
          tpu.wait_dma2 semaphore(%arg33 : memref<!tpu.dma_semaphore, #tpu.memory_space<semaphore_mem>>) src(%dma_wait3A_368 : memref<80xi32, #tpu.memory_space<hbm>>) dst(%arg10 : memref<80xi32, #tpu.memory_space<vmem>>)
          %dma_wait3A_369 = tpu.memref_slice %arg6[%add3A_366] : memref<640000xi32, #tpu.memory_space<hbm>> -> memref<80xi32, #tpu.memory_space<hbm>>
          %dma_wait3A_370 = tpu.memref_slice %arg6[%add3A_366] : memref<640000xi32, #tpu.memory_space<hbm>> -> memref<80xi32, #tpu.memory_space<hbm>>
          tpu.wait_dma2 semaphore(%arg33 : memref<!tpu.dma_semaphore, #tpu.memory_space<semaphore_mem>>) src(%dma_wait3A_370 : memref<80xi32, #tpu.memory_space<hbm>>) dst(%arg12 : memref<80xi32, #tpu.memory_space<vmem>>)
          %parallel_loop3A_371 = arith.constant 0 : i32
          %parallel_loop3A_372 = arith.constant 5 : i32
          %parallel_loop3A_373 = arith.constant 1 : i32
          scf.for %parallel_loop3A_374 = %parallel_loop3A_371 to %parallel_loop3A_372 step %parallel_loop3A_373  : i32 {
            %parallel_loop3A_375 = arith.constant 16 : i32
            %parallel_loop3A_376 = arith.muli %parallel_loop3A_374, %parallel_loop3A_375 : i32
            %parallel_loop3A_377 = arith.index_cast %parallel_loop3A_376 : i32 to index
            %parallel_loop3A_378 = tpu.vector_load %arg10[%parallel_loop3A_377] {strides = array<i32>} : memref<80xi32, #tpu.memory_space<vmem>>, vector<16xi32>,
            %parallel_loop3A_379 = arith.constant 16 : i32
            %parallel_loop3A_380 = arith.muli %parallel_loop3A_374, %parallel_loop3A_379 : i32
            %parallel_loop3A_381 = arith.index_cast %parallel_loop3A_380 : i32 to index
            %parallel_loop3A_382 = tpu.vector_load %arg12[%parallel_loop3A_381] {strides = array<i32>} : memref<80xi32, #tpu.memory_space<vmem>>, vector<16xi32>,
            %parallel_loop3A_383 = arith.constant 16 : i32
            %parallel_loop3A_384 = arith.muli %parallel_loop3A_374, %parallel_loop3A_383 : i32
            %parallel_loop3A_385 = arith.index_cast %parallel_loop3A_384 : i32 to index
            %parallel_loop3A_386 = tpu.vector_load %arg14[%parallel_loop3A_385] {strides = array<i32>} : memref<80xi32, #tpu.memory_space<vmem>>, vector<16xi32>,
            tpu.vector_store %arg14[%parallel_loop3A_385], %parallel_loop3A_378 {strides = array<i32>} : memref<80xi32, #tpu.memory_space<vmem>>, vector<16xi32>,
            %parallel_loop3A_387 = vector.broadcast %mul3A_27 : i32 to vector<16xi32>
            %parallel_loop3A_388 = arith.addi %parallel_loop3A_378, %parallel_loop3A_387 : vector<16xi32>
            %parallel_loop3A_389 = arith.constant 16 : i32
            %parallel_loop3A_390 = arith.muli %parallel_loop3A_374, %parallel_loop3A_389 : i32
            %parallel_loop3A_391 = arith.index_cast %parallel_loop3A_390 : i32 to index
            %parallel_loop3A_392 = tpu.vector_load %arg16[%parallel_loop3A_391] {strides = array<i32>} : memref<80xi32, #tpu.memory_space<vmem>>, vector<16xi32>,
            tpu.vector_store %arg16[%parallel_loop3A_391], %parallel_loop3A_388 {strides = array<i32>} : memref<80xi32, #tpu.memory_space<vmem>>, vector<16xi32>,
            %parallel_loop3A_393 = vector.broadcast %mul3A_27 : i32 to vector<16xi32>
            %parallel_loop3A_394 = arith.addi %parallel_loop3A_382, %parallel_loop3A_393 : vector<16xi32>
            %parallel_loop3A_395 = arith.constant 16 : i32
            %parallel_loop3A_396 = arith.muli %parallel_loop3A_374, %parallel_loop3A_395 : i32
            %parallel_loop3A_397 = arith.index_cast %parallel_loop3A_396 : i32 to index
            %parallel_loop3A_398 = tpu.vector_load %arg18[%parallel_loop3A_397] {strides = array<i32>} : memref<80xi32, #tpu.memory_space<vmem>>, vector<16xi32>,
            tpu.vector_store %arg18[%parallel_loop3A_397], %parallel_loop3A_394 {strides = array<i32>} : memref<80xi32, #tpu.memory_space<vmem>>, vector<16xi32>,
            %parallel_loop3A_399 = vector.broadcast %add3A_25 : i32 to vector<16xi32>
            %parallel_loop3A_400 = arith.addi %parallel_loop3A_382, %parallel_loop3A_399 : vector<16xi32>
            %parallel_loop3A_401 = arith.constant 16 : i32
            %parallel_loop3A_402 = arith.muli %parallel_loop3A_374, %parallel_loop3A_401 : i32
            %parallel_loop3A_403 = arith.index_cast %parallel_loop3A_402 : i32 to index
            %parallel_loop3A_404 = tpu.vector_load %arg20[%parallel_loop3A_403] {strides = array<i32>} : memref<80xi32, #tpu.memory_space<vmem>>, vector<16xi32>,
            tpu.vector_store %arg20[%parallel_loop3A_403], %parallel_loop3A_400 {strides = array<i32>} : memref<80xi32, #tpu.memory_space<vmem>>, vector<16xi32>,
          } {sc.loop_unroll_factor = 1 : i64, sc.parallel_access}
        } else {
        }
        %add3A_272 = arith.constant 2 : i32
        %add3A_273 = arith.addi %mul3A_261, %add3A_272 : i32
        %lt3A_274 = arith.constant 250 : i32
        %lt3A_275 = arith.cmpi slt, %add3A_273, %lt3A_274 : i32
        %convert_element_type3A_276 = arith.extui %lt3A_275 : i1 to i32
        %cond3A_277 = arith.constant 0 : i32
        %cond3A_278 = arith.cmpi ne, %convert_element_type3A_276, %cond3A_277 : i32
        scf.if %cond3A_278 {
          %add3A_362 = arith.constant 2 : i32
          %add3A_363 = arith.addi %mul3A_261, %add3A_362 : i32
          %mul3A_364 = arith.constant 80 : i32
          %mul3A_365 = arith.muli %add3A_363, %mul3A_364 : i32
          %add3A_366 = arith.addi %add3A_18, %mul3A_365 : i32
          %dma_start3A_367 = tpu.memref_slice %arg5[%add3A_366] : memref<640000xi32, #tpu.memory_space<hbm>> -> memref<80xi32, #tpu.memory_space<hbm>>
          %dma_start3A_368 = tpu.memref_slice %arg5[%add3A_366] : memref<640000xi32, #tpu.memory_space<hbm>> -> memref<80xi32, #tpu.memory_space<hbm>>
          tpu.enqueue_dma source(%dma_start3A_368 : memref<80xi32, #tpu.memory_space<hbm>>) target(%arg9 : memref<80xi32, #tpu.memory_space<vmem>>) target_semaphore(%arg32 : memref<!tpu.dma_semaphore, #tpu.memory_space<semaphore_mem>>)
          %dma_start3A_369 = tpu.memref_slice %arg6[%add3A_366] : memref<640000xi32, #tpu.memory_space<hbm>> -> memref<80xi32, #tpu.memory_space<hbm>>
          %dma_start3A_370 = tpu.memref_slice %arg6[%add3A_366] : memref<640000xi32, #tpu.memory_space<hbm>> -> memref<80xi32, #tpu.memory_space<hbm>>
          tpu.enqueue_dma source(%dma_start3A_370 : memref<80xi32, #tpu.memory_space<hbm>>) target(%arg11 : memref<80xi32, #tpu.memory_space<vmem>>) target_semaphore(%arg32 : memref<!tpu.dma_semaphore, #tpu.memory_space<semaphore_mem>>)
        } else {
        }
        %add3A_279 = arith.constant 1 : i32
        %add3A_280 = arith.addi %mul3A_261, %add3A_279 : i32
        %lt3A_281 = arith.constant 250 : i32
        %lt3A_282 = arith.cmpi slt, %add3A_280, %lt3A_281 : i32
        %convert_element_type3A_283 = arith.extui %lt3A_282 : i1 to i32
        %cond3A_284 = arith.constant 0 : i32
        %cond3A_285 = arith.cmpi ne, %convert_element_type3A_283, %cond3A_284 : i32
        scf.if %cond3A_285 {
          %dma_start3A_362 = arith.constant 0 : i32
          %dma_start3A_363 = arith.constant 0 : i32
          %dma_start3A_364 = tpu.memref_slice %arg3[%dma_start3A_362, %dma_start3A_363] : memref<20000x8xf32, #tpu.memory_space<hbm>> -> memref<20000x8xf32, #tpu.memory_space<hbm>>
          tpu.enqueue_indirect_dma source(%dma_start3A_364 : memref<20000x8xf32, #tpu.memory_space<hbm>>) target(%arg22 : memref<80x8xf32, #tpu.memory_space<vmem>>) offsets(%arg16 : memref<80xi32, #tpu.memory_space<vmem>>) semaphore(%arg35 : memref<!tpu.dma_semaphore, #tpu.memory_space<semaphore_mem>>)
          %dma_start3A_365 = arith.constant 0 : i32
          %dma_start3A_366 = arith.constant 0 : i32
          %dma_start3A_367 = tpu.memref_slice %arg4[%dma_start3A_365, %dma_start3A_366] : memref<20000x8xf32, #tpu.memory_space<hbm>> -> memref<20000x8xf32, #tpu.memory_space<hbm>>
          tpu.enqueue_indirect_dma source(%dma_start3A_367 : memref<20000x8xf32, #tpu.memory_space<hbm>>) target(%arg24 : memref<80x8xf32, #tpu.memory_space<vmem>>) offsets(%arg18 : memref<80xi32, #tpu.memory_space<vmem>>) semaphore(%arg37 : memref<!tpu.dma_semaphore, #tpu.memory_space<semaphore_mem>>)
          %dma_start3A_368 = arith.constant 0 : i32
          %dma_start3A_369 = arith.constant 0 : i32
          %dma_start3A_370 = tpu.memref_slice %arg2[%dma_start3A_368, %dma_start3A_369] : memref<40000x128xf32, #tpu.memory_space<hbm>> -> memref<40000x128xf32, #tpu.memory_space<hbm>>
          tpu.enqueue_indirect_dma source(%dma_start3A_370 : memref<40000x128xf32, #tpu.memory_space<hbm>>) target(%arg28 : memref<80x128xf32, #tpu.memory_space<vmem>>) offsets(%arg20 : memref<80xi32, #tpu.memory_space<vmem>>) semaphore(%arg39 : memref<!tpu.dma_semaphore, #tpu.memory_space<semaphore_mem>>)
        } else {
        }
        %dma_wait3A_286 = arith.constant 0 : i32
        %dma_wait3A_287 = arith.constant 0 : i32
        %dma_wait3A_288 = tpu.memref_slice %arg3[%dma_wait3A_286, %dma_wait3A_287] : memref<20000x8xf32, #tpu.memory_space<hbm>> -> memref<20000x8xf32, #tpu.memory_space<hbm>>
        tpu.wait_indirect_dma semaphore(%arg34 : memref<!tpu.dma_semaphore, #tpu.memory_space<semaphore_mem>>) src(%dma_wait3A_288 : memref<20000x8xf32, #tpu.memory_space<hbm>>) dst(%arg21 : memref<80x8xf32, #tpu.memory_space<vmem>>)
        %dma_wait3A_289 = arith.constant 0 : i32
        %dma_wait3A_290 = arith.constant 0 : i32
        %dma_wait3A_291 = tpu.memref_slice %arg4[%dma_wait3A_289, %dma_wait3A_290] : memref<20000x8xf32, #tpu.memory_space<hbm>> -> memref<20000x8xf32, #tpu.memory_space<hbm>>
        tpu.wait_indirect_dma semaphore(%arg36 : memref<!tpu.dma_semaphore, #tpu.memory_space<semaphore_mem>>) src(%dma_wait3A_291 : memref<20000x8xf32, #tpu.memory_space<hbm>>) dst(%arg23 : memref<80x8xf32, #tpu.memory_space<vmem>>)
        %parallel_loop3A_292 = arith.constant 0 : i32
        %parallel_loop3A_293 = arith.constant 5 : i32
        %parallel_loop3A_294 = arith.constant 1 : i32
        scf.for %parallel_loop3A_362 = %parallel_loop3A_292 to %parallel_loop3A_293 step %parallel_loop3A_294  : i32 {
          %parallel_loop3A_363 = arith.constant 16 : i32
          %parallel_loop3A_364 = arith.muli %parallel_loop3A_363, %parallel_loop3A_362 : i32
          %parallel_loop3A_365 = arith.constant 0 : i32
          %parallel_loop3A_366 = arith.addi %parallel_loop3A_364, %parallel_loop3A_365 : i32
          %parallel_loop3A_367 = vector.broadcast %parallel_loop3A_366 : i32 to vector<16xi32>
          %parallel_loop3A_368 = arith.addi %parallel_loop3A_367, %shift_right_arithmetic3A_1 : vector<16xi32>
          %parallel_loop3A_369 = arith.constant 16 : i32
          %parallel_loop3A_370 = arith.muli %parallel_loop3A_369, %parallel_loop3A_362 : i32
          %parallel_loop3A_371 = arith.constant 2 : i32
          %parallel_loop3A_372 = arith.addi %parallel_loop3A_370, %parallel_loop3A_371 : i32
          %parallel_loop3A_373 = vector.broadcast %parallel_loop3A_372 : i32 to vector<16xi32>
          %parallel_loop3A_374 = arith.addi %parallel_loop3A_373, %shift_right_arithmetic3A_1 : vector<16xi32>
          %parallel_loop3A_375 = arith.constant 16 : i32
          %parallel_loop3A_376 = arith.muli %parallel_loop3A_375, %parallel_loop3A_362 : i32
          %parallel_loop3A_377 = arith.constant 4 : i32
          %parallel_loop3A_378 = arith.addi %parallel_loop3A_376, %parallel_loop3A_377 : i32
          %parallel_loop3A_379 = vector.broadcast %parallel_loop3A_378 : i32 to vector<16xi32>
          %parallel_loop3A_380 = arith.addi %parallel_loop3A_379, %shift_right_arithmetic3A_1 : vector<16xi32>
          %parallel_loop3A_381 = arith.constant 16 : i32
          %parallel_loop3A_382 = arith.muli %parallel_loop3A_381, %parallel_loop3A_362 : i32
          %parallel_loop3A_383 = arith.constant 6 : i32
          %parallel_loop3A_384 = arith.addi %parallel_loop3A_382, %parallel_loop3A_383 : i32
          %parallel_loop3A_385 = vector.broadcast %parallel_loop3A_384 : i32 to vector<16xi32>
          %parallel_loop3A_386 = arith.addi %parallel_loop3A_385, %shift_right_arithmetic3A_1 : vector<16xi32>
          %parallel_loop3A_387 = arith.constant 16 : i32
          %parallel_loop3A_388 = arith.muli %parallel_loop3A_387, %parallel_loop3A_362 : i32
          %parallel_loop3A_389 = arith.constant 8 : i32
          %parallel_loop3A_390 = arith.addi %parallel_loop3A_388, %parallel_loop3A_389 : i32
          %parallel_loop3A_391 = vector.broadcast %parallel_loop3A_390 : i32 to vector<16xi32>
          %parallel_loop3A_392 = arith.addi %parallel_loop3A_391, %shift_right_arithmetic3A_1 : vector<16xi32>
          %parallel_loop3A_393 = arith.constant 16 : i32
          %parallel_loop3A_394 = arith.muli %parallel_loop3A_393, %parallel_loop3A_362 : i32
          %parallel_loop3A_395 = arith.constant 10 : i32
          %parallel_loop3A_396 = arith.addi %parallel_loop3A_394, %parallel_loop3A_395 : i32
          %parallel_loop3A_397 = vector.broadcast %parallel_loop3A_396 : i32 to vector<16xi32>
          %parallel_loop3A_398 = arith.addi %parallel_loop3A_397, %shift_right_arithmetic3A_1 : vector<16xi32>
          %parallel_loop3A_399 = arith.constant 16 : i32
          %parallel_loop3A_400 = arith.muli %parallel_loop3A_399, %parallel_loop3A_362 : i32
          %parallel_loop3A_401 = arith.constant 12 : i32
          %parallel_loop3A_402 = arith.addi %parallel_loop3A_400, %parallel_loop3A_401 : i32
          %parallel_loop3A_403 = vector.broadcast %parallel_loop3A_402 : i32 to vector<16xi32>
          %parallel_loop3A_404 = arith.addi %parallel_loop3A_403, %shift_right_arithmetic3A_1 : vector<16xi32>
          %parallel_loop3A_405 = arith.constant 16 : i32
          %parallel_loop3A_406 = arith.muli %parallel_loop3A_405, %parallel_loop3A_362 : i32
          %parallel_loop3A_407 = arith.constant 14 : i32
          %parallel_loop3A_408 = arith.addi %parallel_loop3A_406, %parallel_loop3A_407 : i32
          %parallel_loop3A_409 = vector.broadcast %parallel_loop3A_408 : i32 to vector<16xi32>
          %parallel_loop3A_410 = arith.addi %parallel_loop3A_409, %shift_right_arithmetic3A_1 : vector<16xi32>
          %parallel_loop3A_411 = tpu.vector_load_idx %arg21[%parallel_loop3A_368, %and3A_3] : memref<80x8xf32, #tpu.memory_space<vmem>>[vector<16xi32>, vector<16xi32>], vector<16xf32>,
          %parallel_loop3A_412 = tpu.vector_load_idx %arg21[%parallel_loop3A_374, %and3A_3] : memref<80x8xf32, #tpu.memory_space<vmem>>[vector<16xi32>, vector<16xi32>], vector<16xf32>,
          %parallel_loop3A_413 = tpu.vector_load_idx %arg21[%parallel_loop3A_380, %and3A_3] : memref<80x8xf32, #tpu.memory_space<vmem>>[vector<16xi32>, vector<16xi32>], vector<16xf32>,
          %parallel_loop3A_414 = tpu.vector_load_idx %arg21[%parallel_loop3A_386, %and3A_3] : memref<80x8xf32, #tpu.memory_space<vmem>>[vector<16xi32>, vector<16xi32>], vector<16xf32>,
          %parallel_loop3A_415 = tpu.vector_load_idx %arg21[%parallel_loop3A_392, %and3A_3] : memref<80x8xf32, #tpu.memory_space<vmem>>[vector<16xi32>, vector<16xi32>], vector<16xf32>,
          %parallel_loop3A_416 = tpu.vector_load_idx %arg21[%parallel_loop3A_398, %and3A_3] : memref<80x8xf32, #tpu.memory_space<vmem>>[vector<16xi32>, vector<16xi32>], vector<16xf32>,
          %parallel_loop3A_417 = tpu.vector_load_idx %arg21[%parallel_loop3A_404, %and3A_3] : memref<80x8xf32, #tpu.memory_space<vmem>>[vector<16xi32>, vector<16xi32>], vector<16xf32>,
          %parallel_loop3A_418 = tpu.vector_load_idx %arg21[%parallel_loop3A_410, %and3A_3] : memref<80x8xf32, #tpu.memory_space<vmem>>[vector<16xi32>, vector<16xi32>], vector<16xf32>,
          %parallel_loop3A_419 = tpu.vector_load_idx %arg23[%parallel_loop3A_368, %and3A_3] : memref<80x8xf32, #tpu.memory_space<vmem>>[vector<16xi32>, vector<16xi32>], vector<16xf32>,
          %parallel_loop3A_420 = tpu.vector_load_idx %arg23[%parallel_loop3A_374, %and3A_3] : memref<80x8xf32, #tpu.memory_space<vmem>>[vector<16xi32>, vector<16xi32>], vector<16xf32>,
          %parallel_loop3A_421 = tpu.vector_load_idx %arg23[%parallel_loop3A_380, %and3A_3] : memref<80x8xf32, #tpu.memory_space<vmem>>[vector<16xi32>, vector<16xi32>], vector<16xf32>,
          %parallel_loop3A_422 = tpu.vector_load_idx %arg23[%parallel_loop3A_386, %and3A_3] : memref<80x8xf32, #tpu.memory_space<vmem>>[vector<16xi32>, vector<16xi32>], vector<16xf32>,
          %parallel_loop3A_423 = tpu.vector_load_idx %arg23[%parallel_loop3A_392, %and3A_3] : memref<80x8xf32, #tpu.memory_space<vmem>>[vector<16xi32>, vector<16xi32>], vector<16xf32>,
          %parallel_loop3A_424 = tpu.vector_load_idx %arg23[%parallel_loop3A_398, %and3A_3] : memref<80x8xf32, #tpu.memory_space<vmem>>[vector<16xi32>, vector<16xi32>], vector<16xf32>,
          %parallel_loop3A_425 = tpu.vector_load_idx %arg23[%parallel_loop3A_404, %and3A_3] : memref<80x8xf32, #tpu.memory_space<vmem>>[vector<16xi32>, vector<16xi32>], vector<16xf32>,
          %parallel_loop3A_426 = tpu.vector_load_idx %arg23[%parallel_loop3A_410, %and3A_3] : memref<80x8xf32, #tpu.memory_space<vmem>>[vector<16xi32>, vector<16xi32>], vector<16xf32>,
          %parallel_loop3A_427 = arith.addf %parallel_loop3A_411, %parallel_loop3A_419 : vector<16xf32>
          %parallel_loop3A_428 = arith.addf %parallel_loop3A_412, %parallel_loop3A_420 : vector<16xf32>
          %parallel_loop3A_429 = arith.addf %parallel_loop3A_413, %parallel_loop3A_421 : vector<16xf32>
          %parallel_loop3A_430 = arith.addf %parallel_loop3A_414, %parallel_loop3A_422 : vector<16xf32>
          %parallel_loop3A_431 = arith.addf %parallel_loop3A_415, %parallel_loop3A_423 : vector<16xf32>
          %parallel_loop3A_432 = arith.addf %parallel_loop3A_416, %parallel_loop3A_424 : vector<16xf32>
          %parallel_loop3A_433 = arith.addf %parallel_loop3A_417, %parallel_loop3A_425 : vector<16xf32>
          %parallel_loop3A_434 = arith.addf %parallel_loop3A_418, %parallel_loop3A_426 : vector<16xf32>
          %parallel_loop3A_435 = arith.constant 2.000000e-01 : f32
          %parallel_loop3A_436 = vector.broadcast %parallel_loop3A_435 : f32 to vector<16xf32>
          %parallel_loop3A_437 = arith.mulf %parallel_loop3A_436, %parallel_loop3A_427 : vector<16xf32>
          %parallel_loop3A_438 = arith.maximumf %parallel_loop3A_427, %parallel_loop3A_437 : vector<16xf32>
          %parallel_loop3A_439 = arith.constant 2.000000e-01 : f32
          %parallel_loop3A_440 = vector.broadcast %parallel_loop3A_439 : f32 to vector<16xf32>
          %parallel_loop3A_441 = arith.mulf %parallel_loop3A_440, %parallel_loop3A_428 : vector<16xf32>
          %parallel_loop3A_442 = arith.maximumf %parallel_loop3A_428, %parallel_loop3A_441 : vector<16xf32>
          %parallel_loop3A_443 = arith.constant 2.000000e-01 : f32
          %parallel_loop3A_444 = vector.broadcast %parallel_loop3A_443 : f32 to vector<16xf32>
          %parallel_loop3A_445 = arith.mulf %parallel_loop3A_444, %parallel_loop3A_429 : vector<16xf32>
          %parallel_loop3A_446 = arith.maximumf %parallel_loop3A_429, %parallel_loop3A_445 : vector<16xf32>
          %parallel_loop3A_447 = arith.constant 2.000000e-01 : f32
          %parallel_loop3A_448 = vector.broadcast %parallel_loop3A_447 : f32 to vector<16xf32>
          %parallel_loop3A_449 = arith.mulf %parallel_loop3A_448, %parallel_loop3A_430 : vector<16xf32>
          %parallel_loop3A_450 = arith.maximumf %parallel_loop3A_430, %parallel_loop3A_449 : vector<16xf32>
          %parallel_loop3A_451 = arith.constant 2.000000e-01 : f32
          %parallel_loop3A_452 = vector.broadcast %parallel_loop3A_451 : f32 to vector<16xf32>
          %parallel_loop3A_453 = arith.mulf %parallel_loop3A_452, %parallel_loop3A_431 : vector<16xf32>
          %parallel_loop3A_454 = arith.maximumf %parallel_loop3A_431, %parallel_loop3A_453 : vector<16xf32>
          %parallel_loop3A_455 = arith.constant 2.000000e-01 : f32
          %parallel_loop3A_456 = vector.broadcast %parallel_loop3A_455 : f32 to vector<16xf32>
          %parallel_loop3A_457 = arith.mulf %parallel_loop3A_456, %parallel_loop3A_432 : vector<16xf32>
          %parallel_loop3A_458 = arith.maximumf %parallel_loop3A_432, %parallel_loop3A_457 : vector<16xf32>
          %parallel_loop3A_459 = arith.constant 2.000000e-01 : f32
          %parallel_loop3A_460 = vector.broadcast %parallel_loop3A_459 : f32 to vector<16xf32>
          %parallel_loop3A_461 = arith.mulf %parallel_loop3A_460, %parallel_loop3A_433 : vector<16xf32>
          %parallel_loop3A_462 = arith.maximumf %parallel_loop3A_433, %parallel_loop3A_461 : vector<16xf32>
          %parallel_loop3A_463 = arith.constant 2.000000e-01 : f32
          %parallel_loop3A_464 = vector.broadcast %parallel_loop3A_463 : f32 to vector<16xf32>
          %parallel_loop3A_465 = arith.mulf %parallel_loop3A_464, %parallel_loop3A_434 : vector<16xf32>
          %parallel_loop3A_466 = arith.maximumf %parallel_loop3A_434, %parallel_loop3A_465 : vector<16xf32>
          %parallel_loop3A_467 = arith.constant 0.000000e+00 : f32
          %parallel_loop3A_468 = vector.broadcast %parallel_loop3A_467 : f32 to vector<16xf32>
          %parallel_loop3A_469 = arith.subf %parallel_loop3A_468, %parallel_loop3A_438 : vector<16xf32>
          %parallel_loop3A_470 = math.exp %parallel_loop3A_469 : vector<16xf32>
          %parallel_loop3A_471 = arith.constant 0.000000e+00 : f32
          %parallel_loop3A_472 = vector.broadcast %parallel_loop3A_471 : f32 to vector<16xf32>
          %parallel_loop3A_473 = arith.subf %parallel_loop3A_472, %parallel_loop3A_442 : vector<16xf32>
          %parallel_loop3A_474 = math.exp %parallel_loop3A_473 : vector<16xf32>
          %parallel_loop3A_475 = arith.constant 0.000000e+00 : f32
          %parallel_loop3A_476 = vector.broadcast %parallel_loop3A_475 : f32 to vector<16xf32>
          %parallel_loop3A_477 = arith.subf %parallel_loop3A_476, %parallel_loop3A_446 : vector<16xf32>
          %parallel_loop3A_478 = math.exp %parallel_loop3A_477 : vector<16xf32>
          %parallel_loop3A_479 = arith.constant 0.000000e+00 : f32
          %parallel_loop3A_480 = vector.broadcast %parallel_loop3A_479 : f32 to vector<16xf32>
          %parallel_loop3A_481 = arith.subf %parallel_loop3A_480, %parallel_loop3A_450 : vector<16xf32>
          %parallel_loop3A_482 = math.exp %parallel_loop3A_481 : vector<16xf32>
          %parallel_loop3A_483 = arith.constant 0.000000e+00 : f32
          %parallel_loop3A_484 = vector.broadcast %parallel_loop3A_483 : f32 to vector<16xf32>
          %parallel_loop3A_485 = arith.subf %parallel_loop3A_484, %parallel_loop3A_454 : vector<16xf32>
          %parallel_loop3A_486 = math.exp %parallel_loop3A_485 : vector<16xf32>
          %parallel_loop3A_487 = arith.constant 0.000000e+00 : f32
          %parallel_loop3A_488 = vector.broadcast %parallel_loop3A_487 : f32 to vector<16xf32>
          %parallel_loop3A_489 = arith.subf %parallel_loop3A_488, %parallel_loop3A_458 : vector<16xf32>
          %parallel_loop3A_490 = math.exp %parallel_loop3A_489 : vector<16xf32>
          %parallel_loop3A_491 = arith.constant 0.000000e+00 : f32
          %parallel_loop3A_492 = vector.broadcast %parallel_loop3A_491 : f32 to vector<16xf32>
          %parallel_loop3A_493 = arith.subf %parallel_loop3A_492, %parallel_loop3A_462 : vector<16xf32>
          %parallel_loop3A_494 = math.exp %parallel_loop3A_493 : vector<16xf32>
          %parallel_loop3A_495 = arith.constant 0.000000e+00 : f32
          %parallel_loop3A_496 = vector.broadcast %parallel_loop3A_495 : f32 to vector<16xf32>
          %parallel_loop3A_497 = arith.subf %parallel_loop3A_496, %parallel_loop3A_466 : vector<16xf32>
          %parallel_loop3A_498 = math.exp %parallel_loop3A_497 : vector<16xf32>
          tpu.vector_store_idx %arg25[%parallel_loop3A_368, %and3A_3], %parallel_loop3A_470 : memref<80x8xf32, #tpu.memory_space<vmem>>[vector<16xi32>, vector<16xi32>], vector<16xf32>,
          tpu.vector_store_idx %arg25[%parallel_loop3A_374, %and3A_3], %parallel_loop3A_474 : memref<80x8xf32, #tpu.memory_space<vmem>>[vector<16xi32>, vector<16xi32>], vector<16xf32>,
          tpu.vector_store_idx %arg25[%parallel_loop3A_380, %and3A_3], %parallel_loop3A_478 : memref<80x8xf32, #tpu.memory_space<vmem>>[vector<16xi32>, vector<16xi32>], vector<16xf32>,
          tpu.vector_store_idx %arg25[%parallel_loop3A_386, %and3A_3], %parallel_loop3A_482 : memref<80x8xf32, #tpu.memory_space<vmem>>[vector<16xi32>, vector<16xi32>], vector<16xf32>,
          tpu.vector_store_idx %arg25[%parallel_loop3A_392, %and3A_3], %parallel_loop3A_486 : memref<80x8xf32, #tpu.memory_space<vmem>>[vector<16xi32>, vector<16xi32>], vector<16xf32>,
          tpu.vector_store_idx %arg25[%parallel_loop3A_398, %and3A_3], %parallel_loop3A_490 : memref<80x8xf32, #tpu.memory_space<vmem>>[vector<16xi32>, vector<16xi32>], vector<16xf32>,
          tpu.vector_store_idx %arg25[%parallel_loop3A_404, %and3A_3], %parallel_loop3A_494 : memref<80x8xf32, #tpu.memory_space<vmem>>[vector<16xi32>, vector<16xi32>], vector<16xf32>,
          tpu.vector_store_idx %arg25[%parallel_loop3A_410, %and3A_3], %parallel_loop3A_498 : memref<80x8xf32, #tpu.memory_space<vmem>>[vector<16xi32>, vector<16xi32>], vector<16xf32>,
        } {sc.loop_unroll_factor = 1 : i64, sc.parallel_access}
        %eq3A_295 = arith.constant 0 : i32
        %eq3A_296 = arith.cmpi eq, %arg0, %eq3A_295 : i32
        %convert_element_type3A_297 = arith.extui %eq3A_296 : i1 to i32
        %cond3A_298 = arith.constant 0 : i32
        %cond3A_299 = arith.cmpi ne, %convert_element_type3A_297, %cond3A_298 : i32
        scf.if %cond3A_299 {
          %dma_start3A_362 = arith.constant 0 : i32
          %dma_start3A_363 = arith.constant 0 : i32
          %dma_start3A_364 = tpu.memref_slice %arg31[%dma_start3A_362, %dma_start3A_363] : memref<10000x8xf32, #tpu.memory_space<vmem_shared>> -> memref<10000x8xf32, #tpu.memory_space<vmem_shared>>
          tpu.enqueue_indirect_dma source(%arg25 : memref<80x8xf32, #tpu.memory_space<vmem>>) target(%dma_start3A_364 : memref<10000x8xf32, #tpu.memory_space<vmem_shared>>) offsets(%arg13 : memref<80xi32, #tpu.memory_space<vmem>>) semaphore(%arg40 : memref<!tpu.dma_semaphore, #tpu.memory_space<semaphore_mem>>) {add = true}
        } else {
        }
        %dma_wait3A_300 = arith.constant 0 : i32
        %dma_wait3A_301 = arith.constant 0 : i32
        %dma_wait3A_302 = tpu.memref_slice %arg2[%dma_wait3A_300, %dma_wait3A_301] : memref<40000x128xf32, #tpu.memory_space<hbm>> -> memref<40000x128xf32, #tpu.memory_space<hbm>>
        tpu.wait_indirect_dma semaphore(%arg38 : memref<!tpu.dma_semaphore, #tpu.memory_space<semaphore_mem>>) src(%dma_wait3A_302 : memref<40000x128xf32, #tpu.memory_space<hbm>>) dst(%arg27 : memref<80x128xf32, #tpu.memory_space<vmem>>)
        %parallel_loop3A_303 = arith.constant 0 : i32
        %parallel_loop3A_304 = arith.constant 40 : i32
        %parallel_loop3A_305 = arith.constant 1 : i32
        scf.for %parallel_loop3A_362 = %parallel_loop3A_303 to %parallel_loop3A_304 step %parallel_loop3A_305  : i32 {
          %parallel_loop3A_363 = arith.constant 2 : i32
          %parallel_loop3A_364 = arith.muli %parallel_loop3A_363, %parallel_loop3A_362 : i32
          %parallel_loop3A_365 = vector.broadcast %parallel_loop3A_364 : i32 to vector<16xi32>
          %parallel_loop3A_366 = arith.addi %parallel_loop3A_365, %shift_right_arithmetic3A_1 : vector<16xi32>
          %parallel_loop3A_367 = tpu.vector_load_idx %arg25[%parallel_loop3A_366, %and3A_3] : memref<80x8xf32, #tpu.memory_space<vmem>>[vector<16xi32>, vector<16xi32>], vector<16xf32>,
          %parallel_loop3A_368 = arith.constant 4 : i32
          %parallel_loop3A_369 = arith.muli %arg0, %parallel_loop3A_368 : i32
          %parallel_loop3A_370 = arith.constant 0 : i32
          %parallel_loop3A_371 = arith.addi %parallel_loop3A_370, %parallel_loop3A_369 : i32
          %parallel_loop3A_372 = arith.constant 0 : i32
          %parallel_loop3A_373 = arith.addi %parallel_loop3A_371, %parallel_loop3A_372 : i32
          %parallel_loop3A_374 = vector.broadcast %parallel_loop3A_373 : i32 to vector<16x1xi32>
          %parallel_loop3A_375 = vector.shape_cast %parallel_loop3A_374 : vector<16x1xi32> to vector<16xi32>
          %parallel_loop3A_376 = tpu.dynamic_gather %parallel_loop3A_367[%parallel_loop3A_375] in [0] : vector<16xf32>, vector<16xi32> -> vector<16xf32>
          %parallel_loop3A_377 = arith.constant 4 : i32
          %parallel_loop3A_378 = arith.muli %arg0, %parallel_loop3A_377 : i32
          %parallel_loop3A_379 = arith.constant 0 : i32
          %parallel_loop3A_380 = arith.addi %parallel_loop3A_379, %parallel_loop3A_378 : i32
          %parallel_loop3A_381 = arith.constant 1 : i32
          %parallel_loop3A_382 = arith.addi %parallel_loop3A_380, %parallel_loop3A_381 : i32
          %parallel_loop3A_383 = vector.broadcast %parallel_loop3A_382 : i32 to vector<16x1xi32>
          %parallel_loop3A_384 = vector.shape_cast %parallel_loop3A_383 : vector<16x1xi32> to vector<16xi32>
          %parallel_loop3A_385 = tpu.dynamic_gather %parallel_loop3A_367[%parallel_loop3A_384] in [0] : vector<16xf32>, vector<16xi32> -> vector<16xf32>
          %parallel_loop3A_386 = arith.constant 4 : i32
          %parallel_loop3A_387 = arith.muli %arg0, %parallel_loop3A_386 : i32
          %parallel_loop3A_388 = arith.constant 0 : i32
          %parallel_loop3A_389 = arith.addi %parallel_loop3A_388, %parallel_loop3A_387 : i32
          %parallel_loop3A_390 = arith.constant 2 : i32
          %parallel_loop3A_391 = arith.addi %parallel_loop3A_389, %parallel_loop3A_390 : i32
          %parallel_loop3A_392 = vector.broadcast %parallel_loop3A_391 : i32 to vector<16x1xi32>
          %parallel_loop3A_393 = vector.shape_cast %parallel_loop3A_392 : vector<16x1xi32> to vector<16xi32>
          %parallel_loop3A_394 = tpu.dynamic_gather %parallel_loop3A_367[%parallel_loop3A_393] in [0] : vector<16xf32>, vector<16xi32> -> vector<16xf32>
          %parallel_loop3A_395 = arith.constant 4 : i32
          %parallel_loop3A_396 = arith.muli %arg0, %parallel_loop3A_395 : i32
          %parallel_loop3A_397 = arith.constant 0 : i32
          %parallel_loop3A_398 = arith.addi %parallel_loop3A_397, %parallel_loop3A_396 : i32
          %parallel_loop3A_399 = arith.constant 3 : i32
          %parallel_loop3A_400 = arith.addi %parallel_loop3A_398, %parallel_loop3A_399 : i32
          %parallel_loop3A_401 = vector.broadcast %parallel_loop3A_400 : i32 to vector<16x1xi32>
          %parallel_loop3A_402 = vector.shape_cast %parallel_loop3A_401 : vector<16x1xi32> to vector<16xi32>
          %parallel_loop3A_403 = tpu.dynamic_gather %parallel_loop3A_367[%parallel_loop3A_402] in [0] : vector<16xf32>, vector<16xi32> -> vector<16xf32>
          %parallel_loop3A_404 = arith.constant 4 : i32
          %parallel_loop3A_405 = arith.muli %arg0, %parallel_loop3A_404 : i32
          %parallel_loop3A_406 = arith.constant 8 : i32
          %parallel_loop3A_407 = arith.addi %parallel_loop3A_406, %parallel_loop3A_405 : i32
          %parallel_loop3A_408 = arith.constant 0 : i32
          %parallel_loop3A_409 = arith.addi %parallel_loop3A_407, %parallel_loop3A_408 : i32
          %parallel_loop3A_410 = vector.broadcast %parallel_loop3A_409 : i32 to vector<16x1xi32>
          %parallel_loop3A_411 = vector.shape_cast %parallel_loop3A_410 : vector<16x1xi32> to vector<16xi32>
          %parallel_loop3A_412 = tpu.dynamic_gather %parallel_loop3A_367[%parallel_loop3A_411] in [0] : vector<16xf32>, vector<16xi32> -> vector<16xf32>
          %parallel_loop3A_413 = arith.constant 4 : i32
          %parallel_loop3A_414 = arith.muli %arg0, %parallel_loop3A_413 : i32
          %parallel_loop3A_415 = arith.constant 8 : i32
          %parallel_loop3A_416 = arith.addi %parallel_loop3A_415, %parallel_loop3A_414 : i32
          %parallel_loop3A_417 = arith.constant 1 : i32
          %parallel_loop3A_418 = arith.addi %parallel_loop3A_416, %parallel_loop3A_417 : i32
          %parallel_loop3A_419 = vector.broadcast %parallel_loop3A_418 : i32 to vector<16x1xi32>
          %parallel_loop3A_420 = vector.shape_cast %parallel_loop3A_419 : vector<16x1xi32> to vector<16xi32>
          %parallel_loop3A_421 = tpu.dynamic_gather %parallel_loop3A_367[%parallel_loop3A_420] in [0] : vector<16xf32>, vector<16xi32> -> vector<16xf32>
          %parallel_loop3A_422 = arith.constant 4 : i32
          %parallel_loop3A_423 = arith.muli %arg0, %parallel_loop3A_422 : i32
          %parallel_loop3A_424 = arith.constant 8 : i32
          %parallel_loop3A_425 = arith.addi %parallel_loop3A_424, %parallel_loop3A_423 : i32
          %parallel_loop3A_426 = arith.constant 2 : i32
          %parallel_loop3A_427 = arith.addi %parallel_loop3A_425, %parallel_loop3A_426 : i32
          %parallel_loop3A_428 = vector.broadcast %parallel_loop3A_427 : i32 to vector<16x1xi32>
          %parallel_loop3A_429 = vector.shape_cast %parallel_loop3A_428 : vector<16x1xi32> to vector<16xi32>
          %parallel_loop3A_430 = tpu.dynamic_gather %parallel_loop3A_367[%parallel_loop3A_429] in [0] : vector<16xf32>, vector<16xi32> -> vector<16xf32>
          %parallel_loop3A_431 = arith.constant 4 : i32
          %parallel_loop3A_432 = arith.muli %arg0, %parallel_loop3A_431 : i32
          %parallel_loop3A_433 = arith.constant 8 : i32
          %parallel_loop3A_434 = arith.addi %parallel_loop3A_433, %parallel_loop3A_432 : i32
          %parallel_loop3A_435 = arith.constant 3 : i32
          %parallel_loop3A_436 = arith.addi %parallel_loop3A_434, %parallel_loop3A_435 : i32
          %parallel_loop3A_437 = vector.broadcast %parallel_loop3A_436 : i32 to vector<16x1xi32>
          %parallel_loop3A_438 = vector.shape_cast %parallel_loop3A_437 : vector<16x1xi32> to vector<16xi32>
          %parallel_loop3A_439 = tpu.dynamic_gather %parallel_loop3A_367[%parallel_loop3A_438] in [0] : vector<16xf32>, vector<16xi32> -> vector<16xf32>
          %parallel_loop3A_440 = arith.constant 2 : i32
          %parallel_loop3A_441 = arith.muli %parallel_loop3A_440, %parallel_loop3A_362 : i32
          %parallel_loop3A_442 = arith.index_cast %parallel_loop3A_441 : i32 to index
          %parallel_loop3A_443 = arith.constant 0 : index
          %parallel_loop3A_444 = tpu.vector_load %arg27[%parallel_loop3A_442, %parallel_loop3A_443] {strides = array<i32>} : memref<80x128xf32, #tpu.memory_space<vmem>>, vector<16xf32>,
          %parallel_loop3A_445 = arith.mulf %parallel_loop3A_444, %parallel_loop3A_376 : vector<16xf32>
          %parallel_loop3A_446 = arith.constant 2 : i32
          %parallel_loop3A_447 = arith.muli %parallel_loop3A_446, %parallel_loop3A_362 : i32
          %parallel_loop3A_448 = arith.index_cast %parallel_loop3A_447 : i32 to index
          %parallel_loop3A_449 = arith.constant 0 : index
          %parallel_loop3A_450 = tpu.vector_load %arg29[%parallel_loop3A_448, %parallel_loop3A_449] {strides = array<i32>} : memref<80x128xf32, #tpu.memory_space<vmem>>, vector<16xf32>,
          tpu.vector_store %arg29[%parallel_loop3A_448, %parallel_loop3A_449], %parallel_loop3A_445 {strides = array<i32>} : memref<80x128xf32, #tpu.memory_space<vmem>>, vector<16xf32>,
          %parallel_loop3A_451 = arith.constant 2 : i32
          %parallel_loop3A_452 = arith.muli %parallel_loop3A_451, %parallel_loop3A_362 : i32
          %parallel_loop3A_453 = arith.constant 1 : i32
          %parallel_loop3A_454 = arith.addi %parallel_loop3A_452, %parallel_loop3A_453 : i32
          %parallel_loop3A_455 = arith.index_cast %parallel_loop3A_454 : i32 to index
          %parallel_loop3A_456 = arith.constant 0 : index
          %parallel_loop3A_457 = tpu.vector_load %arg27[%parallel_loop3A_455, %parallel_loop3A_456] {strides = array<i32>} : memref<80x128xf32, #tpu.memory_space<vmem>>, vector<16xf32>,
          %parallel_loop3A_458 = arith.mulf %parallel_loop3A_457, %parallel_loop3A_412 : vector<16xf32>
          %parallel_loop3A_459 = arith.constant 2 : i32
          %parallel_loop3A_460 = arith.muli %parallel_loop3A_459, %parallel_loop3A_362 : i32
          %parallel_loop3A_461 = arith.constant 1 : i32
          %parallel_loop3A_462 = arith.addi %parallel_loop3A_460, %parallel_loop3A_461 : i32
          %parallel_loop3A_463 = arith.index_cast %parallel_loop3A_462 : i32 to index
          %parallel_loop3A_464 = arith.constant 0 : index
          %parallel_loop3A_465 = tpu.vector_load %arg29[%parallel_loop3A_463, %parallel_loop3A_464] {strides = array<i32>} : memref<80x128xf32, #tpu.memory_space<vmem>>, vector<16xf32>,
          tpu.vector_store %arg29[%parallel_loop3A_463, %parallel_loop3A_464], %parallel_loop3A_458 {strides = array<i32>} : memref<80x128xf32, #tpu.memory_space<vmem>>, vector<16xf32>,
          %parallel_loop3A_466 = arith.constant 2 : i32
          %parallel_loop3A_467 = arith.muli %parallel_loop3A_466, %parallel_loop3A_362 : i32
          %parallel_loop3A_468 = arith.index_cast %parallel_loop3A_467 : i32 to index
          %parallel_loop3A_469 = arith.constant 16 : index
          %parallel_loop3A_470 = tpu.vector_load %arg27[%parallel_loop3A_468, %parallel_loop3A_469] {strides = array<i32>} : memref<80x128xf32, #tpu.memory_space<vmem>>, vector<16xf32>,
          %parallel_loop3A_471 = arith.mulf %parallel_loop3A_470, %parallel_loop3A_376 : vector<16xf32>
          %parallel_loop3A_472 = arith.constant 2 : i32
          %parallel_loop3A_473 = arith.muli %parallel_loop3A_472, %parallel_loop3A_362 : i32
          %parallel_loop3A_474 = arith.index_cast %parallel_loop3A_473 : i32 to index
          %parallel_loop3A_475 = arith.constant 16 : index
          %parallel_loop3A_476 = tpu.vector_load %arg29[%parallel_loop3A_474, %parallel_loop3A_475] {strides = array<i32>} : memref<80x128xf32, #tpu.memory_space<vmem>>, vector<16xf32>,
          tpu.vector_store %arg29[%parallel_loop3A_474, %parallel_loop3A_475], %parallel_loop3A_471 {strides = array<i32>} : memref<80x128xf32, #tpu.memory_space<vmem>>, vector<16xf32>,
          %parallel_loop3A_477 = arith.constant 2 : i32
          %parallel_loop3A_478 = arith.muli %parallel_loop3A_477, %parallel_loop3A_362 : i32
          %parallel_loop3A_479 = arith.constant 1 : i32
          %parallel_loop3A_480 = arith.addi %parallel_loop3A_478, %parallel_loop3A_479 : i32
          %parallel_loop3A_481 = arith.index_cast %parallel_loop3A_480 : i32 to index
          %parallel_loop3A_482 = arith.constant 16 : index
          %parallel_loop3A_483 = tpu.vector_load %arg27[%parallel_loop3A_481, %parallel_loop3A_482] {strides = array<i32>} : memref<80x128xf32, #tpu.memory_space<vmem>>, vector<16xf32>,
          %parallel_loop3A_484 = arith.mulf %parallel_loop3A_483, %parallel_loop3A_412 : vector<16xf32>
          %parallel_loop3A_485 = arith.constant 2 : i32
          %parallel_loop3A_486 = arith.muli %parallel_loop3A_485, %parallel_loop3A_362 : i32
          %parallel_loop3A_487 = arith.constant 1 : i32
          %parallel_loop3A_488 = arith.addi %parallel_loop3A_486, %parallel_loop3A_487 : i32
          %parallel_loop3A_489 = arith.index_cast %parallel_loop3A_488 : i32 to index
          %parallel_loop3A_490 = arith.constant 16 : index
          %parallel_loop3A_491 = tpu.vector_load %arg29[%parallel_loop3A_489, %parallel_loop3A_490] {strides = array<i32>} : memref<80x128xf32, #tpu.memory_space<vmem>>, vector<16xf32>,
          tpu.vector_store %arg29[%parallel_loop3A_489, %parallel_loop3A_490], %parallel_loop3A_484 {strides = array<i32>} : memref<80x128xf32, #tpu.memory_space<vmem>>, vector<16xf32>,
          %parallel_loop3A_492 = arith.constant 2 : i32
          %parallel_loop3A_493 = arith.muli %parallel_loop3A_492, %parallel_loop3A_362 : i32
          %parallel_loop3A_494 = arith.index_cast %parallel_loop3A_493 : i32 to index
          %parallel_loop3A_495 = arith.constant 32 : index
          %parallel_loop3A_496 = tpu.vector_load %arg27[%parallel_loop3A_494, %parallel_loop3A_495] {strides = array<i32>} : memref<80x128xf32, #tpu.memory_space<vmem>>, vector<16xf32>,
          %parallel_loop3A_497 = arith.mulf %parallel_loop3A_496, %parallel_loop3A_385 : vector<16xf32>
          %parallel_loop3A_498 = arith.constant 2 : i32
          %parallel_loop3A_499 = arith.muli %parallel_loop3A_498, %parallel_loop3A_362 : i32
          %parallel_loop3A_500 = arith.index_cast %parallel_loop3A_499 : i32 to index
          %parallel_loop3A_501 = arith.constant 32 : index
          %parallel_loop3A_502 = tpu.vector_load %arg29[%parallel_loop3A_500, %parallel_loop3A_501] {strides = array<i32>} : memref<80x128xf32, #tpu.memory_space<vmem>>, vector<16xf32>,
          tpu.vector_store %arg29[%parallel_loop3A_500, %parallel_loop3A_501], %parallel_loop3A_497 {strides = array<i32>} : memref<80x128xf32, #tpu.memory_space<vmem>>, vector<16xf32>,
          %parallel_loop3A_503 = arith.constant 2 : i32
          %parallel_loop3A_504 = arith.muli %parallel_loop3A_503, %parallel_loop3A_362 : i32
          %parallel_loop3A_505 = arith.constant 1 : i32
          %parallel_loop3A_506 = arith.addi %parallel_loop3A_504, %parallel_loop3A_505 : i32
          %parallel_loop3A_507 = arith.index_cast %parallel_loop3A_506 : i32 to index
          %parallel_loop3A_508 = arith.constant 32 : index
          %parallel_loop3A_509 = tpu.vector_load %arg27[%parallel_loop3A_507, %parallel_loop3A_508] {strides = array<i32>} : memref<80x128xf32, #tpu.memory_space<vmem>>, vector<16xf32>,
          %parallel_loop3A_510 = arith.mulf %parallel_loop3A_509, %parallel_loop3A_421 : vector<16xf32>
          %parallel_loop3A_511 = arith.constant 2 : i32
          %parallel_loop3A_512 = arith.muli %parallel_loop3A_511, %parallel_loop3A_362 : i32
          %parallel_loop3A_513 = arith.constant 1 : i32
          %parallel_loop3A_514 = arith.addi %parallel_loop3A_512, %parallel_loop3A_513 : i32
          %parallel_loop3A_515 = arith.index_cast %parallel_loop3A_514 : i32 to index
          %parallel_loop3A_516 = arith.constant 32 : index
          %parallel_loop3A_517 = tpu.vector_load %arg29[%parallel_loop3A_515, %parallel_loop3A_516] {strides = array<i32>} : memref<80x128xf32, #tpu.memory_space<vmem>>, vector<16xf32>,
          tpu.vector_store %arg29[%parallel_loop3A_515, %parallel_loop3A_516], %parallel_loop3A_510 {strides = array<i32>} : memref<80x128xf32, #tpu.memory_space<vmem>>, vector<16xf32>,
          %parallel_loop3A_518 = arith.constant 2 : i32
          %parallel_loop3A_519 = arith.muli %parallel_loop3A_518, %parallel_loop3A_362 : i32
          %parallel_loop3A_520 = arith.index_cast %parallel_loop3A_519 : i32 to index
          %parallel_loop3A_521 = arith.constant 48 : index
          %parallel_loop3A_522 = tpu.vector_load %arg27[%parallel_loop3A_520, %parallel_loop3A_521] {strides = array<i32>} : memref<80x128xf32, #tpu.memory_space<vmem>>, vector<16xf32>,
          %parallel_loop3A_523 = arith.mulf %parallel_loop3A_522, %parallel_loop3A_385 : vector<16xf32>
          %parallel_loop3A_524 = arith.constant 2 : i32
          %parallel_loop3A_525 = arith.muli %parallel_loop3A_524, %parallel_loop3A_362 : i32
          %parallel_loop3A_526 = arith.index_cast %parallel_loop3A_525 : i32 to index
          %parallel_loop3A_527 = arith.constant 48 : index
          %parallel_loop3A_528 = tpu.vector_load %arg29[%parallel_loop3A_526, %parallel_loop3A_527] {strides = array<i32>} : memref<80x128xf32, #tpu.memory_space<vmem>>, vector<16xf32>,
          tpu.vector_store %arg29[%parallel_loop3A_526, %parallel_loop3A_527], %parallel_loop3A_523 {strides = array<i32>} : memref<80x128xf32, #tpu.memory_space<vmem>>, vector<16xf32>,
          %parallel_loop3A_529 = arith.constant 2 : i32
          %parallel_loop3A_530 = arith.muli %parallel_loop3A_529, %parallel_loop3A_362 : i32
          %parallel_loop3A_531 = arith.constant 1 : i32
          %parallel_loop3A_532 = arith.addi %parallel_loop3A_530, %parallel_loop3A_531 : i32
          %parallel_loop3A_533 = arith.index_cast %parallel_loop3A_532 : i32 to index
          %parallel_loop3A_534 = arith.constant 48 : index
          %parallel_loop3A_535 = tpu.vector_load %arg27[%parallel_loop3A_533, %parallel_loop3A_534] {strides = array<i32>} : memref<80x128xf32, #tpu.memory_space<vmem>>, vector<16xf32>,
          %parallel_loop3A_536 = arith.mulf %parallel_loop3A_535, %parallel_loop3A_421 : vector<16xf32>
          %parallel_loop3A_537 = arith.constant 2 : i32
          %parallel_loop3A_538 = arith.muli %parallel_loop3A_537, %parallel_loop3A_362 : i32
          %parallel_loop3A_539 = arith.constant 1 : i32
          %parallel_loop3A_540 = arith.addi %parallel_loop3A_538, %parallel_loop3A_539 : i32
          %parallel_loop3A_541 = arith.index_cast %parallel_loop3A_540 : i32 to index
          %parallel_loop3A_542 = arith.constant 48 : index
          %parallel_loop3A_543 = tpu.vector_load %arg29[%parallel_loop3A_541, %parallel_loop3A_542] {strides = array<i32>} : memref<80x128xf32, #tpu.memory_space<vmem>>, vector<16xf32>,
          tpu.vector_store %arg29[%parallel_loop3A_541, %parallel_loop3A_542], %parallel_loop3A_536 {strides = array<i32>} : memref<80x128xf32, #tpu.memory_space<vmem>>, vector<16xf32>,
          %parallel_loop3A_544 = arith.constant 2 : i32
          %parallel_loop3A_545 = arith.muli %parallel_loop3A_544, %parallel_loop3A_362 : i32
          %parallel_loop3A_546 = arith.index_cast %parallel_loop3A_545 : i32 to index
          %parallel_loop3A_547 = arith.constant 64 : index
          %parallel_loop3A_548 = tpu.vector_load %arg27[%parallel_loop3A_546, %parallel_loop3A_547] {strides = array<i32>} : memref<80x128xf32, #tpu.memory_space<vmem>>, vector<16xf32>,
          %parallel_loop3A_549 = arith.mulf %parallel_loop3A_548, %parallel_loop3A_394 : vector<16xf32>
          %parallel_loop3A_550 = arith.constant 2 : i32
          %parallel_loop3A_551 = arith.muli %parallel_loop3A_550, %parallel_loop3A_362 : i32
          %parallel_loop3A_552 = arith.index_cast %parallel_loop3A_551 : i32 to index
          %parallel_loop3A_553 = arith.constant 64 : index
          %parallel_loop3A_554 = tpu.vector_load %arg29[%parallel_loop3A_552, %parallel_loop3A_553] {strides = array<i32>} : memref<80x128xf32, #tpu.memory_space<vmem>>, vector<16xf32>,
          tpu.vector_store %arg29[%parallel_loop3A_552, %parallel_loop3A_553], %parallel_loop3A_549 {strides = array<i32>} : memref<80x128xf32, #tpu.memory_space<vmem>>, vector<16xf32>,
          %parallel_loop3A_555 = arith.constant 2 : i32
          %parallel_loop3A_556 = arith.muli %parallel_loop3A_555, %parallel_loop3A_362 : i32
          %parallel_loop3A_557 = arith.constant 1 : i32
          %parallel_loop3A_558 = arith.addi %parallel_loop3A_556, %parallel_loop3A_557 : i32
          %parallel_loop3A_559 = arith.index_cast %parallel_loop3A_558 : i32 to index
          %parallel_loop3A_560 = arith.constant 64 : index
          %parallel_loop3A_561 = tpu.vector_load %arg27[%parallel_loop3A_559, %parallel_loop3A_560] {strides = array<i32>} : memref<80x128xf32, #tpu.memory_space<vmem>>, vector<16xf32>,
          %parallel_loop3A_562 = arith.mulf %parallel_loop3A_561, %parallel_loop3A_430 : vector<16xf32>
          %parallel_loop3A_563 = arith.constant 2 : i32
          %parallel_loop3A_564 = arith.muli %parallel_loop3A_563, %parallel_loop3A_362 : i32
          %parallel_loop3A_565 = arith.constant 1 : i32
          %parallel_loop3A_566 = arith.addi %parallel_loop3A_564, %parallel_loop3A_565 : i32
          %parallel_loop3A_567 = arith.index_cast %parallel_loop3A_566 : i32 to index
          %parallel_loop3A_568 = arith.constant 64 : index
          %parallel_loop3A_569 = tpu.vector_load %arg29[%parallel_loop3A_567, %parallel_loop3A_568] {strides = array<i32>} : memref<80x128xf32, #tpu.memory_space<vmem>>, vector<16xf32>,
          tpu.vector_store %arg29[%parallel_loop3A_567, %parallel_loop3A_568], %parallel_loop3A_562 {strides = array<i32>} : memref<80x128xf32, #tpu.memory_space<vmem>>, vector<16xf32>,
          %parallel_loop3A_570 = arith.constant 2 : i32
          %parallel_loop3A_571 = arith.muli %parallel_loop3A_570, %parallel_loop3A_362 : i32
          %parallel_loop3A_572 = arith.index_cast %parallel_loop3A_571 : i32 to index
          %parallel_loop3A_573 = arith.constant 80 : index
          %parallel_loop3A_574 = tpu.vector_load %arg27[%parallel_loop3A_572, %parallel_loop3A_573] {strides = array<i32>} : memref<80x128xf32, #tpu.memory_space<vmem>>, vector<16xf32>,
          %parallel_loop3A_575 = arith.mulf %parallel_loop3A_574, %parallel_loop3A_394 : vector<16xf32>
          %parallel_loop3A_576 = arith.constant 2 : i32
          %parallel_loop3A_577 = arith.muli %parallel_loop3A_576, %parallel_loop3A_362 : i32
          %parallel_loop3A_578 = arith.index_cast %parallel_loop3A_577 : i32 to index
          %parallel_loop3A_579 = arith.constant 80 : index
          %parallel_loop3A_580 = tpu.vector_load %arg29[%parallel_loop3A_578, %parallel_loop3A_579] {strides = array<i32>} : memref<80x128xf32, #tpu.memory_space<vmem>>, vector<16xf32>,
          tpu.vector_store %arg29[%parallel_loop3A_578, %parallel_loop3A_579], %parallel_loop3A_575 {strides = array<i32>} : memref<80x128xf32, #tpu.memory_space<vmem>>, vector<16xf32>,
          %parallel_loop3A_581 = arith.constant 2 : i32
          %parallel_loop3A_582 = arith.muli %parallel_loop3A_581, %parallel_loop3A_362 : i32
          %parallel_loop3A_583 = arith.constant 1 : i32
          %parallel_loop3A_584 = arith.addi %parallel_loop3A_582, %parallel_loop3A_583 : i32
          %parallel_loop3A_585 = arith.index_cast %parallel_loop3A_584 : i32 to index
          %parallel_loop3A_586 = arith.constant 80 : index
          %parallel_loop3A_587 = tpu.vector_load %arg27[%parallel_loop3A_585, %parallel_loop3A_586] {strides = array<i32>} : memref<80x128xf32, #tpu.memory_space<vmem>>, vector<16xf32>,
          %parallel_loop3A_588 = arith.mulf %parallel_loop3A_587, %parallel_loop3A_430 : vector<16xf32>
          %parallel_loop3A_589 = arith.constant 2 : i32
          %parallel_loop3A_590 = arith.muli %parallel_loop3A_589, %parallel_loop3A_362 : i32
          %parallel_loop3A_591 = arith.constant 1 : i32
          %parallel_loop3A_592 = arith.addi %parallel_loop3A_590, %parallel_loop3A_591 : i32
          %parallel_loop3A_593 = arith.index_cast %parallel_loop3A_592 : i32 to index
          %parallel_loop3A_594 = arith.constant 80 : index
          %parallel_loop3A_595 = tpu.vector_load %arg29[%parallel_loop3A_593, %parallel_loop3A_594] {strides = array<i32>} : memref<80x128xf32, #tpu.memory_space<vmem>>, vector<16xf32>,
          tpu.vector_store %arg29[%parallel_loop3A_593, %parallel_loop3A_594], %parallel_loop3A_588 {strides = array<i32>} : memref<80x128xf32, #tpu.memory_space<vmem>>, vector<16xf32>,
          %parallel_loop3A_596 = arith.constant 2 : i32
          %parallel_loop3A_597 = arith.muli %parallel_loop3A_596, %parallel_loop3A_362 : i32
          %parallel_loop3A_598 = arith.index_cast %parallel_loop3A_597 : i32 to index
          %parallel_loop3A_599 = arith.constant 96 : index
          %parallel_loop3A_600 = tpu.vector_load %arg27[%parallel_loop3A_598, %parallel_loop3A_599] {strides = array<i32>} : memref<80x128xf32, #tpu.memory_space<vmem>>, vector<16xf32>,
          %parallel_loop3A_601 = arith.mulf %parallel_loop3A_600, %parallel_loop3A_403 : vector<16xf32>
          %parallel_loop3A_602 = arith.constant 2 : i32
          %parallel_loop3A_603 = arith.muli %parallel_loop3A_602, %parallel_loop3A_362 : i32
          %parallel_loop3A_604 = arith.index_cast %parallel_loop3A_603 : i32 to index
          %parallel_loop3A_605 = arith.constant 96 : index
          %parallel_loop3A_606 = tpu.vector_load %arg29[%parallel_loop3A_604, %parallel_loop3A_605] {strides = array<i32>} : memref<80x128xf32, #tpu.memory_space<vmem>>, vector<16xf32>,
          tpu.vector_store %arg29[%parallel_loop3A_604, %parallel_loop3A_605], %parallel_loop3A_601 {strides = array<i32>} : memref<80x128xf32, #tpu.memory_space<vmem>>, vector<16xf32>,
          %parallel_loop3A_607 = arith.constant 2 : i32
          %parallel_loop3A_608 = arith.muli %parallel_loop3A_607, %parallel_loop3A_362 : i32
          %parallel_loop3A_609 = arith.constant 1 : i32
          %parallel_loop3A_610 = arith.addi %parallel_loop3A_608, %parallel_loop3A_609 : i32
          %parallel_loop3A_611 = arith.index_cast %parallel_loop3A_610 : i32 to index
          %parallel_loop3A_612 = arith.constant 96 : index
          %parallel_loop3A_613 = tpu.vector_load %arg27[%parallel_loop3A_611, %parallel_loop3A_612] {strides = array<i32>} : memref<80x128xf32, #tpu.memory_space<vmem>>, vector<16xf32>,
          %parallel_loop3A_614 = arith.mulf %parallel_loop3A_613, %parallel_loop3A_439 : vector<16xf32>
          %parallel_loop3A_615 = arith.constant 2 : i32
          %parallel_loop3A_616 = arith.muli %parallel_loop3A_615, %parallel_loop3A_362 : i32
          %parallel_loop3A_617 = arith.constant 1 : i32
          %parallel_loop3A_618 = arith.addi %parallel_loop3A_616, %parallel_loop3A_617 : i32
          %parallel_loop3A_619 = arith.index_cast %parallel_loop3A_618 : i32 to index
          %parallel_loop3A_620 = arith.constant 96 : index
          %parallel_loop3A_621 = tpu.vector_load %arg29[%parallel_loop3A_619, %parallel_loop3A_620] {strides = array<i32>} : memref<80x128xf32, #tpu.memory_space<vmem>>, vector<16xf32>,
          tpu.vector_store %arg29[%parallel_loop3A_619, %parallel_loop3A_620], %parallel_loop3A_614 {strides = array<i32>} : memref<80x128xf32, #tpu.memory_space<vmem>>, vector<16xf32>,
          %parallel_loop3A_622 = arith.constant 2 : i32
          %parallel_loop3A_623 = arith.muli %parallel_loop3A_622, %parallel_loop3A_362 : i32
          %parallel_loop3A_624 = arith.index_cast %parallel_loop3A_623 : i32 to index
          %parallel_loop3A_625 = arith.constant 112 : index
          %parallel_loop3A_626 = tpu.vector_load %arg27[%parallel_loop3A_624, %parallel_loop3A_625] {strides = array<i32>} : memref<80x128xf32, #tpu.memory_space<vmem>>, vector<16xf32>,
          %parallel_loop3A_627 = arith.mulf %parallel_loop3A_626, %parallel_loop3A_403 : vector<16xf32>
          %parallel_loop3A_628 = arith.constant 2 : i32
          %parallel_loop3A_629 = arith.muli %parallel_loop3A_628, %parallel_loop3A_362 : i32
          %parallel_loop3A_630 = arith.index_cast %parallel_loop3A_629 : i32 to index
          %parallel_loop3A_631 = arith.constant 112 : index
          %parallel_loop3A_632 = tpu.vector_load %arg29[%parallel_loop3A_630, %parallel_loop3A_631] {strides = array<i32>} : memref<80x128xf32, #tpu.memory_space<vmem>>, vector<16xf32>,
          tpu.vector_store %arg29[%parallel_loop3A_630, %parallel_loop3A_631], %parallel_loop3A_627 {strides = array<i32>} : memref<80x128xf32, #tpu.memory_space<vmem>>, vector<16xf32>,
          %parallel_loop3A_633 = arith.constant 2 : i32
          %parallel_loop3A_634 = arith.muli %parallel_loop3A_633, %parallel_loop3A_362 : i32
          %parallel_loop3A_635 = arith.constant 1 : i32
          %parallel_loop3A_636 = arith.addi %parallel_loop3A_634, %parallel_loop3A_635 : i32
          %parallel_loop3A_637 = arith.index_cast %parallel_loop3A_636 : i32 to index
          %parallel_loop3A_638 = arith.constant 112 : index
          %parallel_loop3A_639 = tpu.vector_load %arg27[%parallel_loop3A_637, %parallel_loop3A_638] {strides = array<i32>} : memref<80x128xf32, #tpu.memory_space<vmem>>, vector<16xf32>,
          %parallel_loop3A_640 = arith.mulf %parallel_loop3A_639, %parallel_loop3A_439 : vector<16xf32>
          %parallel_loop3A_641 = arith.constant 2 : i32
          %parallel_loop3A_642 = arith.muli %parallel_loop3A_641, %parallel_loop3A_362 : i32
          %parallel_loop3A_643 = arith.constant 1 : i32
          %parallel_loop3A_644 = arith.addi %parallel_loop3A_642, %parallel_loop3A_643 : i32
          %parallel_loop3A_645 = arith.index_cast %parallel_loop3A_644 : i32 to index
          %parallel_loop3A_646 = arith.constant 112 : index
          %parallel_loop3A_647 = tpu.vector_load %arg29[%parallel_loop3A_645, %parallel_loop3A_646] {strides = array<i32>} : memref<80x128xf32, #tpu.memory_space<vmem>>, vector<16xf32>,
          tpu.vector_store %arg29[%parallel_loop3A_645, %parallel_loop3A_646], %parallel_loop3A_640 {strides = array<i32>} : memref<80x128xf32, #tpu.memory_space<vmem>>, vector<16xf32>,
        } {sc.loop_unroll_factor = 1 : i64, sc.parallel_access}
        %dma_start3A_306 = arith.constant 0 : i32
        %dma_start3A_307 = arith.constant 0 : i32
        %dma_start3A_308 = tpu.memref_slice %arg30[%dma_start3A_306, %dma_start3A_307] : memref<10000x128xf32, #tpu.memory_space<vmem_shared>> -> memref<10000x128xf32, #tpu.memory_space<vmem_shared>>
        tpu.enqueue_indirect_dma source(%arg29 : memref<80x128xf32, #tpu.memory_space<vmem>>) target(%dma_start3A_308 : memref<10000x128xf32, #tpu.memory_space<vmem_shared>>) offsets(%arg13 : memref<80xi32, #tpu.memory_space<vmem>>) semaphore(%arg42 : memref<!tpu.dma_semaphore, #tpu.memory_space<semaphore_mem>>) {add = true}
        %mul3A_309 = arith.constant 2 : i32
        %mul3A_310 = arith.muli %mul3A_309, %add3A_259 : i32
        %add3A_311 = arith.constant 1 : i32
        %add3A_312 = arith.addi %mul3A_310, %add3A_311 : i32
        %ge3A_313 = arith.constant 1 : i32
        %ge3A_314 = arith.cmpi sge, %add3A_312, %ge3A_313 : i32
        %convert_element_type3A_315 = arith.extui %ge3A_314 : i1 to i32
        %cond3A_316 = arith.constant 0 : i32
        %cond3A_317 = arith.cmpi ne, %convert_element_type3A_315, %cond3A_316 : i32
        scf.if %cond3A_317 {
          %dma_wait3A_362 = arith.constant 0 : i32
          %dma_wait3A_363 = arith.constant 0 : i32
          %dma_wait3A_364 = tpu.memref_slice %arg30[%dma_wait3A_362, %dma_wait3A_363] : memref<10000x128xf32, #tpu.memory_space<vmem_shared>> -> memref<10000x128xf32, #tpu.memory_space<vmem_shared>>
          tpu.wait_indirect_dma semaphore(%arg42 : memref<!tpu.dma_semaphore, #tpu.memory_space<semaphore_mem>>) src(%arg29 : memref<80x128xf32, #tpu.memory_space<vmem>>) dst(%dma_wait3A_364 : memref<10000x128xf32, #tpu.memory_space<vmem_shared>>)
          %eq3A_365 = arith.constant 0 : i32
          %eq3A_366 = arith.cmpi eq, %arg0, %eq3A_365 : i32
          %convert_element_type3A_367 = arith.extui %eq3A_366 : i1 to i32
          %cond3A_368 = arith.constant 0 : i32
          %cond3A_369 = arith.cmpi ne, %convert_element_type3A_367, %cond3A_368 : i32
          scf.if %cond3A_369 {
            %dma_wait3A_370 = arith.constant 0 : i32
            %dma_wait3A_371 = arith.constant 0 : i32
            %dma_wait3A_372 = tpu.memref_slice %arg31[%dma_wait3A_370, %dma_wait3A_371] : memref<10000x8xf32, #tpu.memory_space<vmem_shared>> -> memref<10000x8xf32, #tpu.memory_space<vmem_shared>>
            tpu.wait_indirect_dma semaphore(%arg40 : memref<!tpu.dma_semaphore, #tpu.memory_space<semaphore_mem>>) src(%arg25 : memref<80x8xf32, #tpu.memory_space<vmem>>) dst(%dma_wait3A_372 : memref<10000x8xf32, #tpu.memory_space<vmem_shared>>)
          } else {
          }
        } else {
        }
        %add3A_318 = arith.constant 1 : i32
        %add3A_319 = arith.addi %add3A_312, %add3A_318 : i32
        %lt3A_320 = arith.constant 250 : i32
        %lt3A_321 = arith.cmpi slt, %add3A_319, %lt3A_320 : i32
        %convert_element_type3A_322 = arith.extui %lt3A_321 : i1 to i32
        %cond3A_323 = arith.constant 0 : i32
        %cond3A_324 = arith.cmpi ne, %convert_element_type3A_322, %cond3A_323 : i32
        scf.if %cond3A_324 {
          %add3A_362 = arith.constant 1 : i32
          %add3A_363 = arith.addi %add3A_312, %add3A_362 : i32
          %mul3A_364 = arith.constant 80 : i32
          %mul3A_365 = arith.muli %add3A_363, %mul3A_364 : i32
          %add3A_366 = arith.addi %add3A_18, %mul3A_365 : i32
          %dma_wait3A_367 = tpu.memref_slice %arg5[%add3A_366] : memref<640000xi32, #tpu.memory_space<hbm>> -> memref<80xi32, #tpu.memory_space<hbm>>
          %dma_wait3A_368 = tpu.memref_slice %arg5[%add3A_366] : memref<640000xi32, #tpu.memory_space<hbm>> -> memref<80xi32, #tpu.memory_space<hbm>>
          tpu.wait_dma2 semaphore(%arg32 : memref<!tpu.dma_semaphore, #tpu.memory_space<semaphore_mem>>) src(%dma_wait3A_368 : memref<80xi32, #tpu.memory_space<hbm>>) dst(%arg9 : memref<80xi32, #tpu.memory_space<vmem>>)
          %dma_wait3A_369 = tpu.memref_slice %arg6[%add3A_366] : memref<640000xi32, #tpu.memory_space<hbm>> -> memref<80xi32, #tpu.memory_space<hbm>>
          %dma_wait3A_370 = tpu.memref_slice %arg6[%add3A_366] : memref<640000xi32, #tpu.memory_space<hbm>> -> memref<80xi32, #tpu.memory_space<hbm>>
          tpu.wait_dma2 semaphore(%arg32 : memref<!tpu.dma_semaphore, #tpu.memory_space<semaphore_mem>>) src(%dma_wait3A_370 : memref<80xi32, #tpu.memory_space<hbm>>) dst(%arg11 : memref<80xi32, #tpu.memory_space<vmem>>)
          %parallel_loop3A_371 = arith.constant 0 : i32
          %parallel_loop3A_372 = arith.constant 5 : i32
          %parallel_loop3A_373 = arith.constant 1 : i32
          scf.for %parallel_loop3A_374 = %parallel_loop3A_371 to %parallel_loop3A_372 step %parallel_loop3A_373  : i32 {
            %parallel_loop3A_375 = arith.constant 16 : i32
            %parallel_loop3A_376 = arith.muli %parallel_loop3A_374, %parallel_loop3A_375 : i32
            %parallel_loop3A_377 = arith.index_cast %parallel_loop3A_376 : i32 to index
            %parallel_loop3A_378 = tpu.vector_load %arg9[%parallel_loop3A_377] {strides = array<i32>} : memref<80xi32, #tpu.memory_space<vmem>>, vector<16xi32>,
            %parallel_loop3A_379 = arith.constant 16 : i32
            %parallel_loop3A_380 = arith.muli %parallel_loop3A_374, %parallel_loop3A_379 : i32
            %parallel_loop3A_381 = arith.index_cast %parallel_loop3A_380 : i32 to index
            %parallel_loop3A_382 = tpu.vector_load %arg11[%parallel_loop3A_381] {strides = array<i32>} : memref<80xi32, #tpu.memory_space<vmem>>, vector<16xi32>,
            %parallel_loop3A_383 = arith.constant 16 : i32
            %parallel_loop3A_384 = arith.muli %parallel_loop3A_374, %parallel_loop3A_383 : i32
            %parallel_loop3A_385 = arith.index_cast %parallel_loop3A_384 : i32 to index
            %parallel_loop3A_386 = tpu.vector_load %arg13[%parallel_loop3A_385] {strides = array<i32>} : memref<80xi32, #tpu.memory_space<vmem>>, vector<16xi32>,
            tpu.vector_store %arg13[%parallel_loop3A_385], %parallel_loop3A_378 {strides = array<i32>} : memref<80xi32, #tpu.memory_space<vmem>>, vector<16xi32>,
            %parallel_loop3A_387 = vector.broadcast %mul3A_27 : i32 to vector<16xi32>
            %parallel_loop3A_388 = arith.addi %parallel_loop3A_378, %parallel_loop3A_387 : vector<16xi32>
            %parallel_loop3A_389 = arith.constant 16 : i32
            %parallel_loop3A_390 = arith.muli %parallel_loop3A_374, %parallel_loop3A_389 : i32
            %parallel_loop3A_391 = arith.index_cast %parallel_loop3A_390 : i32 to index
            %parallel_loop3A_392 = tpu.vector_load %arg15[%parallel_loop3A_391] {strides = array<i32>} : memref<80xi32, #tpu.memory_space<vmem>>, vector<16xi32>,
            tpu.vector_store %arg15[%parallel_loop3A_391], %parallel_loop3A_388 {strides = array<i32>} : memref<80xi32, #tpu.memory_space<vmem>>, vector<16xi32>,
            %parallel_loop3A_393 = vector.broadcast %mul3A_27 : i32 to vector<16xi32>
            %parallel_loop3A_394 = arith.addi %parallel_loop3A_382, %parallel_loop3A_393 : vector<16xi32>
            %parallel_loop3A_395 = arith.constant 16 : i32
            %parallel_loop3A_396 = arith.muli %parallel_loop3A_374, %parallel_loop3A_395 : i32
            %parallel_loop3A_397 = arith.index_cast %parallel_loop3A_396 : i32 to index
            %parallel_loop3A_398 = tpu.vector_load %arg17[%parallel_loop3A_397] {strides = array<i32>} : memref<80xi32, #tpu.memory_space<vmem>>, vector<16xi32>,
            tpu.vector_store %arg17[%parallel_loop3A_397], %parallel_loop3A_394 {strides = array<i32>} : memref<80xi32, #tpu.memory_space<vmem>>, vector<16xi32>,
            %parallel_loop3A_399 = vector.broadcast %add3A_25 : i32 to vector<16xi32>
            %parallel_loop3A_400 = arith.addi %parallel_loop3A_382, %parallel_loop3A_399 : vector<16xi32>
            %parallel_loop3A_401 = arith.constant 16 : i32
            %parallel_loop3A_402 = arith.muli %parallel_loop3A_374, %parallel_loop3A_401 : i32
            %parallel_loop3A_403 = arith.index_cast %parallel_loop3A_402 : i32 to index
            %parallel_loop3A_404 = tpu.vector_load %arg19[%parallel_loop3A_403] {strides = array<i32>} : memref<80xi32, #tpu.memory_space<vmem>>, vector<16xi32>,
            tpu.vector_store %arg19[%parallel_loop3A_403], %parallel_loop3A_400 {strides = array<i32>} : memref<80xi32, #tpu.memory_space<vmem>>, vector<16xi32>,
          } {sc.loop_unroll_factor = 1 : i64, sc.parallel_access}
        } else {
        }
        %add3A_325 = arith.constant 2 : i32
        %add3A_326 = arith.addi %add3A_312, %add3A_325 : i32
        %lt3A_327 = arith.constant 250 : i32
        %lt3A_328 = arith.cmpi slt, %add3A_326, %lt3A_327 : i32
        %convert_element_type3A_329 = arith.extui %lt3A_328 : i1 to i32
        %cond3A_330 = arith.constant 0 : i32
        %cond3A_331 = arith.cmpi ne, %convert_element_type3A_329, %cond3A_330 : i32
        scf.if %cond3A_331 {
          %add3A_362 = arith.constant 2 : i32
          %add3A_363 = arith.addi %add3A_312, %add3A_362 : i32
          %mul3A_364 = arith.constant 80 : i32
          %mul3A_365 = arith.muli %add3A_363, %mul3A_364 : i32
          %add3A_366 = arith.addi %add3A_18, %mul3A_365 : i32
          %dma_start3A_367 = tpu.memref_slice %arg5[%add3A_366] : memref<640000xi32, #tpu.memory_space<hbm>> -> memref<80xi32, #tpu.memory_space<hbm>>
          %dma_start3A_368 = tpu.memref_slice %arg5[%add3A_366] : memref<640000xi32, #tpu.memory_space<hbm>> -> memref<80xi32, #tpu.memory_space<hbm>>
          tpu.enqueue_dma source(%dma_start3A_368 : memref<80xi32, #tpu.memory_space<hbm>>) target(%arg10 : memref<80xi32, #tpu.memory_space<vmem>>) target_semaphore(%arg33 : memref<!tpu.dma_semaphore, #tpu.memory_space<semaphore_mem>>)
          %dma_start3A_369 = tpu.memref_slice %arg6[%add3A_366] : memref<640000xi32, #tpu.memory_space<hbm>> -> memref<80xi32, #tpu.memory_space<hbm>>
          %dma_start3A_370 = tpu.memref_slice %arg6[%add3A_366] : memref<640000xi32, #tpu.memory_space<hbm>> -> memref<80xi32, #tpu.memory_space<hbm>>
          tpu.enqueue_dma source(%dma_start3A_370 : memref<80xi32, #tpu.memory_space<hbm>>) target(%arg12 : memref<80xi32, #tpu.memory_space<vmem>>) target_semaphore(%arg33 : memref<!tpu.dma_semaphore, #tpu.memory_space<semaphore_mem>>)
        } else {
        }
        %add3A_332 = arith.constant 1 : i32
        %add3A_333 = arith.addi %add3A_312, %add3A_332 : i32
        %lt3A_334 = arith.constant 250 : i32
        %lt3A_335 = arith.cmpi slt, %add3A_333, %lt3A_334 : i32
        %convert_element_type3A_336 = arith.extui %lt3A_335 : i1 to i32
        %cond3A_337 = arith.constant 0 : i32
        %cond3A_338 = arith.cmpi ne, %convert_element_type3A_336, %cond3A_337 : i32
        scf.if %cond3A_338 {
          %dma_start3A_362 = arith.constant 0 : i32
          %dma_start3A_363 = arith.constant 0 : i32
          %dma_start3A_364 = tpu.memref_slice %arg3[%dma_start3A_362, %dma_start3A_363] : memref<20000x8xf32, #tpu.memory_space<hbm>> -> memref<20000x8xf32, #tpu.memory_space<hbm>>
          tpu.enqueue_indirect_dma source(%dma_start3A_364 : memref<20000x8xf32, #tpu.memory_space<hbm>>) target(%arg21 : memref<80x8xf32, #tpu.memory_space<vmem>>) offsets(%arg15 : memref<80xi32, #tpu.memory_space<vmem>>) semaphore(%arg34 : memref<!tpu.dma_semaphore, #tpu.memory_space<semaphore_mem>>)
          %dma_start3A_365 = arith.constant 0 : i32
          %dma_start3A_366 = arith.constant 0 : i32
          %dma_start3A_367 = tpu.memref_slice %arg4[%dma_start3A_365, %dma_start3A_366] : memref<20000x8xf32, #tpu.memory_space<hbm>> -> memref<20000x8xf32, #tpu.memory_space<hbm>>
          tpu.enqueue_indirect_dma source(%dma_start3A_367 : memref<20000x8xf32, #tpu.memory_space<hbm>>) target(%arg23 : memref<80x8xf32, #tpu.memory_space<vmem>>) offsets(%arg17 : memref<80xi32, #tpu.memory_space<vmem>>) semaphore(%arg36 : memref<!tpu.dma_semaphore, #tpu.memory_space<semaphore_mem>>)
          %dma_start3A_368 = arith.constant 0 : i32
          %dma_start3A_369 = arith.constant 0 : i32
          %dma_start3A_370 = tpu.memref_slice %arg2[%dma_start3A_368, %dma_start3A_369] : memref<40000x128xf32, #tpu.memory_space<hbm>> -> memref<40000x128xf32, #tpu.memory_space<hbm>>
          tpu.enqueue_indirect_dma source(%dma_start3A_370 : memref<40000x128xf32, #tpu.memory_space<hbm>>) target(%arg27 : memref<80x128xf32, #tpu.memory_space<vmem>>) offsets(%arg19 : memref<80xi32, #tpu.memory_space<vmem>>) semaphore(%arg38 : memref<!tpu.dma_semaphore, #tpu.memory_space<semaphore_mem>>)
        } else {
        }
        %dma_wait3A_339 = arith.constant 0 : i32
        %dma_wait3A_340 = arith.constant 0 : i32
        %dma_wait3A_341 = tpu.memref_slice %arg3[%dma_wait3A_339, %dma_wait3A_340] : memref<20000x8xf32, #tpu.memory_space<hbm>> -> memref<20000x8xf32, #tpu.memory_space<hbm>>
        tpu.wait_indirect_dma semaphore(%arg35 : memref<!tpu.dma_semaphore, #tpu.memory_space<semaphore_mem>>) src(%dma_wait3A_341 : memref<20000x8xf32, #tpu.memory_space<hbm>>) dst(%arg22 : memref<80x8xf32, #tpu.memory_space<vmem>>)
        %dma_wait3A_342 = arith.constant 0 : i32
        %dma_wait3A_343 = arith.constant 0 : i32
        %dma_wait3A_344 = tpu.memref_slice %arg4[%dma_wait3A_342, %dma_wait3A_343] : memref<20000x8xf32, #tpu.memory_space<hbm>> -> memref<20000x8xf32, #tpu.memory_space<hbm>>
        tpu.wait_indirect_dma semaphore(%arg37 : memref<!tpu.dma_semaphore, #tpu.memory_space<semaphore_mem>>) src(%dma_wait3A_344 : memref<20000x8xf32, #tpu.memory_space<hbm>>) dst(%arg24 : memref<80x8xf32, #tpu.memory_space<vmem>>)
        %parallel_loop3A_345 = arith.constant 0 : i32
        %parallel_loop3A_346 = arith.constant 5 : i32
        %parallel_loop3A_347 = arith.constant 1 : i32
        scf.for %parallel_loop3A_362 = %parallel_loop3A_345 to %parallel_loop3A_346 step %parallel_loop3A_347  : i32 {
          %parallel_loop3A_363 = arith.constant 16 : i32
          %parallel_loop3A_364 = arith.muli %parallel_loop3A_363, %parallel_loop3A_362 : i32
          %parallel_loop3A_365 = arith.constant 0 : i32
          %parallel_loop3A_366 = arith.addi %parallel_loop3A_364, %parallel_loop3A_365 : i32
          %parallel_loop3A_367 = vector.broadcast %parallel_loop3A_366 : i32 to vector<16xi32>
          %parallel_loop3A_368 = arith.addi %parallel_loop3A_367, %shift_right_arithmetic3A_1 : vector<16xi32>
          %parallel_loop3A_369 = arith.constant 16 : i32
          %parallel_loop3A_370 = arith.muli %parallel_loop3A_369, %parallel_loop3A_362 : i32
          %parallel_loop3A_371 = arith.constant 2 : i32
          %parallel_loop3A_372 = arith.addi %parallel_loop3A_370, %parallel_loop3A_371 : i32
          %parallel_loop3A_373 = vector.broadcast %parallel_loop3A_372 : i32 to vector<16xi32>
          %parallel_loop3A_374 = arith.addi %parallel_loop3A_373, %shift_right_arithmetic3A_1 : vector<16xi32>
          %parallel_loop3A_375 = arith.constant 16 : i32
          %parallel_loop3A_376 = arith.muli %parallel_loop3A_375, %parallel_loop3A_362 : i32
          %parallel_loop3A_377 = arith.constant 4 : i32
          %parallel_loop3A_378 = arith.addi %parallel_loop3A_376, %parallel_loop3A_377 : i32
          %parallel_loop3A_379 = vector.broadcast %parallel_loop3A_378 : i32 to vector<16xi32>
          %parallel_loop3A_380 = arith.addi %parallel_loop3A_379, %shift_right_arithmetic3A_1 : vector<16xi32>
          %parallel_loop3A_381 = arith.constant 16 : i32
          %parallel_loop3A_382 = arith.muli %parallel_loop3A_381, %parallel_loop3A_362 : i32
          %parallel_loop3A_383 = arith.constant 6 : i32
          %parallel_loop3A_384 = arith.addi %parallel_loop3A_382, %parallel_loop3A_383 : i32
          %parallel_loop3A_385 = vector.broadcast %parallel_loop3A_384 : i32 to vector<16xi32>
          %parallel_loop3A_386 = arith.addi %parallel_loop3A_385, %shift_right_arithmetic3A_1 : vector<16xi32>
          %parallel_loop3A_387 = arith.constant 16 : i32
          %parallel_loop3A_388 = arith.muli %parallel_loop3A_387, %parallel_loop3A_362 : i32
          %parallel_loop3A_389 = arith.constant 8 : i32
          %parallel_loop3A_390 = arith.addi %parallel_loop3A_388, %parallel_loop3A_389 : i32
          %parallel_loop3A_391 = vector.broadcast %parallel_loop3A_390 : i32 to vector<16xi32>
          %parallel_loop3A_392 = arith.addi %parallel_loop3A_391, %shift_right_arithmetic3A_1 : vector<16xi32>
          %parallel_loop3A_393 = arith.constant 16 : i32
          %parallel_loop3A_394 = arith.muli %parallel_loop3A_393, %parallel_loop3A_362 : i32
          %parallel_loop3A_395 = arith.constant 10 : i32
          %parallel_loop3A_396 = arith.addi %parallel_loop3A_394, %parallel_loop3A_395 : i32
          %parallel_loop3A_397 = vector.broadcast %parallel_loop3A_396 : i32 to vector<16xi32>
          %parallel_loop3A_398 = arith.addi %parallel_loop3A_397, %shift_right_arithmetic3A_1 : vector<16xi32>
          %parallel_loop3A_399 = arith.constant 16 : i32
          %parallel_loop3A_400 = arith.muli %parallel_loop3A_399, %parallel_loop3A_362 : i32
          %parallel_loop3A_401 = arith.constant 12 : i32
          %parallel_loop3A_402 = arith.addi %parallel_loop3A_400, %parallel_loop3A_401 : i32
          %parallel_loop3A_403 = vector.broadcast %parallel_loop3A_402 : i32 to vector<16xi32>
          %parallel_loop3A_404 = arith.addi %parallel_loop3A_403, %shift_right_arithmetic3A_1 : vector<16xi32>
          %parallel_loop3A_405 = arith.constant 16 : i32
          %parallel_loop3A_406 = arith.muli %parallel_loop3A_405, %parallel_loop3A_362 : i32
          %parallel_loop3A_407 = arith.constant 14 : i32
          %parallel_loop3A_408 = arith.addi %parallel_loop3A_406, %parallel_loop3A_407 : i32
          %parallel_loop3A_409 = vector.broadcast %parallel_loop3A_408 : i32 to vector<16xi32>
          %parallel_loop3A_410 = arith.addi %parallel_loop3A_409, %shift_right_arithmetic3A_1 : vector<16xi32>
          %parallel_loop3A_411 = tpu.vector_load_idx %arg22[%parallel_loop3A_368, %and3A_3] : memref<80x8xf32, #tpu.memory_space<vmem>>[vector<16xi32>, vector<16xi32>], vector<16xf32>,
          %parallel_loop3A_412 = tpu.vector_load_idx %arg22[%parallel_loop3A_374, %and3A_3] : memref<80x8xf32, #tpu.memory_space<vmem>>[vector<16xi32>, vector<16xi32>], vector<16xf32>,
          %parallel_loop3A_413 = tpu.vector_load_idx %arg22[%parallel_loop3A_380, %and3A_3] : memref<80x8xf32, #tpu.memory_space<vmem>>[vector<16xi32>, vector<16xi32>], vector<16xf32>,
          %parallel_loop3A_414 = tpu.vector_load_idx %arg22[%parallel_loop3A_386, %and3A_3] : memref<80x8xf32, #tpu.memory_space<vmem>>[vector<16xi32>, vector<16xi32>], vector<16xf32>,
          %parallel_loop3A_415 = tpu.vector_load_idx %arg22[%parallel_loop3A_392, %and3A_3] : memref<80x8xf32, #tpu.memory_space<vmem>>[vector<16xi32>, vector<16xi32>], vector<16xf32>,
          %parallel_loop3A_416 = tpu.vector_load_idx %arg22[%parallel_loop3A_398, %and3A_3] : memref<80x8xf32, #tpu.memory_space<vmem>>[vector<16xi32>, vector<16xi32>], vector<16xf32>,
          %parallel_loop3A_417 = tpu.vector_load_idx %arg22[%parallel_loop3A_404, %and3A_3] : memref<80x8xf32, #tpu.memory_space<vmem>>[vector<16xi32>, vector<16xi32>], vector<16xf32>,
          %parallel_loop3A_418 = tpu.vector_load_idx %arg22[%parallel_loop3A_410, %and3A_3] : memref<80x8xf32, #tpu.memory_space<vmem>>[vector<16xi32>, vector<16xi32>], vector<16xf32>,
          %parallel_loop3A_419 = tpu.vector_load_idx %arg24[%parallel_loop3A_368, %and3A_3] : memref<80x8xf32, #tpu.memory_space<vmem>>[vector<16xi32>, vector<16xi32>], vector<16xf32>,
          %parallel_loop3A_420 = tpu.vector_load_idx %arg24[%parallel_loop3A_374, %and3A_3] : memref<80x8xf32, #tpu.memory_space<vmem>>[vector<16xi32>, vector<16xi32>], vector<16xf32>,
          %parallel_loop3A_421 = tpu.vector_load_idx %arg24[%parallel_loop3A_380, %and3A_3] : memref<80x8xf32, #tpu.memory_space<vmem>>[vector<16xi32>, vector<16xi32>], vector<16xf32>,
          %parallel_loop3A_422 = tpu.vector_load_idx %arg24[%parallel_loop3A_386, %and3A_3] : memref<80x8xf32, #tpu.memory_space<vmem>>[vector<16xi32>, vector<16xi32>], vector<16xf32>,
          %parallel_loop3A_423 = tpu.vector_load_idx %arg24[%parallel_loop3A_392, %and3A_3] : memref<80x8xf32, #tpu.memory_space<vmem>>[vector<16xi32>, vector<16xi32>], vector<16xf32>,
          %parallel_loop3A_424 = tpu.vector_load_idx %arg24[%parallel_loop3A_398, %and3A_3] : memref<80x8xf32, #tpu.memory_space<vmem>>[vector<16xi32>, vector<16xi32>], vector<16xf32>,
          %parallel_loop3A_425 = tpu.vector_load_idx %arg24[%parallel_loop3A_404, %and3A_3] : memref<80x8xf32, #tpu.memory_space<vmem>>[vector<16xi32>, vector<16xi32>], vector<16xf32>,
          %parallel_loop3A_426 = tpu.vector_load_idx %arg24[%parallel_loop3A_410, %and3A_3] : memref<80x8xf32, #tpu.memory_space<vmem>>[vector<16xi32>, vector<16xi32>], vector<16xf32>,
          %parallel_loop3A_427 = arith.addf %parallel_loop3A_411, %parallel_loop3A_419 : vector<16xf32>
          %parallel_loop3A_428 = arith.addf %parallel_loop3A_412, %parallel_loop3A_420 : vector<16xf32>
          %parallel_loop3A_429 = arith.addf %parallel_loop3A_413, %parallel_loop3A_421 : vector<16xf32>
          %parallel_loop3A_430 = arith.addf %parallel_loop3A_414, %parallel_loop3A_422 : vector<16xf32>
          %parallel_loop3A_431 = arith.addf %parallel_loop3A_415, %parallel_loop3A_423 : vector<16xf32>
          %parallel_loop3A_432 = arith.addf %parallel_loop3A_416, %parallel_loop3A_424 : vector<16xf32>
          %parallel_loop3A_433 = arith.addf %parallel_loop3A_417, %parallel_loop3A_425 : vector<16xf32>
          %parallel_loop3A_434 = arith.addf %parallel_loop3A_418, %parallel_loop3A_426 : vector<16xf32>
          %parallel_loop3A_435 = arith.constant 2.000000e-01 : f32
          %parallel_loop3A_436 = vector.broadcast %parallel_loop3A_435 : f32 to vector<16xf32>
          %parallel_loop3A_437 = arith.mulf %parallel_loop3A_436, %parallel_loop3A_427 : vector<16xf32>
          %parallel_loop3A_438 = arith.maximumf %parallel_loop3A_427, %parallel_loop3A_437 : vector<16xf32>
          %parallel_loop3A_439 = arith.constant 2.000000e-01 : f32
          %parallel_loop3A_440 = vector.broadcast %parallel_loop3A_439 : f32 to vector<16xf32>
          %parallel_loop3A_441 = arith.mulf %parallel_loop3A_440, %parallel_loop3A_428 : vector<16xf32>
          %parallel_loop3A_442 = arith.maximumf %parallel_loop3A_428, %parallel_loop3A_441 : vector<16xf32>
          %parallel_loop3A_443 = arith.constant 2.000000e-01 : f32
          %parallel_loop3A_444 = vector.broadcast %parallel_loop3A_443 : f32 to vector<16xf32>
          %parallel_loop3A_445 = arith.mulf %parallel_loop3A_444, %parallel_loop3A_429 : vector<16xf32>
          %parallel_loop3A_446 = arith.maximumf %parallel_loop3A_429, %parallel_loop3A_445 : vector<16xf32>
          %parallel_loop3A_447 = arith.constant 2.000000e-01 : f32
          %parallel_loop3A_448 = vector.broadcast %parallel_loop3A_447 : f32 to vector<16xf32>
          %parallel_loop3A_449 = arith.mulf %parallel_loop3A_448, %parallel_loop3A_430 : vector<16xf32>
          %parallel_loop3A_450 = arith.maximumf %parallel_loop3A_430, %parallel_loop3A_449 : vector<16xf32>
          %parallel_loop3A_451 = arith.constant 2.000000e-01 : f32
          %parallel_loop3A_452 = vector.broadcast %parallel_loop3A_451 : f32 to vector<16xf32>
          %parallel_loop3A_453 = arith.mulf %parallel_loop3A_452, %parallel_loop3A_431 : vector<16xf32>
          %parallel_loop3A_454 = arith.maximumf %parallel_loop3A_431, %parallel_loop3A_453 : vector<16xf32>
          %parallel_loop3A_455 = arith.constant 2.000000e-01 : f32
          %parallel_loop3A_456 = vector.broadcast %parallel_loop3A_455 : f32 to vector<16xf32>
          %parallel_loop3A_457 = arith.mulf %parallel_loop3A_456, %parallel_loop3A_432 : vector<16xf32>
          %parallel_loop3A_458 = arith.maximumf %parallel_loop3A_432, %parallel_loop3A_457 : vector<16xf32>
          %parallel_loop3A_459 = arith.constant 2.000000e-01 : f32
          %parallel_loop3A_460 = vector.broadcast %parallel_loop3A_459 : f32 to vector<16xf32>
          %parallel_loop3A_461 = arith.mulf %parallel_loop3A_460, %parallel_loop3A_433 : vector<16xf32>
          %parallel_loop3A_462 = arith.maximumf %parallel_loop3A_433, %parallel_loop3A_461 : vector<16xf32>
          %parallel_loop3A_463 = arith.constant 2.000000e-01 : f32
          %parallel_loop3A_464 = vector.broadcast %parallel_loop3A_463 : f32 to vector<16xf32>
          %parallel_loop3A_465 = arith.mulf %parallel_loop3A_464, %parallel_loop3A_434 : vector<16xf32>
          %parallel_loop3A_466 = arith.maximumf %parallel_loop3A_434, %parallel_loop3A_465 : vector<16xf32>
          %parallel_loop3A_467 = arith.constant 0.000000e+00 : f32
          %parallel_loop3A_468 = vector.broadcast %parallel_loop3A_467 : f32 to vector<16xf32>
          %parallel_loop3A_469 = arith.subf %parallel_loop3A_468, %parallel_loop3A_438 : vector<16xf32>
          %parallel_loop3A_470 = math.exp %parallel_loop3A_469 : vector<16xf32>
          %parallel_loop3A_471 = arith.constant 0.000000e+00 : f32
          %parallel_loop3A_472 = vector.broadcast %parallel_loop3A_471 : f32 to vector<16xf32>
          %parallel_loop3A_473 = arith.subf %parallel_loop3A_472, %parallel_loop3A_442 : vector<16xf32>
          %parallel_loop3A_474 = math.exp %parallel_loop3A_473 : vector<16xf32>
          %parallel_loop3A_475 = arith.constant 0.000000e+00 : f32
          %parallel_loop3A_476 = vector.broadcast %parallel_loop3A_475 : f32 to vector<16xf32>
          %parallel_loop3A_477 = arith.subf %parallel_loop3A_476, %parallel_loop3A_446 : vector<16xf32>
          %parallel_loop3A_478 = math.exp %parallel_loop3A_477 : vector<16xf32>
          %parallel_loop3A_479 = arith.constant 0.000000e+00 : f32
          %parallel_loop3A_480 = vector.broadcast %parallel_loop3A_479 : f32 to vector<16xf32>
          %parallel_loop3A_481 = arith.subf %parallel_loop3A_480, %parallel_loop3A_450 : vector<16xf32>
          %parallel_loop3A_482 = math.exp %parallel_loop3A_481 : vector<16xf32>
          %parallel_loop3A_483 = arith.constant 0.000000e+00 : f32
          %parallel_loop3A_484 = vector.broadcast %parallel_loop3A_483 : f32 to vector<16xf32>
          %parallel_loop3A_485 = arith.subf %parallel_loop3A_484, %parallel_loop3A_454 : vector<16xf32>
          %parallel_loop3A_486 = math.exp %parallel_loop3A_485 : vector<16xf32>
          %parallel_loop3A_487 = arith.constant 0.000000e+00 : f32
          %parallel_loop3A_488 = vector.broadcast %parallel_loop3A_487 : f32 to vector<16xf32>
          %parallel_loop3A_489 = arith.subf %parallel_loop3A_488, %parallel_loop3A_458 : vector<16xf32>
          %parallel_loop3A_490 = math.exp %parallel_loop3A_489 : vector<16xf32>
          %parallel_loop3A_491 = arith.constant 0.000000e+00 : f32
          %parallel_loop3A_492 = vector.broadcast %parallel_loop3A_491 : f32 to vector<16xf32>
          %parallel_loop3A_493 = arith.subf %parallel_loop3A_492, %parallel_loop3A_462 : vector<16xf32>
          %parallel_loop3A_494 = math.exp %parallel_loop3A_493 : vector<16xf32>
          %parallel_loop3A_495 = arith.constant 0.000000e+00 : f32
          %parallel_loop3A_496 = vector.broadcast %parallel_loop3A_495 : f32 to vector<16xf32>
          %parallel_loop3A_497 = arith.subf %parallel_loop3A_496, %parallel_loop3A_466 : vector<16xf32>
          %parallel_loop3A_498 = math.exp %parallel_loop3A_497 : vector<16xf32>
          tpu.vector_store_idx %arg26[%parallel_loop3A_368, %and3A_3], %parallel_loop3A_470 : memref<80x8xf32, #tpu.memory_space<vmem>>[vector<16xi32>, vector<16xi32>], vector<16xf32>,
          tpu.vector_store_idx %arg26[%parallel_loop3A_374, %and3A_3], %parallel_loop3A_474 : memref<80x8xf32, #tpu.memory_space<vmem>>[vector<16xi32>, vector<16xi32>], vector<16xf32>,
          tpu.vector_store_idx %arg26[%parallel_loop3A_380, %and3A_3], %parallel_loop3A_478 : memref<80x8xf32, #tpu.memory_space<vmem>>[vector<16xi32>, vector<16xi32>], vector<16xf32>,
          tpu.vector_store_idx %arg26[%parallel_loop3A_386, %and3A_3], %parallel_loop3A_482 : memref<80x8xf32, #tpu.memory_space<vmem>>[vector<16xi32>, vector<16xi32>], vector<16xf32>,
          tpu.vector_store_idx %arg26[%parallel_loop3A_392, %and3A_3], %parallel_loop3A_486 : memref<80x8xf32, #tpu.memory_space<vmem>>[vector<16xi32>, vector<16xi32>], vector<16xf32>,
          tpu.vector_store_idx %arg26[%parallel_loop3A_398, %and3A_3], %parallel_loop3A_490 : memref<80x8xf32, #tpu.memory_space<vmem>>[vector<16xi32>, vector<16xi32>], vector<16xf32>,
          tpu.vector_store_idx %arg26[%parallel_loop3A_404, %and3A_3], %parallel_loop3A_494 : memref<80x8xf32, #tpu.memory_space<vmem>>[vector<16xi32>, vector<16xi32>], vector<16xf32>,
          tpu.vector_store_idx %arg26[%parallel_loop3A_410, %and3A_3], %parallel_loop3A_498 : memref<80x8xf32, #tpu.memory_space<vmem>>[vector<16xi32>, vector<16xi32>], vector<16xf32>,
        } {sc.loop_unroll_factor = 1 : i64, sc.parallel_access}
        %eq3A_348 = arith.constant 0 : i32
        %eq3A_349 = arith.cmpi eq, %arg0, %eq3A_348 : i32
        %convert_element_type3A_350 = arith.extui %eq3A_349 : i1 to i32
        %cond3A_351 = arith.constant 0 : i32
        %cond3A_352 = arith.cmpi ne, %convert_element_type3A_350, %cond3A_351 : i32
        scf.if %cond3A_352 {
          %dma_start3A_362 = arith.constant 0 : i32
          %dma_start3A_363 = arith.constant 0 : i32
          %dma_start3A_364 = tpu.memref_slice %arg31[%dma_start3A_362, %dma_start3A_363] : memref<10000x8xf32, #tpu.memory_space<vmem_shared>> -> memref<10000x8xf32, #tpu.memory_space<vmem_shared>>
          tpu.enqueue_indirect_dma source(%arg26 : memref<80x8xf32, #tpu.memory_space<vmem>>) target(%dma_start3A_364 : memref<10000x8xf32, #tpu.memory_space<vmem_shared>>) offsets(%arg14 : memref<80xi32, #tpu.memory_space<vmem>>) semaphore(%arg41 : memref<!tpu.dma_semaphore, #tpu.memory_space<semaphore_mem>>) {add = true}
        } else {
        }
        %dma_wait3A_353 = arith.constant 0 : i32
        %dma_wait3A_354 = arith.constant 0 : i32
        %dma_wait3A_355 = tpu.memref_slice %arg2[%dma_wait3A_353, %dma_wait3A_354] : memref<40000x128xf32, #tpu.memory_space<hbm>> -> memref<40000x128xf32, #tpu.memory_space<hbm>>
        tpu.wait_indirect_dma semaphore(%arg39 : memref<!tpu.dma_semaphore, #tpu.memory_space<semaphore_mem>>) src(%dma_wait3A_355 : memref<40000x128xf32, #tpu.memory_space<hbm>>) dst(%arg28 : memref<80x128xf32, #tpu.memory_space<vmem>>)
        %parallel_loop3A_356 = arith.constant 0 : i32
        %parallel_loop3A_357 = arith.constant 40 : i32
        %parallel_loop3A_358 = arith.constant 1 : i32
        scf.for %parallel_loop3A_362 = %parallel_loop3A_356 to %parallel_loop3A_357 step %parallel_loop3A_358  : i32 {
          %parallel_loop3A_363 = arith.constant 2 : i32
          %parallel_loop3A_364 = arith.muli %parallel_loop3A_363, %parallel_loop3A_362 : i32
          %parallel_loop3A_365 = vector.broadcast %parallel_loop3A_364 : i32 to vector<16xi32>
          %parallel_loop3A_366 = arith.addi %parallel_loop3A_365, %shift_right_arithmetic3A_1 : vector<16xi32>
          %parallel_loop3A_367 = tpu.vector_load_idx %arg26[%parallel_loop3A_366, %and3A_3] : memref<80x8xf32, #tpu.memory_space<vmem>>[vector<16xi32>, vector<16xi32>], vector<16xf32>,
          %parallel_loop3A_368 = arith.constant 4 : i32
          %parallel_loop3A_369 = arith.muli %arg0, %parallel_loop3A_368 : i32
          %parallel_loop3A_370 = arith.constant 0 : i32
          %parallel_loop3A_371 = arith.addi %parallel_loop3A_370, %parallel_loop3A_369 : i32
          %parallel_loop3A_372 = arith.constant 0 : i32
          %parallel_loop3A_373 = arith.addi %parallel_loop3A_371, %parallel_loop3A_372 : i32
          %parallel_loop3A_374 = vector.broadcast %parallel_loop3A_373 : i32 to vector<16x1xi32>
          %parallel_loop3A_375 = vector.shape_cast %parallel_loop3A_374 : vector<16x1xi32> to vector<16xi32>
          %parallel_loop3A_376 = tpu.dynamic_gather %parallel_loop3A_367[%parallel_loop3A_375] in [0] : vector<16xf32>, vector<16xi32> -> vector<16xf32>
          %parallel_loop3A_377 = arith.constant 4 : i32
          %parallel_loop3A_378 = arith.muli %arg0, %parallel_loop3A_377 : i32
          %parallel_loop3A_379 = arith.constant 0 : i32
          %parallel_loop3A_380 = arith.addi %parallel_loop3A_379, %parallel_loop3A_378 : i32
          %parallel_loop3A_381 = arith.constant 1 : i32
          %parallel_loop3A_382 = arith.addi %parallel_loop3A_380, %parallel_loop3A_381 : i32
          %parallel_loop3A_383 = vector.broadcast %parallel_loop3A_382 : i32 to vector<16x1xi32>
          %parallel_loop3A_384 = vector.shape_cast %parallel_loop3A_383 : vector<16x1xi32> to vector<16xi32>
          %parallel_loop3A_385 = tpu.dynamic_gather %parallel_loop3A_367[%parallel_loop3A_384] in [0] : vector<16xf32>, vector<16xi32> -> vector<16xf32>
          %parallel_loop3A_386 = arith.constant 4 : i32
          %parallel_loop3A_387 = arith.muli %arg0, %parallel_loop3A_386 : i32
          %parallel_loop3A_388 = arith.constant 0 : i32
          %parallel_loop3A_389 = arith.addi %parallel_loop3A_388, %parallel_loop3A_387 : i32
          %parallel_loop3A_390 = arith.constant 2 : i32
          %parallel_loop3A_391 = arith.addi %parallel_loop3A_389, %parallel_loop3A_390 : i32
          %parallel_loop3A_392 = vector.broadcast %parallel_loop3A_391 : i32 to vector<16x1xi32>
          %parallel_loop3A_393 = vector.shape_cast %parallel_loop3A_392 : vector<16x1xi32> to vector<16xi32>
          %parallel_loop3A_394 = tpu.dynamic_gather %parallel_loop3A_367[%parallel_loop3A_393] in [0] : vector<16xf32>, vector<16xi32> -> vector<16xf32>
          %parallel_loop3A_395 = arith.constant 4 : i32
          %parallel_loop3A_396 = arith.muli %arg0, %parallel_loop3A_395 : i32
          %parallel_loop3A_397 = arith.constant 0 : i32
          %parallel_loop3A_398 = arith.addi %parallel_loop3A_397, %parallel_loop3A_396 : i32
          %parallel_loop3A_399 = arith.constant 3 : i32
          %parallel_loop3A_400 = arith.addi %parallel_loop3A_398, %parallel_loop3A_399 : i32
          %parallel_loop3A_401 = vector.broadcast %parallel_loop3A_400 : i32 to vector<16x1xi32>
          %parallel_loop3A_402 = vector.shape_cast %parallel_loop3A_401 : vector<16x1xi32> to vector<16xi32>
          %parallel_loop3A_403 = tpu.dynamic_gather %parallel_loop3A_367[%parallel_loop3A_402] in [0] : vector<16xf32>, vector<16xi32> -> vector<16xf32>
          %parallel_loop3A_404 = arith.constant 4 : i32
          %parallel_loop3A_405 = arith.muli %arg0, %parallel_loop3A_404 : i32
          %parallel_loop3A_406 = arith.constant 8 : i32
          %parallel_loop3A_407 = arith.addi %parallel_loop3A_406, %parallel_loop3A_405 : i32
          %parallel_loop3A_408 = arith.constant 0 : i32
          %parallel_loop3A_409 = arith.addi %parallel_loop3A_407, %parallel_loop3A_408 : i32
          %parallel_loop3A_410 = vector.broadcast %parallel_loop3A_409 : i32 to vector<16x1xi32>
          %parallel_loop3A_411 = vector.shape_cast %parallel_loop3A_410 : vector<16x1xi32> to vector<16xi32>
          %parallel_loop3A_412 = tpu.dynamic_gather %parallel_loop3A_367[%parallel_loop3A_411] in [0] : vector<16xf32>, vector<16xi32> -> vector<16xf32>
          %parallel_loop3A_413 = arith.constant 4 : i32
          %parallel_loop3A_414 = arith.muli %arg0, %parallel_loop3A_413 : i32
          %parallel_loop3A_415 = arith.constant 8 : i32
          %parallel_loop3A_416 = arith.addi %parallel_loop3A_415, %parallel_loop3A_414 : i32
          %parallel_loop3A_417 = arith.constant 1 : i32
          %parallel_loop3A_418 = arith.addi %parallel_loop3A_416, %parallel_loop3A_417 : i32
          %parallel_loop3A_419 = vector.broadcast %parallel_loop3A_418 : i32 to vector<16x1xi32>
          %parallel_loop3A_420 = vector.shape_cast %parallel_loop3A_419 : vector<16x1xi32> to vector<16xi32>
          %parallel_loop3A_421 = tpu.dynamic_gather %parallel_loop3A_367[%parallel_loop3A_420] in [0] : vector<16xf32>, vector<16xi32> -> vector<16xf32>
          %parallel_loop3A_422 = arith.constant 4 : i32
          %parallel_loop3A_423 = arith.muli %arg0, %parallel_loop3A_422 : i32
          %parallel_loop3A_424 = arith.constant 8 : i32
          %parallel_loop3A_425 = arith.addi %parallel_loop3A_424, %parallel_loop3A_423 : i32
          %parallel_loop3A_426 = arith.constant 2 : i32
          %parallel_loop3A_427 = arith.addi %parallel_loop3A_425, %parallel_loop3A_426 : i32
          %parallel_loop3A_428 = vector.broadcast %parallel_loop3A_427 : i32 to vector<16x1xi32>
          %parallel_loop3A_429 = vector.shape_cast %parallel_loop3A_428 : vector<16x1xi32> to vector<16xi32>
          %parallel_loop3A_430 = tpu.dynamic_gather %parallel_loop3A_367[%parallel_loop3A_429] in [0] : vector<16xf32>, vector<16xi32> -> vector<16xf32>
          %parallel_loop3A_431 = arith.constant 4 : i32
          %parallel_loop3A_432 = arith.muli %arg0, %parallel_loop3A_431 : i32
          %parallel_loop3A_433 = arith.constant 8 : i32
          %parallel_loop3A_434 = arith.addi %parallel_loop3A_433, %parallel_loop3A_432 : i32
          %parallel_loop3A_435 = arith.constant 3 : i32
          %parallel_loop3A_436 = arith.addi %parallel_loop3A_434, %parallel_loop3A_435 : i32
          %parallel_loop3A_437 = vector.broadcast %parallel_loop3A_436 : i32 to vector<16x1xi32>
          %parallel_loop3A_438 = vector.shape_cast %parallel_loop3A_437 : vector<16x1xi32> to vector<16xi32>
          %parallel_loop3A_439 = tpu.dynamic_gather %parallel_loop3A_367[%parallel_loop3A_438] in [0] : vector<16xf32>, vector<16xi32> -> vector<16xf32>
          %parallel_loop3A_440 = arith.constant 2 : i32
          %parallel_loop3A_441 = arith.muli %parallel_loop3A_440, %parallel_loop3A_362 : i32
          %parallel_loop3A_442 = arith.index_cast %parallel_loop3A_441 : i32 to index
          %parallel_loop3A_443 = arith.constant 0 : index
          %parallel_loop3A_444 = tpu.vector_load %arg28[%parallel_loop3A_442, %parallel_loop3A_443] {strides = array<i32>} : memref<80x128xf32, #tpu.memory_space<vmem>>, vector<16xf32>,
          %parallel_loop3A_445 = arith.mulf %parallel_loop3A_444, %parallel_loop3A_376 : vector<16xf32>
          %parallel_loop3A_446 = arith.constant 2 : i32
          %parallel_loop3A_447 = arith.muli %parallel_loop3A_446, %parallel_loop3A_362 : i32
          %parallel_loop3A_448 = arith.index_cast %parallel_loop3A_447 : i32 to index
          %parallel_loop3A_449 = arith.constant 0 : index
          %parallel_loop3A_450 = tpu.vector_load %arg29[%parallel_loop3A_448, %parallel_loop3A_449] {strides = array<i32>} : memref<80x128xf32, #tpu.memory_space<vmem>>, vector<16xf32>,
          tpu.vector_store %arg29[%parallel_loop3A_448, %parallel_loop3A_449], %parallel_loop3A_445 {strides = array<i32>} : memref<80x128xf32, #tpu.memory_space<vmem>>, vector<16xf32>,
          %parallel_loop3A_451 = arith.constant 2 : i32
          %parallel_loop3A_452 = arith.muli %parallel_loop3A_451, %parallel_loop3A_362 : i32
          %parallel_loop3A_453 = arith.constant 1 : i32
          %parallel_loop3A_454 = arith.addi %parallel_loop3A_452, %parallel_loop3A_453 : i32
          %parallel_loop3A_455 = arith.index_cast %parallel_loop3A_454 : i32 to index
          %parallel_loop3A_456 = arith.constant 0 : index
          %parallel_loop3A_457 = tpu.vector_load %arg28[%parallel_loop3A_455, %parallel_loop3A_456] {strides = array<i32>} : memref<80x128xf32, #tpu.memory_space<vmem>>, vector<16xf32>,
          %parallel_loop3A_458 = arith.mulf %parallel_loop3A_457, %parallel_loop3A_412 : vector<16xf32>
          %parallel_loop3A_459 = arith.constant 2 : i32
          %parallel_loop3A_460 = arith.muli %parallel_loop3A_459, %parallel_loop3A_362 : i32
          %parallel_loop3A_461 = arith.constant 1 : i32
          %parallel_loop3A_462 = arith.addi %parallel_loop3A_460, %parallel_loop3A_461 : i32
          %parallel_loop3A_463 = arith.index_cast %parallel_loop3A_462 : i32 to index
          %parallel_loop3A_464 = arith.constant 0 : index
          %parallel_loop3A_465 = tpu.vector_load %arg29[%parallel_loop3A_463, %parallel_loop3A_464] {strides = array<i32>} : memref<80x128xf32, #tpu.memory_space<vmem>>, vector<16xf32>,
          tpu.vector_store %arg29[%parallel_loop3A_463, %parallel_loop3A_464], %parallel_loop3A_458 {strides = array<i32>} : memref<80x128xf32, #tpu.memory_space<vmem>>, vector<16xf32>,
          %parallel_loop3A_466 = arith.constant 2 : i32
          %parallel_loop3A_467 = arith.muli %parallel_loop3A_466, %parallel_loop3A_362 : i32
          %parallel_loop3A_468 = arith.index_cast %parallel_loop3A_467 : i32 to index
          %parallel_loop3A_469 = arith.constant 16 : index
          %parallel_loop3A_470 = tpu.vector_load %arg28[%parallel_loop3A_468, %parallel_loop3A_469] {strides = array<i32>} : memref<80x128xf32, #tpu.memory_space<vmem>>, vector<16xf32>,
          %parallel_loop3A_471 = arith.mulf %parallel_loop3A_470, %parallel_loop3A_376 : vector<16xf32>
          %parallel_loop3A_472 = arith.constant 2 : i32
          %parallel_loop3A_473 = arith.muli %parallel_loop3A_472, %parallel_loop3A_362 : i32
          %parallel_loop3A_474 = arith.index_cast %parallel_loop3A_473 : i32 to index
          %parallel_loop3A_475 = arith.constant 16 : index
          %parallel_loop3A_476 = tpu.vector_load %arg29[%parallel_loop3A_474, %parallel_loop3A_475] {strides = array<i32>} : memref<80x128xf32, #tpu.memory_space<vmem>>, vector<16xf32>,
          tpu.vector_store %arg29[%parallel_loop3A_474, %parallel_loop3A_475], %parallel_loop3A_471 {strides = array<i32>} : memref<80x128xf32, #tpu.memory_space<vmem>>, vector<16xf32>,
          %parallel_loop3A_477 = arith.constant 2 : i32
          %parallel_loop3A_478 = arith.muli %parallel_loop3A_477, %parallel_loop3A_362 : i32
          %parallel_loop3A_479 = arith.constant 1 : i32
          %parallel_loop3A_480 = arith.addi %parallel_loop3A_478, %parallel_loop3A_479 : i32
          %parallel_loop3A_481 = arith.index_cast %parallel_loop3A_480 : i32 to index
          %parallel_loop3A_482 = arith.constant 16 : index
          %parallel_loop3A_483 = tpu.vector_load %arg28[%parallel_loop3A_481, %parallel_loop3A_482] {strides = array<i32>} : memref<80x128xf32, #tpu.memory_space<vmem>>, vector<16xf32>,
          %parallel_loop3A_484 = arith.mulf %parallel_loop3A_483, %parallel_loop3A_412 : vector<16xf32>
          %parallel_loop3A_485 = arith.constant 2 : i32
          %parallel_loop3A_486 = arith.muli %parallel_loop3A_485, %parallel_loop3A_362 : i32
          %parallel_loop3A_487 = arith.constant 1 : i32
          %parallel_loop3A_488 = arith.addi %parallel_loop3A_486, %parallel_loop3A_487 : i32
          %parallel_loop3A_489 = arith.index_cast %parallel_loop3A_488 : i32 to index
          %parallel_loop3A_490 = arith.constant 16 : index
          %parallel_loop3A_491 = tpu.vector_load %arg29[%parallel_loop3A_489, %parallel_loop3A_490] {strides = array<i32>} : memref<80x128xf32, #tpu.memory_space<vmem>>, vector<16xf32>,
          tpu.vector_store %arg29[%parallel_loop3A_489, %parallel_loop3A_490], %parallel_loop3A_484 {strides = array<i32>} : memref<80x128xf32, #tpu.memory_space<vmem>>, vector<16xf32>,
          %parallel_loop3A_492 = arith.constant 2 : i32
          %parallel_loop3A_493 = arith.muli %parallel_loop3A_492, %parallel_loop3A_362 : i32
          %parallel_loop3A_494 = arith.index_cast %parallel_loop3A_493 : i32 to index
          %parallel_loop3A_495 = arith.constant 32 : index
          %parallel_loop3A_496 = tpu.vector_load %arg28[%parallel_loop3A_494, %parallel_loop3A_495] {strides = array<i32>} : memref<80x128xf32, #tpu.memory_space<vmem>>, vector<16xf32>,
          %parallel_loop3A_497 = arith.mulf %parallel_loop3A_496, %parallel_loop3A_385 : vector<16xf32>
          %parallel_loop3A_498 = arith.constant 2 : i32
          %parallel_loop3A_499 = arith.muli %parallel_loop3A_498, %parallel_loop3A_362 : i32
          %parallel_loop3A_500 = arith.index_cast %parallel_loop3A_499 : i32 to index
          %parallel_loop3A_501 = arith.constant 32 : index
          %parallel_loop3A_502 = tpu.vector_load %arg29[%parallel_loop3A_500, %parallel_loop3A_501] {strides = array<i32>} : memref<80x128xf32, #tpu.memory_space<vmem>>, vector<16xf32>,
          tpu.vector_store %arg29[%parallel_loop3A_500, %parallel_loop3A_501], %parallel_loop3A_497 {strides = array<i32>} : memref<80x128xf32, #tpu.memory_space<vmem>>, vector<16xf32>,
          %parallel_loop3A_503 = arith.constant 2 : i32
          %parallel_loop3A_504 = arith.muli %parallel_loop3A_503, %parallel_loop3A_362 : i32
          %parallel_loop3A_505 = arith.constant 1 : i32
          %parallel_loop3A_506 = arith.addi %parallel_loop3A_504, %parallel_loop3A_505 : i32
          %parallel_loop3A_507 = arith.index_cast %parallel_loop3A_506 : i32 to index
          %parallel_loop3A_508 = arith.constant 32 : index
          %parallel_loop3A_509 = tpu.vector_load %arg28[%parallel_loop3A_507, %parallel_loop3A_508] {strides = array<i32>} : memref<80x128xf32, #tpu.memory_space<vmem>>, vector<16xf32>,
          %parallel_loop3A_510 = arith.mulf %parallel_loop3A_509, %parallel_loop3A_421 : vector<16xf32>
          %parallel_loop3A_511 = arith.constant 2 : i32
          %parallel_loop3A_512 = arith.muli %parallel_loop3A_511, %parallel_loop3A_362 : i32
          %parallel_loop3A_513 = arith.constant 1 : i32
          %parallel_loop3A_514 = arith.addi %parallel_loop3A_512, %parallel_loop3A_513 : i32
          %parallel_loop3A_515 = arith.index_cast %parallel_loop3A_514 : i32 to index
          %parallel_loop3A_516 = arith.constant 32 : index
          %parallel_loop3A_517 = tpu.vector_load %arg29[%parallel_loop3A_515, %parallel_loop3A_516] {strides = array<i32>} : memref<80x128xf32, #tpu.memory_space<vmem>>, vector<16xf32>,
          tpu.vector_store %arg29[%parallel_loop3A_515, %parallel_loop3A_516], %parallel_loop3A_510 {strides = array<i32>} : memref<80x128xf32, #tpu.memory_space<vmem>>, vector<16xf32>,
          %parallel_loop3A_518 = arith.constant 2 : i32
          %parallel_loop3A_519 = arith.muli %parallel_loop3A_518, %parallel_loop3A_362 : i32
          %parallel_loop3A_520 = arith.index_cast %parallel_loop3A_519 : i32 to index
          %parallel_loop3A_521 = arith.constant 48 : index
          %parallel_loop3A_522 = tpu.vector_load %arg28[%parallel_loop3A_520, %parallel_loop3A_521] {strides = array<i32>} : memref<80x128xf32, #tpu.memory_space<vmem>>, vector<16xf32>,
          %parallel_loop3A_523 = arith.mulf %parallel_loop3A_522, %parallel_loop3A_385 : vector<16xf32>
          %parallel_loop3A_524 = arith.constant 2 : i32
          %parallel_loop3A_525 = arith.muli %parallel_loop3A_524, %parallel_loop3A_362 : i32
          %parallel_loop3A_526 = arith.index_cast %parallel_loop3A_525 : i32 to index
          %parallel_loop3A_527 = arith.constant 48 : index
          %parallel_loop3A_528 = tpu.vector_load %arg29[%parallel_loop3A_526, %parallel_loop3A_527] {strides = array<i32>} : memref<80x128xf32, #tpu.memory_space<vmem>>, vector<16xf32>,
          tpu.vector_store %arg29[%parallel_loop3A_526, %parallel_loop3A_527], %parallel_loop3A_523 {strides = array<i32>} : memref<80x128xf32, #tpu.memory_space<vmem>>, vector<16xf32>,
          %parallel_loop3A_529 = arith.constant 2 : i32
          %parallel_loop3A_530 = arith.muli %parallel_loop3A_529, %parallel_loop3A_362 : i32
          %parallel_loop3A_531 = arith.constant 1 : i32
          %parallel_loop3A_532 = arith.addi %parallel_loop3A_530, %parallel_loop3A_531 : i32
          %parallel_loop3A_533 = arith.index_cast %parallel_loop3A_532 : i32 to index
          %parallel_loop3A_534 = arith.constant 48 : index
          %parallel_loop3A_535 = tpu.vector_load %arg28[%parallel_loop3A_533, %parallel_loop3A_534] {strides = array<i32>} : memref<80x128xf32, #tpu.memory_space<vmem>>, vector<16xf32>,
          %parallel_loop3A_536 = arith.mulf %parallel_loop3A_535, %parallel_loop3A_421 : vector<16xf32>
          %parallel_loop3A_537 = arith.constant 2 : i32
          %parallel_loop3A_538 = arith.muli %parallel_loop3A_537, %parallel_loop3A_362 : i32
          %parallel_loop3A_539 = arith.constant 1 : i32
          %parallel_loop3A_540 = arith.addi %parallel_loop3A_538, %parallel_loop3A_539 : i32
          %parallel_loop3A_541 = arith.index_cast %parallel_loop3A_540 : i32 to index
          %parallel_loop3A_542 = arith.constant 48 : index
          %parallel_loop3A_543 = tpu.vector_load %arg29[%parallel_loop3A_541, %parallel_loop3A_542] {strides = array<i32>} : memref<80x128xf32, #tpu.memory_space<vmem>>, vector<16xf32>,
          tpu.vector_store %arg29[%parallel_loop3A_541, %parallel_loop3A_542], %parallel_loop3A_536 {strides = array<i32>} : memref<80x128xf32, #tpu.memory_space<vmem>>, vector<16xf32>,
          %parallel_loop3A_544 = arith.constant 2 : i32
          %parallel_loop3A_545 = arith.muli %parallel_loop3A_544, %parallel_loop3A_362 : i32
          %parallel_loop3A_546 = arith.index_cast %parallel_loop3A_545 : i32 to index
          %parallel_loop3A_547 = arith.constant 64 : index
          %parallel_loop3A_548 = tpu.vector_load %arg28[%parallel_loop3A_546, %parallel_loop3A_547] {strides = array<i32>} : memref<80x128xf32, #tpu.memory_space<vmem>>, vector<16xf32>,
          %parallel_loop3A_549 = arith.mulf %parallel_loop3A_548, %parallel_loop3A_394 : vector<16xf32>
          %parallel_loop3A_550 = arith.constant 2 : i32
          %parallel_loop3A_551 = arith.muli %parallel_loop3A_550, %parallel_loop3A_362 : i32
          %parallel_loop3A_552 = arith.index_cast %parallel_loop3A_551 : i32 to index
          %parallel_loop3A_553 = arith.constant 64 : index
          %parallel_loop3A_554 = tpu.vector_load %arg29[%parallel_loop3A_552, %parallel_loop3A_553] {strides = array<i32>} : memref<80x128xf32, #tpu.memory_space<vmem>>, vector<16xf32>,
          tpu.vector_store %arg29[%parallel_loop3A_552, %parallel_loop3A_553], %parallel_loop3A_549 {strides = array<i32>} : memref<80x128xf32, #tpu.memory_space<vmem>>, vector<16xf32>,
          %parallel_loop3A_555 = arith.constant 2 : i32
          %parallel_loop3A_556 = arith.muli %parallel_loop3A_555, %parallel_loop3A_362 : i32
          %parallel_loop3A_557 = arith.constant 1 : i32
          %parallel_loop3A_558 = arith.addi %parallel_loop3A_556, %parallel_loop3A_557 : i32
          %parallel_loop3A_559 = arith.index_cast %parallel_loop3A_558 : i32 to index
          %parallel_loop3A_560 = arith.constant 64 : index
          %parallel_loop3A_561 = tpu.vector_load %arg28[%parallel_loop3A_559, %parallel_loop3A_560] {strides = array<i32>} : memref<80x128xf32, #tpu.memory_space<vmem>>, vector<16xf32>,
          %parallel_loop3A_562 = arith.mulf %parallel_loop3A_561, %parallel_loop3A_430 : vector<16xf32>
          %parallel_loop3A_563 = arith.constant 2 : i32
          %parallel_loop3A_564 = arith.muli %parallel_loop3A_563, %parallel_loop3A_362 : i32
          %parallel_loop3A_565 = arith.constant 1 : i32
          %parallel_loop3A_566 = arith.addi %parallel_loop3A_564, %parallel_loop3A_565 : i32
          %parallel_loop3A_567 = arith.index_cast %parallel_loop3A_566 : i32 to index
          %parallel_loop3A_568 = arith.constant 64 : index
          %parallel_loop3A_569 = tpu.vector_load %arg29[%parallel_loop3A_567, %parallel_loop3A_568] {strides = array<i32>} : memref<80x128xf32, #tpu.memory_space<vmem>>, vector<16xf32>,
          tpu.vector_store %arg29[%parallel_loop3A_567, %parallel_loop3A_568], %parallel_loop3A_562 {strides = array<i32>} : memref<80x128xf32, #tpu.memory_space<vmem>>, vector<16xf32>,
          %parallel_loop3A_570 = arith.constant 2 : i32
          %parallel_loop3A_571 = arith.muli %parallel_loop3A_570, %parallel_loop3A_362 : i32
          %parallel_loop3A_572 = arith.index_cast %parallel_loop3A_571 : i32 to index
          %parallel_loop3A_573 = arith.constant 80 : index
          %parallel_loop3A_574 = tpu.vector_load %arg28[%parallel_loop3A_572, %parallel_loop3A_573] {strides = array<i32>} : memref<80x128xf32, #tpu.memory_space<vmem>>, vector<16xf32>,
          %parallel_loop3A_575 = arith.mulf %parallel_loop3A_574, %parallel_loop3A_394 : vector<16xf32>
          %parallel_loop3A_576 = arith.constant 2 : i32
          %parallel_loop3A_577 = arith.muli %parallel_loop3A_576, %parallel_loop3A_362 : i32
          %parallel_loop3A_578 = arith.index_cast %parallel_loop3A_577 : i32 to index
          %parallel_loop3A_579 = arith.constant 80 : index
          %parallel_loop3A_580 = tpu.vector_load %arg29[%parallel_loop3A_578, %parallel_loop3A_579] {strides = array<i32>} : memref<80x128xf32, #tpu.memory_space<vmem>>, vector<16xf32>,
          tpu.vector_store %arg29[%parallel_loop3A_578, %parallel_loop3A_579], %parallel_loop3A_575 {strides = array<i32>} : memref<80x128xf32, #tpu.memory_space<vmem>>, vector<16xf32>,
          %parallel_loop3A_581 = arith.constant 2 : i32
          %parallel_loop3A_582 = arith.muli %parallel_loop3A_581, %parallel_loop3A_362 : i32
          %parallel_loop3A_583 = arith.constant 1 : i32
          %parallel_loop3A_584 = arith.addi %parallel_loop3A_582, %parallel_loop3A_583 : i32
          %parallel_loop3A_585 = arith.index_cast %parallel_loop3A_584 : i32 to index
          %parallel_loop3A_586 = arith.constant 80 : index
          %parallel_loop3A_587 = tpu.vector_load %arg28[%parallel_loop3A_585, %parallel_loop3A_586] {strides = array<i32>} : memref<80x128xf32, #tpu.memory_space<vmem>>, vector<16xf32>,
          %parallel_loop3A_588 = arith.mulf %parallel_loop3A_587, %parallel_loop3A_430 : vector<16xf32>
          %parallel_loop3A_589 = arith.constant 2 : i32
          %parallel_loop3A_590 = arith.muli %parallel_loop3A_589, %parallel_loop3A_362 : i32
          %parallel_loop3A_591 = arith.constant 1 : i32
          %parallel_loop3A_592 = arith.addi %parallel_loop3A_590, %parallel_loop3A_591 : i32
          %parallel_loop3A_593 = arith.index_cast %parallel_loop3A_592 : i32 to index
          %parallel_loop3A_594 = arith.constant 80 : index
          %parallel_loop3A_595 = tpu.vector_load %arg29[%parallel_loop3A_593, %parallel_loop3A_594] {strides = array<i32>} : memref<80x128xf32, #tpu.memory_space<vmem>>, vector<16xf32>,
          tpu.vector_store %arg29[%parallel_loop3A_593, %parallel_loop3A_594], %parallel_loop3A_588 {strides = array<i32>} : memref<80x128xf32, #tpu.memory_space<vmem>>, vector<16xf32>,
          %parallel_loop3A_596 = arith.constant 2 : i32
          %parallel_loop3A_597 = arith.muli %parallel_loop3A_596, %parallel_loop3A_362 : i32
          %parallel_loop3A_598 = arith.index_cast %parallel_loop3A_597 : i32 to index
          %parallel_loop3A_599 = arith.constant 96 : index
          %parallel_loop3A_600 = tpu.vector_load %arg28[%parallel_loop3A_598, %parallel_loop3A_599] {strides = array<i32>} : memref<80x128xf32, #tpu.memory_space<vmem>>, vector<16xf32>,
          %parallel_loop3A_601 = arith.mulf %parallel_loop3A_600, %parallel_loop3A_403 : vector<16xf32>
          %parallel_loop3A_602 = arith.constant 2 : i32
          %parallel_loop3A_603 = arith.muli %parallel_loop3A_602, %parallel_loop3A_362 : i32
          %parallel_loop3A_604 = arith.index_cast %parallel_loop3A_603 : i32 to index
          %parallel_loop3A_605 = arith.constant 96 : index
          %parallel_loop3A_606 = tpu.vector_load %arg29[%parallel_loop3A_604, %parallel_loop3A_605] {strides = array<i32>} : memref<80x128xf32, #tpu.memory_space<vmem>>, vector<16xf32>,
          tpu.vector_store %arg29[%parallel_loop3A_604, %parallel_loop3A_605], %parallel_loop3A_601 {strides = array<i32>} : memref<80x128xf32, #tpu.memory_space<vmem>>, vector<16xf32>,
          %parallel_loop3A_607 = arith.constant 2 : i32
          %parallel_loop3A_608 = arith.muli %parallel_loop3A_607, %parallel_loop3A_362 : i32
          %parallel_loop3A_609 = arith.constant 1 : i32
          %parallel_loop3A_610 = arith.addi %parallel_loop3A_608, %parallel_loop3A_609 : i32
          %parallel_loop3A_611 = arith.index_cast %parallel_loop3A_610 : i32 to index
          %parallel_loop3A_612 = arith.constant 96 : index
          %parallel_loop3A_613 = tpu.vector_load %arg28[%parallel_loop3A_611, %parallel_loop3A_612] {strides = array<i32>} : memref<80x128xf32, #tpu.memory_space<vmem>>, vector<16xf32>,
          %parallel_loop3A_614 = arith.mulf %parallel_loop3A_613, %parallel_loop3A_439 : vector<16xf32>
          %parallel_loop3A_615 = arith.constant 2 : i32
          %parallel_loop3A_616 = arith.muli %parallel_loop3A_615, %parallel_loop3A_362 : i32
          %parallel_loop3A_617 = arith.constant 1 : i32
          %parallel_loop3A_618 = arith.addi %parallel_loop3A_616, %parallel_loop3A_617 : i32
          %parallel_loop3A_619 = arith.index_cast %parallel_loop3A_618 : i32 to index
          %parallel_loop3A_620 = arith.constant 96 : index
          %parallel_loop3A_621 = tpu.vector_load %arg29[%parallel_loop3A_619, %parallel_loop3A_620] {strides = array<i32>} : memref<80x128xf32, #tpu.memory_space<vmem>>, vector<16xf32>,
          tpu.vector_store %arg29[%parallel_loop3A_619, %parallel_loop3A_620], %parallel_loop3A_614 {strides = array<i32>} : memref<80x128xf32, #tpu.memory_space<vmem>>, vector<16xf32>,
          %parallel_loop3A_622 = arith.constant 2 : i32
          %parallel_loop3A_623 = arith.muli %parallel_loop3A_622, %parallel_loop3A_362 : i32
          %parallel_loop3A_624 = arith.index_cast %parallel_loop3A_623 : i32 to index
          %parallel_loop3A_625 = arith.constant 112 : index
          %parallel_loop3A_626 = tpu.vector_load %arg28[%parallel_loop3A_624, %parallel_loop3A_625] {strides = array<i32>} : memref<80x128xf32, #tpu.memory_space<vmem>>, vector<16xf32>,
          %parallel_loop3A_627 = arith.mulf %parallel_loop3A_626, %parallel_loop3A_403 : vector<16xf32>
          %parallel_loop3A_628 = arith.constant 2 : i32
          %parallel_loop3A_629 = arith.muli %parallel_loop3A_628, %parallel_loop3A_362 : i32
          %parallel_loop3A_630 = arith.index_cast %parallel_loop3A_629 : i32 to index
          %parallel_loop3A_631 = arith.constant 112 : index
          %parallel_loop3A_632 = tpu.vector_load %arg29[%parallel_loop3A_630, %parallel_loop3A_631] {strides = array<i32>} : memref<80x128xf32, #tpu.memory_space<vmem>>, vector<16xf32>,
          tpu.vector_store %arg29[%parallel_loop3A_630, %parallel_loop3A_631], %parallel_loop3A_627 {strides = array<i32>} : memref<80x128xf32, #tpu.memory_space<vmem>>, vector<16xf32>,
          %parallel_loop3A_633 = arith.constant 2 : i32
          %parallel_loop3A_634 = arith.muli %parallel_loop3A_633, %parallel_loop3A_362 : i32
          %parallel_loop3A_635 = arith.constant 1 : i32
          %parallel_loop3A_636 = arith.addi %parallel_loop3A_634, %parallel_loop3A_635 : i32
          %parallel_loop3A_637 = arith.index_cast %parallel_loop3A_636 : i32 to index
          %parallel_loop3A_638 = arith.constant 112 : index
          %parallel_loop3A_639 = tpu.vector_load %arg28[%parallel_loop3A_637, %parallel_loop3A_638] {strides = array<i32>} : memref<80x128xf32, #tpu.memory_space<vmem>>, vector<16xf32>,
          %parallel_loop3A_640 = arith.mulf %parallel_loop3A_639, %parallel_loop3A_439 : vector<16xf32>
          %parallel_loop3A_641 = arith.constant 2 : i32
          %parallel_loop3A_642 = arith.muli %parallel_loop3A_641, %parallel_loop3A_362 : i32
          %parallel_loop3A_643 = arith.constant 1 : i32
          %parallel_loop3A_644 = arith.addi %parallel_loop3A_642, %parallel_loop3A_643 : i32
          %parallel_loop3A_645 = arith.index_cast %parallel_loop3A_644 : i32 to index
          %parallel_loop3A_646 = arith.constant 112 : index
          %parallel_loop3A_647 = tpu.vector_load %arg29[%parallel_loop3A_645, %parallel_loop3A_646] {strides = array<i32>} : memref<80x128xf32, #tpu.memory_space<vmem>>, vector<16xf32>,
          tpu.vector_store %arg29[%parallel_loop3A_645, %parallel_loop3A_646], %parallel_loop3A_640 {strides = array<i32>} : memref<80x128xf32, #tpu.memory_space<vmem>>, vector<16xf32>,
        } {sc.loop_unroll_factor = 1 : i64, sc.parallel_access}
        %dma_start3A_359 = arith.constant 0 : i32
        %dma_start3A_360 = arith.constant 0 : i32
        %dma_start3A_361 = tpu.memref_slice %arg30[%dma_start3A_359, %dma_start3A_360] : memref<10000x128xf32, #tpu.memory_space<vmem_shared>> -> memref<10000x128xf32, #tpu.memory_space<vmem_shared>>
        tpu.enqueue_indirect_dma source(%arg29 : memref<80x128xf32, #tpu.memory_space<vmem>>) target(%dma_start3A_361 : memref<10000x128xf32, #tpu.memory_space<vmem_shared>>) offsets(%arg14 : memref<80xi32, #tpu.memory_space<vmem>>) semaphore(%arg42 : memref<!tpu.dma_semaphore, #tpu.memory_space<semaphore_mem>>) {add = true}
      }
      %scan3A_233 = arith.constant 125 : i32
      %dma_wait3A_234 = arith.constant 0 : i32
      %dma_wait3A_235 = arith.constant 0 : i32
      %dma_wait3A_236 = tpu.memref_slice %arg30[%dma_wait3A_234, %dma_wait3A_235] : memref<10000x128xf32, #tpu.memory_space<vmem_shared>> -> memref<10000x128xf32, #tpu.memory_space<vmem_shared>>
      tpu.wait_indirect_dma semaphore(%arg42 : memref<!tpu.dma_semaphore, #tpu.memory_space<semaphore_mem>>) src(%arg29 : memref<80x128xf32, #tpu.memory_space<vmem>>) dst(%dma_wait3A_236 : memref<10000x128xf32, #tpu.memory_space<vmem_shared>>)
      %eq3A_237 = arith.constant 0 : i32
      %eq3A_238 = arith.cmpi eq, %arg0, %eq3A_237 : i32
      %convert_element_type3A_239 = arith.extui %eq3A_238 : i1 to i32
      %cond3A_240 = arith.constant 0 : i32
      %cond3A_241 = arith.cmpi ne, %convert_element_type3A_239, %cond3A_240 : i32
      scf.if %cond3A_241 {
        %dma_wait3A_255 = arith.constant 0 : i32
        %dma_wait3A_256 = arith.constant 0 : i32
        %dma_wait3A_257 = tpu.memref_slice %arg31[%dma_wait3A_255, %dma_wait3A_256] : memref<10000x8xf32, #tpu.memory_space<vmem_shared>> -> memref<10000x8xf32, #tpu.memory_space<vmem_shared>>
        tpu.wait_indirect_dma semaphore(%arg41 : memref<!tpu.dma_semaphore, #tpu.memory_space<semaphore_mem>>) src(%arg26 : memref<80x8xf32, #tpu.memory_space<vmem>>) dst(%dma_wait3A_257 : memref<10000x8xf32, #tpu.memory_space<vmem_shared>>)
      } else {
      }
      %barrier3A_242 = arith.constant 0 : index
      tpu.barrier barrier_id(%barrier3A_242)
      %add3A_243 = arith.addi %add3A_25, %mul3A_5 : i32
      "tpu.region"() ({
        %run_scoped3A = tpu.sem_alloc : memref<!tpu.dma_semaphore, #tpu.memory_space<semaphore_mem>>
        %dma_start3A_255 = arith.constant 0 : i32
        %dma_start3A_256 = tpu.memref_slice %arg7[%add3A_243, %dma_start3A_255] : memref<40000x128xf32, #tpu.memory_space<hbm>> -> memref<624x128xf32, #tpu.memory_space<hbm>>
        %dma_start3A_257 = arith.constant 0 : i32
        %dma_start3A_258 = tpu.memref_slice %arg30[%mul3A_5, %dma_start3A_257] : memref<10000x128xf32, #tpu.memory_space<vmem_shared>> -> memref<624x128xf32, #tpu.memory_space<vmem_shared>>
        tpu.enqueue_dma source(%dma_start3A_258 : memref<624x128xf32, #tpu.memory_space<vmem_shared>>) target(%dma_start3A_256 : memref<624x128xf32, #tpu.memory_space<hbm>>) target_semaphore(%run_scoped3A : memref<!tpu.dma_semaphore, #tpu.memory_space<semaphore_mem>>)
        %dma_wait3A_259 = arith.constant 0 : i32
        %dma_wait3A_260 = tpu.memref_slice %arg7[%add3A_243, %dma_wait3A_259] : memref<40000x128xf32, #tpu.memory_space<hbm>> -> memref<624x128xf32, #tpu.memory_space<hbm>>
        %dma_wait3A_261 = arith.constant 0 : i32
        %dma_wait3A_262 = tpu.memref_slice %arg30[%mul3A_5, %dma_wait3A_261] : memref<10000x128xf32, #tpu.memory_space<vmem_shared>> -> memref<624x128xf32, #tpu.memory_space<vmem_shared>>
        tpu.wait_dma2 semaphore(%run_scoped3A : memref<!tpu.dma_semaphore, #tpu.memory_space<semaphore_mem>>) src(%dma_wait3A_262 : memref<624x128xf32, #tpu.memory_space<vmem_shared>>) dst(%dma_wait3A_260 : memref<624x128xf32, #tpu.memory_space<hbm>>)
        tpu.yield
      }) : () -> ()
      %eq3A_244 = arith.constant 15 : i32
      %eq3A_245 = arith.cmpi eq, %arg1, %eq3A_244 : i32
      %convert_element_type3A_246 = arith.extui %eq3A_245 : i1 to i32
      %cond3A_247 = arith.constant 0 : i32
      %cond3A_248 = arith.cmpi ne, %convert_element_type3A_246, %cond3A_247 : i32
      scf.if %cond3A_248 {
        %add3A_255 = arith.constant 9984 : i32
        %add3A_256 = arith.addi %add3A_25, %add3A_255 : i32
        "tpu.region"() ({
          %run_scoped3A = tpu.sem_alloc : memref<!tpu.dma_semaphore, #tpu.memory_space<semaphore_mem>>
          %dma_start3A_257 = arith.constant 0 : i32
          %dma_start3A_258 = tpu.memref_slice %arg7[%add3A_256, %dma_start3A_257] : memref<40000x128xf32, #tpu.memory_space<hbm>> -> memref<16x128xf32, #tpu.memory_space<hbm>>
          %dma_start3A_259 = arith.constant 9984 : i32
          %dma_start3A_260 = arith.constant 0 : i32
          %dma_start3A_261 = tpu.memref_slice %arg30[%dma_start3A_259, %dma_start3A_260] : memref<10000x128xf32, #tpu.memory_space<vmem_shared>> -> memref<16x128xf32, #tpu.memory_space<vmem_shared>>
          tpu.enqueue_dma source(%dma_start3A_261 : memref<16x128xf32, #tpu.memory_space<vmem_shared>>) target(%dma_start3A_258 : memref<16x128xf32, #tpu.memory_space<hbm>>) target_semaphore(%run_scoped3A : memref<!tpu.dma_semaphore, #tpu.memory_space<semaphore_mem>>)
          %dma_wait3A_262 = arith.constant 0 : i32
          %dma_wait3A_263 = tpu.memref_slice %arg7[%add3A_256, %dma_wait3A_262] : memref<40000x128xf32, #tpu.memory_space<hbm>> -> memref<16x128xf32, #tpu.memory_space<hbm>>
          %dma_wait3A_264 = arith.constant 9984 : i32
          %dma_wait3A_265 = arith.constant 0 : i32
          %dma_wait3A_266 = tpu.memref_slice %arg30[%dma_wait3A_264, %dma_wait3A_265] : memref<10000x128xf32, #tpu.memory_space<vmem_shared>> -> memref<16x128xf32, #tpu.memory_space<vmem_shared>>
          tpu.wait_dma2 semaphore(%run_scoped3A : memref<!tpu.dma_semaphore, #tpu.memory_space<semaphore_mem>>) src(%dma_wait3A_266 : memref<16x128xf32, #tpu.memory_space<vmem_shared>>) dst(%dma_wait3A_263 : memref<16x128xf32, #tpu.memory_space<hbm>>)
          tpu.yield
        }) : () -> ()
      } else {
      }
      %eq3A_249 = arith.constant 0 : i32
      %eq3A_250 = arith.cmpi eq, %arg0, %eq3A_249 : i32
      %convert_element_type3A_251 = arith.extui %eq3A_250 : i1 to i32
      %cond3A_252 = arith.constant 0 : i32
      %cond3A_253 = arith.cmpi ne, %convert_element_type3A_251, %cond3A_252 : i32
      scf.if %cond3A_253 {
        "tpu.region"() ({
          %run_scoped3A = tpu.sem_alloc : memref<!tpu.dma_semaphore, #tpu.memory_space<semaphore_mem>>
          %dma_start3A_260 = arith.constant 0 : i32
          %dma_start3A_261 = tpu.memref_slice %arg8[%add3A_13, %mul3A_5, %dma_start3A_260] : memref<2x10000x8xf32, #tpu.memory_space<hbm>> -> memref<1x624x8xf32, #tpu.memory_space<hbm>>
          %dma_start3A_262 = tpu.memref_squeeze %dma_start3A_261 : memref<1x624x8xf32, #tpu.memory_space<hbm>> -> memref<624x8xf32, #tpu.memory_space<hbm>>
          %dma_start3A_263 = arith.constant 0 : i32
          %dma_start3A_264 = tpu.memref_slice %arg31[%mul3A_5, %dma_start3A_263] : memref<10000x8xf32, #tpu.memory_space<vmem_shared>> -> memref<624x8xf32, #tpu.memory_space<vmem_shared>>
          tpu.enqueue_dma source(%dma_start3A_264 : memref<624x8xf32, #tpu.memory_space<vmem_shared>>) target(%dma_start3A_262 : memref<624x8xf32, #tpu.memory_space<hbm>>) target_semaphore(%run_scoped3A : memref<!tpu.dma_semaphore, #tpu.memory_space<semaphore_mem>>)
          %dma_wait3A_265 = arith.constant 0 : i32
          %dma_wait3A_266 = tpu.memref_slice %arg8[%add3A_13, %mul3A_5, %dma_wait3A_265] : memref<2x10000x8xf32, #tpu.memory_space<hbm>> -> memref<1x624x8xf32, #tpu.memory_space<hbm>>
          %dma_wait3A_267 = tpu.memref_squeeze %dma_wait3A_266 : memref<1x624x8xf32, #tpu.memory_space<hbm>> -> memref<624x8xf32, #tpu.memory_space<hbm>>
          %dma_wait3A_268 = arith.constant 0 : i32
          %dma_wait3A_269 = tpu.memref_slice %arg31[%mul3A_5, %dma_wait3A_268] : memref<10000x8xf32, #tpu.memory_space<vmem_shared>> -> memref<624x8xf32, #tpu.memory_space<vmem_shared>>
          tpu.wait_dma2 semaphore(%run_scoped3A : memref<!tpu.dma_semaphore, #tpu.memory_space<semaphore_mem>>) src(%dma_wait3A_269 : memref<624x8xf32, #tpu.memory_space<vmem_shared>>) dst(%dma_wait3A_267 : memref<624x8xf32, #tpu.memory_space<hbm>>)
          tpu.yield
        }) : () -> ()
        %eq3A_255 = arith.constant 15 : i32
        %eq3A_256 = arith.cmpi eq, %arg1, %eq3A_255 : i32
        %convert_element_type3A_257 = arith.extui %eq3A_256 : i1 to i32
        %cond3A_258 = arith.constant 0 : i32
        %cond3A_259 = arith.cmpi ne, %convert_element_type3A_257, %cond3A_258 : i32
        scf.if %cond3A_259 {
          "tpu.region"() ({
            %run_scoped3A = tpu.sem_alloc : memref<!tpu.dma_semaphore, #tpu.memory_space<semaphore_mem>>
            %dma_start3A_260 = arith.constant 9984 : i32
            %dma_start3A_261 = arith.constant 0 : i32
            %dma_start3A_262 = tpu.memref_slice %arg8[%add3A_13, %dma_start3A_260, %dma_start3A_261] : memref<2x10000x8xf32, #tpu.memory_space<hbm>> -> memref<1x16x8xf32, #tpu.memory_space<hbm>>
            %dma_start3A_263 = tpu.memref_squeeze %dma_start3A_262 : memref<1x16x8xf32, #tpu.memory_space<hbm>> -> memref<16x8xf32, #tpu.memory_space<hbm>>
            %dma_start3A_264 = arith.constant 9984 : i32
            %dma_start3A_265 = arith.constant 0 : i32
            %dma_start3A_266 = tpu.memref_slice %arg31[%dma_start3A_264, %dma_start3A_265] : memref<10000x8xf32, #tpu.memory_space<vmem_shared>> -> memref<16x8xf32, #tpu.memory_space<vmem_shared>>
            tpu.enqueue_dma source(%dma_start3A_266 : memref<16x8xf32, #tpu.memory_space<vmem_shared>>) target(%dma_start3A_263 : memref<16x8xf32, #tpu.memory_space<hbm>>) target_semaphore(%run_scoped3A : memref<!tpu.dma_semaphore, #tpu.memory_space<semaphore_mem>>)
            %dma_wait3A_267 = arith.constant 9984 : i32
            %dma_wait3A_268 = arith.constant 0 : i32
            %dma_wait3A_269 = tpu.memref_slice %arg8[%add3A_13, %dma_wait3A_267, %dma_wait3A_268] : memref<2x10000x8xf32, #tpu.memory_space<hbm>> -> memref<1x16x8xf32, #tpu.memory_space<hbm>>
            %dma_wait3A_270 = tpu.memref_squeeze %dma_wait3A_269 : memref<1x16x8xf32, #tpu.memory_space<hbm>> -> memref<16x8xf32, #tpu.memory_space<hbm>>
            %dma_wait3A_271 = arith.constant 9984 : i32
            %dma_wait3A_272 = arith.constant 0 : i32
            %dma_wait3A_273 = tpu.memref_slice %arg31[%dma_wait3A_271, %dma_wait3A_272] : memref<10000x8xf32, #tpu.memory_space<vmem_shared>> -> memref<16x8xf32, #tpu.memory_space<vmem_shared>>
            tpu.wait_dma2 semaphore(%run_scoped3A : memref<!tpu.dma_semaphore, #tpu.memory_space<semaphore_mem>>) src(%dma_wait3A_273 : memref<16x8xf32, #tpu.memory_space<vmem_shared>>) dst(%dma_wait3A_270 : memref<16x8xf32, #tpu.memory_space<hbm>>)
            tpu.yield
          }) : () -> ()
        } else {
        }
      } else {
      }
      %barrier3A_254 = arith.constant 0 : index
      tpu.barrier barrier_id(%barrier3A_254)
    }
    %scan3A_9 = arith.constant 2 : i32
    return
  }
}

module attributes {stable_mosaic.version = 14 : i64} {
  func.func @_mm_body(%arg0: i32, %arg1: i32, %arg2: memref<1000x128xf32, #tpu.memory_space<vmem>>, %arg3: memref<128x128xf32, #tpu.memory_space<vmem>>, %arg4: memref<128x32xf32, #tpu.memory_space<vmem>>, %arg5: memref<1x1000x128xf32, #tpu.memory_space<vmem>>, %arg6: memref<1000x32xf32, #tpu.memory_space<vmem>>) attributes {dimension_semantics = [#tpu.dimension_semantics<arbitrary>, #tpu.dimension_semantics<arbitrary>], iteration_bounds = array<i64: 10, 4>, scalar_prefetch = 0 : i64, scratch_operands = 0 : i64, tpu.core_type = #tpu.core_type<tc>, window_params = [{transform_indices = @transform_0, window_bounds = array<i64: 1000, 128>}, {transform_indices = @transform_1, window_bounds = array<i64: 128, 128>}, {transform_indices = @transform_2, window_bounds = array<i64: 128, 32>}, {transform_indices = @transform_3, window_bounds = array<i64: 1, 1000, 128>}, {transform_indices = @transform_4, window_bounds = array<i64: 1000, 32>}]} {
    %get3A = arith.constant 0 : index
    %get3A_0 = arith.constant 0 : index
    %get3A_1 = vector.load %arg2[%get3A, %get3A_0] : memref<1000x128xf32, #tpu.memory_space<vmem>>, vector<1000x128xf32>
    %get3A_2 = arith.constant 0 : index
    %get3A_3 = arith.constant 0 : index
    %get3A_4 = vector.load %arg3[%get3A_2, %get3A_3] : memref<128x128xf32, #tpu.memory_space<vmem>>, vector<128x128xf32>
    %dot_general3A = arith.constant dense<0.000000e+00> : vector<1000x128xf32>
    %dot_general3A_5 = tpu.matmul %get3A_1, %get3A_4, %dot_general3A {dimension_numbers = #tpu.dot_dimension_numbers<[1], [0], [0], [1], [0, 0, 1, 1], [], []>, transpose_lhs_hint = false} : vector<1000x128xf32>, vector<128x128xf32>, vector<1000x128xf32> -> vector<1000x128xf32>
    %swap3A = arith.constant 0 : index
    %swap3A_6 = arith.constant 0 : index
    %swap3A_7 = arith.constant 0 : index
    %swap3A_8 = vector.load %arg5[%swap3A, %swap3A_6, %swap3A_7] : memref<1x1000x128xf32, #tpu.memory_space<vmem>>, vector<1x1000x128xf32>
    %swap3A_9 = vector.shape_cast %swap3A_8 : vector<1x1000x128xf32> to vector<1000x128xf32>
    %swap3A_10 = vector.shape_cast %dot_general3A_5 : vector<1000x128xf32> to vector<1x1000x128xf32>
    tpu.vector_store %arg5[%swap3A, %swap3A_6, %swap3A_7], %swap3A_10 {strides = array<i32>} : memref<1x1000x128xf32, #tpu.memory_space<vmem>>, vector<1x1000x128xf32>,
    %get3A_11 = arith.constant 0 : index
    %get3A_12 = arith.constant 0 : index
    %get3A_13 = vector.load %arg4[%get3A_11, %get3A_12] : memref<128x32xf32, #tpu.memory_space<vmem>>, vector<128x32xf32>
    %dot_general3A_14 = arith.constant dense<0.000000e+00> : vector<1000x32xf32>
    %dot_general3A_15 = tpu.matmul %dot_general3A_5, %get3A_13, %dot_general3A_14 {dimension_numbers = #tpu.dot_dimension_numbers<[1], [0], [0], [1], [0, 0, 1, 1], [], []>, transpose_lhs_hint = false} : vector<1000x128xf32>, vector<128x32xf32>, vector<1000x32xf32> -> vector<1000x32xf32>
    %eq3A = arith.constant 0 : i32
    %eq3A_16 = arith.cmpi eq, %arg1, %eq3A : i32
    %convert_element_type3A = arith.extui %eq3A_16 : i1 to i32
    %cond3A = arith.constant 0 : i32
    %cond3A_17 = arith.cmpi ne, %convert_element_type3A, %cond3A : i32
    scf.if %cond3A_17 {
      %swap3A_22 = arith.constant 0 : index
      %swap3A_23 = arith.constant 0 : index
      %swap3A_24 = vector.load %arg6[%swap3A_22, %swap3A_23] : memref<1000x32xf32, #tpu.memory_space<vmem>>, vector<1000x32xf32>
      tpu.vector_store %arg6[%swap3A_22, %swap3A_23], %dot_general3A_15 {strides = array<i32>} : memref<1000x32xf32, #tpu.memory_space<vmem>>, vector<1000x32xf32>,
    } else {
    }
    %gt3A = arith.constant 0 : i32
    %gt3A_18 = arith.cmpi sgt, %arg1, %gt3A : i32
    %convert_element_type3A_19 = arith.extui %gt3A_18 : i1 to i32
    %cond3A_20 = arith.constant 0 : i32
    %cond3A_21 = arith.cmpi ne, %convert_element_type3A_19, %cond3A_20 : i32
    scf.if %cond3A_21 {
      %get3A_22 = arith.constant 0 : index
      %get3A_23 = arith.constant 0 : index
      %get3A_24 = vector.load %arg6[%get3A_22, %get3A_23] : memref<1000x32xf32, #tpu.memory_space<vmem>>, vector<1000x32xf32>
      %add3A = arith.addf %get3A_24, %dot_general3A_15 : vector<1000x32xf32>
      %swap3A_25 = arith.constant 0 : index
      %swap3A_26 = arith.constant 0 : index
      %swap3A_27 = vector.load %arg6[%swap3A_25, %swap3A_26] : memref<1000x32xf32, #tpu.memory_space<vmem>>, vector<1000x32xf32>
      tpu.vector_store %arg6[%swap3A_25, %swap3A_26], %add3A {strides = array<i32>} : memref<1000x32xf32, #tpu.memory_space<vmem>>, vector<1000x32xf32>,
    } else {
    }
    return
  }
  func.func @transform_0(%arg0: i32, %arg1: i32) -> (i32, i32) {
    %c0_i32 = arith.constant 0 : i32
    %c0_i32_0 = arith.constant 0 : i32
    return %arg0, %c0_i32 : i32, i32
  }
  func.func @transform_1(%arg0: i32, %arg1: i32) -> (i32, i32) {
    %c0_i32 = arith.constant 0 : i32
    %c0_i32_0 = arith.constant 0 : i32
    return %c0_i32, %arg1 : i32, i32
  }
  func.func @transform_2(%arg0: i32, %arg1: i32) -> (i32, i32) {
    %c0_i32 = arith.constant 0 : i32
    %c0_i32_0 = arith.constant 0 : i32
    return %arg1, %c0_i32 : i32, i32
  }
  func.func @transform_3(%arg0: i32, %arg1: i32) -> (i32, i32, i32) {
    %c0_i32 = arith.constant 0 : i32
    %c0_i32_0 = arith.constant 0 : i32
    return %arg1, %arg0, %c0_i32 : i32, i32, i32
  }
  func.func @transform_4(%arg0: i32, %arg1: i32) -> (i32, i32) {
    %c0_i32 = arith.constant 0 : i32
    %c0_i32_0 = arith.constant 0 : i32
    return %arg0, %c0_i32 : i32, i32
  }
}

module attributes {stable_mosaic.version = 14 : i64} {
  func.func @_fin_body(%arg0: i32, %arg1: memref<2x2x1000x128xf32, #tpu.memory_space<vmem>>, %arg2: memref<2x1000x8xf32, #tpu.memory_space<vmem>>, %arg3: memref<8x256xf32, #tpu.memory_space<vmem>>, %arg4: memref<256x128xf32, #tpu.memory_space<vmem>>, %arg5: memref<1x128xf32, #tpu.memory_space<vmem>>, %arg6: memref<1x128xf32, #tpu.memory_space<vmem>>, %arg7: memref<256x40xf32, #tpu.memory_space<vmem>>, %arg8: memref<1000x40xf32, #tpu.memory_space<vmem>>) attributes {dimension_semantics = [#tpu.dimension_semantics<arbitrary>], iteration_bounds = array<i64: 10>, scalar_prefetch = 0 : i64, scratch_operands = 0 : i64, tpu.core_type = #tpu.core_type<tc>, window_params = [{transform_indices = @transform_0, window_bounds = array<i64: 2, 2, 1000, 128>}, {transform_indices = @transform_1, window_bounds = array<i64: 2, 1000, 8>}, {pipeline_mode = #tpu.pipeline_mode<synchronous>, transform_indices = @transform_2, window_bounds = array<i64: 8, 256>}, {pipeline_mode = #tpu.pipeline_mode<synchronous>, transform_indices = @transform_3, window_bounds = array<i64: 256, 128>}, {pipeline_mode = #tpu.pipeline_mode<synchronous>, transform_indices = @transform_4, window_bounds = array<i64: 1, 128>}, {pipeline_mode = #tpu.pipeline_mode<synchronous>, transform_indices = @transform_5, window_bounds = array<i64: 1, 128>}, {pipeline_mode = #tpu.pipeline_mode<synchronous>, transform_indices = @transform_6, window_bounds = array<i64: 256, 40>}, {transform_indices = @transform_7, window_bounds = array<i64: 1000, 40>}]} {
    %get3A = arith.constant 0 : index
    %get3A_0 = arith.constant 0 : index
    %get3A_1 = arith.constant 0 : index
    %get3A_2 = vector.load %arg2[%get3A, %get3A_0, %get3A_1] : memref<2x1000x8xf32, #tpu.memory_space<vmem>>, vector<1x1000x8xf32>
    %get3A_3 = vector.shape_cast %get3A_2 : vector<1x1000x8xf32> to vector<1000x8xf32>
    %add3A = arith.constant 1.000000e-16 : f32
    %add3A_4 = vector.broadcast %add3A : f32 to vector<1000x8xf32>
    %add3A_5 = arith.addf %get3A_3, %add3A_4 : vector<1000x8xf32>
    %div3A = arith.constant 1.000000e+00 : f32
    %div3A_6 = vector.broadcast %div3A : f32 to vector<1000x8xf32>
    %div3A_7 = arith.divf %div3A_6, %add3A_5 : vector<1000x8xf32>
    %get3A_8 = arith.constant 0 : index
    %get3A_9 = arith.constant 0 : index
    %get3A_10 = vector.load %arg3[%get3A_8, %get3A_9] : memref<8x256xf32, #tpu.memory_space<vmem>>, vector<8x256xf32>
    %dot_general3A = arith.constant dense<0.000000e+00> : vector<1000x256xf32>
    %dot_general3A_11 = tpu.matmul %div3A_7, %get3A_10, %dot_general3A {dimension_numbers = #tpu.dot_dimension_numbers<[1], [0], [0], [1], [0, 0, 1, 1], [], []>, transpose_lhs_hint = false} : vector<1000x8xf32>, vector<8x256xf32>, vector<1000x256xf32> -> vector<1000x256xf32>
    %get3A_12 = arith.constant 0 : index
    %get3A_13 = arith.constant 0 : index
    %get3A_14 = arith.constant 0 : index
    %get3A_15 = arith.constant 0 : index
    %get3A_16 = vector.load %arg1[%get3A_12, %get3A_13, %get3A_14, %get3A_15] : memref<2x2x1000x128xf32, #tpu.memory_space<vmem>>, vector<1x1x1000x128xf32>
    %get3A_17 = vector.shape_cast %get3A_16 : vector<1x1x1000x128xf32> to vector<1000x128xf32>
    %get3A_18 = arith.constant 0 : index
    %get3A_19 = arith.constant 1 : index
    %get3A_20 = arith.constant 0 : index
    %get3A_21 = arith.constant 0 : index
    %get3A_22 = vector.load %arg1[%get3A_18, %get3A_19, %get3A_20, %get3A_21] : memref<2x2x1000x128xf32, #tpu.memory_space<vmem>>, vector<1x1x1000x128xf32>
    %get3A_23 = vector.shape_cast %get3A_22 : vector<1x1x1000x128xf32> to vector<1000x128xf32>
    %concatenate3A = tpu.concatenate %get3A_17, %get3A_23 in 1 : vector<1000x128xf32>, vector<1000x128xf32> -> vector<1000x256xf32>
    %mul3A = arith.mulf %concatenate3A, %dot_general3A_11 : vector<1000x256xf32>
    %gt3A = arith.constant 0.000000e+00 : f32
    %gt3A_24 = vector.broadcast %gt3A : f32 to vector<1000x256xf32>
    %gt3A_25 = arith.cmpf ogt, %mul3A, %gt3A_24 : vector<1000x256xf32>
    %min3A = arith.constant 0.000000e+00 : f32
    %min3A_26 = vector.broadcast %min3A : f32 to vector<1000x256xf32>
    %min3A_27 = arith.minimumf %mul3A, %min3A_26 : vector<1000x256xf32>
    %exp3A = math.exp %min3A_27 : vector<1000x256xf32>
    %sub3A = arith.constant 1.000000e+00 : f32
    %sub3A_28 = vector.broadcast %sub3A : f32 to vector<1000x256xf32>
    %sub3A_29 = arith.subf %exp3A, %sub3A_28 : vector<1000x256xf32>
    %select_n3A = arith.select %gt3A_25, %mul3A, %sub3A_29 : vector<1000x256xi1>, vector<1000x256xf32>
    %get3A_30 = arith.constant 1 : index
    %get3A_31 = arith.constant 0 : index
    %get3A_32 = arith.constant 0 : index
    %get3A_33 = vector.load %arg2[%get3A_30, %get3A_31, %get3A_32] : memref<2x1000x8xf32, #tpu.memory_space<vmem>>, vector<1x1000x8xf32>
    %get3A_34 = vector.shape_cast %get3A_33 : vector<1x1000x8xf32> to vector<1000x8xf32>
    %add3A_35 = arith.constant 1.000000e-16 : f32
    %add3A_36 = vector.broadcast %add3A_35 : f32 to vector<1000x8xf32>
    %add3A_37 = arith.addf %get3A_34, %add3A_36 : vector<1000x8xf32>
    %div3A_38 = arith.constant 1.000000e+00 : f32
    %div3A_39 = vector.broadcast %div3A_38 : f32 to vector<1000x8xf32>
    %div3A_40 = arith.divf %div3A_39, %add3A_37 : vector<1000x8xf32>
    %get3A_41 = arith.constant 0 : index
    %get3A_42 = arith.constant 0 : index
    %get3A_43 = vector.load %arg3[%get3A_41, %get3A_42] : memref<8x256xf32, #tpu.memory_space<vmem>>, vector<8x256xf32>
    %dot_general3A_44 = arith.constant dense<0.000000e+00> : vector<1000x256xf32>
    %dot_general3A_45 = tpu.matmul %div3A_40, %get3A_43, %dot_general3A_44 {dimension_numbers = #tpu.dot_dimension_numbers<[1], [0], [0], [1], [0, 0, 1, 1], [], []>, transpose_lhs_hint = false} : vector<1000x8xf32>, vector<8x256xf32>, vector<1000x256xf32> -> vector<1000x256xf32>
    %get3A_46 = arith.constant 1 : index
    %get3A_47 = arith.constant 0 : index
    %get3A_48 = arith.constant 0 : index
    %get3A_49 = arith.constant 0 : index
    %get3A_50 = vector.load %arg1[%get3A_46, %get3A_47, %get3A_48, %get3A_49] : memref<2x2x1000x128xf32, #tpu.memory_space<vmem>>, vector<1x1x1000x128xf32>
    %get3A_51 = vector.shape_cast %get3A_50 : vector<1x1x1000x128xf32> to vector<1000x128xf32>
    %get3A_52 = arith.constant 1 : index
    %get3A_53 = arith.constant 1 : index
    %get3A_54 = arith.constant 0 : index
    %get3A_55 = arith.constant 0 : index
    %get3A_56 = vector.load %arg1[%get3A_52, %get3A_53, %get3A_54, %get3A_55] : memref<2x2x1000x128xf32, #tpu.memory_space<vmem>>, vector<1x1x1000x128xf32>
    %get3A_57 = vector.shape_cast %get3A_56 : vector<1x1x1000x128xf32> to vector<1000x128xf32>
    %concatenate3A_58 = tpu.concatenate %get3A_51, %get3A_57 in 1 : vector<1000x128xf32>, vector<1000x128xf32> -> vector<1000x256xf32>
    %mul3A_59 = arith.mulf %concatenate3A_58, %dot_general3A_45 : vector<1000x256xf32>
    %gt3A_60 = arith.constant 0.000000e+00 : f32
    %gt3A_61 = vector.broadcast %gt3A_60 : f32 to vector<1000x256xf32>
    %gt3A_62 = arith.cmpf ogt, %mul3A_59, %gt3A_61 : vector<1000x256xf32>
    %min3A_63 = arith.constant 0.000000e+00 : f32
    %min3A_64 = vector.broadcast %min3A_63 : f32 to vector<1000x256xf32>
    %min3A_65 = arith.minimumf %mul3A_59, %min3A_64 : vector<1000x256xf32>
    %exp3A_66 = math.exp %min3A_65 : vector<1000x256xf32>
    %sub3A_67 = arith.constant 1.000000e+00 : f32
    %sub3A_68 = vector.broadcast %sub3A_67 : f32 to vector<1000x256xf32>
    %sub3A_69 = arith.subf %exp3A_66, %sub3A_68 : vector<1000x256xf32>
    %select_n3A_70 = arith.select %gt3A_62, %mul3A_59, %sub3A_69 : vector<1000x256xi1>, vector<1000x256xf32>
    %get3A_71 = arith.constant 0 : index
    %get3A_72 = arith.constant 0 : index
    %get3A_73 = vector.load %arg4[%get3A_71, %get3A_72] : memref<256x128xf32, #tpu.memory_space<vmem>>, vector<256x128xf32>
    %dot_general3A_74 = arith.constant dense<0.000000e+00> : vector<1000x128xf32>
    %dot_general3A_75 = tpu.matmul %select_n3A, %get3A_73, %dot_general3A_74 {dimension_numbers = #tpu.dot_dimension_numbers<[1], [0], [0], [1], [0, 0, 1, 1], [], []>, transpose_lhs_hint = false} : vector<1000x256xf32>, vector<256x128xf32>, vector<1000x128xf32> -> vector<1000x128xf32>
    %get3A_76 = arith.constant 0 : index
    %get3A_77 = arith.constant 0 : index
    %get3A_78 = vector.load %arg5[%get3A_76, %get3A_77] : memref<1x128xf32, #tpu.memory_space<vmem>>, vector<1x128xf32>
    %add3A_79 = vector.broadcast %get3A_78 : vector<1x128xf32> to vector<1000x128xf32>
    %add3A_80 = arith.addf %dot_general3A_75, %add3A_79 : vector<1000x128xf32>
    %tanh3A = math.tanh %add3A_80 : vector<1000x128xf32>
    %get3A_81 = arith.constant 0 : index
    %get3A_82 = arith.constant 0 : index
    %get3A_83 = vector.load %arg6[%get3A_81, %get3A_82] : memref<1x128xf32, #tpu.memory_space<vmem>>, vector<1x128xf32>
    %mul3A_84 = vector.broadcast %get3A_83 : vector<1x128xf32> to vector<1000x128xf32>
    %mul3A_85 = arith.mulf %tanh3A, %mul3A_84 : vector<1000x128xf32>
    %reduce_sum3A = arith.constant dense<0.000000e+00> : vector<1000xf32>
    %reduce_sum3A_86 = vector.multi_reduction <add>, %mul3A_85, %reduce_sum3A [1] : vector<1000x128xf32> to vector<1000xf32>
    %broadcast_in_dim3A = vector.shape_cast %reduce_sum3A_86 : vector<1000xf32> to vector<1000x1xf32>
    %get3A_87 = arith.constant 0 : index
    %get3A_88 = arith.constant 0 : index
    %get3A_89 = vector.load %arg4[%get3A_87, %get3A_88] : memref<256x128xf32, #tpu.memory_space<vmem>>, vector<256x128xf32>
    %dot_general3A_90 = arith.constant dense<0.000000e+00> : vector<1000x128xf32>
    %dot_general3A_91 = tpu.matmul %select_n3A_70, %get3A_89, %dot_general3A_90 {dimension_numbers = #tpu.dot_dimension_numbers<[1], [0], [0], [1], [0, 0, 1, 1], [], []>, transpose_lhs_hint = false} : vector<1000x256xf32>, vector<256x128xf32>, vector<1000x128xf32> -> vector<1000x128xf32>
    %get3A_92 = arith.constant 0 : index
    %get3A_93 = arith.constant 0 : index
    %get3A_94 = vector.load %arg5[%get3A_92, %get3A_93] : memref<1x128xf32, #tpu.memory_space<vmem>>, vector<1x128xf32>
    %add3A_95 = vector.broadcast %get3A_94 : vector<1x128xf32> to vector<1000x128xf32>
    %add3A_96 = arith.addf %dot_general3A_91, %add3A_95 : vector<1000x128xf32>
    %tanh3A_97 = math.tanh %add3A_96 : vector<1000x128xf32>
    %get3A_98 = arith.constant 0 : index
    %get3A_99 = arith.constant 0 : index
    %get3A_100 = vector.load %arg6[%get3A_98, %get3A_99] : memref<1x128xf32, #tpu.memory_space<vmem>>, vector<1x128xf32>
    %mul3A_101 = vector.broadcast %get3A_100 : vector<1x128xf32> to vector<1000x128xf32>
    %mul3A_102 = arith.mulf %tanh3A_97, %mul3A_101 : vector<1000x128xf32>
    %reduce_sum3A_103 = arith.constant dense<0.000000e+00> : vector<1000xf32>
    %reduce_sum3A_104 = vector.multi_reduction <add>, %mul3A_102, %reduce_sum3A_103 [1] : vector<1000x128xf32> to vector<1000xf32>
    %broadcast_in_dim3A_105 = vector.shape_cast %reduce_sum3A_104 : vector<1000xf32> to vector<1000x1xf32>
    %max3A = arith.maximumf %broadcast_in_dim3A, %broadcast_in_dim3A_105 : vector<1000x1xf32>
    %sub3A_106 = arith.subf %broadcast_in_dim3A, %max3A : vector<1000x1xf32>
    %exp3A_107 = math.exp %sub3A_106 : vector<1000x1xf32>
    %sub3A_108 = arith.subf %broadcast_in_dim3A_105, %max3A : vector<1000x1xf32>
    %exp3A_109 = math.exp %sub3A_108 : vector<1000x1xf32>
    %mul3A_110 = vector.broadcast %exp3A_107 : vector<1000x1xf32> to vector<1000x256xf32>
    %mul3A_111 = arith.mulf %mul3A_110, %select_n3A : vector<1000x256xf32>
    %mul3A_112 = vector.broadcast %exp3A_109 : vector<1000x1xf32> to vector<1000x256xf32>
    %mul3A_113 = arith.mulf %mul3A_112, %select_n3A_70 : vector<1000x256xf32>
    %add3A_114 = arith.addf %mul3A_111, %mul3A_113 : vector<1000x256xf32>
    %add3A_115 = arith.addf %exp3A_107, %exp3A_109 : vector<1000x1xf32>
    %div3A_116 = vector.broadcast %add3A_115 : vector<1000x1xf32> to vector<1000x256xf32>
    %div3A_117 = arith.divf %add3A_114, %div3A_116 : vector<1000x256xf32>
    %get3A_118 = arith.constant 0 : index
    %get3A_119 = arith.constant 0 : index
    %get3A_120 = vector.load %arg7[%get3A_118, %get3A_119] : memref<256x40xf32, #tpu.memory_space<vmem>>, vector<256x40xf32>
    %dot_general3A_121 = arith.constant dense<0.000000e+00> : vector<1000x40xf32>
    %dot_general3A_122 = tpu.matmul %div3A_117, %get3A_120, %dot_general3A_121 {dimension_numbers = #tpu.dot_dimension_numbers<[1], [0], [0], [1], [0, 0, 1, 1], [], []>, transpose_lhs_hint = false} : vector<1000x256xf32>, vector<256x40xf32>, vector<1000x40xf32> -> vector<1000x40xf32>
    %neg3A = arith.constant 0.000000e+00 : f32
    %neg3A_123 = vector.broadcast %neg3A : f32 to vector<1000x40xf32>
    %neg3A_124 = arith.subf %neg3A_123, %dot_general3A_122 : vector<1000x40xf32>
    %exp3A_125 = math.exp %neg3A_124 : vector<1000x40xf32>
    %add3A_126 = arith.constant 1.000000e+00 : f32
    %add3A_127 = vector.broadcast %add3A_126 : f32 to vector<1000x40xf32>
    %add3A_128 = arith.addf %add3A_127, %exp3A_125 : vector<1000x40xf32>
    %div3A_129 = arith.constant 1.000000e+00 : f32
    %div3A_130 = vector.broadcast %div3A_129 : f32 to vector<1000x40xf32>
    %div3A_131 = arith.divf %div3A_130, %add3A_128 : vector<1000x40xf32>
    %swap3A = arith.constant 0 : index
    %swap3A_132 = arith.constant 0 : index
    %swap3A_133 = vector.load %arg8[%swap3A, %swap3A_132] : memref<1000x40xf32, #tpu.memory_space<vmem>>, vector<1000x40xf32>
    tpu.vector_store %arg8[%swap3A, %swap3A_132], %div3A_131 {strides = array<i32>} : memref<1000x40xf32, #tpu.memory_space<vmem>>, vector<1000x40xf32>,
    return
  }
  func.func @transform_0(%arg0: i32) -> (i32, i32, i32, i32) {
    %c0_i32 = arith.constant 0 : i32
    %c0_i32_0 = arith.constant 0 : i32
    %c0_i32_1 = arith.constant 0 : i32
    %c0_i32_2 = arith.constant 0 : i32
    return %c0_i32, %c0_i32_0, %arg0, %c0_i32_1 : i32, i32, i32, i32
  }
  func.func @transform_1(%arg0: i32) -> (i32, i32, i32) {
    %c0_i32 = arith.constant 0 : i32
    %c0_i32_0 = arith.constant 0 : i32
    %c0_i32_1 = arith.constant 0 : i32
    return %c0_i32, %arg0, %c0_i32_0 : i32, i32, i32
  }
  func.func @transform_2(%arg0: i32) -> (i32, i32) {
    %c0_i32 = arith.constant 0 : i32
    %c0_i32_0 = arith.constant 0 : i32
    %c0_i32_1 = arith.constant 0 : i32
    return %c0_i32, %c0_i32_0 : i32, i32
  }
  func.func @transform_3(%arg0: i32) -> (i32, i32) {
    %c0_i32 = arith.constant 0 : i32
    %c0_i32_0 = arith.constant 0 : i32
    %c0_i32_1 = arith.constant 0 : i32
    return %c0_i32, %c0_i32_0 : i32, i32
  }
  func.func @transform_4(%arg0: i32) -> (i32, i32) {
    %c0_i32 = arith.constant 0 : i32
    %c0_i32_0 = arith.constant 0 : i32
    %c0_i32_1 = arith.constant 0 : i32
    return %c0_i32, %c0_i32_0 : i32, i32
  }
  func.func @transform_5(%arg0: i32) -> (i32, i32) {
    %c0_i32 = arith.constant 0 : i32
    %c0_i32_0 = arith.constant 0 : i32
    %c0_i32_1 = arith.constant 0 : i32
    return %c0_i32, %c0_i32_0 : i32, i32
  }
  func.func @transform_6(%arg0: i32) -> (i32, i32) {
    %c0_i32 = arith.constant 0 : i32
    %c0_i32_0 = arith.constant 0 : i32
    %c0_i32_1 = arith.constant 0 : i32
    return %c0_i32, %c0_i32_0 : i32, i32
  }
  func.func @transform_7(%arg0: i32) -> (i32, i32) {
    %c0_i32 = arith.constant 0 : i32
    %c0_i32_0 = arith.constant 0 : i32
    return %arg0, %c0_i32 : i32, i32
  }
}

</mosaic_0001>

<sc_bundles>
// kernel: kernel.5.cloned.1.call-start
scs
__scs_entry_jumppad:
0x0: {  	(pc) =	sbr.rel $0x88, $3  }
0x1: {  	(tag) =	ssettag $0x0;
	lr =	simm.s32 $0x1  }
0x2: {  	[smem:$0x3F98] =	sst lr;
	_ =	strace $0xD0000000  }
0x3: {  	_ = 	snop  }
0x4: {  	_ = 	snop  }
0x5: {  	_ = 	snop  }
0x6: {  	_ = 	snop  }
0x7: {  	_ = 	snop  }
__scs_overlays_trampoline_lowered:
0x8: {  	[smem:$0x3FA7] =	sst s0  }
0x9: {  	[smem:$0x3FA8] =	sst s1  }
0xa: {  	[smem:$0x3FA9] =	sst s2  }
0xb: {  	[smem:$0x3FAA] =	sst s3  }
0xc: {  	[smem:$0x3FAB] =	sst s4  }
0xd: {  	[smem:$0x3FAC] =	sst s5  }
0xe: {  	[smem:$0x3FAD] =	sst s6  }
0xf: {  	[smem:$0x3FAE] =	sst s7  }
0x10: {  	[smem:$0x3FAF] =	sst s8  }
0x11: {  	[smem:$0x3FB0] =	sst s9;
	s0 =	simm.s32 @!p0 $0x0  }
0x12: {  	s1 =	sld [smem:$0x3F96];
	s0 =	simm.s32 @p0 $0x1  }
0x13: {  	[smem:$0x3FB1] =	sst s0;
	s0 =	simm.s32 @!p1 $0x0  }
0x14: {  	s2 =	sld [smem:$0x3F95];
	s0 =	simm.s32 @p1 $0x1  }
0x15: {  	[smem:$0x3FB2] =	sst s0;
	s0 =	simm.s32 @!p2 $0x0  }
0x16: {  	s3 =	sld [smem:$0x3FDB];
	s0 =	simm.s32 @p2 $0x1  }
0x17: {  	s4 =	simm.s32 $0x1BF5;
	[smem:$0x3FB4] =	sst s0  }
0x18: {  	s0 =	sld [smem:$0x3F97];
	_ =	swait.ge [sflag:s4], $0x0  }
0x19: {  	s7 =	sld [smem:$0x3F98]  }
0x1a: {  	s8 =	sadd.s32 $0xFFFFE003, lr  }
0x1b: {  	s9 =	sadd.s32 $0xFFFFFEF7, lr;
	s5 =	simm.s32 $0xFFFFFFFF;
	p2 =	slt.u32 s8, $0xFFFFF086  }
0x1c: {  	p1 =	slt.u32 s9, $0xF7A;
	s5 =	simm.s32 @!p2 $0x0  }
0x1d: {  	s5 =	simm.s32 @p1 $0x1;
	p0 =	seq.s32 s7, s2  }
0x1e: {  	s7 =	smul.u32 @!p0 $0xF7A, s2;
	p2 =	seq.s32 @!p0 s5, $0x0  }
0x1f: {  	s9 =	smul.u32 $0xF7A, s1;
	s8 =	simm.s32 @!p0 $0x1BF5;
	p2 =	por !p2, p0  }
0x20: {  	[sflag:s8] =	ssyncset.s32 @!p0 $0xFFFFF086;
	s6 =	sadd.s32 @!p0 s3, s7;
	s7 =	simm.s32 @!p0 $0x108  }
0x21: {  	s3 =	sadd.s32 s3, s9;
	s6 =	sadd.s32 @!p0 $0x88, s6;
	s7 =	simm.s32 @p2 $0x1082  }
0x22: {  	[simem:s7], [sflag:s8] =	dma.local @!p0 [hbm:s6], $0xF7A  }
0x23: {  	s9 =	sor.u32 $0xD0000000, s2;
	s6 =	simm.s32 $0x108;
	_ =	swait.ge @!p0 [sflag:s8], $0x0  }
0x24: {  	s3 =	sadd.s32 $0x88, s3;
	s6 =	simm.s32 @!p1 $0x1082;
	[sflag:s4] =	ssyncset.s32 $0xFFFFF086  }
0x25: {  	[simem:s6], [sflag:s4] =	dma.local [hbm:s3], $0xF7A  }
0x26: {  	[smem:$0x3F98] =	sst s1;
	(tag) =	ssettag s2;
	_ =	strace s9  }
0x27: {  	s1 =	sld [smem:$0x3FA8]  }
0x28: {  	s2 =	sld [smem:$0x3FA9]  }
0x29: {  	s4 =	sld [smem:$0x3FAB]  }
0x2a: {  	p0 =	seq.s32 s5, $0x0;
	s5 =	sld [smem:$0x3FAC]  }
0x2b: {  	s6 =	sld [smem:$0x3FAD]  }
0x2c: {  	s7 =	sld [smem:$0x3FAE]  }
0x2d: {  	s3 =	simm.s32 $0x108;
	s8 =	sld [smem:$0x3FAF]  }
0x2e: {  	s3 =	simm.s32 @!p0 $0x1082;
	s9 =	sld [smem:$0x3FB0]  }
0x2f: {  	lr =	sadd.s32 s0, s3;
	s0 =	sld [smem:$0x3FA7]  }
0x30: {  	s3 =	sld [smem:$0x3FAA]  }
0x31: {  	[smem:$0x3FB3] =	sst s10  }
0x32: {  	s10 =	sld [smem:$0x3FB1];
	_ =	sdelay $0x3  }
0x33: {  	p0 =	seq.s32 s10, $0x1;
	s10 =	sld [smem:$0x3FB3];
	_ =	sdelay $0x3  }
0x34: {  	[smem:$0x3FB3] =	sst s10  }
0x35: {  	s10 =	sld [smem:$0x3FB2];
	_ =	sdelay $0x3  }
0x36: {  	p1 =	seq.s32 s10, $0x1;
	s10 =	sld [smem:$0x3FB3];
	_ =	sdelay $0x3  }
0x37: {  	[smem:$0x3FB3] =	sst s10  }
0x38: {  	s10 =	sld [smem:$0x3FB4]  }
0x39: {  	_ = 	snop;
	(pc) =	sbr.ind lr, $3  }
0x3a: {  	_ = 	snop  }
0x3b: {  	_ = 	snop  }
0x3c: {  	p2 =	seq.s32 s10, $0x1;
	s10 =	sld [smem:$0x3FB3]  }
0x3d: {  	_ =	shalt  }
0x3e: {  	_ =	shalt  }
0x3f: {  	_ =	shalt  }
0x40: {  	_ =	shalt  }
0x41: {  	_ =	shalt  }
0x42: {  	_ =	shalt  }
0x43: {  	_ =	shalt  }
0x44: {  	_ =	shalt  }
0x45: {  	_ =	shalt  }
0x46: {  	_ =	shalt  }
0x47: {  	_ =	shalt  }
0x48: {  	_ =	shalt  }
0x49: {  	_ =	shalt  }
0x4a: {  	_ =	shalt  }
0x4b: {  	_ =	shalt  }
0x4c: {  	_ =	shalt  }
0x4d: {  	_ =	shalt  }
0x4e: {  	_ =	shalt  }
0x4f: {  	_ =	shalt  }
0x50: {  	_ =	shalt  }
0x51: {  	_ =	shalt  }
0x52: {  	_ =	shalt  }
0x53: {  	_ =	shalt  }
0x54: {  	_ =	shalt  }
0x55: {  	_ =	shalt  }
0x56: {  	_ =	shalt  }
0x57: {  	_ =	shalt  }
0x58: {  	_ =	shalt  }
0x59: {  	_ =	shalt  }
0x5a: {  	_ =	shalt  }
0x5b: {  	_ =	shalt  }
0x5c: {  	_ =	shalt  }
0x5d: {  	_ =	shalt  }
0x5e: {  	_ =	shalt  }
0x5f: {  	_ =	shalt  }
0x60: {  	_ =	shalt  }
0x61: {  	_ =	shalt  }
0x62: {  	_ =	shalt  }
0x63: {  	_ =	shalt  }
0x64: {  	_ =	shalt  }
0x65: {  	_ =	shalt  }
0x66: {  	_ =	shalt  }
0x67: {  	_ =	shalt  }
0x68: {  	_ =	shalt  }
0x69: {  	_ =	shalt  }
0x6a: {  	_ =	shalt  }
0x6b: {  	_ =	shalt  }
0x6c: {  	_ =	shalt  }
0x6d: {  	_ =	shalt  }
0x6e: {  	_ =	shalt  }
0x6f: {  	_ =	shalt  }
0x70: {  	_ =	shalt  }
0x71: {  	_ =	shalt  }
0x72: {  	_ =	shalt  }
0x73: {  	_ =	shalt  }
0x74: {  	_ =	shalt  }
0x75: {  	_ =	shalt  }
0x76: {  	_ =	shalt  }
0x77: {  	_ =	shalt  }
0x78: {  	_ =	shalt  }
0x79: {  	_ =	shalt  }
0x7a: {  	_ =	shalt  }
0x7b: {  	_ =	shalt  }
0x7c: {  	_ =	shalt  }
0x7d: {  	_ =	shalt  }
0x7e: {  	_ =	shalt  }
0x7f: {  	_ =	shalt  }
0x80: {  	_ =	shalt  }
0x81: {  	_ =	shalt  }
0x82: {  	_ =	shalt  }
0x83: {  	_ =	shalt  }
0x84: {  	_ =	shalt  }
0x85: {  	_ =	shalt  }
0x86: {  	_ =	shalt  }
0x87: {  	_ =	shalt  }
.Lfunc_end0:
.L_simem_size_0:
called_computation_lowered:
.L_overlay_start_0:
0x88: {  	s2 =	sld [smem:$0x3FD9]  }
0x89: {  	s3 =	sld [smem:$0x3FFE];
	_ =	sdelay $0x1  }
0x8a: {  	s1 =	srdreg.scid  }
0x8b: {  	s0 =	sand.u32 $0x1, s1  }
0x8c: {  	s17 =	sshll.u32 s0, $0xA;
	s2 =	sadd.s32 s3, s2  }
0x8d: {  	s2 =	sadd.s32 s2, s17  }
0x8e: {  	[smem:$0x3FBF] =	sst s2  }
0x8f: {  	_ = 	snop  }
0x90: {  	s2 =	sld [smem:$0x3FD0];
	(tm) =	ssettm $0x1  }
0x91: {  	s18 =	sld [smem:$0x3FFB];
	_ =	sdelay $0x3  }
0x92: {  	_ =	strace s18  }
0x93: {  	s3 =	sld [smem:$0x3FFC];
	_ =	sdelay $0x3  }
0x94: {  	_ =	strace s3  }
0x95: {  	s3 =	sld [smem:$0x3FFD];
	_ =	sdelay $0x3  }
0x96: {  	_ =	strace s3  }
0x97: {  	_ =	strace $0x8FFFFFFF  }
0x98: {  	s19 =	sld [smem:$0x3FDB];
	_ =	sdelay $0x1  }
0x99: {  	s4 =	simm.s32 $_scs_section_size  }
0x9a: {  	s5 =	simm.s32 $_size__tile_overlayer_lowered;
	s6 =	simm.s32 $_tile_overlayer_lowered  }
0x9b: {  	s22 =	simm.s32 $0x1BFF;
	s21 =	sshll.u32 s6, $0x1;
	s3 =	sadd.s32 s4, s19  }
0x9c: {  	s7 =	simm.s32 $0x0;
	s20 =	sshll.u32 s5, $0x1;
	s5 =	sadd.s32 s21, s3  }
0x9d: {  	[timem:s7], [sflag:s22] =	dma.local [hbm:s5], s20  }
0x9e: {  	_ =	swait.ge [sflag:s22], s20  }
0x9f: {  	s4 =	ssub.s32 $0x0, s20;
	[sflag:s22] =	ssyncset.done $0x0  }
0xa0: {  	[sflag:s22] =	ssyncadd.s32 s4;
	_ =	sdelay $0x1  }
0xa1: {  	s23 =	simm.s32 $0x1B8B  }
0xa2: {  	_ =	swait.ge [sflag:s23], $0x1  }
0xa3: {  	[sflag:s23] =	ssyncset.done $0x0  }
0xa4: {  	s25 =	simm.s32 $0x1B8E;
	s24 =	sld [smem:$0x3FFE];
	[sflag:s23] =	ssyncadd.s32 $0xFFFFFFFF  }
0xa5: {  	s26 =	simm.s32 $execute0_lowered;
	[smem:$0x3FD2] =	sst s25  }
0xa6: {  	s5 =	sshll.u32 s26, $0x1;
	_ =	strace $0x80000046;
	[dreg:$0x1] =	wrdreg $0xFFFFFFFF  }
0xa7: {  	s28 =	simm.s32 $_size_execute0_lowered;
	s3 =	sadd.s32 s3, s5;
	[dreg:$0x0] =	wrdreg $0x0  }
0xa8: {  	s5 =	sshll.u32 s28, $0x1;
	[dreg:$0x2] =	wrdreg s3  }
0xa9: {  	[dreg:$0x3] =	wrdreg s5  }
0xaa: {  	[dreg:$0x4] =	wrdreg $0xC0  }
0xab: {  	_ =	task [dreg:s7], $0x5FFFF  }
0xac: {  	[dreg:$0x1] =	wrdreg $0xFFFFFFFF  }
0xad: {  	[dreg:$0x0] =	wrdreg $0x60  }
0xae: {  	[dreg:$0x2] =	wrdreg s24  }
0xaf: {  	[dreg:$0x3] =	wrdreg s2  }
0xb0: {  	[dreg:$0x4] =	wrdreg $0x8AC00  }
0xb1: {  	[dreg:$0x5] =	wrdreg $0x1C3400  }
0xb2: {  	[dreg:$0x6] =	wrdreg $0x9  }
0xb3: {  	_ =	task.clear_ibuf [dreg:s7], $0x7FFFF;
	_ =	strace $0x90000046  }
0xb4: {  	s29 =	simm.s32 $0x9;
	_ =	strace $0x80000048  }
0xb5: {  	_ =	swait.ge [sflag:s29], $0x1  }
0xb6: {  	[sflag:s29] =	ssyncadd.s32 $0xFFFFFFFF  }
0xb7: {  	_ =	strace $0x90000048  }
0xb8: {  	_ =	sfence  }
0xb9: {  	s30 =	sld [smem:$0x0];
	_ =	sdelay $0x2  }
0xba: {  	s31 =	sshll.u32 s1, $0xD;
	s1 =	sshrl.u32 s1, $0x2  }
0xbb: {  	s3 =	sand.u32 $0x4000, s31;
	s1 =	sadd.s32 s1, s30  }
0xbc: {  	s0 =	sor.u32 s3, s0;
	s1 =	sshll.u32 s1, $0x11  }
0xbd: {  	s0 =	sor.u32 s1, s0  }
0xbe: {  	s0 =	sadd.s32 $0x8F2B, s0  }
0xbf: {  	[sflag:s0] =	ssyncadd.remote.s32 $0x1  }
0xc0: {  	_ =	sfence.sel $0xFFFF  }
0xc1: {  	[dreg:$0x0] =	wrdreg $0xFFFFFFFF;
	(pc) =	sbr.abs _section_cstart, $3  }
0xc2: {  	[dreg:$0x1] =	wrdreg $0xFFFFFFFF  }
0xc3: {  	_ =	task.clear_ibuf [dreg:s7], $0x2FFFF;
	_ =	strace $0x9FFFFFFF  }
0xc4: {  	(tm) =	ssettm $0x7FFFFFFF  }
0xc5: {  	_ =	shalt  }
tec
execute0_lowered:
.L_overlay_start_1:
0x0: {  	(tag) =	ssettag $0x1  }
0x1: {  	s0 =	rddreg [dreg:$0x0]  }
0x2: {  	s13 =	rddreg [dreg:$0x2]  }
0x3: {  	s14 =	rddreg [dreg:$0x3]  }
0x4: {  	s1 =	srdreg.scid;
	s12 =	stileid.u32  }
0x5: {  	s2 =	simm.s32 $0x0;
	s29 =	simm.s32 $0x2;
	s31 =	simm.s32 $0x640  }
0x6: {  	s15 =	sand.u32 $0x1, s1;
	s10 =	smul.u32 $0x270, s12;
	[smem:$0x7FF] =	sst s2  }
0x7: {  	s26 =	smul.u32 $0x4E000, s12;
	s28 =	sadd.s32 $0xB5E00, s0;
	p1 =	sne.s32 s12, $0xF  }
0x8: {  	s1 =	ssub.s32 $0x2, s15;
	_ =	strace $0x80000047;
	p0 =	sne.s32 s15, $0x0  }
0x9: {  	[dreg:$0x5] =	wrdreg s15;
	s3 =	sshrl.u32 s1, $0x1;
	s2 =	sshrl.u32 s26, $0x2  }
0xa: {  	s30 =	sadd.s32 $0x50, s10;
	s4 =	sadd.s32 $0xA0, s10;
	s5 =	sadd.s32 $0xF0, s10  }
0xb: {  	s6 =	sadd.s32 $0x140, s10;
	[dreg:$0x6] =	wrdreg s10;
	p2 =	sne.s32 @!p0 s12, $0xF  }
0xc: {  	s1 =	ssub.s32 s1, s3;
	s2 =	sadd.s32 s2, s13;
	s7 =	sshll.u32 s30, $0x7  }
0xd: {  	s8 =	sshll.u32 s4, $0x7;
	s9 =	sshll.u32 s5, $0x7;
	s11 =	sshll.u32 s6, $0x7  }
0xe: {  	s3 =	sshll.u32 s30, $0x3;
	s21 =	sshll.u32 s4, $0x3;
	s22 =	sshll.u32 s5, $0x3  }
0xf: {  	s23 =	sshll.u32 s6, $0x3;
	s5 =	sadd.s32 $0x1000, s0;
	[dreg:$0x7] =	wrdreg s2  }
0x10: {  	s6 =	sadd.s32 $0x9D400, s0;
	s2 =	sadd.s32 s7, s13;
	[dreg:$0x17] =	wrdreg s5  }
0x11: {  	s7 =	sadd.s32 $0x190, s10;
	s20 =	sadd.s32 s3, s14;
	[dreg:$0x18] =	wrdreg s6  }
0x12: {  	s24 =	sadd.s32 s23, s14;
	[dreg:$0x8] =	wrdreg s2;
	s2 =	sadd.s32 s8, s13  }
0x13: {  	s16 =	sshll.u32 s7, $0x7;
	s8 =	sadd.s32 $0x1E0, s10;
	[dreg:$0x10] =	wrdreg s20  }
0x14: {  	s10 =	sadd.s32 $0x230, s10;
	[dreg:$0x13] =	wrdreg s24;
	s25 =	sshll.u32 s7, $0x3  }
0x15: {  	s7 =	sadd.s32 $0xCE800, s0;
	[dreg:$0x9] =	wrdreg s2;
	s2 =	sadd.s32 s9, s13  }
0x16: {  	s9 =	sshll.u32 s8, $0x7;
	s18 =	sshll.u32 s10, $0x7;
	[dreg:$0x19] =	wrdreg s7  }
0x17: {  	s26 =	sshll.u32 s8, $0x3;
	s8 =	sadd.s32 $0xC9800, s0;
	[dreg:$0xa] =	wrdreg s2  }
0x18: {  	s30 =	sshll.u32 s10, $0x3;
	s10 =	smax.u32 s1, $0x1;
	[dreg:$0x1a] =	wrdreg s8  }
0x19: {  	p2 =	por p2, p0;
	s2 =	sadd.s32 s11, s13;
	[dreg:$0x1d] =	wrdreg s10  }
0x1a: {  	s5 =	simm.s32 $0x1;
	s17 =	sadd.s32 s9, s13;
	[dreg:$0xb] =	wrdreg s2  }
0x1b: {  	s20 =	simm.s32 $0x8C0;
	s4 =	sadd.s32 s30, s14;
	[dreg:$0xd] =	wrdreg s17  }
0x1c: {  	s9 =	smul.u32 $0x1380, s12;
	s2 =	sadd.s32 s16, s13;
	[dreg:$0x16] =	wrdreg s4  }
0x1d: {  	s1 =	simm.s32 $0x0;
	s11 =	smul.u32 $0x4E00, s12;
	[dreg:$0xc] =	wrdreg s2  }
0x1e: {  	s16 =	sadd.s32 $0x138000, s13;
	s17 =	sshll.u32 s15, $0x2;
	[dreg:$0x1b] =	wrdreg s9  }
0x1f: {  	s2 =	sadd.s32 s18, s13;
	s19 =	sshrl.u32 s11, $0x2;
	[smem:$0x7FC] =	sst s16  }
0x20: {  	s11 =	smul.u32 $0x4E20, s12;
	s18 =	sadd.s32 $0x13800, s14;
	[dreg:$0xe] =	wrdreg s2  }
0x21: {  	s12 =	smul.u32 $0x2710, s15;
	s2 =	sadd.s32 s19, s14;
	[smem:$0x7FD] =	sst s18  }
0x22: {  	s23 =	sor.u32 $0x8, s17;
	s24 =	sor.u32 $0x9, s17;
	[dreg:$0xf] =	wrdreg s2  }
0x23: {  	s30 =	sor.u32 $0xB, s17;
	s16 =	simm.s32 $0x50;
	[dreg:$0x1f] =	wrdreg s11  }
0x24: {  	s19 =	sor.u32 $0x1, s17;
	s2 =	sadd.s32 s21, s14;
	[smem:$0x7FB] =	sst s12  }
0x25: {  	s18 =	simm.s32 $0x3C0;
	[dreg:$0x11] =	wrdreg s2;
	s2 =	sadd.s32 s22, s14  }
0x26: {  	s21 =	sor.u32 $0x2, s17;
	[dreg:$0x12] =	wrdreg s2;
	s2 =	sadd.s32 s25, s14  }
0x27: {  	v9 =	vlaneseq.u32;
	s12 =	simm.s32 $0xDC0;
	s22 =	sshllo.u32 s15, $0x2;
	[dreg:$0x14] =	wrdreg s2  }
0x28: {  	v10 =	vimm.f32 $0.0e+00;
	v8 =	vshrl.u32 v9, $0x3;
	v9 =	vand.u32 $0x7, v9;
	s2 =	sadd.s32 s26, s14;
	s26 =	sadd.s32 $0xA2400, s0;
	s0 =	sadd.s32 $0xF5800, s0  }
0x29: {  	v8 =	vmul.u32 $0x8, v8;
	v0 =	vmov s17;
	v2 =	vmov s21;
	s21 =	simm.s32 $0x1040;
	[dreg:$0x1c] =	wrdreg s0;
	s0 =	sadd.s32 s9, s14  }
0x2a: {  	v4 =	vmov s23;
	v5 =	vmov s24;
	v7 =	vmov s30;
	s25 =	sor.u32 $0xA, s17;
	[dreg:$0x15] =	wrdreg s2;
	s0 =	sshrl.u32 @!p0 s0, $0x3  }
0x2b: {  	v1 =	vmov s19;
	v3 =	vmov s22;
	v6 =	vmov s25;
	s14 =	simm.s32 $0xB;
	s9 =	simm.s32 $0xB40;
	[dreg:$0x1e] =	wrdreg s0  }
.LBB2_1:
0x2c: {  	[smem:$0x7FA] =	sst s1;
	p4 =	por $0x1, $0x1;
	s3 =	simm.s32 $0x0  }
.LBB2_2:
0x2d: {  	s0 =	simm.s32 $0x0  }
0x2e: {  	v11 =	vmov s0  }
0x2f: {  	v11 =	vshll.u32 v11, $0x3  }
0x30: {  	v11 =	vor.u32 v8, v11  }
0x31: {  	v11 =	vor.u32 v9, v11;
	_ =	sdelay $0x4  }
0x32: {  	s0 =	simm.s32 $0x6340;
	[tilespmem:v11+s12+$0x0] =	vst.idx.msk $0xffff, v10  }
0x33: {  	[tilespmem:s0+$0x70] =	vst v10  }
0x34: {  	[tilespmem:s0+$0xFFFFFF80] =	vst v10  }
0x35: {  	[tilespmem:s0+$0x0] =	vst v10  }
0x36: {  	[tilespmem:s0+$0xFFFFFF90] =	vst v10  }
0x37: {  	[tilespmem:s0+$0x10] =	vst v10  }
0x38: {  	[tilespmem:s0+$0xFFFFFFA0] =	vst v10  }
0x39: {  	[tilespmem:s0+$0x20] =	vst v10  }
0x3a: {  	s1 =	simm.s32 $0x2;
	[tilespmem:s0+$0xFFFFFFB0] =	vst v10  }
0x3b: {  	v11 =	vmov s1;
	[tilespmem:s0+$0x30] =	vst v10  }
0x3c: {  	p3 =	por p4, p4;
	s1 =	simm.s32 $0x4;
	v11 =	vshll.u32 v11, $0x3;
	[tilespmem:s0+$0xFFFFFFC0] =	vst v10  }
.LBB2_3:
0x3d: {  	p4 =	sne.s32 s1, $0x4E;
	v11 =	vor.u32 v8, v11;
	[tilespmem:s0+$0x40] =	vst v10  }
0x3e: {  	v11 =	vor.u32 v9, v11;
	[tilespmem:s0+$0xFFFFFFD0] =	vst v10  }
0x3f: {  	[tilespmem:s0+$0x50] =	vst v10  }
0x40: {  	[tilespmem:s0+$0xFFFFFFE0] =	vst v10  }
0x41: {  	[tilespmem:s0+$0x60] =	vst v10  }
0x42: {  	[tilespmem:s0+$0xFFFFFFF0] =	vst v10  }
0x43: {  	s0 =	sadd.s32 $0x100, s0;
	[tilespmem:v11+s12+$0x0] =	vst.idx.msk $0xffff, v10  }
0x44: {  	[tilespmem:s0+$0x70] =	vst v10  }
0x45: {  	[tilespmem:s0+$0xFFFFFF80] =	vst v10  }
0x46: {  	[tilespmem:s0+$0x0] =	vst v10  }
0x47: {  	[tilespmem:s0+$0xFFFFFF90] =	vst v10  }
0x48: {  	[tilespmem:s0+$0x10] =	vst v10  }
.Ltmp0:
0x49: {  	[tilespmem:s0+$0xFFFFFFA0] =	vst v10;
	(pc) =	sbr.rel @p4 .LBB2_3-.Ltmp0, $4  }
0x4a: {  	[tilespmem:s0+$0x20] =	vst v10  }
0x4b: {  	[tilespmem:s0+$0xFFFFFFB0] =	vst v10  }
0x4c: {  	v11 =	vmov s1;
	[tilespmem:s0+$0x30] =	vst v10  }
0x4d: {  	s1 =	sadd.s32 $0x2, s1;
	v11 =	vshll.u32 v11, $0x3;
	[tilespmem:s0+$0xFFFFFFC0] =	vst v10  }
0x4e: {  	v11 =	vor.u32 v8, v11;
	[tilespmem:s0+$0x40] =	vst v10  }
0x4f: {  	[tilespmem:s0+$0xFFFFFFD0] =	vst v10;
	v11 =	vor.u32 v9, v11  }
0x50: {  	[tilespmem:s0+$0x50] =	vst v10  }
0x51: {  	[tilespmem:s0+$0xFFFFFFE0] =	vst v10  }
0x52: {  	[tilespmem:s0+$0x60] =	vst v10  }
0x53: {  	[tilespmem:s0+$0xFFFFFFF0] =	vst v10  }
0x54: {  	s2 =	sadd.s32 $0x100, s0;
	[tilespmem:v11+s12+$0x0] =	vst.idx.msk $0xffff, v10  }
0x55: {  	[tilespmem:s2+$0x70] =	vst v10  }
0x56: {  	[tilespmem:s2+$0xFFFFFF80] =	vst v10  }
0x57: {  	[tilespmem:s2+$0x0] =	vst v10  }
0x58: {  	[tilespmem:s2+$0xFFFFFF90] =	vst v10  }
0x59: {  	[tilespmem:s2+$0x10] =	vst v10  }
0x5a: {  	[tilespmem:s2+$0xFFFFFFA0] =	vst v10  }
0x5b: {  	[tilespmem:s2+$0x20] =	vst v10  }
0x5c: {  	[tilespmem:s2+$0xFFFFFFB0] =	vst v10  }
0x5d: {  	[tilespmem:s2+$0x30] =	vst v10  }
0x5e: {  	[tilespmem:s2+$0xFFFFFFC0] =	vst v10  }
0x5f: {  	[tilespmem:s2+$0x40] =	vst v10  }
0x60: {  	[tilespmem:s2+$0xFFFFFFD0] =	vst v10  }
0x61: {  	[tilespmem:s2+$0x50] =	vst v10  }
0x62: {  	[tilespmem:s2+$0xFFFFFFE0] =	vst v10  }
0x63: {  	[tilespmem:s2+$0x60] =	vst v10  }
0x64: {  	[tilespmem:s2+$0xFFFFFFF0] =	vst v10  }
0x65: {  	s1 =	simm.s32 $0x62C0;
	s0 =	rddreg [dreg:$0x7]  }
0x66: {  	[spmem:s0] =	stream.linear.scatter [tilespmem:s1], [sflag:$0xB], $0x2800, $0x38;
	[tilespmem:$0x1D6C8] =	vst v63  }
0x67: {  	s4 =	rddreg [dreg:$0x8]  }
0x68: {  	[spmem:s4] =	stream.linear.scatter [tilespmem:s1], [sflag:$0xB], $0x2800, $0x38;
	[tilespmem:$0x1D6C8] =	vst v63  }
0x69: {  	s6 =	rddreg [dreg:$0x9]  }
0x6a: {  	[spmem:s6] =	stream.linear.scatter [tilespmem:s1], [sflag:$0xB], $0x2800, $0x38;
	[tilespmem:$0x1D6C8] =	vst v63  }
0x6b: {  	s7 =	rddreg [dreg:$0xa]  }
0x6c: {  	[spmem:s7] =	stream.linear.scatter [tilespmem:s1], [sflag:$0xB], $0x2800, $0x38;
	[tilespmem:$0x1D6C8] =	vst v63  }
0x6d: {  	s8 =	rddreg [dreg:$0xb]  }
0x6e: {  	[spmem:s8] =	stream.linear.scatter [tilespmem:s1], [sflag:$0xB], $0x2800, $0x38;
	[tilespmem:$0x1D6C8] =	vst v63  }
0x6f: {  	s10 =	rddreg [dreg:$0xc]  }
0x70: {  	[spmem:s10] =	stream.linear.scatter [tilespmem:s1], [sflag:$0xB], $0x2800, $0x38;
	[tilespmem:$0x1D6C8] =	vst v63  }
0x71: {  	s11 =	rddreg [dreg:$0xd]  }
0x72: {  	[spmem:s11] =	stream.linear.scatter [tilespmem:s1], [sflag:$0xB], $0x2800, $0x38;
	[tilespmem:$0x1D6C8] =	vst v63  }
0x73: {  	s13 =	rddreg [dreg:$0xe]  }
0x74: {  	[spmem:s13] =	stream.linear.scatter [tilespmem:s1], [sflag:$0xB], $0x2000, $0x38;
	[tilespmem:$0x1D6C8] =	vst v63  }
0x75: {  	_ =	swait.ge [sflag:s14], $0x2800  }
0x76: {  	[sflag:s14] =	ssyncset.done $0x0  }
0x77: {  	[sflag:s14] =	ssyncadd.s32 $0xFFFFD800  }
0x78: {  	_ =	swait.ge [sflag:s14], $0x2800  }
0x79: {  	[sflag:s14] =	ssyncset.done $0x0  }
0x7a: {  	[sflag:s14] =	ssyncadd.s32 $0xFFFFD800  }
0x7b: {  	_ =	swait.ge [sflag:s14], $0x2800  }
0x7c: {  	[sflag:s14] =	ssyncset.done $0x0  }
0x7d: {  	[sflag:s14] =	ssyncadd.s32 $0xFFFFD800  }
0x7e: {  	_ =	swait.ge [sflag:s14], $0x2800  }
0x7f: {  	[sflag:s14] =	ssyncset.done $0x0  }
0x80: {  	[sflag:s14] =	ssyncadd.s32 $0xFFFFD800  }
0x81: {  	_ =	swait.ge [sflag:s14], $0x2800  }
0x82: {  	[sflag:s14] =	ssyncset.done $0x0  }
0x83: {  	[sflag:s14] =	ssyncadd.s32 $0xFFFFD800  }
0x84: {  	_ =	swait.ge [sflag:s14], $0x2800  }
0x85: {  	[sflag:s14] =	ssyncset.done $0x0  }
0x86: {  	[sflag:s14] =	ssyncadd.s32 $0xFFFFD800  }
0x87: {  	_ =	swait.ge [sflag:s14], $0x2800  }
0x88: {  	[sflag:s14] =	ssyncset.done $0x0  }
0x89: {  	[sflag:s14] =	ssyncadd.s32 $0xFFFFD800  }
0x8a: {  	_ =	swait.ge [sflag:s14], $0x2000  }
0x8b: {  	s1 =	sld [smem:$0x7FC]  }
0x8c: {  	[sflag:s14] =	ssyncset.done $0x0  }
0x8d: {  	s0 =	simm.s32 @!p1 $0x62C0;
	[sflag:s14] =	ssyncadd.s32 $0xFFFFE000  }
0x8e: {  	[spmem:s1] =	stream.linear.scatter @!p1 [tilespmem:s0], [sflag:$0xC], $0x800, $0x38;
	[tilespmem:$0x1D6C8] =	vst v63  }
0x8f: {  	s0 =	simm.s32 @!p1 $0xC  }
0x90: {  	_ =	swait.ge @!p1 [sflag:s0], $0x800  }
0x91: {  	[sflag:s0] =	ssyncset.done @!p1 $0x0  }
0x92: {  	s1 =	rddreg [dreg:$0xf];
	[sflag:s0] =	ssyncadd.s32 @!p1 $0xFFFFF800;
	s0 =	simm.s32 @!p0 $0xDC0  }
0x93: {  	[spmem:s1] =	stream.linear.scatter @!p0 [tilespmem:s0], [sflag:$0xC], $0x280, $0x38;
	[tilespmem:$0x1D6C8] =	vst v63  }
0x94: {  	s1 =	simm.s32 @!p0 $0xC  }
0x95: {  	_ =	swait.ge @!p0 [sflag:s1], $0x280  }
0x96: {  	[sflag:s1] =	ssyncset.done @!p0 $0x0  }
0x97: {  	s2 =	rddreg [dreg:$0x10];
	[sflag:s1] =	ssyncadd.s32 @!p0 $0xFFFFFD80  }
0x98: {  	[spmem:s2] =	stream.linear.scatter @!p0 [tilespmem:s0], [sflag:$0xC], $0x280, $0x38;
	[tilespmem:$0x1D6C8] =	vst v63  }
0x99: {  	_ =	swait.ge @!p0 [sflag:s1], $0x280  }
0x9a: {  	[sflag:s1] =	ssyncset.done @!p0 $0x0  }
0x9b: {  	s2 =	rddreg [dreg:$0x11];
	[sflag:s1] =	ssyncadd.s32 @!p0 $0xFFFFFD80  }
0x9c: {  	[spmem:s2] =	stream.linear.scatter @!p0 [tilespmem:s0], [sflag:$0xC], $0x280, $0x38;
	[tilespmem:$0x1D6C8] =	vst v63  }
0x9d: {  	_ =	swait.ge @!p0 [sflag:s1], $0x280  }
0x9e: {  	[sflag:s1] =	ssyncset.done @!p0 $0x0  }
0x9f: {  	s2 =	rddreg [dreg:$0x12];
	[sflag:s1] =	ssyncadd.s32 @!p0 $0xFFFFFD80  }
0xa0: {  	[spmem:s2] =	stream.linear.scatter @!p0 [tilespmem:s0], [sflag:$0xC], $0x280, $0x38;
	[tilespmem:$0x1D6C8] =	vst v63  }
0xa1: {  	_ =	swait.ge @!p0 [sflag:s1], $0x280  }
0xa2: {  	[sflag:s1] =	ssyncset.done @!p0 $0x0  }
0xa3: {  	s2 =	rddreg [dreg:$0x13];
	[sflag:s1] =	ssyncadd.s32 @!p0 $0xFFFFFD80  }
0xa4: {  	[spmem:s2] =	stream.linear.scatter @!p0 [tilespmem:s0], [sflag:$0xC], $0x280, $0x38;
	[tilespmem:$0x1D6C8] =	vst v63  }
0xa5: {  	_ =	swait.ge @!p0 [sflag:s1], $0x280  }
0xa6: {  	[sflag:s1] =	ssyncset.done @!p0 $0x0  }
0xa7: {  	s2 =	rddreg [dreg:$0x14];
	[sflag:s1] =	ssyncadd.s32 @!p0 $0xFFFFFD80  }
0xa8: {  	[spmem:s2] =	stream.linear.scatter @!p0 [tilespmem:s0], [sflag:$0xC], $0x280, $0x38;
	[tilespmem:$0x1D6C8] =	vst v63  }
0xa9: {  	_ =	swait.ge @!p0 [sflag:s1], $0x280  }
0xaa: {  	[sflag:s1] =	ssyncset.done @!p0 $0x0  }
0xab: {  	s2 =	rddreg [dreg:$0x15];
	[sflag:s1] =	ssyncadd.s32 @!p0 $0xFFFFFD80  }
0xac: {  	[spmem:s2] =	stream.linear.scatter @!p0 [tilespmem:s0], [sflag:$0xC], $0x280, $0x38;
	[tilespmem:$0x1D6C8] =	vst v63  }
0xad: {  	_ =	swait.ge @!p0 [sflag:s1], $0x280  }
0xae: {  	[sflag:s1] =	ssyncset.done @!p0 $0x0  }
0xaf: {  	s2 =	rddreg [dreg:$0x16];
	[sflag:s1] =	ssyncadd.s32 @!p0 $0xFFFFFD80  }
0xb0: {  	[spmem:s2] =	stream.linear.scatter @!p0 [tilespmem:s0], [sflag:$0xC], $0x200, $0x38;
	[tilespmem:$0x1D6C8] =	vst v63  }
0xb1: {  	_ =	swait.ge @!p0 [sflag:s1], $0x200  }
0xb2: {  	[sflag:s1] =	ssyncset.done @!p0 $0x0  }
0xb3: {  	[sflag:s1] =	ssyncadd.s32 @!p0 $0xFFFFFE00;
	s1 =	sld [smem:$0x7FD];
	_ =	sdelay $0x1  }
0xb4: {  	s0 =	simm.s32 @!p2 $0xDC0;
	s2 =	simm.s32 @!p2 $0xC  }
0xb5: {  	[spmem:s1] =	stream.linear.scatter @!p2 [tilespmem:s0], [sflag:$0xC], $0x80, $0x38;
	[tilespmem:$0x1D6C8] =	vst v63  }
0xb6: {  	s15 =	smul.u32 $0x4E200, s3;
	_ =	swait.ge @!p2 [sflag:s2], $0x80  }
0xb7: {  	s17 =	rddreg [dreg:$0x1f]  }
0xb8: {  	[sflag:s2] =	ssyncset.done @!p2 $0x0;
	s1 =	sadd.s32 s17, s15  }
0xb9: {  	s22 =	simm.s32 $0x0;
	[sflag:s2] =	ssyncadd.s32 @!p2 $0xFFFFFF80;
	s0 =	sshrl.u32 s1, $0x3  }
0xba: {  	s6 =	simm.s32 $0xC;
	[bflag:$0x0] =	sbarrier.arrive $0xFFFF;
	s19 =	sadd.s32 s26, s0  }
0xbb: {  	[tilespmem:s22], [sflag:$0xC] =	stream.linear.gather [hbm4b:s19+s22], $0x50, $0x38;
	[tilespmem:$0x1D6C8] =	vst v63  }
0xbc: {  	_ =	swait.ge [sflag:s6], $0x50  }
0xbd: {  	[sflag:s6] =	ssyncset.done $0x0  }
0xbe: {  	s4 =	simm.s32 $0xA0;
	s23 =	sadd.s32 s28, s0;
	[sflag:s6] =	ssyncadd.s32 $0xFFFFFFB0  }
0xbf: {  	[tilespmem:s4], [sflag:$0xC] =	stream.linear.gather [hbm4b:s23+s22], $0x50, $0x38;
	[tilespmem:$0x1D6C8] =	vst v63  }
0xc0: {  	_ =	swait.ge [sflag:s6], $0x50  }
0xc1: {  	s7 =	smov.u32 s3;
	s30 =	sld [smem:$0x7FB]  }
0xc2: {  	s24 =	smul.u32 $0x4E20, s7  }
0xc3: {  	s2 =	simm.s32 $0x0;
	[sflag:s6] =	ssyncset.done $0x0  }
0xc4: {  	[smem:$0x7F8] =	sst s7;
	[sflag:s6] =	ssyncadd.s32 $0xFFFFFFB0;
	s3 =	sadd.s32 s30, s24  }
0xc5: {  	v13 =	vld [tilespmem:s2+$0xA0];
	[smem:$0x7F9] =	sst s3  }
0xc6: {  	s25 =	smul.u32 $0x2710, s7;
	v14 =	vld [tilespmem:s2+$0x0];
	_ =	sdelay $0x1  }
0xc7: {  	v11 =	vmov s25;
	v12 =	vmov s3;
	s3 =	simm.s32 $0x40  }
.LBB2_5:
0xc8: {  	p4 =	sne.s32 s3, $0x100  }
.Ltmp1:
0xc9: {  	s4 =	sshra.s32 s3, $0x2;
	s3 =	sadd.s32 $0x40, s3;
	v15 =	vadd.s32 v11, v13;
	v18 =	vadd.s32 v12, v13;
	(pc) =	sbr.rel @p4 .LBB2_5-.Ltmp1, $4  }
0xca: {  	v13 =	vld [tilespmem:s4+$0xA0];
	v17 =	vadd.s32 v11, v14;
	[tilespmem:s2+$0x320] =	vst v18;
	v16 =	vmov v14  }
0xcb: {  	v14 =	vld [tilespmem:s4+$0x0];
	[tilespmem:s2+$0x1E0] =	vst v17  }
0xcc: {  	[tilespmem:s2+$0x280] =	vst v15  }
0xcd: {  	[tilespmem:s2+$0x140] =	vst v16;
	s2 =	smov.u32 s4  }
0xce: {  	_ = 	snop  }
0xcf: {  	v15 =	vadd.s32 v12, v13  }
0xd0: {  	v13 =	vadd.s32 v11, v13;
	[tilespmem:s2+$0x320] =	vst v15  }
0xd1: {  	[tilespmem:s2+$0x280] =	vst v13  }
0xd2: {  	s11 =	rddreg [dreg:$0x1];
	v16 =	vadd.s32 v11, v14;
	[tilespmem:s2+$0x140] =	vst v14  }
0xd3: {  	s3 =	simm.s32 $0x1E0;
	s15 =	simm.s32 $0x280;
	s19 =	simm.s32 $0x320;
	[tilespmem:s2+$0x1E0] =	vst v16  }
0xd4: {  	[tilespmem:s18], [sflag:$0x3] =	stream.indirect.gather [hbm4b:s11+s16], $0x8, s3, s16, $0xb8;
	[tilespmem:$0x1D6C8] =	vst v63  }
0xd5: {  	s4 =	simm.s32 $0x12C0;
	s22 =	sadd.s32 $0xA, s0;
	s13 =	rddreg [dreg:$0x18]  }
0xd6: {  	[tilespmem:s20], [sflag:$0x5] =	stream.indirect.gather [hbm4b:s13+s16], $0x8, s15, s16, $0xb8;
	[tilespmem:$0x1D6C8] =	vst v63  }
0xd7: {  	s0 =	simm.s32 $0x0;
	s25 =	sadd.s32 $0xA0, s1;
	s17 =	rddreg [dreg:$0x17]  }
0xd8: {  	[tilespmem:s4], [sflag:$0x7] =	stream.indirect.gather [hbm4b:s17+s16], $0x80, s19, s16, $0xb8;
	[tilespmem:$0x1D6C8] =	vst v63  }
0xd9: {  	s30 =	sadd.s32 $0xF0, s1;
	s23 =	sadd.s32 s26, s22;
	[smem:$0x7F6] =	sst s25  }
0xda: {  	[tilespmem:s16], [sflag:$0x2] =	stream.linear.gather [hbm4b:s23+s0], $0x50, $0x38;
	[tilespmem:$0x1D6C8] =	vst v63  }
0xdb: {  	s24 =	simm.s32 $0xF0;
	s2 =	sadd.s32 s28, s22;
	[smem:$0x7F7] =	sst s30  }
0xdc: {  	[tilespmem:s24], [sflag:$0x2] =	stream.linear.gather [hbm4b:s2+s0], $0x50, $0x38;
	[tilespmem:$0x1D6C8] =	vst v63  }
.LBB2_7:
0xdd: {  	p4 =	seq.s32 s0, $0x0  }
0xde: {  	s2 =	rddreg [dreg:$0x5];
	s1 =	simm.s32 @!p4 $0xB  }
0xdf: {  	p5 =	sne.s32 @!p4 s2, $0x0;
	_ =	swait.ge @!p4 [sflag:s1], $0x2800  }
0xe0: {  	p5 =	por p5, p4;
	[sflag:s1] =	ssyncset.done @!p4 $0x0  }
0xe1: {  	[sflag:s1] =	ssyncadd.s32 @!p4 $0xFFFFD800;
	s1 =	simm.s32 @!p5 $0xA  }
0xe2: {  	_ =	swait.ge @!p5 [sflag:s1], $0x280  }
0xe3: {  	[sflag:s1] =	ssyncset.done @!p5 $0x0  }
0xe4: {  	[sflag:s1] =	ssyncadd.s32 @!p5 $0xFFFFFD80  }
0xe5: {  	_ =	swait.ge [sflag:s29], $0x50  }
0xe6: {  	[sflag:s29] =	ssyncset.done $0x0  }
0xe7: {  	[sflag:s29] =	ssyncadd.s32 $0xFFFFFFB0  }
0xe8: {  	_ =	swait.ge [sflag:s29], $0x50  }
0xe9: {  	[sflag:s29] =	ssyncset.done $0x0  }
0xea: {  	s1 =	simm.s32 $0x0;
	[sflag:s29] =	ssyncadd.s32 $0xFFFFFFB0  }
0xeb: {  	v14 =	vld [tilespmem:s1+$0xF0]  }
0xec: {  	v13 =	vld [tilespmem:s1+$0x50];
	_ =	sdelay $0x1  }
0xed: {  	s2 =	simm.s32 $0x40  }
.LBB2_8:
0xee: {  	p4 =	sne.s32 s2, $0x100  }
.Ltmp2:
0xef: {  	s3 =	sshra.s32 s2, $0x2;
	s2 =	sadd.s32 $0x40, s2;
	v15 =	vadd.s32 v11, v14;
	v18 =	vadd.s32 v12, v14;
	(pc) =	sbr.rel @p4 .LBB2_8-.Ltmp2, $4  }
0xf0: {  	v14 =	vld [tilespmem:s3+$0xF0];
	v17 =	vadd.s32 v11, v13;
	[tilespmem:s1+$0x370] =	vst v18;
	v16 =	vmov v13  }
0xf1: {  	v13 =	vld [tilespmem:s3+$0x50];
	[tilespmem:s1+$0x230] =	vst v17  }
0xf2: {  	[tilespmem:s1+$0x2D0] =	vst v15  }
0xf3: {  	[tilespmem:s1+$0x190] =	vst v16;
	s1 =	smov.u32 s3  }
0xf4: {  	_ = 	snop  }
0xf5: {  	v15 =	vadd.s32 v12, v14  }
0xf6: {  	v16 =	vadd.s32 v11, v13;
	[tilespmem:s1+$0x370] =	vst v15  }
0xf7: {  	[tilespmem:s1+$0x230] =	vst v16  }
0xf8: {  	p4 =	seq.s32 s0, $0x7C;
	s3 =	sld [smem:$0x7F6]  }
0xf9: {  	s2 =	smul.u32 @!p4 $0xA0, s0;
	_ =	sdelay $0x1  }
0xfa: {  	v14 =	vadd.s32 v11, v14;
	s2 =	sadd.s32 @!p4 s2, s3  }
0xfb: {  	[tilespmem:s1+$0x2D0] =	vst v14;
	s2 =	sshrl.u32 @!p4 s2, $0x3  }
0xfc: {  	[tilespmem:s1+$0x190] =	vst v13;
	s3 =	simm.s32 @!p4 $0x0;
	s1 =	sadd.s32 @!p4 s26, s2  }
0xfd: {  	[tilespmem:s3], [sflag:$0x1] =	stream.linear.gather @!p4 [hbm4b:s1+s3], $0x50, $0x38;
	[tilespmem:$0x1D6C8] =	vst v63  }
0xfe: {  	s15 =	rddreg [dreg:$0x1];
	s1 =	sadd.s32 @!p4 s28, s2;
	s2 =	simm.s32 @!p4 $0xA0  }
0xff: {  	[tilespmem:s2], [sflag:$0x1] =	stream.linear.gather @!p4 [hbm4b:s1+s3], $0x50, $0x38;
	[tilespmem:$0x1D6C8] =	vst v63  }
0x100: {  	s17 =	simm.s32 $0x230;
	s22 =	simm.s32 $0x2D0;
	s23 =	simm.s32 $0x2  }
0x101: {  	[tilespmem:s31], [sflag:$0x4] =	stream.indirect.gather [hbm4b:s15+s16], $0x8, s17, s16, $0xb8;
	[tilespmem:$0x1D6C8] =	vst v63  }
0x102: {  	s24 =	simm.s32 $0x0;
	s30 =	simm.s32 $0x370;
	s19 =	rddreg [dreg:$0x18]  }
0x103: {  	[tilespmem:s9], [sflag:$0x6] =	stream.indirect.gather [hbm4b:s19+s16], $0x8, s22, s16, $0xb8;
	[tilespmem:$0x1D6C8] =	vst v63  }
0x104: {  	s4 =	simm.s32 $0x3AC0;
	v13 =	vmov s23;
	s25 =	rddreg [dreg:$0x17];
	s3 =	simm.s32 $0x3  }
0x105: {  	v14 =	vmov s24;
	v13 =	vshll.u32 v13, $0x3;
	[tilespmem:s4], [sflag:$0x8] =	stream.indirect.gather [hbm4b:s25+s16], $0x80, s30, s16, $0xb8;
	[tilespmem:$0x1D6C8] =	vst v63  }
0x106: {  	v14 =	vshll.u32 v14, $0x3;
	v13 =	vor.u32 v8, v13;
	_ =	swait.ge [sflag:s3], $0x280  }
0x107: {  	v14 =	vor.u32 v8, v14;
	v26 =	vor.u32 v9, v13;
	s4 =	simm.s32 $0x8;
	[sflag:s3] =	ssyncset.done $0x0  }
0x108: {  	s6 =	simm.s32 $0x6;
	s7 =	simm.s32 $0x5;
	v27 =	vor.u32 v9, v14;
	v13 =	vmov s4;
	[sflag:s3] =	ssyncadd.s32 $0xFFFFFD80  }
0x109: {  	v14 =	vmov s6;
	v13 =	vshll.u32 v13, $0x3;
	_ =	swait.ge [sflag:s7], $0x280  }
0x10a: {  	v14 =	vshll.u32 v14, $0x3;
	v13 =	vor.u32 v8, v13;
	[sflag:s7] =	ssyncset.done $0x0  }
0x10b: {  	s8 =	simm.s32 $0xC;
	v15 =	vor.u32 v8, v14;
	v14 =	vor.u32 v9, v13;
	[sflag:s7] =	ssyncadd.s32 $0xFFFFFD80  }
0x10c: {  	v13 =	vor.u32 v9, v15;
	v15 =	vmov s8;
	v17 =	vld.idx.msk [tilespmem:v26+s20+$0x0], $0xffff  }
0x10d: {  	v15 =	vshll.u32 v15, $0x3;
	v18 =	vld.idx.msk [tilespmem:v27+s20+$0x0], $0xffff  }
0x10e: {  	v15 =	vor.u32 v8, v15;
	v19 =	vld.idx.msk [tilespmem:v27+s18+$0x0], $0xffff  }
0x10f: {  	v20 =	vld.idx.msk [tilespmem:v26+s18+$0x0], $0xffff;
	v15 =	vor.u32 v9, v15  }
0x110: {  	v21 =	vld.idx.msk [tilespmem:v14+s20+$0x0], $0xffff  }
0x111: {  	s10 =	simm.s32 $0xE;
	s11 =	simm.s32 $0x4;
	v22 =	vld.idx.msk [tilespmem:v13+s18+$0x0], $0xffff  }
0x112: {  	v25 =	vmov s11;
	v16 =	vmov s10;
	v23 =	vld.idx.msk [tilespmem:v14+s18+$0x0], $0xffff  }
0x113: {  	s13 =	simm.s32 $0xA;
	v25 =	vshll.u32 v25, $0x3;
	v16 =	vshll.u32 v16, $0x3;
	v24 =	vld.idx.msk [tilespmem:v13+s20+$0x0], $0xffff  }
0x114: {  	v28 =	vmov s13;
	v25 =	vor.u32 v8, v25;
	v16 =	vor.u32 v8, v16;
	s22 =	simm.s32 $0x14;
	v29 =	vld.idx.msk [tilespmem:v15+s18+$0x0], $0xffff  }
0x115: {  	v16 =	vor.u32 v9, v16;
	v34 =	vmov s22;
	s25 =	simm.s32 $0x1A;
	s30 =	simm.s32 $0x1C;
	v30 =	vld.idx.msk [tilespmem:v15+s20+$0x0], $0xffff;
	v18 =	vadd.f32 v18, v19  }
0x116: {  	v38 =	vmov s25;
	v46 =	vmov s30;
	v19 =	vshll.u32 v28, $0x3  }
0x117: {  	v20 =	vadd.f32 v17, v20;
	v28 =	vmul.f32 $2.000000030e-01, v18;
	v21 =	vadd.f32 v21, v23  }
0x118: {  	v17 =	vor.u32 v9, v25;
	v19 =	vor.u32 v8, v19;
	v22 =	vadd.f32 v24, v22  }
0x119: {  	v23 =	vmul.f32 $2.000000030e-01, v20;
	v18 =	vmax.f32 v18, v28;
	v24 =	vmul.f32 $2.000000030e-01, v21  }
0x11a: {  	v25 =	vld.idx.msk [tilespmem:v16+s18+$0x0], $0xffff;
	v28 =	vsub.f32 $0.0e+00, v18;
	v29 =	vadd.f32 v30, v29;
	v30 =	vmul.f32 $2.000000030e-01, v22  }
0x11b: {  	v47 =	vshll.u32 v46, $0x3;
	v20 =	vmax.f32 v20, v23;
	v18 =	vor.u32 v9, v19;
	v19 =	vld.idx.msk [tilespmem:v16+s20+$0x0], $0xffff  }
0x11c: {  	s15 =	simm.s32 $0x1E;
	v21 =	vmax.f32 v21, v24;
	v23 =	vmul.f32 $1.442695020e+00, v28;
	v22 =	vmax.f32 v22, v30  }
0x11d: {  	s17 =	simm.s32 $0x10;
	s19 =	simm.s32 $0x12;
	v24 =	vmul.f32 $2.000000030e-01, v29;
	v28 =	vsub.f32 $0.0e+00, v20;
	v30 =	vmov s15  }
0x11e: {  	v31 =	vsub.f32 $0.0e+00, v21;
	v20 =	vmov s17;
	v21 =	vmov s19  }
0x11f: {  	v22 =	vsub.f32 $0.0e+00, v22;
	v20 =	vshll.u32 v20, $0x3;
	v21 =	vshll.u32 v21, $0x3  }
0x120: {  	v32 =	vld.idx.msk [tilespmem:v17+s18+$0x0], $0xffff;
	v21 =	vor.u32 v8, v21;
	v25 =	vadd.f32 v19, v25;
	v19 =	vor.u32 v8, v20  }
0x121: {  	s23 =	simm.s32 $0x16;
	s24 =	simm.s32 $0x18;
	v33 =	vld.idx.msk [tilespmem:v17+s20+$0x0], $0xffff;
	v30 =	vshll.u32 v30, $0x3;
	v20 =	vor.u32 v9, v19;
	v19 =	vor.u32 v9, v21  }
0x122: {  	(erf) = vpow2.f32 v23;
	v23 =	vmov s24;
	v21 =	vmov s23  }
0x123: {  	v28 =	vmul.f32 $1.442695020e+00, v28;
	v35 =	vld.idx.msk [tilespmem:v18+s18+$0x0], $0xffff;
	v23 =	vshll.u32 v23, $0x3;
	v21 =	vshll.u32 v21, $0x3  }
0x124: {  	v24 =	vmax.f32 v29, v24;
	v36 =	vld.idx.msk [tilespmem:v18+s20+$0x0], $0xffff;
	v29 =	vor.u32 v8, v23;
	v21 =	vor.u32 v8, v21  }
0x125: {  	v31 =	vmul.f32 $1.442695020e+00, v31;
	v23 =	vor.u32 v9, v21;
	v21 =	vor.u32 v9, v29  }
0x126: {  	v30 =	vor.u32 v8, v30;
	v32 =	vadd.f32 v33, v32;
	v49 =	vmul.f32 $1.442695020e+00, v22;
	v39 =	vld.idx.msk [tilespmem:v19+s20+$0x0], $0xffff  }
0x127: {  	v22 =	vor.u32 v8, v47;
	v24 =	vsub.f32 $0.0e+00, v24;
	(erf) = vpow2.f32 v28;
	v48 =	vld.idx.msk [tilespmem:v20+s20+$0x0], $0xffff  }
0x128: {  	v22 =	vor.u32 v9, v22;
	v37 =	vmul.f32 $2.000000030e-01, v25;
	v51 =	vmul.f32 $2.000000030e-01, v32;
	v50 =	vld.idx.msk [tilespmem:v20+s18+$0x0], $0xffff  }
0x129: {  	(erf) = vpow2.f32 v31;
	v52 =	vmul.f32 $1.442695020e+00, v24;
	v28 =	vadd.f32 v36, v35;
	v40 =	vld.idx.msk [tilespmem:v19+s18+$0x0], $0xffff  }
0x12a: {  	v24 =	vor.u32 v9, v30;
	(erf) = vpow2.f32 v49;
	v32 =	vmax.f32 v32, v51;
	v42 =	vld.idx.msk [tilespmem:v21+s20+$0x0], $0xffff  }
0x12b: {  	v29 =	vshll.u32 v38, $0x3;
	v32 =	vsub.f32 $0.0e+00, v32;
	v41 =	vmul.f32 $2.000000030e-01, v28;
	v31 =	vld.idx.msk [tilespmem:v23+s18+$0x0], $0xffff  }
0x12c: {  	v25 =	vmax.f32 v25, v37;
	(erf) = vpow2.f32 v52;
	v29 =	vor.u32 v8, v29;
	v53 =	vld.idx.msk [tilespmem:v21+s18+$0x0], $0xffff  }
0x12d: {  	v32 =	vmul.f32 $1.442695020e+00, v32;
	v30 =	vmax.f32 v28, v41;
	v54 =	vld.idx.msk [tilespmem:v23+s20+$0x0], $0xffff;
	v28 =	vshll.u32 v34, $0x3  }
0x12e: {  	v25 =	vsub.f32 $0.0e+00, v25;
	v55 =	vld.idx.msk [tilespmem:v22+s18+$0x0], $0xffff;
	v28 =	vor.u32 v8, v28;
	v56 =	vadd.f32 v48, v50  }
0x12f: {  	v57 =	vld.idx.msk [tilespmem:v22+s20+$0x0], $0xffff;
	(erf) = vpow2.f32 v32;
	v30 =	vsub.f32 $0.0e+00, v30;
	v28 =	vor.u32 v9, v28  }
0x130: {  	v59 =	vmul.f32 $1.442695020e+00, v25;
	v58 =	vadd.f32 v39, v40;
	v38 =	vmul.f32 $2.000000030e-01, v56  }
0x131: {  	v25 =	vor.u32 v9, v29;
	v60 =	vmul.f32 $1.442695020e+00, v30;
	v37 =	vadd.f32 v42, v53  }
0x132: {  	v32 =	vld.idx.msk [tilespmem:v24+s18+$0x0], $0xffff;
	v40 =	vmul.f32 $2.000000030e-01, v58;
	v35 =	vadd.f32 v54, v31;
	v29 =	vmax.f32 v56, v38  }
0x133: {  	v34 =	vld.idx.msk [tilespmem:v24+s20+$0x0], $0xffff;
	v30 =	vpop (erf);
	(erf) = vpow2.f32 v59;
	v61 =	vmul.f32 $2.000000030e-01, v37;
	v43 =	vsub.f32 $0.0e+00, v29  }
0x134: {  	v31 =	vadd.f32 v57, v55;
	v62 =	vpop (erf);
	v36 =	vmax.f32 v58, v40;
	v29 =	vld.idx.msk [tilespmem:v28+s18+$0x0], $0xffff;
	v63 =	vmul.f32 $2.000000030e-01, v35  }
0x135: {  	[tilespmem:v27+s12+$0x0] =	vst.idx.msk $0xffff, v30;
	(erf) = vpow2.f32 v60;
	v27 =	vpop (erf);
	v30 =	vld.idx.msk [tilespmem:v28+s20+$0x0], $0xffff;
	v38 =	vmax.f32 v37, v61;
	v37 =	vmul.f32 $1.442695020e+00, v43  }
0x136: {  	s1 =	simm.s32 $0x2E;
	[tilespmem:v26+s12+$0x0] =	vst.idx.msk $0xffff, v62;
	v26 =	vld.idx.msk [tilespmem:v25+s18+$0x0], $0xffff;
	v36 =	vsub.f32 $0.0e+00, v36;
	v33 =	vpop (erf);
	v39 =	vmax.f32 v35, v63;
	v35 =	vmul.f32 $2.000000030e-01, v31  }
.LBB2_10:
0x137: {  	s2 =	sadd.s32 $0xFFFFFFF2, s1;
	s3 =	sadd.s32 $0xFFFFFFF4, s1;
	s4 =	sadd.s32 $0xFFFFFFF6, s1;
	v40 =	vmov s1;
	v41 =	vld.idx.msk [tilespmem:v25+s20+$0x0], $0xffff;
	v38 =	vsub.f32 $0.0e+00, v38;
	(erf) = vpow2.f32 v37;
	v37 =	vpop (erf)  }
0x138: {  	p5 =	sne.s32 s1, $0x4E;
	v39 =	vsub.f32 $0.0e+00, v39;
	v42 =	vmov s2;
	v43 =	vmov s3;
	v44 =	vpop (erf);
	s2 =	smov.u32 s1;
	s1 =	sadd.s32 $0x10, s1  }
0x139: {  	v32 =	vadd.f32 v34, v32;
	v42 =	vshll.u32 v42, $0x3;
	v43 =	vshll.u32 v43, $0x3;
	[tilespmem:v17+s12+$0x0] =	vst.idx.msk $0xffff, v44;
	v17 =	vmovc v28  }
0x13a: {  	v28 =	vmov s4;
	v34 =	vor.u32 v8, v42;
	v42 =	vor.u32 v8, v43;
	[tilespmem:v13+s12+$0x0] =	vst.idx.msk $0xffff, v33;
	v13 =	vmovc v23  }
0x13b: {  	s3 =	sadd.s32 $0xFFFFFFF8, s2;
	s4 =	sadd.s32 $0xFFFFFFFA, s2;
	v33 =	vor.u32 v9, v34;
	v42 =	vor.u32 v9, v42;
	v34 =	vmul.f32 $1.442695020e+00, v36;
	[tilespmem:v14+s12+$0x0] =	vst.idx.msk $0xffff, v27  }
0x13c: {  	v44 =	vmov s3;
	v23 =	vmov s4;
	s3 =	sadd.s32 $0xFFFFFFFC, s2;
	v27 =	vshll.u32 v40, $0x3;
	v36 =	vpop (erf)  }
0x13d: {  	v31 =	vmax.f32 v31, v35;
	v40 =	vshll.u32 v44, $0x3;
	v23 =	vshll.u32 v23, $0x3;
	v14 =	vmovc v21  }
0x13e: {  	v21 =	vor.u32 v8, v40;
	v35 =	vor.u32 v8, v23;
	v40 =	vmul.f32 $2.000000030e-01, v32;
	v43 =	vpop (erf)  }
0x13f: {  	s2 =	sadd.s32 $0xFFFFFFFE, s2;
	v44 =	vmov s3;
	v23 =	vor.u32 v9, v21;
	v21 =	vor.u32 v9, v35;
	[tilespmem:v18+s12+$0x0] =	vst.idx.msk $0xffff, v43;
	v18 =	vmovc v25  }
0x140: {  	v29 =	vadd.f32 v30, v29;
	v35 =	vmov s2;
	v25 =	vshll.u32 v44, $0x3;
	v43 =	vld.idx.msk [tilespmem:v42+s20+$0x0], $0xffff;
	v30 =	vpop (erf);
	[tilespmem:v15+s12+$0x0] =	vst.idx.msk $0xffff, v37  }
0x141: {  	v37 =	vshll.u32 v35, $0x3;
	v25 =	vor.u32 v8, v25;
	v35 =	vld.idx.msk [tilespmem:v33+s20+$0x0], $0xffff;
	(erf) = vpow2.f32 v34;
	[tilespmem:v16+s12+$0x0] =	vst.idx.msk $0xffff, v36  }
0x142: {  	v26 =	vadd.f32 v41, v26;
	v15 =	vmovc v22;
	v44 =	vor.u32 v8, v37;
	v36 =	vmul.f32 $1.442695020e+00, v39;
	v34 =	vld.idx.msk [tilespmem:v33+s18+$0x0], $0xffff  }
0x143: {  	v38 =	vmul.f32 $1.442695020e+00, v38;
	v39 =	vmul.f32 $2.000000030e-01, v29;
	v16 =	vmovc v24;
	v22 =	vor.u32 v9, v44;
	v37 =	vld.idx.msk [tilespmem:v42+s18+$0x0], $0xffff  }
0x144: {  	v32 =	vmax.f32 v32, v40;
	v24 =	vsub.f32 $0.0e+00, v31;
	v44 =	vmul.f32 $2.000000030e-01, v26;
	v41 =	vld.idx.msk [tilespmem:v21+s20+$0x0], $0xffff  }
0x145: {  	v29 =	vmax.f32 v29, v39;
	v31 =	vld.idx.msk [tilespmem:v23+s18+$0x0], $0xffff;
	(erf) = vpow2.f32 v38  }
0x146: {  	v27 =	vor.u32 v8, v27;
	v39 =	vmul.f32 $1.442695020e+00, v24;
	v29 =	vsub.f32 $0.0e+00, v29;
	v38 =	vld.idx.msk [tilespmem:v21+s18+$0x0], $0xffff  }
0x147: {  	v24 =	vor.u32 v9, v27;
	v26 =	vmax.f32 v26, v44;
	v27 =	vld.idx.msk [tilespmem:v23+s20+$0x0], $0xffff;
	(erf) = vpow2.f32 v36  }
0x148: {  	v28 =	vshll.u32 v28, $0x3;
	v32 =	vsub.f32 $0.0e+00, v32;
	v29 =	vmul.f32 $1.442695020e+00, v29;
	v36 =	vld.idx.msk [tilespmem:v22+s18+$0x0], $0xffff  }
0x149: {  	v28 =	vor.u32 v8, v28;
	v35 =	vadd.f32 v35, v34;
	v40 =	vld.idx.msk [tilespmem:v22+s20+$0x0], $0xffff;
	(erf) = vpow2.f32 v39  }
0x14a: {  	v28 =	vor.u32 v9, v28;
	v37 =	vadd.f32 v43, v37;
	v39 =	vpop (erf);
	(erf) = vpow2.f32 v29  }
0x14b: {  	v26 =	vsub.f32 $0.0e+00, v26;
	v43 =	vmul.f32 $1.442695020e+00, v32;
	v29 =	vmul.f32 $2.000000030e-01, v35  }
0x14c: {  	v25 =	vor.u32 v9, v25;
	v38 =	vadd.f32 v41, v38;
	v41 =	vmul.f32 $2.000000030e-01, v37;
	v32 =	vld.idx.msk [tilespmem:v24+s18+$0x0], $0xffff  }
.Ltmp3:
0x14d: {  	v26 =	vmul.f32 $1.442695020e+00, v26;
	v44 =	vadd.f32 v27, v31;
	v29 =	vmax.f32 v35, v29;
	v34 =	vld.idx.msk [tilespmem:v24+s20+$0x0], $0xffff;
	(pc) =	sbr.rel @p5 .LBB2_10-.Ltmp3, $4  }
0x14e: {  	v35 =	vmul.f32 $2.000000030e-01, v38;
	v45 =	vsub.f32 $0.0e+00, v29;
	[tilespmem:v20+s12+$0x0] =	vst.idx.msk $0xffff, v30;
	v27 =	vpop (erf);
	(erf) = vpow2.f32 v43  }
0x14f: {  	v31 =	vadd.f32 v40, v36;
	v36 =	vmax.f32 v37, v41;
	v40 =	vmul.f32 $2.000000030e-01, v44;
	v20 =	vmovc v33;
	v29 =	vld.idx.msk [tilespmem:v28+s18+$0x0], $0xffff  }
0x150: {  	v38 =	vmax.f32 v38, v35;
	v37 =	vmul.f32 $1.442695020e+00, v45;
	v30 =	vld.idx.msk [tilespmem:v28+s20+$0x0], $0xffff;
	[tilespmem:v19+s12+$0x0] =	vst.idx.msk $0xffff, v39;
	v33 =	vpop (erf);
	(erf) = vpow2.f32 v26  }
0x151: {  	v36 =	vsub.f32 $0.0e+00, v36;
	v39 =	vmax.f32 v44, v40;
	v35 =	vmul.f32 $2.000000030e-01, v31;
	v19 =	vmovc v42;
	v26 =	vld.idx.msk [tilespmem:v25+s18+$0x0], $0xffff  }
0x152: {  	_ =	sdelay $0x3  }
0x153: {  	v40 =	vld.idx.msk [tilespmem:v25+s20+$0x0], $0xffff  }
0x154: {  	v32 =	vadd.f32 v34, v32  }
0x155: {  	v38 =	vsub.f32 $0.0e+00, v38;
	(erf) = vpow2.f32 v37;
	v29 =	vadd.f32 v30, v29  }
0x156: {  	v46 =	vmul.f32 $1.442695020e+00, v36;
	v31 =	vmax.f32 v31, v35;
	v47 =	vmul.f32 $2.000000030e-01, v32  }
0x157: {  	v49 =	vmul.f32 $1.442695020e+00, v38;
	v30 =	vsub.f32 $0.0e+00, v39;
	v48 =	vmul.f32 $2.000000030e-01, v29  }
0x158: {  	v31 =	vsub.f32 $0.0e+00, v31;
	(erf) = vpow2.f32 v46;
	v26 =	vadd.f32 v40, v26  }
0x159: {  	(erf) = vpow2.f32 v49;
	v30 =	vmul.f32 $1.442695020e+00, v30;
	v29 =	vmax.f32 v29, v48  }
0x15a: {  	v31 =	vmul.f32 $1.442695020e+00, v31;
	v50 =	vmul.f32 $2.000000030e-01, v26;
	v29 =	vsub.f32 $0.0e+00, v29  }
0x15b: {  	v32 =	vmax.f32 v32, v47;
	(erf) = vpow2.f32 v30  }
0x15c: {  	v30 =	vsub.f32 $0.0e+00, v32;
	v26 =	vmax.f32 v26, v50;
	v29 =	vmul.f32 $1.442695020e+00, v29  }
0x15d: {  	(erf) = vpow2.f32 v31;
	v26 =	vsub.f32 $0.0e+00, v26  }
0x15e: {  	v31 =	vpop (erf);
	(erf) = vpow2.f32 v29  }
0x15f: {  	v29 =	vmul.f32 $1.442695020e+00, v30;
	v26 =	vmul.f32 $1.442695020e+00, v26  }
0x160: {  	v30 =	vpop (erf)  }
0x161: {  	[tilespmem:v17+s12+$0x0] =	vst.idx.msk $0xffff, v30;
	v17 =	vpop (erf);
	(erf) = vpow2.f32 v29  }
0x162: {  	[tilespmem:v13+s12+$0x0] =	vst.idx.msk $0xffff, v33;
	v13 =	vpop (erf);
	(erf) = vpow2.f32 v26  }
0x163: {  	[tilespmem:v14+s12+$0x0] =	vst.idx.msk $0xffff, v27;
	v26 =	vpop (erf)  }
0x164: {  	[tilespmem:v18+s12+$0x0] =	vst.idx.msk $0xffff, v13;
	v14 =	vpop (erf)  }
0x165: {  	[tilespmem:v15+s12+$0x0] =	vst.idx.msk $0xffff, v31;
	v13 =	vpop (erf)  }
0x166: {  	[tilespmem:v20+s12+$0x0] =	vst.idx.msk $0xffff, v26;
	v15 =	vpop (erf)  }
0x167: {  	[tilespmem:v16+s12+$0x0] =	vst.idx.msk $0xffff, v17;
	v16 =	vpop (erf)  }
0x168: {  	[tilespmem:v19+s12+$0x0] =	vst.idx.msk $0xffff, v14;
	v14 =	vpop (erf)  }
0x169: {  	[tilespmem:v28+s12+$0x0] =	vst.idx.msk $0xffff, v14  }
0x16a: {  	s1 =	simm.s32 $0x0;
	[tilespmem:v23+s12+$0x0] =	vst.idx.msk $0xffff, v15;
	v14 =	vpop (erf)  }
0x16b: {  	v15 =	vmov s1;
	[tilespmem:v21+s12+$0x0] =	vst.idx.msk $0xffff, v13;
	v13 =	vpop (erf)  }
0x16c: {  	[tilespmem:v25+s12+$0x0] =	vst.idx.msk $0xffff, v13;
	v13 =	vshll.u32 v15, $0x3  }
0x16d: {  	s2 =	simm.s32 @!p0 $0x140;
	s3 =	simm.s32 @!p0 $0xDC0;
	[tilespmem:v22+s12+$0x0] =	vst.idx.msk $0xffff, v16;
	v13 =	vor.u32 v8, v13  }
0x16e: {  	s4 =	rddreg [dreg:$0x3];
	s13 =	simm.s32 $0x7;
	s1 =	simm.s32 @!p0 $0x50;
	[tilespmem:v24+s12+$0x0] =	vst.idx.msk $0xffff, v14;
	v13 =	vor.u32 v9, v13  }
0x16f: {  	[spmem:s4] =	stream.indirect.scatter.add.f32 @!p0 [tilespmem:s3], [sflag:$0x9], $0x8, s2, s1, $0xb8;
	[tilespmem:$0x1D6C8] =	vst v63  }
0x170: {  	_ =	swait.ge [sflag:s13], $0x2800  }
0x171: {  	[sflag:s13] =	ssyncset.done $0x0  }
0x172: {  	[sflag:s13] =	ssyncadd.s32 $0xFFFFD800  }
0x173: {  	v18 =	vld.idx.msk [tilespmem:v13+s12+$0x0], $0xffff  }
0x174: {  	s7 =	simm.s32 $0x1340  }
0x175: {  	v13 =	vld [tilespmem:s7+$0xFFFFFF80];
	_ =	sdelay $0x2  }
0x176: {  	v14 =	vperm.xlane v18, v0;
	_ =	sdelay $0x1  }
0x177: {  	v13 =	vmul.f32 v13, v14  }
0x178: {  	s15 =	simm.s32 $0x2;
	s1 =	simm.s32 $0x6340  }
0x179: {  	v15 =	vmov s15;
	[tilespmem:s1+$0xFFFFFF80] =	vst v13  }
0x17a: {  	v13 =	vshll.u32 v15, $0x3;
	v15 =	vld [tilespmem:s7+$0x0]  }
0x17b: {  	v13 =	vor.u32 v8, v13  }
0x17c: {  	v13 =	vor.u32 v9, v13  }
0x17d: {  	v16 =	vperm.xlane v18, v4;
	_ =	sdelay $0x1  }
0x17e: {  	v15 =	vmul.f32 v15, v16;
	_ =	sdelay $0x1  }
0x17f: {  	v21 =	vld.idx.msk [tilespmem:v13+s12+$0x0], $0xffff;
	[tilespmem:s1+$0x0] =	vst v15  }
0x180: {  	s15 =	simm.s32 $0x1440;
	v13 =	vld [tilespmem:s7+$0xFFFFFF90]  }
0x181: {  	v15 =	vld [tilespmem:s15+$0xFFFFFF80];
	_ =	sdelay $0x2  }
0x182: {  	v17 =	vperm.xlane v21, v0  }
0x183: {  	v13 =	vmul.f32 v13, v14  }
0x184: {  	s17 =	simm.s32 $0x4;
	v14 =	vmul.f32 v15, v17  }
0x185: {  	s8 =	simm.s32 $0x6440;
	v15 =	vmov s17;
	[tilespmem:s1+$0xFFFFFF90] =	vst v13  }
0x186: {  	v13 =	vshll.u32 v15, $0x3;
	[tilespmem:s8+$0xFFFFFF80] =	vst v14;
	v14 =	vld [tilespmem:s7+$0x10]  }
0x187: {  	v13 =	vor.u32 v8, v13;
	v15 =	vld [tilespmem:s15+$0x0]  }
0x188: {  	v13 =	vor.u32 v9, v13;
	_ =	sdelay $0x1  }
0x189: {  	v19 =	vperm.xlane v21, v4  }
0x18a: {  	v14 =	vmul.f32 v14, v16  }
0x18b: {  	v15 =	vmul.f32 v15, v19  }
0x18c: {  	v13 =	vld.idx.msk [tilespmem:v13+s12+$0x0], $0xffff;
	[tilespmem:s1+$0x10] =	vst v14  }
0x18d: {  	[tilespmem:s8+$0x0] =	vst v15;
	v14 =	vld [tilespmem:s7+$0xFFFFFFA0]  }
0x18e: {  	s10 =	simm.s32 $0x1540;
	v15 =	vld [tilespmem:s15+$0xFFFFFF90]  }
0x18f: {  	v16 =	vld [tilespmem:s10+$0xFFFFFF80]  }
0x190: {  	v20 =	vperm.xlane v18, v1;
	_ =	sdelay $0x1  }
0x191: {  	v22 =	vperm.xlane v13, v0;
	v14 =	vmul.f32 v14, v20  }
0x192: {  	s19 =	simm.s32 $0x6;
	v15 =	vmul.f32 v15, v17  }
0x193: {  	v17 =	vmov s19;
	v16 =	vmul.f32 v16, v22;
	[tilespmem:s1+$0xFFFFFFA0] =	vst v14  }
0x194: {  	s23 =	simm.s32 $0x6540;
	v14 =	vshll.u32 v17, $0x3;
	[tilespmem:s8+$0xFFFFFF90] =	vst v15;
	v15 =	vld [tilespmem:s7+$0x20]  }
0x195: {  	[tilespmem:s23+$0xFFFFFF80] =	vst v16;
	v14 =	vor.u32 v8, v14;
	v16 =	vld [tilespmem:s15+$0x10]  }
0x196: {  	v17 =	vld [tilespmem:s10+$0x0];
	v14 =	vor.u32 v9, v14  }
0x197: {  	v23 =	vperm.xlane v18, v5;
	_ =	sdelay $0x1  }
0x198: {  	v24 =	vperm.xlane v13, v4;
	v15 =	vmul.f32 v15, v23  }
0x199: {  	v16 =	vmul.f32 v16, v19  }
0x19a: {  	v17 =	vmul.f32 v17, v24;
	v14 =	vld.idx.msk [tilespmem:v14+s12+$0x0], $0xffff;
	[tilespmem:s1+$0x20] =	vst v15  }
0x19b: {  	[tilespmem:s8+$0x10] =	vst v16;
	v15 =	vld [tilespmem:s7+$0xFFFFFFB0]  }
0x19c: {  	[tilespmem:s23+$0x0] =	vst v17;
	v16 =	vld [tilespmem:s15+$0xFFFFFFA0]  }
0x19d: {  	s3 =	simm.s32 $0x1640;
	v17 =	vld [tilespmem:s10+$0xFFFFFF90]  }
0x19e: {  	v19 =	vld [tilespmem:s3+$0xFFFFFF80]  }
0x19f: {  	v25 =	vperm.xlane v21, v1  }
0x1a0: {  	v15 =	vmul.f32 v15, v20  }
0x1a1: {  	s22 =	simm.s32 $0x8;
	v20 =	vperm.xlane v14, v0;
	v16 =	vmul.f32 v16, v25  }
0x1a2: {  	v26 =	vmov s22;
	v17 =	vmul.f32 v17, v22;
	[tilespmem:s1+$0xFFFFFFB0] =	vst v15  }
0x1a3: {  	v15 =	vshll.u32 v26, $0x3;
	v19 =	vmul.f32 v19, v20;
	[tilespmem:s8+$0xFFFFFFA0] =	vst v16;
	v16 =	vld [tilespmem:s7+$0x30]  }
0x1a4: {  	s4 =	simm.s32 $0x6640;
	[tilespmem:s23+$0xFFFFFF90] =	vst v17;
	v15 =	vor.u32 v8, v15;
	v17 =	vld [tilespmem:s15+$0x20]  }
0x1a5: {  	v15 =	vor.u32 v9, v15;
	[tilespmem:s4+$0xFFFFFF80] =	vst v19;
	v19 =	vld [tilespmem:s10+$0x10]  }
0x1a6: {  	v22 =	vld [tilespmem:s3+$0x0]  }
0x1a7: {  	v26 =	vperm.xlane v21, v5  }
0x1a8: {  	v16 =	vmul.f32 v16, v23  }
0x1a9: {  	v23 =	vperm.xlane v14, v4;
	v17 =	vmul.f32 v17, v26  }
0x1aa: {  	v15 =	vld.idx.msk [tilespmem:v15+s12+$0x0], $0xffff;
	v19 =	vmul.f32 v19, v24;
	[tilespmem:s1+$0x30] =	vst v16  }
0x1ab: {  	v16 =	vmul.f32 v22, v23;
	[tilespmem:s8+$0x20] =	vst v17;
	v17 =	vld [tilespmem:s7+$0xFFFFFFC0]  }
0x1ac: {  	[tilespmem:s23+$0x10] =	vst v19;
	v19 =	vld [tilespmem:s15+$0xFFFFFFB0]  }
0x1ad: {  	[tilespmem:s4+$0x0] =	vst v16;
	v16 =	vld [tilespmem:s10+$0xFFFFFFA0]  }
0x1ae: {  	s13 =	simm.s32 $0x1740;
	v24 =	vperm.xlane v18, v2;
	v22 =	vld [tilespmem:s3+$0xFFFFFF90]  }
0x1af: {  	v27 =	vld [tilespmem:s13+$0xFFFFFF80]  }
0x1b0: {  	v28 =	vperm.xlane v13, v1;
	v17 =	vmul.f32 v17, v24  }
0x1b1: {  	s24 =	simm.s32 $0xA;
	v19 =	vmul.f32 v19, v25  }
0x1b2: {  	v29 =	vperm.xlane v15, v0;
	v25 =	vmov s24;
	v16 =	vmul.f32 v16, v28;
	[tilespmem:s1+$0xFFFFFFC0] =	vst v17  }
0x1b3: {  	v17 =	vshll.u32 v25, $0x3;
	v20 =	vmul.f32 v22, v20;
	[tilespmem:s8+$0xFFFFFFB0] =	vst v19;
	v19 =	vld [tilespmem:s7+$0x40]  }
0x1b4: {  	v22 =	vmul.f32 v27, v29;
	v17 =	vor.u32 v8, v17;
	[tilespmem:s23+$0xFFFFFFA0] =	vst v16;
	v16 =	vld [tilespmem:s15+$0x30]  }
0x1b5: {  	s6 =	simm.s32 $0x6740;
	v17 =	vor.u32 v9, v17;
	[tilespmem:s4+$0xFFFFFF90] =	vst v20;
	v20 =	vld [tilespmem:s10+$0x20]  }
0x1b6: {  	v25 =	vperm.xlane v18, v6;
	[tilespmem:s6+$0xFFFFFF80] =	vst v22;
	v22 =	vld [tilespmem:s3+$0x10]  }
0x1b7: {  	v27 =	vld [tilespmem:s13+$0x0]  }
0x1b8: {  	v30 =	vperm.xlane v13, v5;
	v19 =	vmul.f32 v19, v25  }
0x1b9: {  	v26 =	vmul.f32 v16, v26  }
0x1ba: {  	v31 =	vperm.xlane v15, v4;
	v16 =	vld.idx.msk [tilespmem:v17+s12+$0x0], $0xffff;
	v17 =	vmul.f32 v20, v30;
	[tilespmem:s1+$0x40] =	vst v19  }
0x1bb: {  	v19 =	vmul.f32 v22, v23;
	[tilespmem:s8+$0x30] =	vst v26;
	v20 =	vld [tilespmem:s7+$0xFFFFFFD0]  }
0x1bc: {  	v22 =	vmul.f32 v27, v31;
	[tilespmem:s23+$0x20] =	vst v17;
	v17 =	vld [tilespmem:s15+$0xFFFFFFC0]  }
0x1bd: {  	[tilespmem:s4+$0x10] =	vst v19;
	v19 =	vld [tilespmem:s10+$0xFFFFFFB0]  }
0x1be: {  	[tilespmem:s6+$0x0] =	vst v22;
	v22 =	vld [tilespmem:s3+$0xFFFFFFA0]  }
0x1bf: {  	s2 =	simm.s32 $0x1840;
	v26 =	vperm.xlane v21, v2;
	v23 =	vld [tilespmem:s13+$0xFFFFFF90]  }
0x1c0: {  	v27 =	vld [tilespmem:s2+$0xFFFFFF80];
	v20 =	vmul.f32 v20, v24  }
0x1c1: {  	s11 =	simm.s32 $0xC;
	v24 =	vperm.xlane v14, v1;
	v17 =	vmul.f32 v17, v26  }
0x1c2: {  	v51 =	vmov s11;
	v19 =	vmul.f32 v19, v28;
	[tilespmem:s1+$0xFFFFFFD0] =	vst v20  }
0x1c3: {  	v28 =	vperm.xlane v16, v0;
	v20 =	vshll.u32 v51, $0x3;
	v22 =	vmul.f32 v22, v24;
	[tilespmem:s8+$0xFFFFFFC0] =	vst v17;
	v17 =	vld [tilespmem:s7+$0x50]  }
0x1c4: {  	v23 =	vmul.f32 v23, v29;
	v20 =	vor.u32 v8, v20;
	[tilespmem:s23+$0xFFFFFFB0] =	vst v19;
	v19 =	vld [tilespmem:s15+$0x40]  }
0x1c5: {  	v27 =	vmul.f32 v27, v28;
	v20 =	vor.u32 v9, v20;
	[tilespmem:s4+$0xFFFFFFA0] =	vst v22;
	v22 =	vld [tilespmem:s10+$0x30]  }
0x1c6: {  	s30 =	simm.s32 $0x6840;
	[tilespmem:s6+$0xFFFFFF90] =	vst v23;
	v23 =	vld [tilespmem:s3+$0x20]  }
0x1c7: {  	v29 =	vperm.xlane v21, v6;
	[tilespmem:s30+$0xFFFFFF80] =	vst v27;
	v27 =	vld [tilespmem:s13+$0x10]  }
0x1c8: {  	v52 =	vld [tilespmem:s2+$0x0];
	v25 =	vmul.f32 v17, v25  }
0x1c9: {  	v53 =	vperm.xlane v14, v5;
	v19 =	vmul.f32 v19, v29  }
0x1ca: {  	v17 =	vld.idx.msk [tilespmem:v20+s12+$0x0], $0xffff;
	v20 =	vmul.f32 v22, v30;
	[tilespmem:s1+$0x50] =	vst v25  }
0x1cb: {  	v22 =	vperm.xlane v16, v4;
	v23 =	vmul.f32 v23, v53;
	[tilespmem:s8+$0x40] =	vst v19;
	v19 =	vld [tilespmem:s7+$0xFFFFFFE0]  }
0x1cc: {  	v25 =	vmul.f32 v27, v31;
	[tilespmem:s23+$0x30] =	vst v20;
	v20 =	vld [tilespmem:s15+$0xFFFFFFD0]  }
0x1cd: {  	v27 =	vmul.f32 v52, v22;
	[tilespmem:s4+$0x20] =	vst v23;
	v23 =	vld [tilespmem:s10+$0xFFFFFFC0]  }
0x1ce: {  	v30 =	vperm.xlane v18, v3;
	[tilespmem:s6+$0x10] =	vst v25;
	v25 =	vld [tilespmem:s3+$0xFFFFFFB0]  }
0x1cf: {  	[tilespmem:s30+$0x0] =	vst v27;
	v27 =	vld [tilespmem:s13+$0xFFFFFFA0]  }
0x1d0: {  	s11 =	simm.s32 $0x1940;
	v54 =	vperm.xlane v13, v2;
	v31 =	vld [tilespmem:s2+$0xFFFFFF90];
	v19 =	vmul.f32 v19, v30  }
0x1d1: {  	v55 =	vld [tilespmem:s11+$0xFFFFFF80];
	s17 =	simm.s32 $0xE;
	v20 =	vmul.f32 v20, v26  }
0x1d2: {  	v56 =	vperm.xlane v15, v1;
	v26 =	vmov s17;
	v23 =	vmul.f32 v23, v54;
	[tilespmem:s1+$0xFFFFFFE0] =	vst v19  }
0x1d3: {  	v19 =	vshll.u32 v26, $0x3;
	v24 =	vmul.f32 v25, v24;
	[tilespmem:s8+$0xFFFFFFD0] =	vst v20;
	v25 =	vld [tilespmem:s7+$0x60]  }
0x1d4: {  	v57 =	vperm.xlane v17, v0;
	v20 =	vmul.f32 v27, v56;
	v19 =	vor.u32 v8, v19;
	[tilespmem:s23+$0xFFFFFFC0] =	vst v23;
	v23 =	vld [tilespmem:s15+$0x50]  }
0x1d5: {  	v26 =	vmul.f32 v31, v28;
	v19 =	vor.u32 v9, v19;
	[tilespmem:s4+$0xFFFFFFB0] =	vst v24;
	v27 =	vld [tilespmem:s10+$0x40]  }
0x1d6: {  	v58 =	vperm.xlane v18, v7;
	v24 =	vmul.f32 v55, v57;
	[tilespmem:s6+$0xFFFFFFA0] =	vst v20;
	v28 =	vld [tilespmem:s3+$0x30]  }
0x1d7: {  	s24 =	simm.s32 $0x6940;
	[tilespmem:s30+$0xFFFFFF90] =	vst v26;
	v26 =	vld [tilespmem:s13+$0x20]  }
0x1d8: {  	v20 =	vperm.xlane v13, v6;
	[tilespmem:s24+$0xFFFFFF80] =	vst v24;
	v31 =	vld [tilespmem:s2+$0x10];
	v25 =	vmul.f32 v25, v58  }
0x1d9: {  	v59 =	vld [tilespmem:s11+$0x0];
	v23 =	vmul.f32 v23, v29  }
0x1da: {  	v24 =	vperm.xlane v15, v5;
	v18 =	vld.idx.msk [tilespmem:v19+s12+$0x0], $0xffff;
	v19 =	vmul.f32 v27, v20;
	[tilespmem:s1+$0x60] =	vst v25  }
0x1db: {  	v25 =	vmul.f32 v28, v53;
	[tilespmem:s8+$0x50] =	vst v23;
	v23 =	vld [tilespmem:s7+$0xFFFFFFF0]  }
0x1dc: {  	v26 =	vmul.f32 v26, v24;
	[tilespmem:s23+$0x40] =	vst v19;
	v27 =	vld [tilespmem:s15+$0xFFFFFFE0]  }
0x1dd: {  	v29 =	vperm.xlane v17, v4;
	v19 =	vmul.f32 v31, v22;
	[tilespmem:s4+$0x30] =	vst v25;
	v25 =	vld [tilespmem:s10+$0xFFFFFFD0]  }
0x1de: {  	[tilespmem:s6+$0x20] =	vst v26  }
0x1df: {  	v22 =	vmul.f32 v59, v29;
	v26 =	vld [tilespmem:s3+$0xFFFFFFC0];
	[tilespmem:s30+$0x10] =	vst v19;
	v19 =	vperm.xlane v21, v3  }
0x1e0: {  	v31 =	vld [tilespmem:s13+$0xFFFFFFB0];
	v23 =	vmul.f32 v23, v30  }
0x1e1: {  	[tilespmem:s24+$0x0] =	vst v22;
	v60 =	vld [tilespmem:s2+$0xFFFFFFA0];
	v27 =	vmul.f32 v27, v19  }
0x1e2: {  	s22 =	simm.s32 $0x1A40;
	v22 =	vperm.xlane v14, v2;
	v30 =	vld [tilespmem:s11+$0xFFFFFF90];
	v25 =	vmul.f32 v25, v54;
	[tilespmem:s1+$0xFFFFFFF0] =	vst v23  }
0x1e3: {  	s25 =	simm.s32 $0x10;
	v61 =	vld [tilespmem:s22+$0xFFFFFF80];
	[tilespmem:s8+$0xFFFFFFE0] =	vst v27  }
0x1e4: {  	v28 =	vperm.xlane v16, v1;
	v26 =	vmul.f32 v26, v22;
	v27 =	vld [tilespmem:s7+$0x70];
	[tilespmem:s23+$0xFFFFFFD0] =	vst v25;
	v25 =	vmov s25  }
0x1e5: {  	v31 =	vmul.f32 v31, v56;
	v23 =	vld [tilespmem:s15+$0x60];
	v25 =	vshll.u32 v25, $0x3  }
0x1e6: {  	v33 =	vperm.xlane v18, v0;
	v62 =	vmul.f32 v60, v28;
	[tilespmem:s4+$0xFFFFFFC0] =	vst v26;
	v26 =	vld [tilespmem:s10+$0x50];
	v25 =	vor.u32 v8, v25  }
0x1e7: {  	[tilespmem:s6+$0xFFFFFFB0] =	vst v31;
	v63 =	vmul.f32 v30, v57;
	v30 =	vld [tilespmem:s3+$0x40];
	v25 =	vor.u32 v9, v25  }
0x1e8: {  	v21 =	vperm.xlane v21, v7;
	v34 =	vmul.f32 v61, v33;
	[tilespmem:s30+$0xFFFFFFA0] =	vst v62;
	v31 =	vld [tilespmem:s13+$0x30]  }
0x1e9: {  	s17 =	simm.s32 $0x12;
	s7 =	simm.s32 $0x6A40;
	s25 =	simm.s32 $0x1A40;
	v32 =	vld [tilespmem:s2+$0x20];
	[tilespmem:s24+$0xFFFFFF90] =	vst v63;
	v27 =	vmul.f32 v27, v58  }
.LBB2_12:
0x1ea: {  	p5 =	sne.s32 s17, $0x4E;
	[tilespmem:s7+$0xFFFFFF80] =	vst v34;
	v34 =	vld [tilespmem:s11+$0x10];
	v35 =	vperm.xlane v14, v6;
	v23 =	vmul.f32 v23, v21;
	v36 =	vmovc v33;
	v37 =	vmov v21  }
0x1eb: {  	v21 =	vld [tilespmem:s22+$0x0];
	v26 =	vmul.f32 v26, v20;
	[tilespmem:s1+$0x70] =	vst v27;
	s1 =	smov.u32 s8;
	s8 =	smov.u32 s23;
	s23 =	smov.u32 s4  }
0x1ec: {  	s4 =	smov.u32 s6;
	s6 =	smov.u32 s30;
	s30 =	smov.u32 s24;
	v38 =	vld.idx.msk [tilespmem:v25+s12+$0x0], $0xffff;
	v25 =	vperm.xlane v16, v5;
	v27 =	vmul.f32 v30, v35;
	[tilespmem:s1+$0x60] =	vst v23;
	v20 =	vmov v35  }
0x1ed: {  	s24 =	smov.u32 s7;
	v23 =	vmul.f32 v31, v24;
	[tilespmem:s8+$0x50] =	vst v26;
	v26 =	vld [tilespmem:s15+$0xFFFFFFF0]  }
0x1ee: {  	v30 =	vperm.xlane v18, v4;
	v31 =	vmul.f32 v32, v25;
	[tilespmem:s23+$0x40] =	vst v27;
	v27 =	vld [tilespmem:s10+$0xFFFFFFE0];
	v24 =	vmov v25  }
0x1ef: {  	v25 =	vmul.f32 v34, v29;
	[tilespmem:s4+$0x30] =	vst v23;
	v23 =	vld [tilespmem:s3+$0xFFFFFFD0]  }
0x1f0: {  	v29 =	vmov v30;
	v21 =	vmul.f32 v21, v30;
	[tilespmem:s6+$0x20] =	vst v31;
	v31 =	vld [tilespmem:s13+$0xFFFFFFC0]  }
0x1f1: {  	v30 =	vperm.xlane v13, v3;
	[tilespmem:s30+$0x10] =	vst v25;
	v25 =	vld [tilespmem:s2+$0xFFFFFFB0]  }
0x1f2: {  	[tilespmem:s7+$0x0] =	vst v21;
	v21 =	vld [tilespmem:s11+$0xFFFFFFA0];
	v26 =	vmul.f32 v26, v19  }
0x1f3: {  	v33 =	vperm.xlane v15, v2;
	s22 =	sadd.s32 $0x100, s22;
	v19 =	vmov v30;
	v32 =	vld [tilespmem:s25+$0xFFFFFF90];
	v27 =	vmul.f32 v27, v30  }
0x1f4: {  	v34 =	vld [tilespmem:s22+$0xFFFFFF80];
	v23 =	vmul.f32 v23, v22;
	[tilespmem:s1+$0xFFFFFFF0] =	vst v26  }
0x1f5: {  	v35 =	vperm.xlane v17, v1;
	v26 =	vmov s17;
	v22 =	vmovc v33;
	v30 =	vmul.f32 v31, v33;
	[tilespmem:s8+$0xFFFFFFE0] =	vst v27;
	v27 =	vld [tilespmem:s15+$0x70];
	s15 =	smov.u32 s10;
	s10 =	smov.u32 s3;
	s3 =	smov.u32 s13  }
.Ltmp4:
0x1f6: {  	v26 =	vshll.u32 v26, $0x3;
	s13 =	smov.u32 s2;
	s2 =	smov.u32 s11;
	v31 =	vmul.f32 v25, v28;
	[tilespmem:s23+$0xFFFFFFD0] =	vst v23;
	v23 =	vld [tilespmem:s15+$0x60];
	(pc) =	sbr.rel @p5 .LBB2_12-.Ltmp4, $4  }
0x1f7: {  	v33 =	vperm.xlane v38, v0;
	s11 =	smov.u32 s25;
	s25 =	smov.u32 s22;
	v25 =	vor.u32 v8, v26;
	v21 =	vmul.f32 v21, v35;
	[tilespmem:s4+$0xFFFFFFC0] =	vst v30;
	v26 =	vld [tilespmem:s10+$0x50]  }
0x1f8: {  	v28 =	vmov v35;
	v25 =	vor.u32 v9, v25;
	v32 =	vmul.f32 v32, v36;
	[tilespmem:s6+$0xFFFFFFB0] =	vst v31;
	v30 =	vld [tilespmem:s3+$0x40]  }
0x1f9: {  	v34 =	vmul.f32 v34, v33;
	[tilespmem:s30+$0xFFFFFFA0] =	vst v21;
	v31 =	vld [tilespmem:s13+$0x30];
	v21 =	vperm.xlane v13, v7;
	v13 =	vmovc v14;
	v14 =	vmov v15  }
0x1fa: {  	s7 =	sadd.s32 $0x100, s7;
	s17 =	sadd.s32 $0x2, s17;
	v15 =	vmovc v16;
	v16 =	vmovc v17;
	v17 =	vmov v18;
	v18 =	vmov v38;
	[tilespmem:s24+$0xFFFFFF90] =	vst v32;
	v32 =	vld [tilespmem:s2+$0x20];
	v27 =	vmul.f32 v27, v37  }
0x1fb: {  	_ =	sdelay $0x3  }
0x1fc: {  	v25 =	vld.idx.msk [tilespmem:v25+s12+$0x0], $0xffff  }
0x1fd: {  	s19 =	sadd.s32 $0x100, s22  }
0x1fe: {  	v35 =	vld [tilespmem:s19+$0xFFFFFF80];
	_ =	sdelay $0x2  }
0x1ff: {  	v36 =	vperm.xlane v25, v0;
	_ =	sdelay $0x1  }
0x200: {  	v35 =	vmul.f32 v35, v36  }
0x201: {  	[tilespmem:s7+$0xFFFFFF80] =	vst v34;
	s17 =	sadd.s32 $0x100, s7  }
0x202: {  	v34 =	vld [tilespmem:s22+$0x0];
	[tilespmem:s17+$0xFFFFFF80] =	vst v35  }
0x203: {  	v35 =	vld [tilespmem:s19+$0x0];
	_ =	sdelay $0x1  }
0x204: {  	v37 =	vperm.xlane v18, v4  }
0x205: {  	v38 =	vperm.xlane v25, v4  }
0x206: {  	v34 =	vmul.f32 v34, v37  }
0x207: {  	v35 =	vmul.f32 v35, v38  }
0x208: {  	[tilespmem:s7+$0x0] =	vst v34  }
0x209: {  	v34 =	vld [tilespmem:s25+$0xFFFFFF90];
	[tilespmem:s17+$0x0] =	vst v35  }
0x20a: {  	v35 =	vld [tilespmem:s19+$0xFFFFFF90];
	_ =	sdelay $0x3  }
0x20b: {  	v33 =	vmul.f32 v34, v33  }
0x20c: {  	v51 =	vmul.f32 v35, v36  }
0x20d: {  	v52 =	vld [tilespmem:s11+$0x10];
	[tilespmem:s7+$0xFFFFFF90] =	vst v33  }
0x20e: {  	v33 =	vld [tilespmem:s25+$0x10];
	[tilespmem:s17+$0xFFFFFF90] =	vst v51  }
0x20f: {  	v34 =	vld [tilespmem:s19+$0x10];
	_ =	sdelay $0x2  }
0x210: {  	v29 =	vmul.f32 v52, v29  }
0x211: {  	v33 =	vmul.f32 v33, v37  }
0x212: {  	[tilespmem:s24+$0x10] =	vst v29;
	v53 =	vmul.f32 v34, v38  }
0x213: {  	v54 =	vld [tilespmem:s11+$0xFFFFFFA0];
	[tilespmem:s7+$0x10] =	vst v33  }
0x214: {  	v33 =	vld [tilespmem:s25+$0xFFFFFFA0];
	[tilespmem:s17+$0x10] =	vst v53  }
0x215: {  	v29 =	vld [tilespmem:s19+$0xFFFFFFA0]  }
0x216: {  	v55 =	vperm.xlane v17, v1  }
0x217: {  	v56 =	vperm.xlane v18, v1  }
0x218: {  	v57 =	vperm.xlane v25, v1;
	v34 =	vmul.f32 v54, v55  }
0x219: {  	v33 =	vmul.f32 v33, v56  }
0x21a: {  	[tilespmem:s24+$0xFFFFFFA0] =	vst v34;
	v29 =	vmul.f32 v29, v57  }
0x21b: {  	[tilespmem:s7+$0xFFFFFFA0] =	vst v33;
	v34 =	vld [tilespmem:s11+$0x20]  }
0x21c: {  	v33 =	vld [tilespmem:s25+$0x20];
	[tilespmem:s17+$0xFFFFFFA0] =	vst v29  }
0x21d: {  	v58 =	vperm.xlane v16, v5;
	v59 =	vld [tilespmem:s19+$0x20]  }
0x21e: {  	v39 =	vperm.xlane v17, v5  }
0x21f: {  	v40 =	vperm.xlane v18, v5;
	v32 =	vmul.f32 v32, v58  }
0x220: {  	v41 =	vperm.xlane v25, v5;
	v34 =	vmul.f32 v34, v39  }
0x221: {  	[tilespmem:s30+$0x20] =	vst v32;
	v60 =	vmul.f32 v33, v40  }
0x222: {  	v61 =	vld [tilespmem:s2+$0xFFFFFFB0];
	[tilespmem:s24+$0x20] =	vst v34;
	v62 =	vmul.f32 v59, v41  }
0x223: {  	[tilespmem:s7+$0x20] =	vst v60;
	v63 =	vld [tilespmem:s11+$0xFFFFFFB0]  }
0x224: {  	v32 =	vld [tilespmem:s25+$0xFFFFFFB0];
	[tilespmem:s17+$0x20] =	vst v62  }
0x225: {  	v34 =	vld [tilespmem:s19+$0xFFFFFFB0];
	_ =	sdelay $0x1  }
0x226: {  	v28 =	vmul.f32 v61, v28  }
0x227: {  	v38 =	vmul.f32 v63, v55  }
0x228: {  	[tilespmem:s30+$0xFFFFFFB0] =	vst v28;
	v42 =	vmul.f32 v32, v56  }
0x229: {  	v43 =	vld [tilespmem:s2+$0x30];
	[tilespmem:s24+$0xFFFFFFB0] =	vst v38;
	v44 =	vmul.f32 v34, v57  }
0x22a: {  	[tilespmem:s7+$0xFFFFFFB0] =	vst v42;
	v45 =	vld [tilespmem:s11+$0x30]  }
0x22b: {  	v28 =	vld [tilespmem:s25+$0x30];
	[tilespmem:s17+$0xFFFFFFB0] =	vst v44  }
0x22c: {  	v33 =	vld [tilespmem:s19+$0x30]  }
0x22d: {  	v24 =	vmul.f32 v31, v24  }
0x22e: {  	v29 =	vmul.f32 v43, v58  }
0x22f: {  	[tilespmem:s6+$0x30] =	vst v24;
	v46 =	vmul.f32 v45, v39  }
0x230: {  	v47 =	vld [tilespmem:s13+$0xFFFFFFC0];
	[tilespmem:s30+$0x30] =	vst v29;
	v28 =	vmul.f32 v28, v40  }
0x231: {  	v29 =	vld [tilespmem:s2+$0xFFFFFFC0];
	[tilespmem:s24+$0x30] =	vst v46;
	v48 =	vmul.f32 v33, v41  }
0x232: {  	[tilespmem:s7+$0x30] =	vst v28;
	v49 =	vld [tilespmem:s11+$0xFFFFFFC0]  }
0x233: {  	v28 =	vperm.xlane v15, v2;
	v50 =	vld [tilespmem:s25+$0xFFFFFFC0];
	[tilespmem:s17+$0x30] =	vst v48  }
0x234: {  	v51 =	vperm.xlane v16, v2;
	v52 =	vld [tilespmem:s19+$0xFFFFFFC0]  }
0x235: {  	v53 =	vperm.xlane v17, v2;
	v31 =	vmul.f32 v47, v28  }
0x236: {  	v54 =	vperm.xlane v18, v2;
	v29 =	vmul.f32 v29, v51  }
0x237: {  	v32 =	vperm.xlane v25, v2;
	[tilespmem:s6+$0xFFFFFFC0] =	vst v31;
	v55 =	vmul.f32 v49, v53  }
0x238: {  	[tilespmem:s30+$0xFFFFFFC0] =	vst v29;
	v56 =	vld [tilespmem:s13+$0x40];
	v57 =	vmul.f32 v50, v54  }
0x239: {  	v58 =	vld [tilespmem:s2+$0x40];
	[tilespmem:s24+$0xFFFFFFC0] =	vst v55;
	v59 =	vmul.f32 v52, v32  }
0x23a: {  	v34 =	vperm.xlane v14, v6;
	[tilespmem:s7+$0xFFFFFFC0] =	vst v57;
	v60 =	vld [tilespmem:s11+$0x40]  }
0x23b: {  	v29 =	vperm.xlane v15, v6;
	v61 =	vld [tilespmem:s25+$0x40];
	[tilespmem:s17+$0xFFFFFFC0] =	vst v59  }
0x23c: {  	v30 =	vmul.f32 v30, v34;
	v31 =	vperm.xlane v16, v6;
	v62 =	vld [tilespmem:s19+$0x40]  }
0x23d: {  	v41 =	vperm.xlane v17, v6;
	v37 =	vmul.f32 v56, v29  }
0x23e: {  	[tilespmem:s4+$0x40] =	vst v30;
	v63 =	vmul.f32 v58, v31;
	v33 =	vperm.xlane v18, v6  }
0x23f: {  	v45 =	vperm.xlane v25, v6;
	v42 =	vld [tilespmem:s3+$0xFFFFFFD0];
	[tilespmem:s6+$0x40] =	vst v37;
	v44 =	vmul.f32 v60, v41  }
0x240: {  	[tilespmem:s30+$0x40] =	vst v63;
	v46 =	vld [tilespmem:s13+$0xFFFFFFD0];
	v39 =	vmul.f32 v61, v33  }
0x241: {  	v47 =	vld [tilespmem:s2+$0xFFFFFFD0];
	[tilespmem:s24+$0x40] =	vst v44;
	v40 =	vmul.f32 v62, v45  }
0x242: {  	[tilespmem:s7+$0x40] =	vst v39;
	v48 =	vld [tilespmem:s11+$0xFFFFFFD0]  }
0x243: {  	v49 =	vld [tilespmem:s25+$0xFFFFFFD0];
	[tilespmem:s17+$0x40] =	vst v40  }
0x244: {  	v22 =	vmul.f32 v42, v22;
	v50 =	vld [tilespmem:s19+$0xFFFFFFD0]  }
0x245: {  	v28 =	vmul.f32 v46, v28  }
0x246: {  	[tilespmem:s4+$0xFFFFFFD0] =	vst v22;
	v51 =	vmul.f32 v47, v51  }
0x247: {  	[tilespmem:s6+$0xFFFFFFD0] =	vst v28;
	v52 =	vmul.f32 v48, v53;
	v53 =	vld [tilespmem:s3+$0x50]  }
0x248: {  	[tilespmem:s30+$0xFFFFFFD0] =	vst v51;
	v55 =	vld [tilespmem:s13+$0x50];
	v54 =	vmul.f32 v49, v54  }
0x249: {  	v57 =	vld [tilespmem:s2+$0x50];
	[tilespmem:s24+$0xFFFFFFD0] =	vst v52;
	v56 =	vmul.f32 v50, v32  }
0x24a: {  	[tilespmem:s7+$0xFFFFFFD0] =	vst v54;
	v58 =	vld [tilespmem:s11+$0x50]  }
0x24b: {  	v20 =	vmul.f32 v26, v20;
	v59 =	vld [tilespmem:s25+$0x50];
	[tilespmem:s17+$0xFFFFFFD0] =	vst v56  }
0x24c: {  	v60 =	vmul.f32 v53, v34;
	v61 =	vld [tilespmem:s19+$0x50]  }
0x24d: {  	[tilespmem:s23+$0x50] =	vst v20;
	v62 =	vmul.f32 v55, v29  }
0x24e: {  	v63 =	vld [tilespmem:s10+$0xFFFFFFE0];
	v36 =	vmul.f32 v57, v31;
	[tilespmem:s4+$0x50] =	vst v60  }
0x24f: {  	[tilespmem:s6+$0x50] =	vst v62;
	v37 =	vld [tilespmem:s3+$0xFFFFFFE0];
	v39 =	vmul.f32 v58, v41  }
0x250: {  	[tilespmem:s30+$0x50] =	vst v36;
	v40 =	vld [tilespmem:s13+$0xFFFFFFE0];
	v41 =	vmul.f32 v59, v33  }
0x251: {  	v26 =	vperm.xlane v13, v3;
	v42 =	vld [tilespmem:s2+$0xFFFFFFE0];
	[tilespmem:s24+$0x50] =	vst v39;
	v43 =	vmul.f32 v61, v45  }
0x252: {  	v28 =	vperm.xlane v14, v3;
	[tilespmem:s7+$0x50] =	vst v41;
	v44 =	vld [tilespmem:s11+$0xFFFFFFE0]  }
0x253: {  	v29 =	vperm.xlane v15, v3;
	v46 =	vld [tilespmem:s25+$0xFFFFFFE0];
	v45 =	vmul.f32 v63, v26;
	[tilespmem:s17+$0x50] =	vst v43  }
0x254: {  	[tilespmem:s1+$0x70] =	vst v27;
	v27 =	vperm.xlane v16, v3;
	v47 =	vmul.f32 v37, v28;
	v48 =	vld [tilespmem:s19+$0xFFFFFFE0]  }
0x255: {  	v24 =	vperm.xlane v17, v3;
	v22 =	vmul.f32 v40, v29;
	[tilespmem:s23+$0xFFFFFFE0] =	vst v45  }
0x256: {  	v31 =	vperm.xlane v18, v3;
	v50 =	vmul.f32 v42, v27;
	[tilespmem:s4+$0xFFFFFFE0] =	vst v47;
	v49 =	vld [tilespmem:s10+$0x60]  }
0x257: {  	v32 =	vperm.xlane v25, v3;
	[tilespmem:s6+$0xFFFFFFE0] =	vst v22;
	v51 =	vld [tilespmem:s3+$0x60];
	v52 =	vmul.f32 v44, v24  }
0x258: {  	[tilespmem:s30+$0xFFFFFFE0] =	vst v50;
	v53 =	vld [tilespmem:s13+$0x60];
	v54 =	vmul.f32 v46, v31  }
0x259: {  	v13 =	vperm.xlane v13, v7;
	v55 =	vld [tilespmem:s2+$0x60];
	[tilespmem:s24+$0xFFFFFFE0] =	vst v52;
	v56 =	vmul.f32 v48, v32  }
0x25a: {  	v23 =	vmul.f32 v23, v21;
	v14 =	vperm.xlane v14, v7;
	[tilespmem:s7+$0xFFFFFFE0] =	vst v54;
	v57 =	vld [tilespmem:s11+$0x60]  }
0x25b: {  	v15 =	vperm.xlane v15, v7;
	v59 =	vld [tilespmem:s25+$0x60];
	v58 =	vmul.f32 v49, v13;
	[tilespmem:s17+$0xFFFFFFE0] =	vst v56  }
0x25c: {  	[tilespmem:s8+$0x60] =	vst v23;
	v16 =	vperm.xlane v16, v7;
	v60 =	vmul.f32 v51, v14;
	v61 =	vld [tilespmem:s19+$0x60]  }
0x25d: {  	v62 =	vld [tilespmem:s15+$0xFFFFFFF0];
	v40 =	vperm.xlane v17, v7;
	v63 =	vmul.f32 v53, v15;
	[tilespmem:s23+$0x60] =	vst v58  }
0x25e: {  	v42 =	vmul.f32 v55, v16;
	v43 =	vperm.xlane v18, v7;
	[tilespmem:s4+$0x60] =	vst v60;
	v41 =	vld [tilespmem:s10+$0xFFFFFFF0]  }
0x25f: {  	v25 =	vperm.xlane v25, v7;
	[tilespmem:s6+$0x60] =	vst v63;
	v44 =	vld [tilespmem:s3+$0xFFFFFFF0];
	v45 =	vmul.f32 v57, v40  }
0x260: {  	[tilespmem:s30+$0x60] =	vst v42;
	v46 =	vld [tilespmem:s13+$0xFFFFFFF0];
	v47 =	vmul.f32 v59, v43  }
0x261: {  	v48 =	vld [tilespmem:s2+$0xFFFFFFF0];
	[tilespmem:s24+$0x60] =	vst v45;
	v49 =	vmul.f32 v61, v25  }
0x262: {  	v19 =	vmul.f32 v62, v19;
	[tilespmem:s7+$0x60] =	vst v47;
	v50 =	vld [tilespmem:s11+$0xFFFFFFF0]  }
0x263: {  	v52 =	vld [tilespmem:s25+$0xFFFFFFF0];
	v51 =	vmul.f32 v41, v26;
	[tilespmem:s17+$0x60] =	vst v49  }
0x264: {  	[tilespmem:s8+$0xFFFFFFF0] =	vst v19;
	v53 =	vmul.f32 v44, v28;
	v20 =	vld [tilespmem:s19+$0xFFFFFFF0]  }
0x265: {  	v54 =	vld [tilespmem:s15+$0x70];
	v55 =	vmul.f32 v46, v29;
	[tilespmem:s23+$0xFFFFFFF0] =	vst v51  }
0x266: {  	v57 =	vmul.f32 v48, v27;
	[tilespmem:s4+$0xFFFFFFF0] =	vst v53;
	v56 =	vld [tilespmem:s10+$0x70]  }
0x267: {  	[tilespmem:s6+$0xFFFFFFF0] =	vst v55;
	v58 =	vld [tilespmem:s3+$0x70];
	v59 =	vmul.f32 v50, v24  }
0x268: {  	v60 =	vld [tilespmem:s13+$0x70];
	[tilespmem:s30+$0xFFFFFFF0] =	vst v57;
	v61 =	vmul.f32 v52, v31  }
0x269: {  	v62 =	vld [tilespmem:s2+$0x70];
	[tilespmem:s24+$0xFFFFFFF0] =	vst v59;
	v20 =	vmul.f32 v20, v32  }
0x26a: {  	v63 =	vmul.f32 v54, v21;
	[tilespmem:s7+$0xFFFFFFF0] =	vst v61;
	v22 =	vld [tilespmem:s11+$0x70]  }
0x26b: {  	v19 =	vld [tilespmem:s25+$0x70];
	v13 =	vmul.f32 v56, v13;
	[tilespmem:s17+$0xFFFFFFF0] =	vst v20  }
0x26c: {  	[tilespmem:s8+$0x70] =	vst v63;
	v14 =	vmul.f32 v58, v14;
	v20 =	vld [tilespmem:s19+$0x70]  }
0x26d: {  	[tilespmem:s23+$0x70] =	vst v13;
	v13 =	vmul.f32 v60, v15  }
0x26e: {  	[tilespmem:s4+$0x70] =	vst v14;
	v14 =	vmul.f32 v62, v16  }
0x26f: {  	[tilespmem:s6+$0x70] =	vst v13;
	v13 =	vmul.f32 v22, v40  }
0x270: {  	[tilespmem:s30+$0x70] =	vst v14;
	v14 =	vmul.f32 v19, v43  }
0x271: {  	[tilespmem:s24+$0x70] =	vst v13;
	v13 =	vmul.f32 v20, v25  }
0x272: {  	[tilespmem:s7+$0x70] =	vst v14  }
0x273: {  	s25 =	simm.s32 $0x62C0;
	s30 =	simm.s32 $0x140;
	s24 =	rddreg [dreg:$0x2];
	[tilespmem:s17+$0x70] =	vst v13  }
0x274: {  	[spmem:s24] =	stream.indirect.scatter.add.f32 [tilespmem:s25], [sflag:$0xB], $0x80, s30, s16, $0xb8;
	[tilespmem:$0x1D6C8] =	vst v63  }
0x275: {  	_ =	swait.ge [sflag:s14], $0x2800  }
.Ltmp5:
0x276: {  	[sflag:s14] =	ssyncset.done $0x0;
	(pc) =	sbr.rel @p4 .LBB2_17-.Ltmp5, $4  }
0x277: {  	s1 =	simm.s32 @!p0 $0x9;
	[sflag:s14] =	ssyncadd.s32 $0xFFFFD800  }
0x278: {  	_ =	swait.ge @!p0 [sflag:s1], $0x280  }
0x279: {  	[sflag:s1] =	ssyncset.done @!p0 $0x0  }
0x27a: {  	[sflag:s1] =	ssyncadd.s32 @!p0 $0xFFFFFD80  }
0x27b: {  	_ =	swait.ge [sflag:s5], $0x50  }
0x27c: {  	[sflag:s5] =	ssyncset.done $0x0  }
0x27d: {  	[sflag:s5] =	ssyncadd.s32 $0xFFFFFFB0  }
0x27e: {  	_ =	swait.ge [sflag:s5], $0x50  }
0x27f: {  	[sflag:s5] =	ssyncset.done $0x0  }
0x280: {  	s1 =	simm.s32 $0x0;
	[sflag:s5] =	ssyncadd.s32 $0xFFFFFFB0  }
0x281: {  	v14 =	vld [tilespmem:s1+$0xA0]  }
0x282: {  	v13 =	vld [tilespmem:s1+$0x0];
	_ =	sdelay $0x1  }
0x283: {  	s2 =	simm.s32 $0x40  }
.LBB2_15:
0x284: {  	p4 =	sne.s32 s2, $0x100  }
.Ltmp6:
0x285: {  	s3 =	sshra.s32 s2, $0x2;
	s2 =	sadd.s32 $0x40, s2;
	v15 =	vadd.s32 v11, v14;
	v18 =	vadd.s32 v12, v14;
	(pc) =	sbr.rel @p4 .LBB2_15-.Ltmp6, $4  }
0x286: {  	v14 =	vld [tilespmem:s3+$0xA0];
	v17 =	vadd.s32 v11, v13;
	[tilespmem:s1+$0x320] =	vst v18;
	v16 =	vmov v13  }
0x287: {  	v13 =	vld [tilespmem:s3+$0x0];
	[tilespmem:s1+$0x1E0] =	vst v17  }
0x288: {  	[tilespmem:s1+$0x280] =	vst v15  }
0x289: {  	[tilespmem:s1+$0x140] =	vst v16;
	s1 =	smov.u32 s3  }
0x28a: {  	_ = 	snop  }
0x28b: {  	v15 =	vadd.s32 v12, v14  }
0x28c: {  	v16 =	vadd.s32 v11, v13;
	[tilespmem:s1+$0x320] =	vst v15  }
0x28d: {  	[tilespmem:s1+$0x1E0] =	vst v16  }
0x28e: {  	s3 =	sld [smem:$0x7F7]  }
0x28f: {  	s2 =	smul.u32 $0xA0, s0;
	_ =	sdelay $0x1  }
0x290: {  	v14 =	vadd.s32 v11, v14;
	s2 =	sadd.s32 s2, s3  }
0x291: {  	[tilespmem:s1+$0x280] =	vst v14;
	s2 =	sshrl.u32 s2, $0x3  }
0x292: {  	s11 =	simm.s32 $0x0;
	[tilespmem:s1+$0x140] =	vst v13;
	s10 =	sadd.s32 s26, s2  }
0x293: {  	[tilespmem:s16], [sflag:$0x2] =	stream.linear.gather [hbm4b:s10+s11], $0x50, $0x38;
	[tilespmem:$0x1D6C8] =	vst v63  }
0x294: {  	s15 =	simm.s32 $0xF0;
	s13 =	sadd.s32 s28, s2  }
0x295: {  	[tilespmem:s15], [sflag:$0x2] =	stream.linear.gather [hbm4b:s13+s11], $0x50, $0x38;
	[tilespmem:$0x1D6C8] =	vst v63  }
0x296: {  	s17 =	rddreg [dreg:$0x1];
	s19 =	simm.s32 $0x1E0  }
0x297: {  	[tilespmem:s18], [sflag:$0x3] =	stream.indirect.gather [hbm4b:s17+s16], $0x8, s19, s16, $0xb8;
	[tilespmem:$0x1D6C8] =	vst v63  }
0x298: {  	s23 =	simm.s32 $0x280;
	s22 =	rddreg [dreg:$0x18]  }
0x299: {  	[tilespmem:s20], [sflag:$0x5] =	stream.indirect.gather [hbm4b:s22+s16], $0x8, s23, s16, $0xb8;
	[tilespmem:$0x1D6C8] =	vst v63  }
0x29a: {  	s25 =	simm.s32 $0x320;
	s30 =	simm.s32 $0x12C0;
	s24 =	rddreg [dreg:$0x17]  }
0x29b: {  	[tilespmem:s30], [sflag:$0x7] =	stream.indirect.gather [hbm4b:s24+s16], $0x80, s25, s16, $0xb8;
	[tilespmem:$0x1D6C8] =	vst v63  }
.LBB2_17:
0x29c: {  	s1 =	simm.s32 $0x2  }
0x29d: {  	s2 =	simm.s32 $0x0;
	v13 =	vmov s1  }
0x29e: {  	s4 =	simm.s32 $0x4;
	v14 =	vmov s2;
	v13 =	vshll.u32 v13, $0x3  }
0x29f: {  	_ =	swait.ge [sflag:s4], $0x280;
	v14 =	vshll.u32 v14, $0x3;
	v13 =	vor.u32 v8, v13  }
0x2a0: {  	s6 =	simm.s32 $0x8;
	[sflag:s4] =	ssyncset.done $0x0;
	v14 =	vor.u32 v8, v14;
	v26 =	vor.u32 v9, v13  }
0x2a1: {  	s7 =	simm.s32 $0x6;
	s8 =	simm.s32 $0x6;
	[sflag:s4] =	ssyncadd.s32 $0xFFFFFD80;
	v27 =	vor.u32 v9, v14;
	v13 =	vmov s6  }
0x2a2: {  	_ =	swait.ge [sflag:s8], $0x280;
	v14 =	vmov s7;
	v13 =	vshll.u32 v13, $0x3  }
0x2a3: {  	[sflag:s8] =	ssyncset.done $0x0;
	v14 =	vshll.u32 v14, $0x3;
	v13 =	vor.u32 v8, v13  }
0x2a4: {  	s10 =	simm.s32 $0xC;
	[sflag:s8] =	ssyncadd.s32 $0xFFFFFD80;
	v15 =	vor.u32 v8, v14;
	v14 =	vor.u32 v9, v13  }
0x2a5: {  	v13 =	vor.u32 v9, v15;
	v15 =	vmov s10;
	v17 =	vld.idx.msk [tilespmem:v26+s9+$0x0], $0xffff  }
0x2a6: {  	v15 =	vshll.u32 v15, $0x3;
	v18 =	vld.idx.msk [tilespmem:v27+s9+$0x0], $0xffff  }
0x2a7: {  	v19 =	vld.idx.msk [tilespmem:v27+s31+$0x0], $0xffff;
	v15 =	vor.u32 v8, v15  }
0x2a8: {  	v20 =	vld.idx.msk [tilespmem:v26+s31+$0x0], $0xffff;
	v15 =	vor.u32 v9, v15  }
0x2a9: {  	s11 =	simm.s32 $0xE;
	v21 =	vld.idx.msk [tilespmem:v14+s9+$0x0], $0xffff  }
0x2aa: {  	s13 =	simm.s32 $0x4;
	s15 =	simm.s32 $0xA;
	v16 =	vmov s11;
	v22 =	vld.idx.msk [tilespmem:v13+s31+$0x0], $0xffff  }
0x2ab: {  	s22 =	simm.s32 $0x14;
	s30 =	simm.s32 $0x1C;
	v25 =	vmov s13;
	v28 =	vmov s15;
	v16 =	vshll.u32 v16, $0x3;
	v23 =	vld.idx.msk [tilespmem:v14+s31+$0x0], $0xffff  }
0x2ac: {  	v34 =	vmov s22;
	v46 =	vmov s30;
	v16 =	vor.u32 v8, v16;
	v24 =	vld.idx.msk [tilespmem:v13+s9+$0x0], $0xffff  }
0x2ad: {  	s25 =	simm.s32 $0x1A;
	v25 =	vshll.u32 v25, $0x3;
	v16 =	vor.u32 v9, v16;
	v18 =	vadd.f32 v18, v19;
	v29 =	vld.idx.msk [tilespmem:v15+s31+$0x0], $0xffff  }
0x2ae: {  	v38 =	vmov s25;
	v47 =	vshll.u32 v46, $0x3;
	v25 =	vor.u32 v8, v25;
	v30 =	vld.idx.msk [tilespmem:v15+s9+$0x0], $0xffff  }
0x2af: {  	v19 =	vshll.u32 v28, $0x3;
	v20 =	vadd.f32 v17, v20;
	v28 =	vmul.f32 $2.000000030e-01, v18  }
0x2b0: {  	v17 =	vor.u32 v9, v25;
	v19 =	vor.u32 v8, v19;
	v21 =	vadd.f32 v21, v23  }
0x2b1: {  	v22 =	vadd.f32 v24, v22;
	v23 =	vmul.f32 $2.000000030e-01, v20;
	v18 =	vmax.f32 v18, v28  }
0x2b2: {  	v25 =	vld.idx.msk [tilespmem:v16+s31+$0x0], $0xffff;
	v24 =	vmul.f32 $2.000000030e-01, v21;
	v28 =	vsub.f32 $0.0e+00, v18;
	v18 =	vor.u32 v9, v19  }
0x2b3: {  	v19 =	vld.idx.msk [tilespmem:v16+s9+$0x0], $0xffff;
	v20 =	vmax.f32 v20, v23;
	v29 =	vadd.f32 v30, v29;
	v30 =	vmul.f32 $2.000000030e-01, v22  }
0x2b4: {  	s19 =	simm.s32 $0x10;
	v21 =	vmax.f32 v21, v24;
	v23 =	vmul.f32 $1.442695020e+00, v28;
	v28 =	vsub.f32 $0.0e+00, v20  }
0x2b5: {  	s17 =	simm.s32 $0x1E;
	s3 =	simm.s32 $0x12;
	v20 =	vmov s19;
	v22 =	vmax.f32 v22, v30;
	v24 =	vmul.f32 $2.000000030e-01, v29  }
0x2b6: {  	v30 =	vmov s17;
	v31 =	vsub.f32 $0.0e+00, v21;
	v21 =	vmov s3  }
0x2b7: {  	v32 =	vld.idx.msk [tilespmem:v17+s31+$0x0], $0xffff;
	v20 =	vshll.u32 v20, $0x3;
	(erf) = vpow2.f32 v23;
	v21 =	vshll.u32 v21, $0x3  }
0x2b8: {  	v33 =	vld.idx.msk [tilespmem:v17+s9+$0x0], $0xffff;
	v25 =	vadd.f32 v19, v25;
	v19 =	vor.u32 v8, v20;
	v21 =	vor.u32 v8, v21  }
0x2b9: {  	s23 =	simm.s32 $0x16;
	s24 =	simm.s32 $0x18;
	v22 =	vsub.f32 $0.0e+00, v22;
	v20 =	vor.u32 v9, v19;
	v19 =	vor.u32 v9, v21  }
0x2ba: {  	v28 =	vmul.f32 $1.442695020e+00, v28;
	v23 =	vmov s24;
	v21 =	vmov s23  }
0x2bb: {  	v30 =	vshll.u32 v30, $0x3;
	v35 =	vld.idx.msk [tilespmem:v18+s31+$0x0], $0xffff;
	v23 =	vshll.u32 v23, $0x3;
	v21 =	vshll.u32 v21, $0x3  }
0x2bc: {  	v36 =	vld.idx.msk [tilespmem:v18+s9+$0x0], $0xffff;
	v24 =	vmax.f32 v29, v24;
	v29 =	vor.u32 v8, v23;
	v21 =	vor.u32 v8, v21  }
0x2bd: {  	v32 =	vadd.f32 v33, v32;
	v23 =	vor.u32 v9, v21;
	v21 =	vor.u32 v9, v29  }
0x2be: {  	v31 =	vmul.f32 $1.442695020e+00, v31;
	v30 =	vor.u32 v8, v30;
	(erf) = vpow2.f32 v28;
	v39 =	vld.idx.msk [tilespmem:v19+s9+$0x0], $0xffff  }
0x2bf: {  	v49 =	vmul.f32 $1.442695020e+00, v22;
	v22 =	vor.u32 v8, v47;
	v24 =	vsub.f32 $0.0e+00, v24;
	v48 =	vld.idx.msk [tilespmem:v20+s9+$0x0], $0xffff  }
0x2c0: {  	v37 =	vmul.f32 $2.000000030e-01, v25;
	v51 =	vmul.f32 $2.000000030e-01, v32;
	v22 =	vor.u32 v9, v22;
	v50 =	vld.idx.msk [tilespmem:v20+s31+$0x0], $0xffff  }
0x2c1: {  	(erf) = vpow2.f32 v31;
	v52 =	vmul.f32 $1.442695020e+00, v24;
	v28 =	vadd.f32 v36, v35;
	v40 =	vld.idx.msk [tilespmem:v19+s31+$0x0], $0xffff  }
0x2c2: {  	v24 =	vor.u32 v9, v30;
	v29 =	vshll.u32 v38, $0x3;
	v32 =	vmax.f32 v32, v51;
	v42 =	vld.idx.msk [tilespmem:v21+s9+$0x0], $0xffff  }
0x2c3: {  	v25 =	vmax.f32 v25, v37;
	v32 =	vsub.f32 $0.0e+00, v32;
	v41 =	vmul.f32 $2.000000030e-01, v28;
	v31 =	vld.idx.msk [tilespmem:v23+s31+$0x0], $0xffff  }
0x2c4: {  	(erf) = vpow2.f32 v49;
	v29 =	vor.u32 v8, v29;
	v25 =	vsub.f32 $0.0e+00, v25;
	v53 =	vld.idx.msk [tilespmem:v21+s31+$0x0], $0xffff  }
0x2c5: {  	v32 =	vmul.f32 $1.442695020e+00, v32;
	v30 =	vmax.f32 v28, v41;
	v54 =	vld.idx.msk [tilespmem:v23+s9+$0x0], $0xffff;
	v28 =	vshll.u32 v34, $0x3  }
0x2c6: {  	(erf) = vpow2.f32 v52;
	v55 =	vld.idx.msk [tilespmem:v22+s31+$0x0], $0xffff;
	v28 =	vor.u32 v8, v28;
	v56 =	vadd.f32 v48, v50  }
0x2c7: {  	v57 =	vld.idx.msk [tilespmem:v22+s9+$0x0], $0xffff;
	(erf) = vpow2.f32 v32;
	v30 =	vsub.f32 $0.0e+00, v30;
	v28 =	vor.u32 v9, v28  }
0x2c8: {  	v59 =	vmul.f32 $1.442695020e+00, v25;
	v58 =	vadd.f32 v39, v40;
	v38 =	vmul.f32 $2.000000030e-01, v56  }
0x2c9: {  	v25 =	vor.u32 v9, v29;
	v60 =	vmul.f32 $1.442695020e+00, v30;
	v37 =	vadd.f32 v42, v53  }
0x2ca: {  	v32 =	vld.idx.msk [tilespmem:v24+s31+$0x0], $0xffff;
	v40 =	vmul.f32 $2.000000030e-01, v58;
	v35 =	vadd.f32 v54, v31;
	v29 =	vmax.f32 v56, v38  }
0x2cb: {  	v34 =	vld.idx.msk [tilespmem:v24+s9+$0x0], $0xffff;
	v30 =	vpop (erf);
	(erf) = vpow2.f32 v59;
	v61 =	vmul.f32 $2.000000030e-01, v37;
	v43 =	vsub.f32 $0.0e+00, v29  }
0x2cc: {  	v31 =	vadd.f32 v57, v55;
	v62 =	vpop (erf);
	v36 =	vmax.f32 v58, v40;
	v29 =	vld.idx.msk [tilespmem:v28+s31+$0x0], $0xffff;
	v63 =	vmul.f32 $2.000000030e-01, v35  }
0x2cd: {  	[tilespmem:v27+s21+$0x0] =	vst.idx.msk $0xffff, v30;
	(erf) = vpow2.f32 v60;
	v27 =	vpop (erf);
	v30 =	vld.idx.msk [tilespmem:v28+s9+$0x0], $0xffff;
	v38 =	vmax.f32 v37, v61;
	v37 =	vmul.f32 $1.442695020e+00, v43  }
0x2ce: {  	s1 =	simm.s32 $0x2E;
	[tilespmem:v26+s21+$0x0] =	vst.idx.msk $0xffff, v62;
	v26 =	vld.idx.msk [tilespmem:v25+s31+$0x0], $0xffff;
	v36 =	vsub.f32 $0.0e+00, v36;
	v33 =	vpop (erf);
	v39 =	vmax.f32 v35, v63;
	v35 =	vmul.f32 $2.000000030e-01, v31  }
.LBB2_18:
0x2cf: {  	s2 =	sadd.s32 $0xFFFFFFF2, s1;
	s3 =	sadd.s32 $0xFFFFFFF4, s1;
	s4 =	sadd.s32 $0xFFFFFFF6, s1;
	v40 =	vmov s1;
	v41 =	vld.idx.msk [tilespmem:v25+s9+$0x0], $0xffff;
	v38 =	vsub.f32 $0.0e+00, v38;
	(erf) = vpow2.f32 v37;
	v37 =	vpop (erf)  }
0x2d0: {  	p4 =	sne.s32 s1, $0x4E;
	v39 =	vsub.f32 $0.0e+00, v39;
	v42 =	vmov s2;
	v43 =	vmov s3;
	v44 =	vpop (erf);
	s2 =	smov.u32 s1;
	s1 =	sadd.s32 $0x10, s1  }
0x2d1: {  	v32 =	vadd.f32 v34, v32;
	v42 =	vshll.u32 v42, $0x3;
	v43 =	vshll.u32 v43, $0x3;
	[tilespmem:v17+s21+$0x0] =	vst.idx.msk $0xffff, v44;
	v17 =	vmovc v28  }
0x2d2: {  	v28 =	vmov s4;
	v34 =	vor.u32 v8, v42;
	v42 =	vor.u32 v8, v43;
	[tilespmem:v13+s21+$0x0] =	vst.idx.msk $0xffff, v33;
	v13 =	vmovc v23  }
0x2d3: {  	s3 =	sadd.s32 $0xFFFFFFF8, s2;
	s4 =	sadd.s32 $0xFFFFFFFA, s2;
	v33 =	vor.u32 v9, v34;
	v42 =	vor.u32 v9, v42;
	v34 =	vmul.f32 $1.442695020e+00, v36;
	[tilespmem:v14+s21+$0x0] =	vst.idx.msk $0xffff, v27  }
0x2d4: {  	v44 =	vmov s3;
	v23 =	vmov s4;
	s3 =	sadd.s32 $0xFFFFFFFC, s2;
	v27 =	vshll.u32 v40, $0x3;
	v36 =	vpop (erf)  }
0x2d5: {  	v31 =	vmax.f32 v31, v35;
	v40 =	vshll.u32 v44, $0x3;
	v23 =	vshll.u32 v23, $0x3;
	v14 =	vmovc v21  }
0x2d6: {  	v21 =	vor.u32 v8, v40;
	v35 =	vor.u32 v8, v23;
	v40 =	vmul.f32 $2.000000030e-01, v32;
	v43 =	vpop (erf)  }
0x2d7: {  	s2 =	sadd.s32 $0xFFFFFFFE, s2;
	v44 =	vmov s3;
	v23 =	vor.u32 v9, v21;
	v21 =	vor.u32 v9, v35;
	[tilespmem:v18+s21+$0x0] =	vst.idx.msk $0xffff, v43;
	v18 =	vmovc v25  }
0x2d8: {  	v29 =	vadd.f32 v30, v29;
	v35 =	vmov s2;
	v25 =	vshll.u32 v44, $0x3;
	v43 =	vld.idx.msk [tilespmem:v42+s9+$0x0], $0xffff;
	v30 =	vpop (erf);
	[tilespmem:v15+s21+$0x0] =	vst.idx.msk $0xffff, v37  }
0x2d9: {  	v37 =	vshll.u32 v35, $0x3;
	v25 =	vor.u32 v8, v25;
	v35 =	vld.idx.msk [tilespmem:v33+s9+$0x0], $0xffff;
	(erf) = vpow2.f32 v34;
	[tilespmem:v16+s21+$0x0] =	vst.idx.msk $0xffff, v36  }
0x2da: {  	v26 =	vadd.f32 v41, v26;
	v15 =	vmovc v22;
	v44 =	vor.u32 v8, v37;
	v36 =	vmul.f32 $1.442695020e+00, v39;
	v34 =	vld.idx.msk [tilespmem:v33+s31+$0x0], $0xffff  }
0x2db: {  	v38 =	vmul.f32 $1.442695020e+00, v38;
	v39 =	vmul.f32 $2.000000030e-01, v29;
	v16 =	vmovc v24;
	v22 =	vor.u32 v9, v44;
	v37 =	vld.idx.msk [tilespmem:v42+s31+$0x0], $0xffff  }
0x2dc: {  	v32 =	vmax.f32 v32, v40;
	v24 =	vsub.f32 $0.0e+00, v31;
	v44 =	vmul.f32 $2.000000030e-01, v26;
	v41 =	vld.idx.msk [tilespmem:v21+s9+$0x0], $0xffff  }
0x2dd: {  	v29 =	vmax.f32 v29, v39;
	v31 =	vld.idx.msk [tilespmem:v23+s31+$0x0], $0xffff;
	(erf) = vpow2.f32 v38  }
0x2de: {  	v27 =	vor.u32 v8, v27;
	v39 =	vmul.f32 $1.442695020e+00, v24;
	v29 =	vsub.f32 $0.0e+00, v29;
	v38 =	vld.idx.msk [tilespmem:v21+s31+$0x0], $0xffff  }
0x2df: {  	v24 =	vor.u32 v9, v27;
	v26 =	vmax.f32 v26, v44;
	v27 =	vld.idx.msk [tilespmem:v23+s9+$0x0], $0xffff;
	(erf) = vpow2.f32 v36  }
0x2e0: {  	v28 =	vshll.u32 v28, $0x3;
	v32 =	vsub.f32 $0.0e+00, v32;
	v29 =	vmul.f32 $1.442695020e+00, v29;
	v36 =	vld.idx.msk [tilespmem:v22+s31+$0x0], $0xffff  }
0x2e1: {  	v28 =	vor.u32 v8, v28;
	v35 =	vadd.f32 v35, v34;
	v40 =	vld.idx.msk [tilespmem:v22+s9+$0x0], $0xffff;
	(erf) = vpow2.f32 v39  }
0x2e2: {  	v28 =	vor.u32 v9, v28;
	v37 =	vadd.f32 v43, v37;
	v39 =	vpop (erf);
	(erf) = vpow2.f32 v29  }
0x2e3: {  	v26 =	vsub.f32 $0.0e+00, v26;
	v43 =	vmul.f32 $1.442695020e+00, v32;
	v29 =	vmul.f32 $2.000000030e-01, v35  }
0x2e4: {  	v25 =	vor.u32 v9, v25;
	v38 =	vadd.f32 v41, v38;
	v41 =	vmul.f32 $2.000000030e-01, v37;
	v32 =	vld.idx.msk [tilespmem:v24+s31+$0x0], $0xffff  }
.Ltmp7:
0x2e5: {  	v26 =	vmul.f32 $1.442695020e+00, v26;
	v44 =	vadd.f32 v27, v31;
	v29 =	vmax.f32 v35, v29;
	v34 =	vld.idx.msk [tilespmem:v24+s9+$0x0], $0xffff;
	(pc) =	sbr.rel @p4 .LBB2_18-.Ltmp7, $4  }
0x2e6: {  	v35 =	vmul.f32 $2.000000030e-01, v38;
	v45 =	vsub.f32 $0.0e+00, v29;
	[tilespmem:v20+s21+$0x0] =	vst.idx.msk $0xffff, v30;
	v27 =	vpop (erf);
	(erf) = vpow2.f32 v43  }
0x2e7: {  	v31 =	vadd.f32 v40, v36;
	v36 =	vmax.f32 v37, v41;
	v40 =	vmul.f32 $2.000000030e-01, v44;
	v20 =	vmovc v33;
	v29 =	vld.idx.msk [tilespmem:v28+s31+$0x0], $0xffff  }
0x2e8: {  	v38 =	vmax.f32 v38, v35;
	v37 =	vmul.f32 $1.442695020e+00, v45;
	v30 =	vld.idx.msk [tilespmem:v28+s9+$0x0], $0xffff;
	[tilespmem:v19+s21+$0x0] =	vst.idx.msk $0xffff, v39;
	v33 =	vpop (erf);
	(erf) = vpow2.f32 v26  }
0x2e9: {  	v36 =	vsub.f32 $0.0e+00, v36;
	v39 =	vmax.f32 v44, v40;
	v35 =	vmul.f32 $2.000000030e-01, v31;
	v19 =	vmovc v42;
	v26 =	vld.idx.msk [tilespmem:v25+s31+$0x0], $0xffff  }
0x2ea: {  	_ =	sdelay $0x3  }
0x2eb: {  	v40 =	vld.idx.msk [tilespmem:v25+s9+$0x0], $0xffff  }
0x2ec: {  	v32 =	vadd.f32 v34, v32  }
0x2ed: {  	v38 =	vsub.f32 $0.0e+00, v38;
	(erf) = vpow2.f32 v37;
	v29 =	vadd.f32 v30, v29  }
0x2ee: {  	v46 =	vmul.f32 $1.442695020e+00, v36;
	v31 =	vmax.f32 v31, v35;
	v47 =	vmul.f32 $2.000000030e-01, v32  }
0x2ef: {  	v49 =	vmul.f32 $1.442695020e+00, v38;
	v30 =	vsub.f32 $0.0e+00, v39;
	v48 =	vmul.f32 $2.000000030e-01, v29  }
0x2f0: {  	v31 =	vsub.f32 $0.0e+00, v31;
	(erf) = vpow2.f32 v46;
	v26 =	vadd.f32 v40, v26  }
0x2f1: {  	(erf) = vpow2.f32 v49;
	v30 =	vmul.f32 $1.442695020e+00, v30;
	v29 =	vmax.f32 v29, v48  }
0x2f2: {  	v31 =	vmul.f32 $1.442695020e+00, v31;
	v50 =	vmul.f32 $2.000000030e-01, v26;
	v29 =	vsub.f32 $0.0e+00, v29  }
0x2f3: {  	v32 =	vmax.f32 v32, v47;
	(erf) = vpow2.f32 v30  }
0x2f4: {  	v30 =	vsub.f32 $0.0e+00, v32;
	v26 =	vmax.f32 v26, v50;
	v29 =	vmul.f32 $1.442695020e+00, v29  }
0x2f5: {  	(erf) = vpow2.f32 v31;
	v26 =	vsub.f32 $0.0e+00, v26  }
0x2f6: {  	v31 =	vpop (erf);
	(erf) = vpow2.f32 v29  }
0x2f7: {  	v29 =	vmul.f32 $1.442695020e+00, v30;
	v26 =	vmul.f32 $1.442695020e+00, v26  }
0x2f8: {  	v30 =	vpop (erf)  }
0x2f9: {  	[tilespmem:v17+s21+$0x0] =	vst.idx.msk $0xffff, v30;
	v17 =	vpop (erf);
	(erf) = vpow2.f32 v29  }
0x2fa: {  	[tilespmem:v13+s21+$0x0] =	vst.idx.msk $0xffff, v33;
	v13 =	vpop (erf);
	(erf) = vpow2.f32 v26  }
0x2fb: {  	[tilespmem:v14+s21+$0x0] =	vst.idx.msk $0xffff, v27;
	v26 =	vpop (erf)  }
0x2fc: {  	[tilespmem:v18+s21+$0x0] =	vst.idx.msk $0xffff, v13;
	v14 =	vpop (erf)  }
0x2fd: {  	[tilespmem:v15+s21+$0x0] =	vst.idx.msk $0xffff, v31;
	v13 =	vpop (erf)  }
0x2fe: {  	[tilespmem:v20+s21+$0x0] =	vst.idx.msk $0xffff, v26;
	v15 =	vpop (erf)  }
0x2ff: {  	[tilespmem:v16+s21+$0x0] =	vst.idx.msk $0xffff, v17;
	v16 =	vpop (erf)  }
0x300: {  	[tilespmem:v19+s21+$0x0] =	vst.idx.msk $0xffff, v14;
	v14 =	vpop (erf)  }
0x301: {  	[tilespmem:v28+s21+$0x0] =	vst.idx.msk $0xffff, v14  }
0x302: {  	s1 =	simm.s32 $0x0;
	[tilespmem:v23+s21+$0x0] =	vst.idx.msk $0xffff, v15;
	v14 =	vpop (erf)  }
0x303: {  	v15 =	vmov s1;
	[tilespmem:v21+s21+$0x0] =	vst.idx.msk $0xffff, v13;
	v13 =	vpop (erf)  }
0x304: {  	[tilespmem:v25+s21+$0x0] =	vst.idx.msk $0xffff, v13;
	v13 =	vshll.u32 v15, $0x3  }
0x305: {  	s2 =	simm.s32 @!p0 $0x190;
	s3 =	simm.s32 @!p0 $0x1040;
	[tilespmem:v22+s21+$0x0] =	vst.idx.msk $0xffff, v16;
	v13 =	vor.u32 v8, v13  }
0x306: {  	s4 =	rddreg [dreg:$0x3];
	s13 =	simm.s32 $0x8;
	s1 =	simm.s32 @!p0 $0x50;
	[tilespmem:v24+s21+$0x0] =	vst.idx.msk $0xffff, v14;
	v13 =	vor.u32 v9, v13  }
0x307: {  	[spmem:s4] =	stream.indirect.scatter.add.f32 @!p0 [tilespmem:s3], [sflag:$0xA], $0x8, s2, s1, $0xb8;
	[tilespmem:$0x1D6C8] =	vst v63  }
0x308: {  	_ =	swait.ge [sflag:s13], $0x2800  }
0x309: {  	[sflag:s13] =	ssyncset.done $0x0  }
0x30a: {  	[sflag:s13] =	ssyncadd.s32 $0xFFFFD800  }
0x30b: {  	v18 =	vld.idx.msk [tilespmem:v13+s21+$0x0], $0xffff  }
0x30c: {  	s7 =	simm.s32 $0x3B40  }
0x30d: {  	v13 =	vld [tilespmem:s7+$0xFFFFFF80];
	_ =	sdelay $0x2  }
0x30e: {  	v14 =	vperm.xlane v18, v0;
	_ =	sdelay $0x1  }
0x30f: {  	v13 =	vmul.f32 v13, v14  }
0x310: {  	s15 =	simm.s32 $0x2;
	s1 =	simm.s32 $0x6340  }
0x311: {  	v15 =	vmov s15;
	[tilespmem:s1+$0xFFFFFF80] =	vst v13  }
0x312: {  	v13 =	vshll.u32 v15, $0x3;
	v15 =	vld [tilespmem:s7+$0x0]  }
0x313: {  	v13 =	vor.u32 v8, v13  }
0x314: {  	v13 =	vor.u32 v9, v13  }
0x315: {  	v16 =	vperm.xlane v18, v4;
	_ =	sdelay $0x1  }
0x316: {  	v15 =	vmul.f32 v15, v16;
	_ =	sdelay $0x1  }
0x317: {  	v21 =	vld.idx.msk [tilespmem:v13+s21+$0x0], $0xffff;
	[tilespmem:s1+$0x0] =	vst v15  }
0x318: {  	s15 =	simm.s32 $0x3C40;
	v13 =	vld [tilespmem:s7+$0xFFFFFF90]  }
0x319: {  	v15 =	vld [tilespmem:s15+$0xFFFFFF80];
	_ =	sdelay $0x2  }
0x31a: {  	v17 =	vperm.xlane v21, v0  }
0x31b: {  	v13 =	vmul.f32 v13, v14  }
0x31c: {  	s17 =	simm.s32 $0x4;
	v14 =	vmul.f32 v15, v17  }
0x31d: {  	s8 =	simm.s32 $0x6440;
	v15 =	vmov s17;
	[tilespmem:s1+$0xFFFFFF90] =	vst v13  }
0x31e: {  	v13 =	vshll.u32 v15, $0x3;
	[tilespmem:s8+$0xFFFFFF80] =	vst v14;
	v14 =	vld [tilespmem:s7+$0x10]  }
0x31f: {  	v13 =	vor.u32 v8, v13;
	v15 =	vld [tilespmem:s15+$0x0]  }
0x320: {  	v13 =	vor.u32 v9, v13;
	_ =	sdelay $0x1  }
0x321: {  	v19 =	vperm.xlane v21, v4  }
0x322: {  	v14 =	vmul.f32 v14, v16  }
0x323: {  	v15 =	vmul.f32 v15, v19  }
0x324: {  	v13 =	vld.idx.msk [tilespmem:v13+s21+$0x0], $0xffff;
	[tilespmem:s1+$0x10] =	vst v14  }
0x325: {  	[tilespmem:s8+$0x0] =	vst v15;
	v14 =	vld [tilespmem:s7+$0xFFFFFFA0]  }
0x326: {  	s10 =	simm.s32 $0x3D40;
	v15 =	vld [tilespmem:s15+$0xFFFFFF90]  }
0x327: {  	v16 =	vld [tilespmem:s10+$0xFFFFFF80]  }
0x328: {  	v20 =	vperm.xlane v18, v1;
	_ =	sdelay $0x1  }
0x329: {  	v22 =	vperm.xlane v13, v0;
	v14 =	vmul.f32 v14, v20  }
0x32a: {  	s19 =	simm.s32 $0x6;
	v15 =	vmul.f32 v15, v17  }
0x32b: {  	v17 =	vmov s19;
	v16 =	vmul.f32 v16, v22;
	[tilespmem:s1+$0xFFFFFFA0] =	vst v14  }
0x32c: {  	s23 =	simm.s32 $0x6540;
	v14 =	vshll.u32 v17, $0x3;
	[tilespmem:s8+$0xFFFFFF90] =	vst v15;
	v15 =	vld [tilespmem:s7+$0x20]  }
0x32d: {  	[tilespmem:s23+$0xFFFFFF80] =	vst v16;
	v14 =	vor.u32 v8, v14;
	v16 =	vld [tilespmem:s15+$0x10]  }
0x32e: {  	v17 =	vld [tilespmem:s10+$0x0];
	v14 =	vor.u32 v9, v14  }
0x32f: {  	v23 =	vperm.xlane v18, v5;
	_ =	sdelay $0x1  }
0x330: {  	v24 =	vperm.xlane v13, v4;
	v15 =	vmul.f32 v15, v23  }
0x331: {  	v16 =	vmul.f32 v16, v19  }
0x332: {  	v17 =	vmul.f32 v17, v24;
	v14 =	vld.idx.msk [tilespmem:v14+s21+$0x0], $0xffff;
	[tilespmem:s1+$0x20] =	vst v15  }
0x333: {  	[tilespmem:s8+$0x10] =	vst v16;
	v15 =	vld [tilespmem:s7+$0xFFFFFFB0]  }
0x334: {  	[tilespmem:s23+$0x0] =	vst v17;
	v16 =	vld [tilespmem:s15+$0xFFFFFFA0]  }
0x335: {  	s3 =	simm.s32 $0x3E40;
	v17 =	vld [tilespmem:s10+$0xFFFFFF90]  }
0x336: {  	v19 =	vld [tilespmem:s3+$0xFFFFFF80]  }
0x337: {  	v25 =	vperm.xlane v21, v1  }
0x338: {  	v15 =	vmul.f32 v15, v20  }
0x339: {  	s22 =	simm.s32 $0x8;
	v20 =	vperm.xlane v14, v0;
	v16 =	vmul.f32 v16, v25  }
0x33a: {  	v26 =	vmov s22;
	v17 =	vmul.f32 v17, v22;
	[tilespmem:s1+$0xFFFFFFB0] =	vst v15  }
0x33b: {  	v15 =	vshll.u32 v26, $0x3;
	v19 =	vmul.f32 v19, v20;
	[tilespmem:s8+$0xFFFFFFA0] =	vst v16;
	v16 =	vld [tilespmem:s7+$0x30]  }
0x33c: {  	s4 =	simm.s32 $0x6640;
	[tilespmem:s23+$0xFFFFFF90] =	vst v17;
	v15 =	vor.u32 v8, v15;
	v17 =	vld [tilespmem:s15+$0x20]  }
0x33d: {  	v15 =	vor.u32 v9, v15;
	[tilespmem:s4+$0xFFFFFF80] =	vst v19;
	v19 =	vld [tilespmem:s10+$0x10]  }
0x33e: {  	v22 =	vld [tilespmem:s3+$0x0]  }
0x33f: {  	v26 =	vperm.xlane v21, v5  }
0x340: {  	v16 =	vmul.f32 v16, v23  }
0x341: {  	v23 =	vperm.xlane v14, v4;
	v17 =	vmul.f32 v17, v26  }
0x342: {  	v15 =	vld.idx.msk [tilespmem:v15+s21+$0x0], $0xffff;
	v19 =	vmul.f32 v19, v24;
	[tilespmem:s1+$0x30] =	vst v16  }
0x343: {  	v16 =	vmul.f32 v22, v23;
	[tilespmem:s8+$0x20] =	vst v17;
	v17 =	vld [tilespmem:s7+$0xFFFFFFC0]  }
0x344: {  	[tilespmem:s23+$0x10] =	vst v19;
	v19 =	vld [tilespmem:s15+$0xFFFFFFB0]  }
0x345: {  	[tilespmem:s4+$0x0] =	vst v16;
	v16 =	vld [tilespmem:s10+$0xFFFFFFA0]  }
0x346: {  	s13 =	simm.s32 $0x3F40;
	v24 =	vperm.xlane v18, v2;
	v22 =	vld [tilespmem:s3+$0xFFFFFF90]  }
0x347: {  	v27 =	vld [tilespmem:s13+$0xFFFFFF80]  }
0x348: {  	v28 =	vperm.xlane v13, v1;
	v17 =	vmul.f32 v17, v24  }
0x349: {  	s24 =	simm.s32 $0xA;
	v19 =	vmul.f32 v19, v25  }
0x34a: {  	v29 =	vperm.xlane v15, v0;
	v25 =	vmov s24;
	v16 =	vmul.f32 v16, v28;
	[tilespmem:s1+$0xFFFFFFC0] =	vst v17  }
0x34b: {  	v17 =	vshll.u32 v25, $0x3;
	v20 =	vmul.f32 v22, v20;
	[tilespmem:s8+$0xFFFFFFB0] =	vst v19;
	v19 =	vld [tilespmem:s7+$0x40]  }
0x34c: {  	v22 =	vmul.f32 v27, v29;
	v17 =	vor.u32 v8, v17;
	[tilespmem:s23+$0xFFFFFFA0] =	vst v16;
	v16 =	vld [tilespmem:s15+$0x30]  }
0x34d: {  	s6 =	simm.s32 $0x6740;
	v17 =	vor.u32 v9, v17;
	[tilespmem:s4+$0xFFFFFF90] =	vst v20;
	v20 =	vld [tilespmem:s10+$0x20]  }
0x34e: {  	v25 =	vperm.xlane v18, v6;
	[tilespmem:s6+$0xFFFFFF80] =	vst v22;
	v22 =	vld [tilespmem:s3+$0x10]  }
0x34f: {  	v27 =	vld [tilespmem:s13+$0x0]  }
0x350: {  	v30 =	vperm.xlane v13, v5;
	v19 =	vmul.f32 v19, v25  }
0x351: {  	v26 =	vmul.f32 v16, v26  }
0x352: {  	v31 =	vperm.xlane v15, v4;
	v16 =	vld.idx.msk [tilespmem:v17+s21+$0x0], $0xffff;
	v17 =	vmul.f32 v20, v30;
	[tilespmem:s1+$0x40] =	vst v19  }
0x353: {  	v19 =	vmul.f32 v22, v23;
	[tilespmem:s8+$0x30] =	vst v26;
	v20 =	vld [tilespmem:s7+$0xFFFFFFD0]  }
0x354: {  	v22 =	vmul.f32 v27, v31;
	[tilespmem:s23+$0x20] =	vst v17;
	v17 =	vld [tilespmem:s15+$0xFFFFFFC0]  }
0x355: {  	[tilespmem:s4+$0x10] =	vst v19;
	v19 =	vld [tilespmem:s10+$0xFFFFFFB0]  }
0x356: {  	[tilespmem:s6+$0x0] =	vst v22;
	v22 =	vld [tilespmem:s3+$0xFFFFFFA0]  }
0x357: {  	s2 =	simm.s32 $0x4040;
	v26 =	vperm.xlane v21, v2;
	v23 =	vld [tilespmem:s13+$0xFFFFFF90]  }
0x358: {  	v27 =	vld [tilespmem:s2+$0xFFFFFF80];
	v20 =	vmul.f32 v20, v24  }
0x359: {  	s11 =	simm.s32 $0xC;
	v24 =	vperm.xlane v14, v1;
	v17 =	vmul.f32 v17, v26  }
0x35a: {  	v51 =	vmov s11;
	v19 =	vmul.f32 v19, v28;
	[tilespmem:s1+$0xFFFFFFD0] =	vst v20  }
0x35b: {  	v28 =	vperm.xlane v16, v0;
	v20 =	vshll.u32 v51, $0x3;
	v22 =	vmul.f32 v22, v24;
	[tilespmem:s8+$0xFFFFFFC0] =	vst v17;
	v17 =	vld [tilespmem:s7+$0x50]  }
0x35c: {  	v23 =	vmul.f32 v23, v29;
	v20 =	vor.u32 v8, v20;
	[tilespmem:s23+$0xFFFFFFB0] =	vst v19;
	v19 =	vld [tilespmem:s15+$0x40]  }
0x35d: {  	v27 =	vmul.f32 v27, v28;
	v20 =	vor.u32 v9, v20;
	[tilespmem:s4+$0xFFFFFFA0] =	vst v22;
	v22 =	vld [tilespmem:s10+$0x30]  }
0x35e: {  	s30 =	simm.s32 $0x6840;
	[tilespmem:s6+$0xFFFFFF90] =	vst v23;
	v23 =	vld [tilespmem:s3+$0x20]  }
0x35f: {  	v29 =	vperm.xlane v21, v6;
	[tilespmem:s30+$0xFFFFFF80] =	vst v27;
	v27 =	vld [tilespmem:s13+$0x10]  }
0x360: {  	v52 =	vld [tilespmem:s2+$0x0];
	v25 =	vmul.f32 v17, v25  }
0x361: {  	v53 =	vperm.xlane v14, v5;
	v19 =	vmul.f32 v19, v29  }
0x362: {  	v17 =	vld.idx.msk [tilespmem:v20+s21+$0x0], $0xffff;
	v20 =	vmul.f32 v22, v30;
	[tilespmem:s1+$0x50] =	vst v25  }
0x363: {  	v22 =	vperm.xlane v16, v4;
	v23 =	vmul.f32 v23, v53;
	[tilespmem:s8+$0x40] =	vst v19;
	v19 =	vld [tilespmem:s7+$0xFFFFFFE0]  }
0x364: {  	v25 =	vmul.f32 v27, v31;
	[tilespmem:s23+$0x30] =	vst v20;
	v20 =	vld [tilespmem:s15+$0xFFFFFFD0]  }
0x365: {  	v27 =	vmul.f32 v52, v22;
	[tilespmem:s4+$0x20] =	vst v23;
	v23 =	vld [tilespmem:s10+$0xFFFFFFC0]  }
0x366: {  	v30 =	vperm.xlane v18, v3;
	[tilespmem:s6+$0x10] =	vst v25;
	v25 =	vld [tilespmem:s3+$0xFFFFFFB0]  }
0x367: {  	[tilespmem:s30+$0x0] =	vst v27;
	v27 =	vld [tilespmem:s13+$0xFFFFFFA0]  }
0x368: {  	s11 =	simm.s32 $0x4140;
	v54 =	vperm.xlane v13, v2;
	v31 =	vld [tilespmem:s2+$0xFFFFFF90];
	v19 =	vmul.f32 v19, v30  }
0x369: {  	v55 =	vld [tilespmem:s11+$0xFFFFFF80];
	s17 =	simm.s32 $0xE;
	v20 =	vmul.f32 v20, v26  }
0x36a: {  	v56 =	vperm.xlane v15, v1;
	v26 =	vmov s17;
	v23 =	vmul.f32 v23, v54;
	[tilespmem:s1+$0xFFFFFFE0] =	vst v19  }
0x36b: {  	v19 =	vshll.u32 v26, $0x3;
	v24 =	vmul.f32 v25, v24;
	[tilespmem:s8+$0xFFFFFFD0] =	vst v20;
	v25 =	vld [tilespmem:s7+$0x60]  }
0x36c: {  	v57 =	vperm.xlane v17, v0;
	v20 =	vmul.f32 v27, v56;
	v19 =	vor.u32 v8, v19;
	[tilespmem:s23+$0xFFFFFFC0] =	vst v23;
	v23 =	vld [tilespmem:s15+$0x50]  }
0x36d: {  	v26 =	vmul.f32 v31, v28;
	v19 =	vor.u32 v9, v19;
	[tilespmem:s4+$0xFFFFFFB0] =	vst v24;
	v27 =	vld [tilespmem:s10+$0x40]  }
0x36e: {  	v58 =	vperm.xlane v18, v7;
	v24 =	vmul.f32 v55, v57;
	[tilespmem:s6+$0xFFFFFFA0] =	vst v20;
	v28 =	vld [tilespmem:s3+$0x30]  }
0x36f: {  	s24 =	simm.s32 $0x6940;
	[tilespmem:s30+$0xFFFFFF90] =	vst v26;
	v26 =	vld [tilespmem:s13+$0x20]  }
0x370: {  	v20 =	vperm.xlane v13, v6;
	[tilespmem:s24+$0xFFFFFF80] =	vst v24;
	v31 =	vld [tilespmem:s2+$0x10];
	v25 =	vmul.f32 v25, v58  }
0x371: {  	v59 =	vld [tilespmem:s11+$0x0];
	v23 =	vmul.f32 v23, v29  }
0x372: {  	v24 =	vperm.xlane v15, v5;
	v18 =	vld.idx.msk [tilespmem:v19+s21+$0x0], $0xffff;
	v19 =	vmul.f32 v27, v20;
	[tilespmem:s1+$0x60] =	vst v25  }
0x373: {  	v25 =	vmul.f32 v28, v53;
	[tilespmem:s8+$0x50] =	vst v23;
	v23 =	vld [tilespmem:s7+$0xFFFFFFF0]  }
0x374: {  	v26 =	vmul.f32 v26, v24;
	[tilespmem:s23+$0x40] =	vst v19;
	v27 =	vld [tilespmem:s15+$0xFFFFFFE0]  }
0x375: {  	v29 =	vperm.xlane v17, v4;
	v19 =	vmul.f32 v31, v22;
	[tilespmem:s4+$0x30] =	vst v25;
	v25 =	vld [tilespmem:s10+$0xFFFFFFD0]  }
0x376: {  	[tilespmem:s6+$0x20] =	vst v26  }
0x377: {  	v22 =	vmul.f32 v59, v29;
	v26 =	vld [tilespmem:s3+$0xFFFFFFC0];
	[tilespmem:s30+$0x10] =	vst v19;
	v19 =	vperm.xlane v21, v3  }
0x378: {  	v31 =	vld [tilespmem:s13+$0xFFFFFFB0];
	v23 =	vmul.f32 v23, v30  }
0x379: {  	[tilespmem:s24+$0x0] =	vst v22;
	v60 =	vld [tilespmem:s2+$0xFFFFFFA0];
	v27 =	vmul.f32 v27, v19  }
0x37a: {  	s22 =	simm.s32 $0x4240;
	v22 =	vperm.xlane v14, v2;
	v30 =	vld [tilespmem:s11+$0xFFFFFF90];
	v25 =	vmul.f32 v25, v54;
	[tilespmem:s1+$0xFFFFFFF0] =	vst v23  }
0x37b: {  	s25 =	simm.s32 $0x10;
	v61 =	vld [tilespmem:s22+$0xFFFFFF80];
	[tilespmem:s8+$0xFFFFFFE0] =	vst v27  }
0x37c: {  	v28 =	vperm.xlane v16, v1;
	v26 =	vmul.f32 v26, v22;
	v27 =	vld [tilespmem:s7+$0x70];
	[tilespmem:s23+$0xFFFFFFD0] =	vst v25;
	v25 =	vmov s25  }
0x37d: {  	v31 =	vmul.f32 v31, v56;
	v23 =	vld [tilespmem:s15+$0x60];
	v25 =	vshll.u32 v25, $0x3  }
0x37e: {  	v33 =	vperm.xlane v18, v0;
	v62 =	vmul.f32 v60, v28;
	[tilespmem:s4+$0xFFFFFFC0] =	vst v26;
	v26 =	vld [tilespmem:s10+$0x50];
	v25 =	vor.u32 v8, v25  }
0x37f: {  	[tilespmem:s6+$0xFFFFFFB0] =	vst v31;
	v63 =	vmul.f32 v30, v57;
	v30 =	vld [tilespmem:s3+$0x40];
	v25 =	vor.u32 v9, v25  }
0x380: {  	v21 =	vperm.xlane v21, v7;
	v34 =	vmul.f32 v61, v33;
	[tilespmem:s30+$0xFFFFFFA0] =	vst v62;
	v31 =	vld [tilespmem:s13+$0x30]  }
0x381: {  	s17 =	simm.s32 $0x12;
	s7 =	simm.s32 $0x6A40;
	s25 =	simm.s32 $0x4240;
	v32 =	vld [tilespmem:s2+$0x20];
	[tilespmem:s24+$0xFFFFFF90] =	vst v63;
	v27 =	vmul.f32 v27, v58  }
.LBB2_20:
0x382: {  	p4 =	sne.s32 s17, $0x4E;
	[tilespmem:s7+$0xFFFFFF80] =	vst v34;
	v34 =	vld [tilespmem:s11+$0x10];
	v35 =	vperm.xlane v14, v6;
	v23 =	vmul.f32 v23, v21;
	v36 =	vmovc v33;
	v37 =	vmov v21  }
0x383: {  	v21 =	vld [tilespmem:s22+$0x0];
	v26 =	vmul.f32 v26, v20;
	[tilespmem:s1+$0x70] =	vst v27;
	s1 =	smov.u32 s8;
	s8 =	smov.u32 s23;
	s23 =	smov.u32 s4  }
0x384: {  	s4 =	smov.u32 s6;
	s6 =	smov.u32 s30;
	s30 =	smov.u32 s24;
	v38 =	vld.idx.msk [tilespmem:v25+s21+$0x0], $0xffff;
	v25 =	vperm.xlane v16, v5;
	v27 =	vmul.f32 v30, v35;
	[tilespmem:s1+$0x60] =	vst v23;
	v20 =	vmov v35  }
0x385: {  	s24 =	smov.u32 s7;
	v23 =	vmul.f32 v31, v24;
	[tilespmem:s8+$0x50] =	vst v26;
	v26 =	vld [tilespmem:s15+$0xFFFFFFF0]  }
0x386: {  	v30 =	vperm.xlane v18, v4;
	v31 =	vmul.f32 v32, v25;
	[tilespmem:s23+$0x40] =	vst v27;
	v27 =	vld [tilespmem:s10+$0xFFFFFFE0];
	v24 =	vmov v25  }
0x387: {  	v25 =	vmul.f32 v34, v29;
	[tilespmem:s4+$0x30] =	vst v23;
	v23 =	vld [tilespmem:s3+$0xFFFFFFD0]  }
0x388: {  	v29 =	vmov v30;
	v21 =	vmul.f32 v21, v30;
	[tilespmem:s6+$0x20] =	vst v31;
	v31 =	vld [tilespmem:s13+$0xFFFFFFC0]  }
0x389: {  	v30 =	vperm.xlane v13, v3;
	[tilespmem:s30+$0x10] =	vst v25;
	v25 =	vld [tilespmem:s2+$0xFFFFFFB0]  }
0x38a: {  	[tilespmem:s7+$0x0] =	vst v21;
	v21 =	vld [tilespmem:s11+$0xFFFFFFA0];
	v26 =	vmul.f32 v26, v19  }
0x38b: {  	v33 =	vperm.xlane v15, v2;
	s22 =	sadd.s32 $0x100, s22;
	v19 =	vmov v30;
	v32 =	vld [tilespmem:s25+$0xFFFFFF90];
	v27 =	vmul.f32 v27, v30  }
0x38c: {  	v34 =	vld [tilespmem:s22+$0xFFFFFF80];
	v23 =	vmul.f32 v23, v22;
	[tilespmem:s1+$0xFFFFFFF0] =	vst v26  }
0x38d: {  	v35 =	vperm.xlane v17, v1;
	v26 =	vmov s17;
	v22 =	vmovc v33;
	v30 =	vmul.f32 v31, v33;
	[tilespmem:s8+$0xFFFFFFE0] =	vst v27;
	v27 =	vld [tilespmem:s15+$0x70];
	s15 =	smov.u32 s10;
	s10 =	smov.u32 s3;
	s3 =	smov.u32 s13  }
.Ltmp8:
0x38e: {  	v26 =	vshll.u32 v26, $0x3;
	s13 =	smov.u32 s2;
	s2 =	smov.u32 s11;
	v31 =	vmul.f32 v25, v28;
	[tilespmem:s23+$0xFFFFFFD0] =	vst v23;
	v23 =	vld [tilespmem:s15+$0x60];
	(pc) =	sbr.rel @p4 .LBB2_20-.Ltmp8, $4  }
0x38f: {  	v33 =	vperm.xlane v38, v0;
	s11 =	smov.u32 s25;
	s25 =	smov.u32 s22;
	v25 =	vor.u32 v8, v26;
	v21 =	vmul.f32 v21, v35;
	[tilespmem:s4+$0xFFFFFFC0] =	vst v30;
	v26 =	vld [tilespmem:s10+$0x50]  }
0x390: {  	v28 =	vmov v35;
	v25 =	vor.u32 v9, v25;
	v32 =	vmul.f32 v32, v36;
	[tilespmem:s6+$0xFFFFFFB0] =	vst v31;
	v30 =	vld [tilespmem:s3+$0x40]  }
0x391: {  	v34 =	vmul.f32 v34, v33;
	[tilespmem:s30+$0xFFFFFFA0] =	vst v21;
	v31 =	vld [tilespmem:s13+$0x30];
	v21 =	vperm.xlane v13, v7;
	v13 =	vmovc v14;
	v14 =	vmov v15  }
0x392: {  	s7 =	sadd.s32 $0x100, s7;
	s17 =	sadd.s32 $0x2, s17;
	v15 =	vmovc v16;
	v16 =	vmovc v17;
	v17 =	vmov v18;
	v18 =	vmov v38;
	[tilespmem:s24+$0xFFFFFF90] =	vst v32;
	v32 =	vld [tilespmem:s2+$0x20];
	v27 =	vmul.f32 v27, v37  }
0x393: {  	_ =	sdelay $0x3  }
0x394: {  	v25 =	vld.idx.msk [tilespmem:v25+s21+$0x0], $0xffff  }
0x395: {  	s19 =	sadd.s32 $0x100, s22  }
0x396: {  	v35 =	vld [tilespmem:s19+$0xFFFFFF80];
	_ =	sdelay $0x2  }
0x397: {  	v36 =	vperm.xlane v25, v0;
	_ =	sdelay $0x1  }
0x398: {  	v35 =	vmul.f32 v35, v36  }
0x399: {  	[tilespmem:s7+$0xFFFFFF80] =	vst v34;
	s17 =	sadd.s32 $0x100, s7  }
0x39a: {  	v34 =	vld [tilespmem:s22+$0x0];
	[tilespmem:s17+$0xFFFFFF80] =	vst v35  }
0x39b: {  	v35 =	vld [tilespmem:s19+$0x0];
	_ =	sdelay $0x1  }
0x39c: {  	v37 =	vperm.xlane v18, v4  }
0x39d: {  	v38 =	vperm.xlane v25, v4  }
0x39e: {  	v34 =	vmul.f32 v34, v37  }
0x39f: {  	v35 =	vmul.f32 v35, v38  }
0x3a0: {  	[tilespmem:s7+$0x0] =	vst v34  }
0x3a1: {  	v34 =	vld [tilespmem:s25+$0xFFFFFF90];
	[tilespmem:s17+$0x0] =	vst v35  }
0x3a2: {  	v35 =	vld [tilespmem:s19+$0xFFFFFF90];
	_ =	sdelay $0x3  }
0x3a3: {  	v33 =	vmul.f32 v34, v33  }
0x3a4: {  	v51 =	vmul.f32 v35, v36  }
0x3a5: {  	v52 =	vld [tilespmem:s11+$0x10];
	[tilespmem:s7+$0xFFFFFF90] =	vst v33  }
0x3a6: {  	v33 =	vld [tilespmem:s25+$0x10];
	[tilespmem:s17+$0xFFFFFF90] =	vst v51  }
0x3a7: {  	v34 =	vld [tilespmem:s19+$0x10];
	_ =	sdelay $0x2  }
0x3a8: {  	v29 =	vmul.f32 v52, v29  }
0x3a9: {  	v33 =	vmul.f32 v33, v37  }
0x3aa: {  	[tilespmem:s24+$0x10] =	vst v29;
	v53 =	vmul.f32 v34, v38  }
0x3ab: {  	v54 =	vld [tilespmem:s11+$0xFFFFFFA0];
	[tilespmem:s7+$0x10] =	vst v33  }
0x3ac: {  	v33 =	vld [tilespmem:s25+$0xFFFFFFA0];
	[tilespmem:s17+$0x10] =	vst v53  }
0x3ad: {  	v29 =	vld [tilespmem:s19+$0xFFFFFFA0]  }
0x3ae: {  	v55 =	vperm.xlane v17, v1  }
0x3af: {  	v56 =	vperm.xlane v18, v1  }
0x3b0: {  	v57 =	vperm.xlane v25, v1;
	v34 =	vmul.f32 v54, v55  }
0x3b1: {  	v33 =	vmul.f32 v33, v56  }
0x3b2: {  	[tilespmem:s24+$0xFFFFFFA0] =	vst v34;
	v29 =	vmul.f32 v29, v57  }
0x3b3: {  	[tilespmem:s7+$0xFFFFFFA0] =	vst v33;
	v34 =	vld [tilespmem:s11+$0x20]  }
0x3b4: {  	v33 =	vld [tilespmem:s25+$0x20];
	[tilespmem:s17+$0xFFFFFFA0] =	vst v29  }
0x3b5: {  	v58 =	vperm.xlane v16, v5;
	v59 =	vld [tilespmem:s19+$0x20]  }
0x3b6: {  	v39 =	vperm.xlane v17, v5  }
0x3b7: {  	v40 =	vperm.xlane v18, v5;
	v32 =	vmul.f32 v32, v58  }
0x3b8: {  	v41 =	vperm.xlane v25, v5;
	v34 =	vmul.f32 v34, v39  }
0x3b9: {  	[tilespmem:s30+$0x20] =	vst v32;
	v60 =	vmul.f32 v33, v40  }
0x3ba: {  	v61 =	vld [tilespmem:s2+$0xFFFFFFB0];
	[tilespmem:s24+$0x20] =	vst v34;
	v62 =	vmul.f32 v59, v41  }
0x3bb: {  	[tilespmem:s7+$0x20] =	vst v60;
	v63 =	vld [tilespmem:s11+$0xFFFFFFB0]  }
0x3bc: {  	v32 =	vld [tilespmem:s25+$0xFFFFFFB0];
	[tilespmem:s17+$0x20] =	vst v62  }
0x3bd: {  	v34 =	vld [tilespmem:s19+$0xFFFFFFB0];
	_ =	sdelay $0x1  }
0x3be: {  	v28 =	vmul.f32 v61, v28  }
0x3bf: {  	v38 =	vmul.f32 v63, v55  }
0x3c0: {  	[tilespmem:s30+$0xFFFFFFB0] =	vst v28;
	v42 =	vmul.f32 v32, v56  }
0x3c1: {  	v43 =	vld [tilespmem:s2+$0x30];
	[tilespmem:s24+$0xFFFFFFB0] =	vst v38;
	v44 =	vmul.f32 v34, v57  }
0x3c2: {  	[tilespmem:s7+$0xFFFFFFB0] =	vst v42;
	v45 =	vld [tilespmem:s11+$0x30]  }
0x3c3: {  	v28 =	vld [tilespmem:s25+$0x30];
	[tilespmem:s17+$0xFFFFFFB0] =	vst v44  }
0x3c4: {  	v33 =	vld [tilespmem:s19+$0x30]  }
0x3c5: {  	v24 =	vmul.f32 v31, v24  }
0x3c6: {  	v29 =	vmul.f32 v43, v58  }
0x3c7: {  	[tilespmem:s6+$0x30] =	vst v24;
	v46 =	vmul.f32 v45, v39  }
0x3c8: {  	v47 =	vld [tilespmem:s13+$0xFFFFFFC0];
	[tilespmem:s30+$0x30] =	vst v29;
	v28 =	vmul.f32 v28, v40  }
0x3c9: {  	v29 =	vld [tilespmem:s2+$0xFFFFFFC0];
	[tilespmem:s24+$0x30] =	vst v46;
	v48 =	vmul.f32 v33, v41  }
0x3ca: {  	[tilespmem:s7+$0x30] =	vst v28;
	v49 =	vld [tilespmem:s11+$0xFFFFFFC0]  }
0x3cb: {  	v28 =	vperm.xlane v15, v2;
	v50 =	vld [tilespmem:s25+$0xFFFFFFC0];
	[tilespmem:s17+$0x30] =	vst v48  }
0x3cc: {  	v51 =	vperm.xlane v16, v2;
	v52 =	vld [tilespmem:s19+$0xFFFFFFC0]  }
0x3cd: {  	v53 =	vperm.xlane v17, v2;
	v31 =	vmul.f32 v47, v28  }
0x3ce: {  	v54 =	vperm.xlane v18, v2;
	v29 =	vmul.f32 v29, v51  }
0x3cf: {  	v32 =	vperm.xlane v25, v2;
	[tilespmem:s6+$0xFFFFFFC0] =	vst v31;
	v55 =	vmul.f32 v49, v53  }
0x3d0: {  	[tilespmem:s30+$0xFFFFFFC0] =	vst v29;
	v56 =	vld [tilespmem:s13+$0x40];
	v57 =	vmul.f32 v50, v54  }
0x3d1: {  	v58 =	vld [tilespmem:s2+$0x40];
	[tilespmem:s24+$0xFFFFFFC0] =	vst v55;
	v59 =	vmul.f32 v52, v32  }
0x3d2: {  	v34 =	vperm.xlane v14, v6;
	[tilespmem:s7+$0xFFFFFFC0] =	vst v57;
	v60 =	vld [tilespmem:s11+$0x40]  }
0x3d3: {  	v29 =	vperm.xlane v15, v6;
	v61 =	vld [tilespmem:s25+$0x40];
	[tilespmem:s17+$0xFFFFFFC0] =	vst v59  }
0x3d4: {  	v30 =	vmul.f32 v30, v34;
	v31 =	vperm.xlane v16, v6;
	v62 =	vld [tilespmem:s19+$0x40]  }
0x3d5: {  	v41 =	vperm.xlane v17, v6;
	v37 =	vmul.f32 v56, v29  }
0x3d6: {  	[tilespmem:s4+$0x40] =	vst v30;
	v63 =	vmul.f32 v58, v31;
	v33 =	vperm.xlane v18, v6  }
0x3d7: {  	v45 =	vperm.xlane v25, v6;
	v42 =	vld [tilespmem:s3+$0xFFFFFFD0];
	[tilespmem:s6+$0x40] =	vst v37;
	v44 =	vmul.f32 v60, v41  }
0x3d8: {  	[tilespmem:s30+$0x40] =	vst v63;
	v46 =	vld [tilespmem:s13+$0xFFFFFFD0];
	v39 =	vmul.f32 v61, v33  }
0x3d9: {  	v47 =	vld [tilespmem:s2+$0xFFFFFFD0];
	[tilespmem:s24+$0x40] =	vst v44;
	v40 =	vmul.f32 v62, v45  }
0x3da: {  	[tilespmem:s7+$0x40] =	vst v39;
	v48 =	vld [tilespmem:s11+$0xFFFFFFD0]  }
0x3db: {  	v49 =	vld [tilespmem:s25+$0xFFFFFFD0];
	[tilespmem:s17+$0x40] =	vst v40  }
0x3dc: {  	v22 =	vmul.f32 v42, v22;
	v50 =	vld [tilespmem:s19+$0xFFFFFFD0]  }
0x3dd: {  	v28 =	vmul.f32 v46, v28  }
0x3de: {  	[tilespmem:s4+$0xFFFFFFD0] =	vst v22;
	v51 =	vmul.f32 v47, v51  }
0x3df: {  	[tilespmem:s6+$0xFFFFFFD0] =	vst v28;
	v52 =	vmul.f32 v48, v53;
	v53 =	vld [tilespmem:s3+$0x50]  }
0x3e0: {  	[tilespmem:s30+$0xFFFFFFD0] =	vst v51;
	v55 =	vld [tilespmem:s13+$0x50];
	v54 =	vmul.f32 v49, v54  }
0x3e1: {  	v57 =	vld [tilespmem:s2+$0x50];
	[tilespmem:s24+$0xFFFFFFD0] =	vst v52;
	v56 =	vmul.f32 v50, v32  }
0x3e2: {  	[tilespmem:s7+$0xFFFFFFD0] =	vst v54;
	v58 =	vld [tilespmem:s11+$0x50]  }
0x3e3: {  	v20 =	vmul.f32 v26, v20;
	v59 =	vld [tilespmem:s25+$0x50];
	[tilespmem:s17+$0xFFFFFFD0] =	vst v56  }
0x3e4: {  	v60 =	vmul.f32 v53, v34;
	v61 =	vld [tilespmem:s19+$0x50]  }
0x3e5: {  	[tilespmem:s23+$0x50] =	vst v20;
	v62 =	vmul.f32 v55, v29  }
0x3e6: {  	v63 =	vld [tilespmem:s10+$0xFFFFFFE0];
	v36 =	vmul.f32 v57, v31;
	[tilespmem:s4+$0x50] =	vst v60  }
0x3e7: {  	[tilespmem:s6+$0x50] =	vst v62;
	v37 =	vld [tilespmem:s3+$0xFFFFFFE0];
	v39 =	vmul.f32 v58, v41  }
0x3e8: {  	[tilespmem:s30+$0x50] =	vst v36;
	v40 =	vld [tilespmem:s13+$0xFFFFFFE0];
	v41 =	vmul.f32 v59, v33  }
0x3e9: {  	v26 =	vperm.xlane v13, v3;
	v42 =	vld [tilespmem:s2+$0xFFFFFFE0];
	[tilespmem:s24+$0x50] =	vst v39;
	v43 =	vmul.f32 v61, v45  }
0x3ea: {  	v28 =	vperm.xlane v14, v3;
	[tilespmem:s7+$0x50] =	vst v41;
	v44 =	vld [tilespmem:s11+$0xFFFFFFE0]  }
0x3eb: {  	v29 =	vperm.xlane v15, v3;
	v46 =	vld [tilespmem:s25+$0xFFFFFFE0];
	v45 =	vmul.f32 v63, v26;
	[tilespmem:s17+$0x50] =	vst v43  }
0x3ec: {  	[tilespmem:s1+$0x70] =	vst v27;
	v27 =	vperm.xlane v16, v3;
	v47 =	vmul.f32 v37, v28;
	v48 =	vld [tilespmem:s19+$0xFFFFFFE0]  }
0x3ed: {  	v24 =	vperm.xlane v17, v3;
	v22 =	vmul.f32 v40, v29;
	[tilespmem:s23+$0xFFFFFFE0] =	vst v45  }
0x3ee: {  	v31 =	vperm.xlane v18, v3;
	v50 =	vmul.f32 v42, v27;
	[tilespmem:s4+$0xFFFFFFE0] =	vst v47;
	v49 =	vld [tilespmem:s10+$0x60]  }
0x3ef: {  	v32 =	vperm.xlane v25, v3;
	[tilespmem:s6+$0xFFFFFFE0] =	vst v22;
	v51 =	vld [tilespmem:s3+$0x60];
	v52 =	vmul.f32 v44, v24  }
0x3f0: {  	[tilespmem:s30+$0xFFFFFFE0] =	vst v50;
	v53 =	vld [tilespmem:s13+$0x60];
	v54 =	vmul.f32 v46, v31  }
0x3f1: {  	v13 =	vperm.xlane v13, v7;
	v55 =	vld [tilespmem:s2+$0x60];
	[tilespmem:s24+$0xFFFFFFE0] =	vst v52;
	v56 =	vmul.f32 v48, v32  }
0x3f2: {  	v23 =	vmul.f32 v23, v21;
	v14 =	vperm.xlane v14, v7;
	[tilespmem:s7+$0xFFFFFFE0] =	vst v54;
	v57 =	vld [tilespmem:s11+$0x60]  }
0x3f3: {  	v15 =	vperm.xlane v15, v7;
	v59 =	vld [tilespmem:s25+$0x60];
	v58 =	vmul.f32 v49, v13;
	[tilespmem:s17+$0xFFFFFFE0] =	vst v56  }
0x3f4: {  	[tilespmem:s8+$0x60] =	vst v23;
	v16 =	vperm.xlane v16, v7;
	v60 =	vmul.f32 v51, v14;
	v61 =	vld [tilespmem:s19+$0x60]  }
0x3f5: {  	v62 =	vld [tilespmem:s15+$0xFFFFFFF0];
	v40 =	vperm.xlane v17, v7;
	v63 =	vmul.f32 v53, v15;
	[tilespmem:s23+$0x60] =	vst v58  }
0x3f6: {  	v42 =	vmul.f32 v55, v16;
	v43 =	vperm.xlane v18, v7;
	[tilespmem:s4+$0x60] =	vst v60;
	v41 =	vld [tilespmem:s10+$0xFFFFFFF0]  }
0x3f7: {  	v25 =	vperm.xlane v25, v7;
	[tilespmem:s6+$0x60] =	vst v63;
	v44 =	vld [tilespmem:s3+$0xFFFFFFF0];
	v45 =	vmul.f32 v57, v40  }
0x3f8: {  	[tilespmem:s30+$0x60] =	vst v42;
	v46 =	vld [tilespmem:s13+$0xFFFFFFF0];
	v47 =	vmul.f32 v59, v43  }
0x3f9: {  	v48 =	vld [tilespmem:s2+$0xFFFFFFF0];
	[tilespmem:s24+$0x60] =	vst v45;
	v49 =	vmul.f32 v61, v25  }
0x3fa: {  	v19 =	vmul.f32 v62, v19;
	[tilespmem:s7+$0x60] =	vst v47;
	v50 =	vld [tilespmem:s11+$0xFFFFFFF0]  }
0x3fb: {  	v52 =	vld [tilespmem:s25+$0xFFFFFFF0];
	v51 =	vmul.f32 v41, v26;
	[tilespmem:s17+$0x60] =	vst v49  }
0x3fc: {  	[tilespmem:s8+$0xFFFFFFF0] =	vst v19;
	v53 =	vmul.f32 v44, v28;
	v20 =	vld [tilespmem:s19+$0xFFFFFFF0]  }
0x3fd: {  	v54 =	vld [tilespmem:s15+$0x70];
	v55 =	vmul.f32 v46, v29;
	[tilespmem:s23+$0xFFFFFFF0] =	vst v51  }
0x3fe: {  	v57 =	vmul.f32 v48, v27;
	[tilespmem:s4+$0xFFFFFFF0] =	vst v53;
	v56 =	vld [tilespmem:s10+$0x70]  }
0x3ff: {  	[tilespmem:s6+$0xFFFFFFF0] =	vst v55;
	v58 =	vld [tilespmem:s3+$0x70];
	v59 =	vmul.f32 v50, v24  }
0x400: {  	v60 =	vld [tilespmem:s13+$0x70];
	[tilespmem:s30+$0xFFFFFFF0] =	vst v57;
	v61 =	vmul.f32 v52, v31  }
0x401: {  	v62 =	vld [tilespmem:s2+$0x70];
	[tilespmem:s24+$0xFFFFFFF0] =	vst v59;
	v20 =	vmul.f32 v20, v32  }
0x402: {  	v63 =	vmul.f32 v54, v21;
	[tilespmem:s7+$0xFFFFFFF0] =	vst v61;
	v22 =	vld [tilespmem:s11+$0x70]  }
0x403: {  	v19 =	vld [tilespmem:s25+$0x70];
	v13 =	vmul.f32 v56, v13;
	[tilespmem:s17+$0xFFFFFFF0] =	vst v20  }
0x404: {  	[tilespmem:s8+$0x70] =	vst v63;
	v14 =	vmul.f32 v58, v14;
	v20 =	vld [tilespmem:s19+$0x70]  }
0x405: {  	[tilespmem:s23+$0x70] =	vst v13;
	v13 =	vmul.f32 v60, v15  }
0x406: {  	s0 =	sadd.s32 $0x1, s0;
	[tilespmem:s4+$0x70] =	vst v14;
	v14 =	vmul.f32 v62, v16  }
0x407: {  	p4 =	sne.s32 s0, $0x7D;
	[tilespmem:s6+$0x70] =	vst v13;
	v13 =	vmul.f32 v22, v40  }
.Ltmp9:
0x408: {  	[tilespmem:s30+$0x70] =	vst v14;
	v14 =	vmul.f32 v19, v43;
	(pc) =	sbr.rel @p4 .LBB2_7-.Ltmp9, $4  }
0x409: {  	[tilespmem:s24+$0x70] =	vst v13;
	v13 =	vmul.f32 v20, v25  }
0x40a: {  	[tilespmem:s7+$0x70] =	vst v14  }
0x40b: {  	s25 =	simm.s32 $0x62C0;
	s30 =	simm.s32 $0x190;
	s24 =	rddreg [dreg:$0x2];
	[tilespmem:s17+$0x70] =	vst v13  }
0x40c: {  	[spmem:s24] =	stream.indirect.scatter.add.f32 [tilespmem:s25], [sflag:$0xB], $0x80, s30, s16, $0xb8;
	[tilespmem:$0x1D6C8] =	vst v63  }
0x40d: {  	_ =	swait.ge [sflag:s14], $0x2800  }
0x40e: {  	[sflag:s14] =	ssyncset.done $0x0  }
0x40f: {  	s0 =	simm.s32 @!p0 $0xA;
	[sflag:s14] =	ssyncadd.s32 $0xFFFFD800  }
0x410: {  	_ =	swait.ge @!p0 [sflag:s0], $0x280  }
0x411: {  	[sflag:s0] =	ssyncset.done @!p0 $0x0;
	s3 =	sld [smem:$0x7F9]  }
0x412: {  	[sflag:s0] =	ssyncadd.s32 @!p0 $0xFFFFFD80  }
0x413: {  	s1 =	stileid.u32;
	s24 =	rddreg [dreg:$0x6];
	[bflag:$0x0] =	sbarrier.arrive $0xFFFF  }
0x414: {  	s30 =	simm.s32 $0xC;
	s0 =	sadd.s32 s24, s3;
	s2 =	rddreg [dreg:$0x19]  }
0x415: {  	s1 =	sshll.u32 s1, $0x6;
	s25 =	rddreg [dreg:$0x7];
	s0 =	sshll.u32 s0, $0x4  }
0x416: {  	s1 =	sor.u32 $0x1C0C, s1;
	s0 =	sadd.s32 s2, s0;
	s2 =	sshrl.u32 s25, $0x3  }
0x417: {  	[hbm:s0], [sflag:s1] =	dma.local [spmem:s2], $0x2700  }
0x418: {  	_ =	swait.ge [sflag:s30], $0x2700  }
0x419: {  	s0 =	sshll.u32 @!p1 s3, $0x4;
	s2 =	rddreg [dreg:$0x1c]  }
0x41a: {  	s0 =	sadd.s32 @!p1 s0, s2;
	s2 =	sld [smem:$0x7FC];
	_ =	sdelay $0x1  }
0x41b: {  	[sflag:s30] =	ssyncset.done $0x0  }
0x41c: {  	[sflag:s30] =	ssyncadd.s32 $0xFFFFD900;
	s2 =	sshrl.u32 @!p1 s2, $0x3  }
0x41d: {  	[hbm:s0], [sflag:s1] =	dma.local @!p1 [spmem:s2], $0x100  }
0x41e: {  	s0 =	sld [smem:$0x7F8];
	_ =	sdelay $0x1  }
0x41f: {  	s2 =	simm.s32 @!p1 $0xC  }
0x420: {  	_ =	swait.ge @!p1 [sflag:s2], $0x100;
	s0 =	smul.u32 @!p0 $0x13880, s0  }
0x421: {  	s3 =	rddreg [dreg:$0x1b]  }
0x422: {  	s3 =	sadd.s32 @!p0 s3, s0  }
0x423: {  	[sflag:s2] =	ssyncset.done @!p1 $0x0;
	s4 =	rddreg [dreg:$0x1a];
	s3 =	sshrl.u32 @!p0 s3, $0x3  }
0x424: {  	[sflag:s2] =	ssyncadd.s32 @!p1 $0xFFFFFF00;
	s2 =	sadd.s32 @!p0 s4, s3;
	s3 =	rddreg [dreg:$0x1e]  }
0x425: {  	[hbm:s2], [sflag:s1] =	dma.local @!p0 [spmem:s3], $0x270  }
0x426: {  	s2 =	simm.s32 @!p0 $0xC  }
0x427: {  	_ =	swait.ge @!p0 [sflag:s2], $0x270  }
0x428: {  	[sflag:s2] =	ssyncset.done @!p0 $0x0  }
0x429: {  	[sflag:s2] =	ssyncadd.s32 @!p0 $0xFFFFFD90;
	s2 =	sld [smem:$0x7FD]  }
0x42a: {  	s0 =	sshrl.u32 @!p2 s0, $0x3  }
0x42b: {  	s0 =	sadd.s32 @!p2 s4, s0  }
0x42c: {  	s0 =	sadd.s32 @!p2 $0x2700, s0;
	s2 =	sshrl.u32 @!p2 s2, $0x3  }
0x42d: {  	[hbm:s0], [sflag:s1] =	dma.local @!p2 [spmem:s2], $0x10  }
0x42e: {  	s0 =	simm.s32 @!p2 $0xC  }
.Ltmp10:
0x42f: {  	_ =	swait.ge @!p2 [sflag:s0], $0x10;
	(pc) =	sbr.rel @p3 .LBB2_2-.Ltmp10, $4  }
0x430: {  	[sflag:s0] =	ssyncset.done @!p2 $0x0  }
0x431: {  	[sflag:s0] =	ssyncadd.s32 @!p2 $0xFFFFFFF0  }
0x432: {  	[bflag:$0x0] =	sbarrier.arrive $0xFFFF  }
0x433: {  	p4 =	por $0x0, $0x0;
	s3 =	simm.s32 $0x1  }
0x434: {  	s1 =	sld [smem:$0x7FA];
	_ =	sdelay $0x2  }
0x435: {  	s0 =	rddreg [dreg:$0x1d];
	s1 =	sadd.s32 $0x1, s1  }
0x436: {  	p3 =	sne.s32 s1, s0  }
.Ltmp11:
0x437: {  	_ = 	snop;
	(pc) =	sbr.rel @p3 .LBB2_1-.Ltmp11, $1  }
0x438: {  	_ =	sdelay $0x3  }
0x439: {  	_ =	sfence.sel $0x180000  }
0x43a: {  	[bflag:$0x0] =	sbarrier.arrive $0xFFFF  }
0x43b: {  	_ =	strace $0x90000047  }
0x43c: {  	s0 =	stileid.u32;
	[bflag:$0x2] =	sbarrier.arrive $0xFFFF  }
0x43d: {  	p0 =	sne.s32 s0, $0x0;
	s0 =	rddreg [dreg:$0x4]  }
0x43e: {  	s0 =	sadd.s32 @!p0 $0x100000, s0  }
0x43f: {  	[sflag:s0] =	ssyncadd.tile.s32 @!p0 $0x1;
	_ =	shalt  }
.Lfunc_end2:
_tile_overlayer_lowered:
.L_overlay_start_2:
0x440: {  	(tag) =	ssettag $0x2  }
0x441: {  	s0 =	rddreg [dreg:$0x0];
	s2 =	stileid.u32  }
0x442: {  	s1 =	rddreg [dreg:$0x1];
	p0 =	sne.s32 s2, $0x0  }
0x443: {  	s3 =	rddreg [dreg:$0x2];
	[bflag:$0x3] =	sbarrier.arrive $0xFFFF;
	s2 =	simm.s32 @!p0 $0x1C0C  }
0x444: {  	[timem:s3], [sflag:s2] =	dma.local @!p0 [hbm:s0], s1  }
0x445: {  	s0 =	simm.s32 @!p0 $0xC  }
0x446: {  	_ =	swait.ge @!p0 [sflag:s0], s1  }
0x447: {  	s1 =	ssub.s32 @!p0 $0x0, s1;
	[sflag:s0] =	ssyncset.done @!p0 $0x0  }
0x448: {  	[sflag:s0] =	ssyncadd.s32 @!p0 s1  }
0x449: {  	[bflag:$0x3] =	sbarrier.arrive $0xFFFF  }
0x44a: {  	_ =	shalt  }

</sc_bundles>
